<compile_context>
chip_gen: v7x
topology: tpu7x:2x2x1
jax: 0.10.2.dev20260603
libtpu: 0.0.44.dev20260713+nightly
codegen_flags: <defaults>
</compile_context>

<pallas_src>
import functools

import jax
import jax.numpy as jnp
from jax import lax
from jax.experimental import pallas as pl
from jax.experimental.pallas import tpu as pltpu
from jax.experimental.pallas import tpu_sc as plsc

NC = 2
NS = 16
NW = NC * NS

CH = 128
EMBED = 64

_mesh = plsc.VectorSubcoreMesh(core_axis_name="c", subcore_axis_name="s")

TW = 512


@jax.jit
def _tc_pairify(tt):
    vocab = tt.shape[1]
    grid = pl.cdiv(vocab, TW)

    def body(in_ref, out_ref):
        t = in_ref[...].T.reshape(TW // 2, 2, EMBED)
        out_ref[:, 0:EMBED] = t[:, 0, :]
        out_ref[:, EMBED:2 * EMBED] = t[:, 1, :]

    return pl.pallas_call(
        body,
        grid=(grid,),
        in_specs=[pl.BlockSpec((EMBED, TW), lambda j: (0, j))],
        out_specs=pl.BlockSpec((TW // 2, 2 * EMBED), lambda j: (j, 0)),
        out_shape=jax.ShapeDtypeStruct((vocab // 2, 2 * EMBED), jnp.float32),
        compiler_params=pltpu.CompilerParams(
            dimension_semantics=("arbitrary",),
        ),
    )(tt)


@functools.partial(jax.jit, static_argnames=("seq",))
def _gather(idx, table2, seq):
    batch = NW * CH

    @functools.partial(
        pl.kernel,
        out_type=jax.ShapeDtypeStruct((seq, EMBED, batch), jnp.float32),
        mesh=_mesh,
        compiler_params=pltpu.CompilerParams(needs_layout_passes=False),
        scratch_types=[
            pltpu.VMEM((seq, CH), jnp.int32),
            pltpu.VMEM((seq, CH), jnp.int32),
            pltpu.VMEM((CH, 2 * EMBED), jnp.float32),
            pltpu.VMEM((CH, 2 * EMBED), jnp.float32),
            pltpu.VMEM((CH, 2 * EMBED), jnp.float32),
            pltpu.VMEM((CH, 2 * EMBED), jnp.float32),
            pltpu.VMEM((EMBED, CH), jnp.float32),
            pltpu.SemaphoreType.DMA,
            pltpu.SemaphoreType.DMA,
        ],
    )
    def body(idx_hbm, tab_hbm, out_hbm, pidx_v, cb_v, pair0, pair1,
             pair2, pair3, tr0, gsem, ssem):
        wid = lax.axis_index("s") * NC + lax.axis_index("c")
        b0 = wid * CH

        pltpu.sync_copy(idx_hbm.at[wid], pidx_v)

        def split(s, carry):
            for g in range(CH // 16):
                x = pidx_v[s, pl.ds(16 * g, 16)]
                pidx_v[s, pl.ds(16 * g, 16)] = lax.shift_right_logical(x, 1)
                cb_v[s, pl.ds(16 * g, 16)] = (x & 1) * EMBED
            return carry

        lax.fori_loop(0, seq, split, 0)

        def start_gather(s, pair):
            pltpu.async_copy(tab_hbm.at[pidx_v.at[s]], pair, gsem)

        def wait_gather(s, pair):
            pltpu.make_async_copy(tab_hbm.at[pidx_v.at[s]], pair, gsem).wait()

        def start_store(s, tr):
            pltpu.async_copy(tr, out_hbm.at[s, :, pl.ds(b0, CH)], ssem)

        def wait_store(s, tr):
            pltpu.make_async_copy(tr, out_hbm.at[s, :, pl.ds(b0, CH)],
                                  ssem).wait()

        def transpose(s, pair, tr):
            for g in range(CH // 16):
                rows = lax.iota(jnp.int32, 16) + 16 * g
                cb = cb_v[s, pl.ds(16 * g, 16)]

                @plsc.parallel_loop(0, EMBED, unroll=8)
                def _(d):
                    vals = plsc.load_gather(pair, [rows, cb + d])
                    tr[d, pl.ds(16 * g, 16)] = vals

        pairs = (pair0, pair1, pair2, pair3)
        nbuf = len(pairs)
        for b in range(nbuf):
            start_gather(b, pairs[b])

        def step(k, carry):
            base = nbuf * k
            for r in range(nbuf):
                wait_gather(base + r, pairs[r])
            for r in range(nbuf):
                s = base + r

                transpose(s, pairs[r], tr0)
                @pl.when(s >= 1)
                def _():
                    wait_store(s - 1, tr0)
                start_store(s, tr0)
            for r in range(nbuf):
                s = base + r + nbuf

                @pl.when(s < seq)
                def _():
                    start_gather(s, pairs[r])

            return carry

        lax.fori_loop(0, seq // nbuf, step, 0)
        wait_store(seq - 1, tr0)

    return body(idx, table2)


def kernel(words_pretrained, table):
    batch, seq = words_pretrained.shape
    vocab, embed = table.shape
    table2 = table.reshape(vocab // 2, 2 * embed)
    idx = jnp.transpose(
        words_pretrained.reshape(NW, CH, seq), (0, 2, 1)
    ).astype(jnp.int32)
    out = _gather(idx, table2, seq)
    return jnp.transpose(out, (2, 0, 1))

# --- scband reference (transcript-rebuilt; emitter-appended) ---
"""Pipeline reference for scband-external-embedding-plugin-63848983822992 (READ-ONLY COPY).

The authoritative reference and input builder live on the scoring server;
editing this copy changes nothing except your own understanding.
"""

import jax, jax.numpy as jnp
import numpy as np

VOCAB = 1000000
EMBED_DIM = 64
BATCH = 4096
SEQ = 200

def setup_inputs(seed: int = 0) -> dict:
    key = jax.random.key(seed)
    k1, k2 = jax.random.split(key)
    words_pretrained = jax.random.randint(k1, (BATCH, SEQ), 0, VOCAB, dtype=jnp.int64)
    # Pretrained embedding table; row 0 is the *UNK* vector (zeros in the original module)
    table = jax.random.normal(k2, (VOCAB, EMBED_DIM), dtype=jnp.float32) * 0.1
    table = table.at[0].set(0.0)
    return {"words_pretrained": words_pretrained, "table": table}

def reference(words_pretrained, table):
    # ExternalEmbeddingPlugin.forward: self.embedding(feed_dict.words_pretrained)
    return jnp.take(table, words_pretrained, axis=0)

if __name__ == "__main__":
    import jax
    _d = setup_inputs()
    print(jax.jit(kernel)(*tuple(_d.values())))

</pallas_src>

<mosaic_0001>
#map = affine_map<(d0, d1) -> (0, 0, 0)>
#map1 = affine_map<(d0, d1) -> (0, 0)>
module attributes {stable_mosaic.version = 14 : i64} {
  func.func @body(%arg0: i32, %arg1: i32, %arg2: memref<32x200x128xi32, #tpu.memory_space<hbm>>, %arg3: memref<500000x128xf32, #tpu.memory_space<hbm>>, %arg4: memref<200x64x4096xf32, #tpu.memory_space<hbm>>, %arg5: memref<200x128xi32, #tpu.memory_space<vmem>>, %arg6: memref<200x128xi32, #tpu.memory_space<vmem>>, %arg7: memref<128x128xf32, #tpu.memory_space<vmem>>, %arg8: memref<128x128xf32, #tpu.memory_space<vmem>>, %arg9: memref<128x128xf32, #tpu.memory_space<vmem>>, %arg10: memref<128x128xf32, #tpu.memory_space<vmem>>, %arg11: memref<64x128xf32, #tpu.memory_space<vmem>>, %arg12: memref<!tpu.dma_semaphore, #tpu.memory_space<semaphore_mem>>, %arg13: memref<!tpu.dma_semaphore, #tpu.memory_space<semaphore_mem>>) attributes {dimension_semantics = [#tpu.dimension_semantics<core_parallel>, #tpu.dimension_semantics<subcore_parallel>], iteration_bounds = array<i64: 2, 16>, scalar_prefetch = 0 : i64, scratch_operands = 9 : i64, tpu.core_type = #tpu.core_type<sc_vector_subcore>, window_params = [{transform_indices = #map}, {transform_indices = #map1}, {transform_indices = #map}]} {
    %mul3A = arith.constant 2 : i32
    %mul3A_0 = arith.muli %arg1, %mul3A : i32
    %add3A = arith.addi %mul3A_0, %arg0 : i32
    %mul3A_1 = arith.constant 128 : i32
    %mul3A_2 = arith.muli %add3A, %mul3A_1 : i32
    "tpu.region"() ({
      %run_scoped3A = tpu.sem_alloc : memref<!tpu.dma_semaphore, #tpu.memory_space<semaphore_mem>>
      %dma_start3A_47 = arith.constant 0 : i32
      %dma_start3A_48 = arith.constant 0 : i32
      %dma_start3A_49 = tpu.memref_slice %arg2[%add3A, %dma_start3A_47, %dma_start3A_48] : memref<32x200x128xi32, #tpu.memory_space<hbm>> -> memref<1x200x128xi32, #tpu.memory_space<hbm>>
      %dma_start3A_50 = tpu.memref_squeeze %dma_start3A_49 : memref<1x200x128xi32, #tpu.memory_space<hbm>> -> memref<200x128xi32, #tpu.memory_space<hbm>>
      %dma_start3A_51 = arith.constant 0 : i32
      %dma_start3A_52 = arith.constant 0 : i32
      %dma_start3A_53 = tpu.memref_slice %arg2[%add3A, %dma_start3A_51, %dma_start3A_52] : memref<32x200x128xi32, #tpu.memory_space<hbm>> -> memref<1x200x128xi32, #tpu.memory_space<hbm>>
      %dma_start3A_54 = tpu.memref_squeeze %dma_start3A_53 : memref<1x200x128xi32, #tpu.memory_space<hbm>> -> memref<200x128xi32, #tpu.memory_space<hbm>>
      tpu.enqueue_dma source(%dma_start3A_54 : memref<200x128xi32, #tpu.memory_space<hbm>>) target(%arg5 : memref<200x128xi32, #tpu.memory_space<vmem>>) target_semaphore(%run_scoped3A : memref<!tpu.dma_semaphore, #tpu.memory_space<semaphore_mem>>)
      %dma_wait3A_55 = arith.constant 0 : i32
      %dma_wait3A_56 = arith.constant 0 : i32
      %dma_wait3A_57 = tpu.memref_slice %arg2[%add3A, %dma_wait3A_55, %dma_wait3A_56] : memref<32x200x128xi32, #tpu.memory_space<hbm>> -> memref<1x200x128xi32, #tpu.memory_space<hbm>>
      %dma_wait3A_58 = tpu.memref_squeeze %dma_wait3A_57 : memref<1x200x128xi32, #tpu.memory_space<hbm>> -> memref<200x128xi32, #tpu.memory_space<hbm>>
      %dma_wait3A_59 = arith.constant 0 : i32
      %dma_wait3A_60 = arith.constant 0 : i32
      %dma_wait3A_61 = tpu.memref_slice %arg2[%add3A, %dma_wait3A_59, %dma_wait3A_60] : memref<32x200x128xi32, #tpu.memory_space<hbm>> -> memref<1x200x128xi32, #tpu.memory_space<hbm>>
      %dma_wait3A_62 = tpu.memref_squeeze %dma_wait3A_61 : memref<1x200x128xi32, #tpu.memory_space<hbm>> -> memref<200x128xi32, #tpu.memory_space<hbm>>
      tpu.wait_dma2 semaphore(%run_scoped3A : memref<!tpu.dma_semaphore, #tpu.memory_space<semaphore_mem>>) src(%dma_wait3A_62 : memref<200x128xi32, #tpu.memory_space<hbm>>) dst(%arg5 : memref<200x128xi32, #tpu.memory_space<vmem>>)
      tpu.yield
    }) : () -> ()
    %scan3A = arith.constant 0 : i32
    %scan3A_3 = arith.constant 0 : i32
    %scan3A_4 = arith.constant 200 : i32
    %scan3A_5 = arith.addi %scan3A_3, %scan3A_4 : i32
    %scan3A_6 = arith.constant 1 : i32
    scf.for %scan3A_47 = %scan3A_3 to %scan3A_5 step %scan3A_6  : i32 {
      %get3A = arith.index_cast %scan3A_47 : i32 to index
      %get3A_48 = arith.constant 0 : index
      %get3A_49 = tpu.vector_load %arg5[%get3A, %get3A_48] {strides = array<i32>} : memref<200x128xi32, #tpu.memory_space<vmem>>, vector<16xi32>,
      %shift_right_logical3A = arith.constant 1 : i32
      %shift_right_logical3A_50 = vector.broadcast %shift_right_logical3A : i32 to vector<16xi32>
      %shift_right_logical3A_51 = arith.shrui %get3A_49, %shift_right_logical3A_50 : vector<16xi32>
      %swap3A = arith.index_cast %scan3A_47 : i32 to index
      %swap3A_52 = arith.constant 0 : index
      %swap3A_53 = tpu.vector_load %arg5[%swap3A, %swap3A_52] {strides = array<i32>} : memref<200x128xi32, #tpu.memory_space<vmem>>, vector<16xi32>,
      tpu.vector_store %arg5[%swap3A, %swap3A_52], %shift_right_logical3A_51 {strides = array<i32>} : memref<200x128xi32, #tpu.memory_space<vmem>>, vector<16xi32>,
      %and3A = arith.constant 1 : i32
      %and3A_54 = vector.broadcast %and3A : i32 to vector<16xi32>
      %and3A_55 = arith.andi %get3A_49, %and3A_54 : vector<16xi32>
      %mul3A_56 = arith.constant 64 : i32
      %mul3A_57 = vector.broadcast %mul3A_56 : i32 to vector<16xi32>
      %mul3A_58 = arith.muli %and3A_55, %mul3A_57 : vector<16xi32>
      %swap3A_59 = arith.index_cast %scan3A_47 : i32 to index
      %swap3A_60 = arith.constant 0 : index
      %swap3A_61 = tpu.vector_load %arg6[%swap3A_59, %swap3A_60] {strides = array<i32>} : memref<200x128xi32, #tpu.memory_space<vmem>>, vector<16xi32>,
      tpu.vector_store %arg6[%swap3A_59, %swap3A_60], %mul3A_58 {strides = array<i32>} : memref<200x128xi32, #tpu.memory_space<vmem>>, vector<16xi32>,
      %get3A_62 = arith.index_cast %scan3A_47 : i32 to index
      %get3A_63 = arith.constant 16 : index
      %get3A_64 = tpu.vector_load %arg5[%get3A_62, %get3A_63] {strides = array<i32>} : memref<200x128xi32, #tpu.memory_space<vmem>>, vector<16xi32>,
      %shift_right_logical3A_65 = arith.constant 1 : i32
      %shift_right_logical3A_66 = vector.broadcast %shift_right_logical3A_65 : i32 to vector<16xi32>
      %shift_right_logical3A_67 = arith.shrui %get3A_64, %shift_right_logical3A_66 : vector<16xi32>
      %swap3A_68 = arith.index_cast %scan3A_47 : i32 to index
      %swap3A_69 = arith.constant 16 : index
      %swap3A_70 = tpu.vector_load %arg5[%swap3A_68, %swap3A_69] {strides = array<i32>} : memref<200x128xi32, #tpu.memory_space<vmem>>, vector<16xi32>,
      tpu.vector_store %arg5[%swap3A_68, %swap3A_69], %shift_right_logical3A_67 {strides = array<i32>} : memref<200x128xi32, #tpu.memory_space<vmem>>, vector<16xi32>,
      %and3A_71 = arith.constant 1 : i32
      %and3A_72 = vector.broadcast %and3A_71 : i32 to vector<16xi32>
      %and3A_73 = arith.andi %get3A_64, %and3A_72 : vector<16xi32>
      %mul3A_74 = arith.constant 64 : i32
      %mul3A_75 = vector.broadcast %mul3A_74 : i32 to vector<16xi32>
      %mul3A_76 = arith.muli %and3A_73, %mul3A_75 : vector<16xi32>
      %swap3A_77 = arith.index_cast %scan3A_47 : i32 to index
      %swap3A_78 = arith.constant 16 : index
      %swap3A_79 = tpu.vector_load %arg6[%swap3A_77, %swap3A_78] {strides = array<i32>} : memref<200x128xi32, #tpu.memory_space<vmem>>, vector<16xi32>,
      tpu.vector_store %arg6[%swap3A_77, %swap3A_78], %mul3A_76 {strides = array<i32>} : memref<200x128xi32, #tpu.memory_space<vmem>>, vector<16xi32>,
      %get3A_80 = arith.index_cast %scan3A_47 : i32 to index
      %get3A_81 = arith.constant 32 : index
      %get3A_82 = tpu.vector_load %arg5[%get3A_80, %get3A_81] {strides = array<i32>} : memref<200x128xi32, #tpu.memory_space<vmem>>, vector<16xi32>,
      %shift_right_logical3A_83 = arith.constant 1 : i32
      %shift_right_logical3A_84 = vector.broadcast %shift_right_logical3A_83 : i32 to vector<16xi32>
      %shift_right_logical3A_85 = arith.shrui %get3A_82, %shift_right_logical3A_84 : vector<16xi32>
      %swap3A_86 = arith.index_cast %scan3A_47 : i32 to index
      %swap3A_87 = arith.constant 32 : index
      %swap3A_88 = tpu.vector_load %arg5[%swap3A_86, %swap3A_87] {strides = array<i32>} : memref<200x128xi32, #tpu.memory_space<vmem>>, vector<16xi32>,
      tpu.vector_store %arg5[%swap3A_86, %swap3A_87], %shift_right_logical3A_85 {strides = array<i32>} : memref<200x128xi32, #tpu.memory_space<vmem>>, vector<16xi32>,
      %and3A_89 = arith.constant 1 : i32
      %and3A_90 = vector.broadcast %and3A_89 : i32 to vector<16xi32>
      %and3A_91 = arith.andi %get3A_82, %and3A_90 : vector<16xi32>
      %mul3A_92 = arith.constant 64 : i32
      %mul3A_93 = vector.broadcast %mul3A_92 : i32 to vector<16xi32>
      %mul3A_94 = arith.muli %and3A_91, %mul3A_93 : vector<16xi32>
      %swap3A_95 = arith.index_cast %scan3A_47 : i32 to index
      %swap3A_96 = arith.constant 32 : index
      %swap3A_97 = tpu.vector_load %arg6[%swap3A_95, %swap3A_96] {strides = array<i32>} : memref<200x128xi32, #tpu.memory_space<vmem>>, vector<16xi32>,
      tpu.vector_store %arg6[%swap3A_95, %swap3A_96], %mul3A_94 {strides = array<i32>} : memref<200x128xi32, #tpu.memory_space<vmem>>, vector<16xi32>,
      %get3A_98 = arith.index_cast %scan3A_47 : i32 to index
      %get3A_99 = arith.constant 48 : index
      %get3A_100 = tpu.vector_load %arg5[%get3A_98, %get3A_99] {strides = array<i32>} : memref<200x128xi32, #tpu.memory_space<vmem>>, vector<16xi32>,
      %shift_right_logical3A_101 = arith.constant 1 : i32
      %shift_right_logical3A_102 = vector.broadcast %shift_right_logical3A_101 : i32 to vector<16xi32>
      %shift_right_logical3A_103 = arith.shrui %get3A_100, %shift_right_logical3A_102 : vector<16xi32>
      %swap3A_104 = arith.index_cast %scan3A_47 : i32 to index
      %swap3A_105 = arith.constant 48 : index
      %swap3A_106 = tpu.vector_load %arg5[%swap3A_104, %swap3A_105] {strides = array<i32>} : memref<200x128xi32, #tpu.memory_space<vmem>>, vector<16xi32>,
      tpu.vector_store %arg5[%swap3A_104, %swap3A_105], %shift_right_logical3A_103 {strides = array<i32>} : memref<200x128xi32, #tpu.memory_space<vmem>>, vector<16xi32>,
      %and3A_107 = arith.constant 1 : i32
      %and3A_108 = vector.broadcast %and3A_107 : i32 to vector<16xi32>
      %and3A_109 = arith.andi %get3A_100, %and3A_108 : vector<16xi32>
      %mul3A_110 = arith.constant 64 : i32
      %mul3A_111 = vector.broadcast %mul3A_110 : i32 to vector<16xi32>
      %mul3A_112 = arith.muli %and3A_109, %mul3A_111 : vector<16xi32>
      %swap3A_113 = arith.index_cast %scan3A_47 : i32 to index
      %swap3A_114 = arith.constant 48 : index
      %swap3A_115 = tpu.vector_load %arg6[%swap3A_113, %swap3A_114] {strides = array<i32>} : memref<200x128xi32, #tpu.memory_space<vmem>>, vector<16xi32>,
      tpu.vector_store %arg6[%swap3A_113, %swap3A_114], %mul3A_112 {strides = array<i32>} : memref<200x128xi32, #tpu.memory_space<vmem>>, vector<16xi32>,
      %get3A_116 = arith.index_cast %scan3A_47 : i32 to index
      %get3A_117 = arith.constant 64 : index
      %get3A_118 = tpu.vector_load %arg5[%get3A_116, %get3A_117] {strides = array<i32>} : memref<200x128xi32, #tpu.memory_space<vmem>>, vector<16xi32>,
      %shift_right_logical3A_119 = arith.constant 1 : i32
      %shift_right_logical3A_120 = vector.broadcast %shift_right_logical3A_119 : i32 to vector<16xi32>
      %shift_right_logical3A_121 = arith.shrui %get3A_118, %shift_right_logical3A_120 : vector<16xi32>
      %swap3A_122 = arith.index_cast %scan3A_47 : i32 to index
      %swap3A_123 = arith.constant 64 : index
      %swap3A_124 = tpu.vector_load %arg5[%swap3A_122, %swap3A_123] {strides = array<i32>} : memref<200x128xi32, #tpu.memory_space<vmem>>, vector<16xi32>,
      tpu.vector_store %arg5[%swap3A_122, %swap3A_123], %shift_right_logical3A_121 {strides = array<i32>} : memref<200x128xi32, #tpu.memory_space<vmem>>, vector<16xi32>,
      %and3A_125 = arith.constant 1 : i32
      %and3A_126 = vector.broadcast %and3A_125 : i32 to vector<16xi32>
      %and3A_127 = arith.andi %get3A_118, %and3A_126 : vector<16xi32>
      %mul3A_128 = arith.constant 64 : i32
      %mul3A_129 = vector.broadcast %mul3A_128 : i32 to vector<16xi32>
      %mul3A_130 = arith.muli %and3A_127, %mul3A_129 : vector<16xi32>
      %swap3A_131 = arith.index_cast %scan3A_47 : i32 to index
      %swap3A_132 = arith.constant 64 : index
      %swap3A_133 = tpu.vector_load %arg6[%swap3A_131, %swap3A_132] {strides = array<i32>} : memref<200x128xi32, #tpu.memory_space<vmem>>, vector<16xi32>,
      tpu.vector_store %arg6[%swap3A_131, %swap3A_132], %mul3A_130 {strides = array<i32>} : memref<200x128xi32, #tpu.memory_space<vmem>>, vector<16xi32>,
      %get3A_134 = arith.index_cast %scan3A_47 : i32 to index
      %get3A_135 = arith.constant 80 : index
      %get3A_136 = tpu.vector_load %arg5[%get3A_134, %get3A_135] {strides = array<i32>} : memref<200x128xi32, #tpu.memory_space<vmem>>, vector<16xi32>,
      %shift_right_logical3A_137 = arith.constant 1 : i32
      %shift_right_logical3A_138 = vector.broadcast %shift_right_logical3A_137 : i32 to vector<16xi32>
      %shift_right_logical3A_139 = arith.shrui %get3A_136, %shift_right_logical3A_138 : vector<16xi32>
      %swap3A_140 = arith.index_cast %scan3A_47 : i32 to index
      %swap3A_141 = arith.constant 80 : index
      %swap3A_142 = tpu.vector_load %arg5[%swap3A_140, %swap3A_141] {strides = array<i32>} : memref<200x128xi32, #tpu.memory_space<vmem>>, vector<16xi32>,
      tpu.vector_store %arg5[%swap3A_140, %swap3A_141], %shift_right_logical3A_139 {strides = array<i32>} : memref<200x128xi32, #tpu.memory_space<vmem>>, vector<16xi32>,
      %and3A_143 = arith.constant 1 : i32
      %and3A_144 = vector.broadcast %and3A_143 : i32 to vector<16xi32>
      %and3A_145 = arith.andi %get3A_136, %and3A_144 : vector<16xi32>
      %mul3A_146 = arith.constant 64 : i32
      %mul3A_147 = vector.broadcast %mul3A_146 : i32 to vector<16xi32>
      %mul3A_148 = arith.muli %and3A_145, %mul3A_147 : vector<16xi32>
      %swap3A_149 = arith.index_cast %scan3A_47 : i32 to index
      %swap3A_150 = arith.constant 80 : index
      %swap3A_151 = tpu.vector_load %arg6[%swap3A_149, %swap3A_150] {strides = array<i32>} : memref<200x128xi32, #tpu.memory_space<vmem>>, vector<16xi32>,
      tpu.vector_store %arg6[%swap3A_149, %swap3A_150], %mul3A_148 {strides = array<i32>} : memref<200x128xi32, #tpu.memory_space<vmem>>, vector<16xi32>,
      %get3A_152 = arith.index_cast %scan3A_47 : i32 to index
      %get3A_153 = arith.constant 96 : index
      %get3A_154 = tpu.vector_load %arg5[%get3A_152, %get3A_153] {strides = array<i32>} : memref<200x128xi32, #tpu.memory_space<vmem>>, vector<16xi32>,
      %shift_right_logical3A_155 = arith.constant 1 : i32
      %shift_right_logical3A_156 = vector.broadcast %shift_right_logical3A_155 : i32 to vector<16xi32>
      %shift_right_logical3A_157 = arith.shrui %get3A_154, %shift_right_logical3A_156 : vector<16xi32>
      %swap3A_158 = arith.index_cast %scan3A_47 : i32 to index
      %swap3A_159 = arith.constant 96 : index
      %swap3A_160 = tpu.vector_load %arg5[%swap3A_158, %swap3A_159] {strides = array<i32>} : memref<200x128xi32, #tpu.memory_space<vmem>>, vector<16xi32>,
      tpu.vector_store %arg5[%swap3A_158, %swap3A_159], %shift_right_logical3A_157 {strides = array<i32>} : memref<200x128xi32, #tpu.memory_space<vmem>>, vector<16xi32>,
      %and3A_161 = arith.constant 1 : i32
      %and3A_162 = vector.broadcast %and3A_161 : i32 to vector<16xi32>
      %and3A_163 = arith.andi %get3A_154, %and3A_162 : vector<16xi32>
      %mul3A_164 = arith.constant 64 : i32
      %mul3A_165 = vector.broadcast %mul3A_164 : i32 to vector<16xi32>
      %mul3A_166 = arith.muli %and3A_163, %mul3A_165 : vector<16xi32>
      %swap3A_167 = arith.index_cast %scan3A_47 : i32 to index
      %swap3A_168 = arith.constant 96 : index
      %swap3A_169 = tpu.vector_load %arg6[%swap3A_167, %swap3A_168] {strides = array<i32>} : memref<200x128xi32, #tpu.memory_space<vmem>>, vector<16xi32>,
      tpu.vector_store %arg6[%swap3A_167, %swap3A_168], %mul3A_166 {strides = array<i32>} : memref<200x128xi32, #tpu.memory_space<vmem>>, vector<16xi32>,
      %get3A_170 = arith.index_cast %scan3A_47 : i32 to index
      %get3A_171 = arith.constant 112 : index
      %get3A_172 = tpu.vector_load %arg5[%get3A_170, %get3A_171] {strides = array<i32>} : memref<200x128xi32, #tpu.memory_space<vmem>>, vector<16xi32>,
      %shift_right_logical3A_173 = arith.constant 1 : i32
      %shift_right_logical3A_174 = vector.broadcast %shift_right_logical3A_173 : i32 to vector<16xi32>
      %shift_right_logical3A_175 = arith.shrui %get3A_172, %shift_right_logical3A_174 : vector<16xi32>
      %swap3A_176 = arith.index_cast %scan3A_47 : i32 to index
      %swap3A_177 = arith.constant 112 : index
      %swap3A_178 = tpu.vector_load %arg5[%swap3A_176, %swap3A_177] {strides = array<i32>} : memref<200x128xi32, #tpu.memory_space<vmem>>, vector<16xi32>,
      tpu.vector_store %arg5[%swap3A_176, %swap3A_177], %shift_right_logical3A_175 {strides = array<i32>} : memref<200x128xi32, #tpu.memory_space<vmem>>, vector<16xi32>,
      %and3A_179 = arith.constant 1 : i32
      %and3A_180 = vector.broadcast %and3A_179 : i32 to vector<16xi32>
      %and3A_181 = arith.andi %get3A_172, %and3A_180 : vector<16xi32>
      %mul3A_182 = arith.constant 64 : i32
      %mul3A_183 = vector.broadcast %mul3A_182 : i32 to vector<16xi32>
      %mul3A_184 = arith.muli %and3A_181, %mul3A_183 : vector<16xi32>
      %swap3A_185 = arith.index_cast %scan3A_47 : i32 to index
      %swap3A_186 = arith.constant 112 : index
      %swap3A_187 = tpu.vector_load %arg6[%swap3A_185, %swap3A_186] {strides = array<i32>} : memref<200x128xi32, #tpu.memory_space<vmem>>, vector<16xi32>,
      tpu.vector_store %arg6[%swap3A_185, %swap3A_186], %mul3A_184 {strides = array<i32>} : memref<200x128xi32, #tpu.memory_space<vmem>>, vector<16xi32>,
    }
    %scan3A_7 = arith.constant 200 : i32
    %dma_start3A = arith.constant 0 : i32
    %dma_start3A_8 = arith.constant 0 : i32
    %dma_start3A_9 = tpu.memref_slice %arg5[%dma_start3A, %dma_start3A_8] : memref<200x128xi32, #tpu.memory_space<vmem>> -> memref<1x128xi32, #tpu.memory_space<vmem>>
    %dma_start3A_10 = tpu.memref_squeeze %dma_start3A_9 : memref<1x128xi32, #tpu.memory_space<vmem>> -> memref<128xi32, #tpu.memory_space<vmem>>
    %dma_start3A_11 = arith.constant 0 : i32
    %dma_start3A_12 = arith.constant 0 : i32
    %dma_start3A_13 = tpu.memref_slice %arg3[%dma_start3A_11, %dma_start3A_12] : memref<500000x128xf32, #tpu.memory_space<hbm>> -> memref<500000x128xf32, #tpu.memory_space<hbm>>
    tpu.enqueue_indirect_dma source(%dma_start3A_13 : memref<500000x128xf32, #tpu.memory_space<hbm>>) target(%arg7 : memref<128x128xf32, #tpu.memory_space<vmem>>) offsets(%dma_start3A_10 : memref<128xi32, #tpu.memory_space<vmem>>) semaphore(%arg12 : memref<!tpu.dma_semaphore, #tpu.memory_space<semaphore_mem>>)
    %dma_start3A_14 = arith.constant 1 : i32
    %dma_start3A_15 = arith.constant 0 : i32
    %dma_start3A_16 = tpu.memref_slice %arg5[%dma_start3A_14, %dma_start3A_15] : memref<200x128xi32, #tpu.memory_space<vmem>> -> memref<1x128xi32, #tpu.memory_space<vmem>>
    %dma_start3A_17 = tpu.memref_squeeze %dma_start3A_16 : memref<1x128xi32, #tpu.memory_space<vmem>> -> memref<128xi32, #tpu.memory_space<vmem>>
    %dma_start3A_18 = arith.constant 0 : i32
    %dma_start3A_19 = arith.constant 0 : i32
    %dma_start3A_20 = tpu.memref_slice %arg3[%dma_start3A_18, %dma_start3A_19] : memref<500000x128xf32, #tpu.memory_space<hbm>> -> memref<500000x128xf32, #tpu.memory_space<hbm>>
    tpu.enqueue_indirect_dma source(%dma_start3A_20 : memref<500000x128xf32, #tpu.memory_space<hbm>>) target(%arg8 : memref<128x128xf32, #tpu.memory_space<vmem>>) offsets(%dma_start3A_17 : memref<128xi32, #tpu.memory_space<vmem>>) semaphore(%arg12 : memref<!tpu.dma_semaphore, #tpu.memory_space<semaphore_mem>>)
    %dma_start3A_21 = arith.constant 2 : i32
    %dma_start3A_22 = arith.constant 0 : i32
    %dma_start3A_23 = tpu.memref_slice %arg5[%dma_start3A_21, %dma_start3A_22] : memref<200x128xi32, #tpu.memory_space<vmem>> -> memref<1x128xi32, #tpu.memory_space<vmem>>
    %dma_start3A_24 = tpu.memref_squeeze %dma_start3A_23 : memref<1x128xi32, #tpu.memory_space<vmem>> -> memref<128xi32, #tpu.memory_space<vmem>>
    %dma_start3A_25 = arith.constant 0 : i32
    %dma_start3A_26 = arith.constant 0 : i32
    %dma_start3A_27 = tpu.memref_slice %arg3[%dma_start3A_25, %dma_start3A_26] : memref<500000x128xf32, #tpu.memory_space<hbm>> -> memref<500000x128xf32, #tpu.memory_space<hbm>>
    tpu.enqueue_indirect_dma source(%dma_start3A_27 : memref<500000x128xf32, #tpu.memory_space<hbm>>) target(%arg9 : memref<128x128xf32, #tpu.memory_space<vmem>>) offsets(%dma_start3A_24 : memref<128xi32, #tpu.memory_space<vmem>>) semaphore(%arg12 : memref<!tpu.dma_semaphore, #tpu.memory_space<semaphore_mem>>)
    %dma_start3A_28 = arith.constant 3 : i32
    %dma_start3A_29 = arith.constant 0 : i32
    %dma_start3A_30 = tpu.memref_slice %arg5[%dma_start3A_28, %dma_start3A_29] : memref<200x128xi32, #tpu.memory_space<vmem>> -> memref<1x128xi32, #tpu.memory_space<vmem>>
    %dma_start3A_31 = tpu.memref_squeeze %dma_start3A_30 : memref<1x128xi32, #tpu.memory_space<vmem>> -> memref<128xi32, #tpu.memory_space<vmem>>
    %dma_start3A_32 = arith.constant 0 : i32
    %dma_start3A_33 = arith.constant 0 : i32
    %dma_start3A_34 = tpu.memref_slice %arg3[%dma_start3A_32, %dma_start3A_33] : memref<500000x128xf32, #tpu.memory_space<hbm>> -> memref<500000x128xf32, #tpu.memory_space<hbm>>
    tpu.enqueue_indirect_dma source(%dma_start3A_34 : memref<500000x128xf32, #tpu.memory_space<hbm>>) target(%arg10 : memref<128x128xf32, #tpu.memory_space<vmem>>) offsets(%dma_start3A_31 : memref<128xi32, #tpu.memory_space<vmem>>) semaphore(%arg12 : memref<!tpu.dma_semaphore, #tpu.memory_space<semaphore_mem>>)
    %scan3A_35 = arith.constant 0 : i32
    %scan3A_36 = arith.constant 0 : i32
    %scan3A_37 = arith.constant 50 : i32
    %scan3A_38 = arith.addi %scan3A_36, %scan3A_37 : i32
    %scan3A_39 = arith.constant 1 : i32
    scf.for %scan3A_47 = %scan3A_36 to %scan3A_38 step %scan3A_39  : i32 {
      %mul3A_48 = arith.constant 4 : i32
      %mul3A_49 = arith.muli %mul3A_48, %scan3A_47 : i32
      %add3A_50 = arith.constant 0 : i32
      %add3A_51 = arith.addi %mul3A_49, %add3A_50 : i32
      %dma_wait3A_52 = arith.constant 0 : i32
      %dma_wait3A_53 = tpu.memref_slice %arg5[%add3A_51, %dma_wait3A_52] : memref<200x128xi32, #tpu.memory_space<vmem>> -> memref<1x128xi32, #tpu.memory_space<vmem>>
      %dma_wait3A_54 = tpu.memref_squeeze %dma_wait3A_53 : memref<1x128xi32, #tpu.memory_space<vmem>> -> memref<128xi32, #tpu.memory_space<vmem>>
      %dma_wait3A_55 = arith.constant 0 : i32
      %dma_wait3A_56 = arith.constant 0 : i32
      %dma_wait3A_57 = tpu.memref_slice %arg3[%dma_wait3A_55, %dma_wait3A_56] : memref<500000x128xf32, #tpu.memory_space<hbm>> -> memref<500000x128xf32, #tpu.memory_space<hbm>>
      tpu.wait_indirect_dma semaphore(%arg12 : memref<!tpu.dma_semaphore, #tpu.memory_space<semaphore_mem>>) src(%dma_wait3A_57 : memref<500000x128xf32, #tpu.memory_space<hbm>>) dst(%arg7 : memref<128x128xf32, #tpu.memory_space<vmem>>)
      %add3A_58 = arith.constant 1 : i32
      %add3A_59 = arith.addi %mul3A_49, %add3A_58 : i32
      %dma_wait3A_60 = arith.constant 0 : i32
      %dma_wait3A_61 = tpu.memref_slice %arg5[%add3A_59, %dma_wait3A_60] : memref<200x128xi32, #tpu.memory_space<vmem>> -> memref<1x128xi32, #tpu.memory_space<vmem>>
      %dma_wait3A_62 = tpu.memref_squeeze %dma_wait3A_61 : memref<1x128xi32, #tpu.memory_space<vmem>> -> memref<128xi32, #tpu.memory_space<vmem>>
      %dma_wait3A_63 = arith.constant 0 : i32
      %dma_wait3A_64 = arith.constant 0 : i32
      %dma_wait3A_65 = tpu.memref_slice %arg3[%dma_wait3A_63, %dma_wait3A_64] : memref<500000x128xf32, #tpu.memory_space<hbm>> -> memref<500000x128xf32, #tpu.memory_space<hbm>>
      tpu.wait_indirect_dma semaphore(%arg12 : memref<!tpu.dma_semaphore, #tpu.memory_space<semaphore_mem>>) src(%dma_wait3A_65 : memref<500000x128xf32, #tpu.memory_space<hbm>>) dst(%arg8 : memref<128x128xf32, #tpu.memory_space<vmem>>)
      %add3A_66 = arith.constant 2 : i32
      %add3A_67 = arith.addi %mul3A_49, %add3A_66 : i32
      %dma_wait3A_68 = arith.constant 0 : i32
      %dma_wait3A_69 = tpu.memref_slice %arg5[%add3A_67, %dma_wait3A_68] : memref<200x128xi32, #tpu.memory_space<vmem>> -> memref<1x128xi32, #tpu.memory_space<vmem>>
      %dma_wait3A_70 = tpu.memref_squeeze %dma_wait3A_69 : memref<1x128xi32, #tpu.memory_space<vmem>> -> memref<128xi32, #tpu.memory_space<vmem>>
      %dma_wait3A_71 = arith.constant 0 : i32
      %dma_wait3A_72 = arith.constant 0 : i32
      %dma_wait3A_73 = tpu.memref_slice %arg3[%dma_wait3A_71, %dma_wait3A_72] : memref<500000x128xf32, #tpu.memory_space<hbm>> -> memref<500000x128xf32, #tpu.memory_space<hbm>>
      tpu.wait_indirect_dma semaphore(%arg12 : memref<!tpu.dma_semaphore, #tpu.memory_space<semaphore_mem>>) src(%dma_wait3A_73 : memref<500000x128xf32, #tpu.memory_space<hbm>>) dst(%arg9 : memref<128x128xf32, #tpu.memory_space<vmem>>)
      %add3A_74 = arith.constant 3 : i32
      %add3A_75 = arith.addi %mul3A_49, %add3A_74 : i32
      %dma_wait3A_76 = arith.constant 0 : i32
      %dma_wait3A_77 = tpu.memref_slice %arg5[%add3A_75, %dma_wait3A_76] : memref<200x128xi32, #tpu.memory_space<vmem>> -> memref<1x128xi32, #tpu.memory_space<vmem>>
      %dma_wait3A_78 = tpu.memref_squeeze %dma_wait3A_77 : memref<1x128xi32, #tpu.memory_space<vmem>> -> memref<128xi32, #tpu.memory_space<vmem>>
      %dma_wait3A_79 = arith.constant 0 : i32
      %dma_wait3A_80 = arith.constant 0 : i32
      %dma_wait3A_81 = tpu.memref_slice %arg3[%dma_wait3A_79, %dma_wait3A_80] : memref<500000x128xf32, #tpu.memory_space<hbm>> -> memref<500000x128xf32, #tpu.memory_space<hbm>>
      tpu.wait_indirect_dma semaphore(%arg12 : memref<!tpu.dma_semaphore, #tpu.memory_space<semaphore_mem>>) src(%dma_wait3A_81 : memref<500000x128xf32, #tpu.memory_space<hbm>>) dst(%arg10 : memref<128x128xf32, #tpu.memory_space<vmem>>)
      %add3A_82 = arith.constant 0 : i32
      %add3A_83 = arith.addi %mul3A_49, %add3A_82 : i32
      %iota3A = tpu.iota {dimensions = array<i32: 0>} : vector<16xi32>
      %add3A_84 = arith.constant 0 : i32
      %add3A_85 = vector.broadcast %add3A_84 : i32 to vector<16xi32>
      %add3A_86 = arith.addi %iota3A, %add3A_85 : vector<16xi32>
      %get3A = arith.index_cast %add3A_83 : i32 to index
      %get3A_87 = arith.constant 0 : index
      %get3A_88 = tpu.vector_load %arg6[%get3A, %get3A_87] {strides = array<i32>} : memref<200x128xi32, #tpu.memory_space<vmem>>, vector<16xi32>,
      %parallel_loop3A = arith.constant 0 : i32
      %parallel_loop3A_89 = arith.constant 64 : i32
      %parallel_loop3A_90 = arith.constant 1 : i32
      scf.for %parallel_loop3A_483 = %parallel_loop3A to %parallel_loop3A_89 step %parallel_loop3A_90  : i32 {
        %parallel_loop3A_484 = vector.broadcast %parallel_loop3A_483 : i32 to vector<16xi32>
        %parallel_loop3A_485 = arith.addi %get3A_88, %parallel_loop3A_484 : vector<16xi32>
        %parallel_loop3A_486 = tpu.vector_load_idx %arg7[%add3A_86, %parallel_loop3A_485] : memref<128x128xf32, #tpu.memory_space<vmem>>[vector<16xi32>, vector<16xi32>], vector<16xf32>,
        %parallel_loop3A_487 = arith.index_cast %parallel_loop3A_483 : i32 to index
        %parallel_loop3A_488 = arith.constant 0 : index
        %parallel_loop3A_489 = tpu.vector_load %arg11[%parallel_loop3A_487, %parallel_loop3A_488] {strides = array<i32>} : memref<64x128xf32, #tpu.memory_space<vmem>>, vector<16xf32>,
        tpu.vector_store %arg11[%parallel_loop3A_487, %parallel_loop3A_488], %parallel_loop3A_486 {strides = array<i32>} : memref<64x128xf32, #tpu.memory_space<vmem>>, vector<16xf32>,
      } {sc.loop_unroll_factor = 8 : i64, sc.parallel_access}
      %iota3A_91 = tpu.iota {dimensions = array<i32: 0>} : vector<16xi32>
      %add3A_92 = arith.constant 16 : i32
      %add3A_93 = vector.broadcast %add3A_92 : i32 to vector<16xi32>
      %add3A_94 = arith.addi %iota3A_91, %add3A_93 : vector<16xi32>
      %get3A_95 = arith.index_cast %add3A_83 : i32 to index
      %get3A_96 = arith.constant 16 : index
      %get3A_97 = tpu.vector_load %arg6[%get3A_95, %get3A_96] {strides = array<i32>} : memref<200x128xi32, #tpu.memory_space<vmem>>, vector<16xi32>,
      %parallel_loop3A_98 = arith.constant 0 : i32
      %parallel_loop3A_99 = arith.constant 64 : i32
      %parallel_loop3A_100 = arith.constant 1 : i32
      scf.for %parallel_loop3A_483 = %parallel_loop3A_98 to %parallel_loop3A_99 step %parallel_loop3A_100  : i32 {
        %parallel_loop3A_484 = vector.broadcast %parallel_loop3A_483 : i32 to vector<16xi32>
        %parallel_loop3A_485 = arith.addi %get3A_97, %parallel_loop3A_484 : vector<16xi32>
        %parallel_loop3A_486 = tpu.vector_load_idx %arg7[%add3A_94, %parallel_loop3A_485] : memref<128x128xf32, #tpu.memory_space<vmem>>[vector<16xi32>, vector<16xi32>], vector<16xf32>,
        %parallel_loop3A_487 = arith.index_cast %parallel_loop3A_483 : i32 to index
        %parallel_loop3A_488 = arith.constant 16 : index
        %parallel_loop3A_489 = tpu.vector_load %arg11[%parallel_loop3A_487, %parallel_loop3A_488] {strides = array<i32>} : memref<64x128xf32, #tpu.memory_space<vmem>>, vector<16xf32>,
        tpu.vector_store %arg11[%parallel_loop3A_487, %parallel_loop3A_488], %parallel_loop3A_486 {strides = array<i32>} : memref<64x128xf32, #tpu.memory_space<vmem>>, vector<16xf32>,
      } {sc.loop_unroll_factor = 8 : i64, sc.parallel_access}
      %iota3A_101 = tpu.iota {dimensions = array<i32: 0>} : vector<16xi32>
      %add3A_102 = arith.constant 32 : i32
      %add3A_103 = vector.broadcast %add3A_102 : i32 to vector<16xi32>
      %add3A_104 = arith.addi %iota3A_101, %add3A_103 : vector<16xi32>
      %get3A_105 = arith.index_cast %add3A_83 : i32 to index
      %get3A_106 = arith.constant 32 : index
      %get3A_107 = tpu.vector_load %arg6[%get3A_105, %get3A_106] {strides = array<i32>} : memref<200x128xi32, #tpu.memory_space<vmem>>, vector<16xi32>,
      %parallel_loop3A_108 = arith.constant 0 : i32
      %parallel_loop3A_109 = arith.constant 64 : i32
      %parallel_loop3A_110 = arith.constant 1 : i32
      scf.for %parallel_loop3A_483 = %parallel_loop3A_108 to %parallel_loop3A_109 step %parallel_loop3A_110  : i32 {
        %parallel_loop3A_484 = vector.broadcast %parallel_loop3A_483 : i32 to vector<16xi32>
        %parallel_loop3A_485 = arith.addi %get3A_107, %parallel_loop3A_484 : vector<16xi32>
        %parallel_loop3A_486 = tpu.vector_load_idx %arg7[%add3A_104, %parallel_loop3A_485] : memref<128x128xf32, #tpu.memory_space<vmem>>[vector<16xi32>, vector<16xi32>], vector<16xf32>,
        %parallel_loop3A_487 = arith.index_cast %parallel_loop3A_483 : i32 to index
        %parallel_loop3A_488 = arith.constant 32 : index
        %parallel_loop3A_489 = tpu.vector_load %arg11[%parallel_loop3A_487, %parallel_loop3A_488] {strides = array<i32>} : memref<64x128xf32, #tpu.memory_space<vmem>>, vector<16xf32>,
        tpu.vector_store %arg11[%parallel_loop3A_487, %parallel_loop3A_488], %parallel_loop3A_486 {strides = array<i32>} : memref<64x128xf32, #tpu.memory_space<vmem>>, vector<16xf32>,
      } {sc.loop_unroll_factor = 8 : i64, sc.parallel_access}
      %iota3A_111 = tpu.iota {dimensions = array<i32: 0>} : vector<16xi32>
      %add3A_112 = arith.constant 48 : i32
      %add3A_113 = vector.broadcast %add3A_112 : i32 to vector<16xi32>
      %add3A_114 = arith.addi %iota3A_111, %add3A_113 : vector<16xi32>
      %get3A_115 = arith.index_cast %add3A_83 : i32 to index
      %get3A_116 = arith.constant 48 : index
      %get3A_117 = tpu.vector_load %arg6[%get3A_115, %get3A_116] {strides = array<i32>} : memref<200x128xi32, #tpu.memory_space<vmem>>, vector<16xi32>,
      %parallel_loop3A_118 = arith.constant 0 : i32
      %parallel_loop3A_119 = arith.constant 64 : i32
      %parallel_loop3A_120 = arith.constant 1 : i32
      scf.for %parallel_loop3A_483 = %parallel_loop3A_118 to %parallel_loop3A_119 step %parallel_loop3A_120  : i32 {
        %parallel_loop3A_484 = vector.broadcast %parallel_loop3A_483 : i32 to vector<16xi32>
        %parallel_loop3A_485 = arith.addi %get3A_117, %parallel_loop3A_484 : vector<16xi32>
        %parallel_loop3A_486 = tpu.vector_load_idx %arg7[%add3A_114, %parallel_loop3A_485] : memref<128x128xf32, #tpu.memory_space<vmem>>[vector<16xi32>, vector<16xi32>], vector<16xf32>,
        %parallel_loop3A_487 = arith.index_cast %parallel_loop3A_483 : i32 to index
        %parallel_loop3A_488 = arith.constant 48 : index
        %parallel_loop3A_489 = tpu.vector_load %arg11[%parallel_loop3A_487, %parallel_loop3A_488] {strides = array<i32>} : memref<64x128xf32, #tpu.memory_space<vmem>>, vector<16xf32>,
        tpu.vector_store %arg11[%parallel_loop3A_487, %parallel_loop3A_488], %parallel_loop3A_486 {strides = array<i32>} : memref<64x128xf32, #tpu.memory_space<vmem>>, vector<16xf32>,
      } {sc.loop_unroll_factor = 8 : i64, sc.parallel_access}
      %iota3A_121 = tpu.iota {dimensions = array<i32: 0>} : vector<16xi32>
      %add3A_122 = arith.constant 64 : i32
      %add3A_123 = vector.broadcast %add3A_122 : i32 to vector<16xi32>
      %add3A_124 = arith.addi %iota3A_121, %add3A_123 : vector<16xi32>
      %get3A_125 = arith.index_cast %add3A_83 : i32 to index
      %get3A_126 = arith.constant 64 : index
      %get3A_127 = tpu.vector_load %arg6[%get3A_125, %get3A_126] {strides = array<i32>} : memref<200x128xi32, #tpu.memory_space<vmem>>, vector<16xi32>,
      %parallel_loop3A_128 = arith.constant 0 : i32
      %parallel_loop3A_129 = arith.constant 64 : i32
      %parallel_loop3A_130 = arith.constant 1 : i32
      scf.for %parallel_loop3A_483 = %parallel_loop3A_128 to %parallel_loop3A_129 step %parallel_loop3A_130  : i32 {
        %parallel_loop3A_484 = vector.broadcast %parallel_loop3A_483 : i32 to vector<16xi32>
        %parallel_loop3A_485 = arith.addi %get3A_127, %parallel_loop3A_484 : vector<16xi32>
        %parallel_loop3A_486 = tpu.vector_load_idx %arg7[%add3A_124, %parallel_loop3A_485] : memref<128x128xf32, #tpu.memory_space<vmem>>[vector<16xi32>, vector<16xi32>], vector<16xf32>,
        %parallel_loop3A_487 = arith.index_cast %parallel_loop3A_483 : i32 to index
        %parallel_loop3A_488 = arith.constant 64 : index
        %parallel_loop3A_489 = tpu.vector_load %arg11[%parallel_loop3A_487, %parallel_loop3A_488] {strides = array<i32>} : memref<64x128xf32, #tpu.memory_space<vmem>>, vector<16xf32>,
        tpu.vector_store %arg11[%parallel_loop3A_487, %parallel_loop3A_488], %parallel_loop3A_486 {strides = array<i32>} : memref<64x128xf32, #tpu.memory_space<vmem>>, vector<16xf32>,
      } {sc.loop_unroll_factor = 8 : i64, sc.parallel_access}
      %iota3A_131 = tpu.iota {dimensions = array<i32: 0>} : vector<16xi32>
      %add3A_132 = arith.constant 80 : i32
      %add3A_133 = vector.broadcast %add3A_132 : i32 to vector<16xi32>
      %add3A_134 = arith.addi %iota3A_131, %add3A_133 : vector<16xi32>
      %get3A_135 = arith.index_cast %add3A_83 : i32 to index
      %get3A_136 = arith.constant 80 : index
      %get3A_137 = tpu.vector_load %arg6[%get3A_135, %get3A_136] {strides = array<i32>} : memref<200x128xi32, #tpu.memory_space<vmem>>, vector<16xi32>,
      %parallel_loop3A_138 = arith.constant 0 : i32
      %parallel_loop3A_139 = arith.constant 64 : i32
      %parallel_loop3A_140 = arith.constant 1 : i32
      scf.for %parallel_loop3A_483 = %parallel_loop3A_138 to %parallel_loop3A_139 step %parallel_loop3A_140  : i32 {
        %parallel_loop3A_484 = vector.broadcast %parallel_loop3A_483 : i32 to vector<16xi32>
        %parallel_loop3A_485 = arith.addi %get3A_137, %parallel_loop3A_484 : vector<16xi32>
        %parallel_loop3A_486 = tpu.vector_load_idx %arg7[%add3A_134, %parallel_loop3A_485] : memref<128x128xf32, #tpu.memory_space<vmem>>[vector<16xi32>, vector<16xi32>], vector<16xf32>,
        %parallel_loop3A_487 = arith.index_cast %parallel_loop3A_483 : i32 to index
        %parallel_loop3A_488 = arith.constant 80 : index
        %parallel_loop3A_489 = tpu.vector_load %arg11[%parallel_loop3A_487, %parallel_loop3A_488] {strides = array<i32>} : memref<64x128xf32, #tpu.memory_space<vmem>>, vector<16xf32>,
        tpu.vector_store %arg11[%parallel_loop3A_487, %parallel_loop3A_488], %parallel_loop3A_486 {strides = array<i32>} : memref<64x128xf32, #tpu.memory_space<vmem>>, vector<16xf32>,
      } {sc.loop_unroll_factor = 8 : i64, sc.parallel_access}
      %iota3A_141 = tpu.iota {dimensions = array<i32: 0>} : vector<16xi32>
      %add3A_142 = arith.constant 96 : i32
      %add3A_143 = vector.broadcast %add3A_142 : i32 to vector<16xi32>
      %add3A_144 = arith.addi %iota3A_141, %add3A_143 : vector<16xi32>
      %get3A_145 = arith.index_cast %add3A_83 : i32 to index
      %get3A_146 = arith.constant 96 : index
      %get3A_147 = tpu.vector_load %arg6[%get3A_145, %get3A_146] {strides = array<i32>} : memref<200x128xi32, #tpu.memory_space<vmem>>, vector<16xi32>,
      %parallel_loop3A_148 = arith.constant 0 : i32
      %parallel_loop3A_149 = arith.constant 64 : i32
      %parallel_loop3A_150 = arith.constant 1 : i32
      scf.for %parallel_loop3A_483 = %parallel_loop3A_148 to %parallel_loop3A_149 step %parallel_loop3A_150  : i32 {
        %parallel_loop3A_484 = vector.broadcast %parallel_loop3A_483 : i32 to vector<16xi32>
        %parallel_loop3A_485 = arith.addi %get3A_147, %parallel_loop3A_484 : vector<16xi32>
        %parallel_loop3A_486 = tpu.vector_load_idx %arg7[%add3A_144, %parallel_loop3A_485] : memref<128x128xf32, #tpu.memory_space<vmem>>[vector<16xi32>, vector<16xi32>], vector<16xf32>,
        %parallel_loop3A_487 = arith.index_cast %parallel_loop3A_483 : i32 to index
        %parallel_loop3A_488 = arith.constant 96 : index
        %parallel_loop3A_489 = tpu.vector_load %arg11[%parallel_loop3A_487, %parallel_loop3A_488] {strides = array<i32>} : memref<64x128xf32, #tpu.memory_space<vmem>>, vector<16xf32>,
        tpu.vector_store %arg11[%parallel_loop3A_487, %parallel_loop3A_488], %parallel_loop3A_486 {strides = array<i32>} : memref<64x128xf32, #tpu.memory_space<vmem>>, vector<16xf32>,
      } {sc.loop_unroll_factor = 8 : i64, sc.parallel_access}
      %iota3A_151 = tpu.iota {dimensions = array<i32: 0>} : vector<16xi32>
      %add3A_152 = arith.constant 112 : i32
      %add3A_153 = vector.broadcast %add3A_152 : i32 to vector<16xi32>
      %add3A_154 = arith.addi %iota3A_151, %add3A_153 : vector<16xi32>
      %get3A_155 = arith.index_cast %add3A_83 : i32 to index
      %get3A_156 = arith.constant 112 : index
      %get3A_157 = tpu.vector_load %arg6[%get3A_155, %get3A_156] {strides = array<i32>} : memref<200x128xi32, #tpu.memory_space<vmem>>, vector<16xi32>,
      %parallel_loop3A_158 = arith.constant 0 : i32
      %parallel_loop3A_159 = arith.constant 64 : i32
      %parallel_loop3A_160 = arith.constant 1 : i32
      scf.for %parallel_loop3A_483 = %parallel_loop3A_158 to %parallel_loop3A_159 step %parallel_loop3A_160  : i32 {
        %parallel_loop3A_484 = vector.broadcast %parallel_loop3A_483 : i32 to vector<16xi32>
        %parallel_loop3A_485 = arith.addi %get3A_157, %parallel_loop3A_484 : vector<16xi32>
        %parallel_loop3A_486 = tpu.vector_load_idx %arg7[%add3A_154, %parallel_loop3A_485] : memref<128x128xf32, #tpu.memory_space<vmem>>[vector<16xi32>, vector<16xi32>], vector<16xf32>,
        %parallel_loop3A_487 = arith.index_cast %parallel_loop3A_483 : i32 to index
        %parallel_loop3A_488 = arith.constant 112 : index
        %parallel_loop3A_489 = tpu.vector_load %arg11[%parallel_loop3A_487, %parallel_loop3A_488] {strides = array<i32>} : memref<64x128xf32, #tpu.memory_space<vmem>>, vector<16xf32>,
        tpu.vector_store %arg11[%parallel_loop3A_487, %parallel_loop3A_488], %parallel_loop3A_486 {strides = array<i32>} : memref<64x128xf32, #tpu.memory_space<vmem>>, vector<16xf32>,
      } {sc.loop_unroll_factor = 8 : i64, sc.parallel_access}
      %ge3A = arith.constant 1 : i32
      %ge3A_161 = arith.cmpi sge, %add3A_83, %ge3A : i32
      %convert_element_type3A = arith.extui %ge3A_161 : i1 to i32
      %cond3A = arith.constant 0 : i32
      %cond3A_162 = arith.cmpi ne, %convert_element_type3A, %cond3A : i32
      scf.if %cond3A_162 {
        %sub3A = arith.constant 1 : i32
        %sub3A_483 = arith.subi %add3A_83, %sub3A : i32
        %dma_wait3A_484 = arith.constant 0 : i32
        %dma_wait3A_485 = tpu.memref_slice %arg4[%sub3A_483, %dma_wait3A_484, %mul3A_2] : memref<200x64x4096xf32, #tpu.memory_space<hbm>> -> memref<1x64x128xf32, #tpu.memory_space<hbm>>
        %dma_wait3A_486 = tpu.memref_squeeze %dma_wait3A_485 : memref<1x64x128xf32, #tpu.memory_space<hbm>> -> memref<64x128xf32, #tpu.memory_space<hbm>>
        %dma_wait3A_487 = arith.constant 0 : i32
        %dma_wait3A_488 = tpu.memref_slice %arg4[%sub3A_483, %dma_wait3A_487, %mul3A_2] : memref<200x64x4096xf32, #tpu.memory_space<hbm>> -> memref<1x64x128xf32, #tpu.memory_space<hbm>>
        %dma_wait3A_489 = tpu.memref_squeeze %dma_wait3A_488 : memref<1x64x128xf32, #tpu.memory_space<hbm>> -> memref<64x128xf32, #tpu.memory_space<hbm>>
        tpu.wait_dma2 semaphore(%arg13 : memref<!tpu.dma_semaphore, #tpu.memory_space<semaphore_mem>>) src(%arg11 : memref<64x128xf32, #tpu.memory_space<vmem>>) dst(%dma_wait3A_489 : memref<64x128xf32, #tpu.memory_space<hbm>>)
      } else {
      }
      %dma_start3A_163 = arith.constant 0 : i32
      %dma_start3A_164 = tpu.memref_slice %arg4[%add3A_83, %dma_start3A_163, %mul3A_2] : memref<200x64x4096xf32, #tpu.memory_space<hbm>> -> memref<1x64x128xf32, #tpu.memory_space<hbm>>
      %dma_start3A_165 = tpu.memref_squeeze %dma_start3A_164 : memref<1x64x128xf32, #tpu.memory_space<hbm>> -> memref<64x128xf32, #tpu.memory_space<hbm>>
      %dma_start3A_166 = arith.constant 0 : i32
      %dma_start3A_167 = tpu.memref_slice %arg4[%add3A_83, %dma_start3A_166, %mul3A_2] : memref<200x64x4096xf32, #tpu.memory_space<hbm>> -> memref<1x64x128xf32, #tpu.memory_space<hbm>>
      %dma_start3A_168 = tpu.memref_squeeze %dma_start3A_167 : memref<1x64x128xf32, #tpu.memory_space<hbm>> -> memref<64x128xf32, #tpu.memory_space<hbm>>
      tpu.enqueue_dma source(%arg11 : memref<64x128xf32, #tpu.memory_space<vmem>>) target(%dma_start3A_168 : memref<64x128xf32, #tpu.memory_space<hbm>>) target_semaphore(%arg13 : memref<!tpu.dma_semaphore, #tpu.memory_space<semaphore_mem>>)
      %add3A_169 = arith.constant 1 : i32
      %add3A_170 = arith.addi %mul3A_49, %add3A_169 : i32
      %iota3A_171 = tpu.iota {dimensions = array<i32: 0>} : vector<16xi32>
      %add3A_172 = arith.constant 0 : i32
      %add3A_173 = vector.broadcast %add3A_172 : i32 to vector<16xi32>
      %add3A_174 = arith.addi %iota3A_171, %add3A_173 : vector<16xi32>
      %get3A_175 = arith.index_cast %add3A_170 : i32 to index
      %get3A_176 = arith.constant 0 : index
      %get3A_177 = tpu.vector_load %arg6[%get3A_175, %get3A_176] {strides = array<i32>} : memref<200x128xi32, #tpu.memory_space<vmem>>, vector<16xi32>,
      %parallel_loop3A_178 = arith.constant 0 : i32
      %parallel_loop3A_179 = arith.constant 64 : i32
      %parallel_loop3A_180 = arith.constant 1 : i32
      scf.for %parallel_loop3A_483 = %parallel_loop3A_178 to %parallel_loop3A_179 step %parallel_loop3A_180  : i32 {
        %parallel_loop3A_484 = vector.broadcast %parallel_loop3A_483 : i32 to vector<16xi32>
        %parallel_loop3A_485 = arith.addi %get3A_177, %parallel_loop3A_484 : vector<16xi32>
        %parallel_loop3A_486 = tpu.vector_load_idx %arg8[%add3A_174, %parallel_loop3A_485] : memref<128x128xf32, #tpu.memory_space<vmem>>[vector<16xi32>, vector<16xi32>], vector<16xf32>,
        %parallel_loop3A_487 = arith.index_cast %parallel_loop3A_483 : i32 to index
        %parallel_loop3A_488 = arith.constant 0 : index
        %parallel_loop3A_489 = tpu.vector_load %arg11[%parallel_loop3A_487, %parallel_loop3A_488] {strides = array<i32>} : memref<64x128xf32, #tpu.memory_space<vmem>>, vector<16xf32>,
        tpu.vector_store %arg11[%parallel_loop3A_487, %parallel_loop3A_488], %parallel_loop3A_486 {strides = array<i32>} : memref<64x128xf32, #tpu.memory_space<vmem>>, vector<16xf32>,
      } {sc.loop_unroll_factor = 8 : i64, sc.parallel_access}
      %iota3A_181 = tpu.iota {dimensions = array<i32: 0>} : vector<16xi32>
      %add3A_182 = arith.constant 16 : i32
      %add3A_183 = vector.broadcast %add3A_182 : i32 to vector<16xi32>
      %add3A_184 = arith.addi %iota3A_181, %add3A_183 : vector<16xi32>
      %get3A_185 = arith.index_cast %add3A_170 : i32 to index
      %get3A_186 = arith.constant 16 : index
      %get3A_187 = tpu.vector_load %arg6[%get3A_185, %get3A_186] {strides = array<i32>} : memref<200x128xi32, #tpu.memory_space<vmem>>, vector<16xi32>,
      %parallel_loop3A_188 = arith.constant 0 : i32
      %parallel_loop3A_189 = arith.constant 64 : i32
      %parallel_loop3A_190 = arith.constant 1 : i32
      scf.for %parallel_loop3A_483 = %parallel_loop3A_188 to %parallel_loop3A_189 step %parallel_loop3A_190  : i32 {
        %parallel_loop3A_484 = vector.broadcast %parallel_loop3A_483 : i32 to vector<16xi32>
        %parallel_loop3A_485 = arith.addi %get3A_187, %parallel_loop3A_484 : vector<16xi32>
        %parallel_loop3A_486 = tpu.vector_load_idx %arg8[%add3A_184, %parallel_loop3A_485] : memref<128x128xf32, #tpu.memory_space<vmem>>[vector<16xi32>, vector<16xi32>], vector<16xf32>,
        %parallel_loop3A_487 = arith.index_cast %parallel_loop3A_483 : i32 to index
        %parallel_loop3A_488 = arith.constant 16 : index
        %parallel_loop3A_489 = tpu.vector_load %arg11[%parallel_loop3A_487, %parallel_loop3A_488] {strides = array<i32>} : memref<64x128xf32, #tpu.memory_space<vmem>>, vector<16xf32>,
        tpu.vector_store %arg11[%parallel_loop3A_487, %parallel_loop3A_488], %parallel_loop3A_486 {strides = array<i32>} : memref<64x128xf32, #tpu.memory_space<vmem>>, vector<16xf32>,
      } {sc.loop_unroll_factor = 8 : i64, sc.parallel_access}
      %iota3A_191 = tpu.iota {dimensions = array<i32: 0>} : vector<16xi32>
      %add3A_192 = arith.constant 32 : i32
      %add3A_193 = vector.broadcast %add3A_192 : i32 to vector<16xi32>
      %add3A_194 = arith.addi %iota3A_191, %add3A_193 : vector<16xi32>
      %get3A_195 = arith.index_cast %add3A_170 : i32 to index
      %get3A_196 = arith.constant 32 : index
      %get3A_197 = tpu.vector_load %arg6[%get3A_195, %get3A_196] {strides = array<i32>} : memref<200x128xi32, #tpu.memory_space<vmem>>, vector<16xi32>,
      %parallel_loop3A_198 = arith.constant 0 : i32
      %parallel_loop3A_199 = arith.constant 64 : i32
      %parallel_loop3A_200 = arith.constant 1 : i32
      scf.for %parallel_loop3A_483 = %parallel_loop3A_198 to %parallel_loop3A_199 step %parallel_loop3A_200  : i32 {
        %parallel_loop3A_484 = vector.broadcast %parallel_loop3A_483 : i32 to vector<16xi32>
        %parallel_loop3A_485 = arith.addi %get3A_197, %parallel_loop3A_484 : vector<16xi32>
        %parallel_loop3A_486 = tpu.vector_load_idx %arg8[%add3A_194, %parallel_loop3A_485] : memref<128x128xf32, #tpu.memory_space<vmem>>[vector<16xi32>, vector<16xi32>], vector<16xf32>,
        %parallel_loop3A_487 = arith.index_cast %parallel_loop3A_483 : i32 to index
        %parallel_loop3A_488 = arith.constant 32 : index
        %parallel_loop3A_489 = tpu.vector_load %arg11[%parallel_loop3A_487, %parallel_loop3A_488] {strides = array<i32>} : memref<64x128xf32, #tpu.memory_space<vmem>>, vector<16xf32>,
        tpu.vector_store %arg11[%parallel_loop3A_487, %parallel_loop3A_488], %parallel_loop3A_486 {strides = array<i32>} : memref<64x128xf32, #tpu.memory_space<vmem>>, vector<16xf32>,
      } {sc.loop_unroll_factor = 8 : i64, sc.parallel_access}
      %iota3A_201 = tpu.iota {dimensions = array<i32: 0>} : vector<16xi32>
      %add3A_202 = arith.constant 48 : i32
      %add3A_203 = vector.broadcast %add3A_202 : i32 to vector<16xi32>
      %add3A_204 = arith.addi %iota3A_201, %add3A_203 : vector<16xi32>
      %get3A_205 = arith.index_cast %add3A_170 : i32 to index
      %get3A_206 = arith.constant 48 : index
      %get3A_207 = tpu.vector_load %arg6[%get3A_205, %get3A_206] {strides = array<i32>} : memref<200x128xi32, #tpu.memory_space<vmem>>, vector<16xi32>,
      %parallel_loop3A_208 = arith.constant 0 : i32
      %parallel_loop3A_209 = arith.constant 64 : i32
      %parallel_loop3A_210 = arith.constant 1 : i32
      scf.for %parallel_loop3A_483 = %parallel_loop3A_208 to %parallel_loop3A_209 step %parallel_loop3A_210  : i32 {
        %parallel_loop3A_484 = vector.broadcast %parallel_loop3A_483 : i32 to vector<16xi32>
        %parallel_loop3A_485 = arith.addi %get3A_207, %parallel_loop3A_484 : vector<16xi32>
        %parallel_loop3A_486 = tpu.vector_load_idx %arg8[%add3A_204, %parallel_loop3A_485] : memref<128x128xf32, #tpu.memory_space<vmem>>[vector<16xi32>, vector<16xi32>], vector<16xf32>,
        %parallel_loop3A_487 = arith.index_cast %parallel_loop3A_483 : i32 to index
        %parallel_loop3A_488 = arith.constant 48 : index
        %parallel_loop3A_489 = tpu.vector_load %arg11[%parallel_loop3A_487, %parallel_loop3A_488] {strides = array<i32>} : memref<64x128xf32, #tpu.memory_space<vmem>>, vector<16xf32>,
        tpu.vector_store %arg11[%parallel_loop3A_487, %parallel_loop3A_488], %parallel_loop3A_486 {strides = array<i32>} : memref<64x128xf32, #tpu.memory_space<vmem>>, vector<16xf32>,
      } {sc.loop_unroll_factor = 8 : i64, sc.parallel_access}
      %iota3A_211 = tpu.iota {dimensions = array<i32: 0>} : vector<16xi32>
      %add3A_212 = arith.constant 64 : i32
      %add3A_213 = vector.broadcast %add3A_212 : i32 to vector<16xi32>
      %add3A_214 = arith.addi %iota3A_211, %add3A_213 : vector<16xi32>
      %get3A_215 = arith.index_cast %add3A_170 : i32 to index
      %get3A_216 = arith.constant 64 : index
      %get3A_217 = tpu.vector_load %arg6[%get3A_215, %get3A_216] {strides = array<i32>} : memref<200x128xi32, #tpu.memory_space<vmem>>, vector<16xi32>,
      %parallel_loop3A_218 = arith.constant 0 : i32
      %parallel_loop3A_219 = arith.constant 64 : i32
      %parallel_loop3A_220 = arith.constant 1 : i32
      scf.for %parallel_loop3A_483 = %parallel_loop3A_218 to %parallel_loop3A_219 step %parallel_loop3A_220  : i32 {
        %parallel_loop3A_484 = vector.broadcast %parallel_loop3A_483 : i32 to vector<16xi32>
        %parallel_loop3A_485 = arith.addi %get3A_217, %parallel_loop3A_484 : vector<16xi32>
        %parallel_loop3A_486 = tpu.vector_load_idx %arg8[%add3A_214, %parallel_loop3A_485] : memref<128x128xf32, #tpu.memory_space<vmem>>[vector<16xi32>, vector<16xi32>], vector<16xf32>,
        %parallel_loop3A_487 = arith.index_cast %parallel_loop3A_483 : i32 to index
        %parallel_loop3A_488 = arith.constant 64 : index
        %parallel_loop3A_489 = tpu.vector_load %arg11[%parallel_loop3A_487, %parallel_loop3A_488] {strides = array<i32>} : memref<64x128xf32, #tpu.memory_space<vmem>>, vector<16xf32>,
        tpu.vector_store %arg11[%parallel_loop3A_487, %parallel_loop3A_488], %parallel_loop3A_486 {strides = array<i32>} : memref<64x128xf32, #tpu.memory_space<vmem>>, vector<16xf32>,
      } {sc.loop_unroll_factor = 8 : i64, sc.parallel_access}
      %iota3A_221 = tpu.iota {dimensions = array<i32: 0>} : vector<16xi32>
      %add3A_222 = arith.constant 80 : i32
      %add3A_223 = vector.broadcast %add3A_222 : i32 to vector<16xi32>
      %add3A_224 = arith.addi %iota3A_221, %add3A_223 : vector<16xi32>
      %get3A_225 = arith.index_cast %add3A_170 : i32 to index
      %get3A_226 = arith.constant 80 : index
      %get3A_227 = tpu.vector_load %arg6[%get3A_225, %get3A_226] {strides = array<i32>} : memref<200x128xi32, #tpu.memory_space<vmem>>, vector<16xi32>,
      %parallel_loop3A_228 = arith.constant 0 : i32
      %parallel_loop3A_229 = arith.constant 64 : i32
      %parallel_loop3A_230 = arith.constant 1 : i32
      scf.for %parallel_loop3A_483 = %parallel_loop3A_228 to %parallel_loop3A_229 step %parallel_loop3A_230  : i32 {
        %parallel_loop3A_484 = vector.broadcast %parallel_loop3A_483 : i32 to vector<16xi32>
        %parallel_loop3A_485 = arith.addi %get3A_227, %parallel_loop3A_484 : vector<16xi32>
        %parallel_loop3A_486 = tpu.vector_load_idx %arg8[%add3A_224, %parallel_loop3A_485] : memref<128x128xf32, #tpu.memory_space<vmem>>[vector<16xi32>, vector<16xi32>], vector<16xf32>,
        %parallel_loop3A_487 = arith.index_cast %parallel_loop3A_483 : i32 to index
        %parallel_loop3A_488 = arith.constant 80 : index
        %parallel_loop3A_489 = tpu.vector_load %arg11[%parallel_loop3A_487, %parallel_loop3A_488] {strides = array<i32>} : memref<64x128xf32, #tpu.memory_space<vmem>>, vector<16xf32>,
        tpu.vector_store %arg11[%parallel_loop3A_487, %parallel_loop3A_488], %parallel_loop3A_486 {strides = array<i32>} : memref<64x128xf32, #tpu.memory_space<vmem>>, vector<16xf32>,
      } {sc.loop_unroll_factor = 8 : i64, sc.parallel_access}
      %iota3A_231 = tpu.iota {dimensions = array<i32: 0>} : vector<16xi32>
      %add3A_232 = arith.constant 96 : i32
      %add3A_233 = vector.broadcast %add3A_232 : i32 to vector<16xi32>
      %add3A_234 = arith.addi %iota3A_231, %add3A_233 : vector<16xi32>
      %get3A_235 = arith.index_cast %add3A_170 : i32 to index
      %get3A_236 = arith.constant 96 : index
      %get3A_237 = tpu.vector_load %arg6[%get3A_235, %get3A_236] {strides = array<i32>} : memref<200x128xi32, #tpu.memory_space<vmem>>, vector<16xi32>,
      %parallel_loop3A_238 = arith.constant 0 : i32
      %parallel_loop3A_239 = arith.constant 64 : i32
      %parallel_loop3A_240 = arith.constant 1 : i32
      scf.for %parallel_loop3A_483 = %parallel_loop3A_238 to %parallel_loop3A_239 step %parallel_loop3A_240  : i32 {
        %parallel_loop3A_484 = vector.broadcast %parallel_loop3A_483 : i32 to vector<16xi32>
        %parallel_loop3A_485 = arith.addi %get3A_237, %parallel_loop3A_484 : vector<16xi32>
        %parallel_loop3A_486 = tpu.vector_load_idx %arg8[%add3A_234, %parallel_loop3A_485] : memref<128x128xf32, #tpu.memory_space<vmem>>[vector<16xi32>, vector<16xi32>], vector<16xf32>,
        %parallel_loop3A_487 = arith.index_cast %parallel_loop3A_483 : i32 to index
        %parallel_loop3A_488 = arith.constant 96 : index
        %parallel_loop3A_489 = tpu.vector_load %arg11[%parallel_loop3A_487, %parallel_loop3A_488] {strides = array<i32>} : memref<64x128xf32, #tpu.memory_space<vmem>>, vector<16xf32>,
        tpu.vector_store %arg11[%parallel_loop3A_487, %parallel_loop3A_488], %parallel_loop3A_486 {strides = array<i32>} : memref<64x128xf32, #tpu.memory_space<vmem>>, vector<16xf32>,
      } {sc.loop_unroll_factor = 8 : i64, sc.parallel_access}
      %iota3A_241 = tpu.iota {dimensions = array<i32: 0>} : vector<16xi32>
      %add3A_242 = arith.constant 112 : i32
      %add3A_243 = vector.broadcast %add3A_242 : i32 to vector<16xi32>
      %add3A_244 = arith.addi %iota3A_241, %add3A_243 : vector<16xi32>
      %get3A_245 = arith.index_cast %add3A_170 : i32 to index
      %get3A_246 = arith.constant 112 : index
      %get3A_247 = tpu.vector_load %arg6[%get3A_245, %get3A_246] {strides = array<i32>} : memref<200x128xi32, #tpu.memory_space<vmem>>, vector<16xi32>,
      %parallel_loop3A_248 = arith.constant 0 : i32
      %parallel_loop3A_249 = arith.constant 64 : i32
      %parallel_loop3A_250 = arith.constant 1 : i32
      scf.for %parallel_loop3A_483 = %parallel_loop3A_248 to %parallel_loop3A_249 step %parallel_loop3A_250  : i32 {
        %parallel_loop3A_484 = vector.broadcast %parallel_loop3A_483 : i32 to vector<16xi32>
        %parallel_loop3A_485 = arith.addi %get3A_247, %parallel_loop3A_484 : vector<16xi32>
        %parallel_loop3A_486 = tpu.vector_load_idx %arg8[%add3A_244, %parallel_loop3A_485] : memref<128x128xf32, #tpu.memory_space<vmem>>[vector<16xi32>, vector<16xi32>], vector<16xf32>,
        %parallel_loop3A_487 = arith.index_cast %parallel_loop3A_483 : i32 to index
        %parallel_loop3A_488 = arith.constant 112 : index
        %parallel_loop3A_489 = tpu.vector_load %arg11[%parallel_loop3A_487, %parallel_loop3A_488] {strides = array<i32>} : memref<64x128xf32, #tpu.memory_space<vmem>>, vector<16xf32>,
        tpu.vector_store %arg11[%parallel_loop3A_487, %parallel_loop3A_488], %parallel_loop3A_486 {strides = array<i32>} : memref<64x128xf32, #tpu.memory_space<vmem>>, vector<16xf32>,
      } {sc.loop_unroll_factor = 8 : i64, sc.parallel_access}
      %ge3A_251 = arith.constant 1 : i32
      %ge3A_252 = arith.cmpi sge, %add3A_170, %ge3A_251 : i32
      %convert_element_type3A_253 = arith.extui %ge3A_252 : i1 to i32
      %cond3A_254 = arith.constant 0 : i32
      %cond3A_255 = arith.cmpi ne, %convert_element_type3A_253, %cond3A_254 : i32
      scf.if %cond3A_255 {
        %sub3A = arith.constant 1 : i32
        %sub3A_483 = arith.subi %add3A_170, %sub3A : i32
        %dma_wait3A_484 = arith.constant 0 : i32
        %dma_wait3A_485 = tpu.memref_slice %arg4[%sub3A_483, %dma_wait3A_484, %mul3A_2] : memref<200x64x4096xf32, #tpu.memory_space<hbm>> -> memref<1x64x128xf32, #tpu.memory_space<hbm>>
        %dma_wait3A_486 = tpu.memref_squeeze %dma_wait3A_485 : memref<1x64x128xf32, #tpu.memory_space<hbm>> -> memref<64x128xf32, #tpu.memory_space<hbm>>
        %dma_wait3A_487 = arith.constant 0 : i32
        %dma_wait3A_488 = tpu.memref_slice %arg4[%sub3A_483, %dma_wait3A_487, %mul3A_2] : memref<200x64x4096xf32, #tpu.memory_space<hbm>> -> memref<1x64x128xf32, #tpu.memory_space<hbm>>
        %dma_wait3A_489 = tpu.memref_squeeze %dma_wait3A_488 : memref<1x64x128xf32, #tpu.memory_space<hbm>> -> memref<64x128xf32, #tpu.memory_space<hbm>>
        tpu.wait_dma2 semaphore(%arg13 : memref<!tpu.dma_semaphore, #tpu.memory_space<semaphore_mem>>) src(%arg11 : memref<64x128xf32, #tpu.memory_space<vmem>>) dst(%dma_wait3A_489 : memref<64x128xf32, #tpu.memory_space<hbm>>)
      } else {
      }
      %dma_start3A_256 = arith.constant 0 : i32
      %dma_start3A_257 = tpu.memref_slice %arg4[%add3A_170, %dma_start3A_256, %mul3A_2] : memref<200x64x4096xf32, #tpu.memory_space<hbm>> -> memref<1x64x128xf32, #tpu.memory_space<hbm>>
      %dma_start3A_258 = tpu.memref_squeeze %dma_start3A_257 : memref<1x64x128xf32, #tpu.memory_space<hbm>> -> memref<64x128xf32, #tpu.memory_space<hbm>>
      %dma_start3A_259 = arith.constant 0 : i32
      %dma_start3A_260 = tpu.memref_slice %arg4[%add3A_170, %dma_start3A_259, %mul3A_2] : memref<200x64x4096xf32, #tpu.memory_space<hbm>> -> memref<1x64x128xf32, #tpu.memory_space<hbm>>
      %dma_start3A_261 = tpu.memref_squeeze %dma_start3A_260 : memref<1x64x128xf32, #tpu.memory_space<hbm>> -> memref<64x128xf32, #tpu.memory_space<hbm>>
      tpu.enqueue_dma source(%arg11 : memref<64x128xf32, #tpu.memory_space<vmem>>) target(%dma_start3A_261 : memref<64x128xf32, #tpu.memory_space<hbm>>) target_semaphore(%arg13 : memref<!tpu.dma_semaphore, #tpu.memory_space<semaphore_mem>>)
      %add3A_262 = arith.constant 2 : i32
      %add3A_263 = arith.addi %mul3A_49, %add3A_262 : i32
      %iota3A_264 = tpu.iota {dimensions = array<i32: 0>} : vector<16xi32>
      %add3A_265 = arith.constant 0 : i32
      %add3A_266 = vector.broadcast %add3A_265 : i32 to vector<16xi32>
      %add3A_267 = arith.addi %iota3A_264, %add3A_266 : vector<16xi32>
      %get3A_268 = arith.index_cast %add3A_263 : i32 to index
      %get3A_269 = arith.constant 0 : index
      %get3A_270 = tpu.vector_load %arg6[%get3A_268, %get3A_269] {strides = array<i32>} : memref<200x128xi32, #tpu.memory_space<vmem>>, vector<16xi32>,
      %parallel_loop3A_271 = arith.constant 0 : i32
      %parallel_loop3A_272 = arith.constant 64 : i32
      %parallel_loop3A_273 = arith.constant 1 : i32
      scf.for %parallel_loop3A_483 = %parallel_loop3A_271 to %parallel_loop3A_272 step %parallel_loop3A_273  : i32 {
        %parallel_loop3A_484 = vector.broadcast %parallel_loop3A_483 : i32 to vector<16xi32>
        %parallel_loop3A_485 = arith.addi %get3A_270, %parallel_loop3A_484 : vector<16xi32>
        %parallel_loop3A_486 = tpu.vector_load_idx %arg9[%add3A_267, %parallel_loop3A_485] : memref<128x128xf32, #tpu.memory_space<vmem>>[vector<16xi32>, vector<16xi32>], vector<16xf32>,
        %parallel_loop3A_487 = arith.index_cast %parallel_loop3A_483 : i32 to index
        %parallel_loop3A_488 = arith.constant 0 : index
        %parallel_loop3A_489 = tpu.vector_load %arg11[%parallel_loop3A_487, %parallel_loop3A_488] {strides = array<i32>} : memref<64x128xf32, #tpu.memory_space<vmem>>, vector<16xf32>,
        tpu.vector_store %arg11[%parallel_loop3A_487, %parallel_loop3A_488], %parallel_loop3A_486 {strides = array<i32>} : memref<64x128xf32, #tpu.memory_space<vmem>>, vector<16xf32>,
      } {sc.loop_unroll_factor = 8 : i64, sc.parallel_access}
      %iota3A_274 = tpu.iota {dimensions = array<i32: 0>} : vector<16xi32>
      %add3A_275 = arith.constant 16 : i32
      %add3A_276 = vector.broadcast %add3A_275 : i32 to vector<16xi32>
      %add3A_277 = arith.addi %iota3A_274, %add3A_276 : vector<16xi32>
      %get3A_278 = arith.index_cast %add3A_263 : i32 to index
      %get3A_279 = arith.constant 16 : index
      %get3A_280 = tpu.vector_load %arg6[%get3A_278, %get3A_279] {strides = array<i32>} : memref<200x128xi32, #tpu.memory_space<vmem>>, vector<16xi32>,
      %parallel_loop3A_281 = arith.constant 0 : i32
      %parallel_loop3A_282 = arith.constant 64 : i32
      %parallel_loop3A_283 = arith.constant 1 : i32
      scf.for %parallel_loop3A_483 = %parallel_loop3A_281 to %parallel_loop3A_282 step %parallel_loop3A_283  : i32 {
        %parallel_loop3A_484 = vector.broadcast %parallel_loop3A_483 : i32 to vector<16xi32>
        %parallel_loop3A_485 = arith.addi %get3A_280, %parallel_loop3A_484 : vector<16xi32>
        %parallel_loop3A_486 = tpu.vector_load_idx %arg9[%add3A_277, %parallel_loop3A_485] : memref<128x128xf32, #tpu.memory_space<vmem>>[vector<16xi32>, vector<16xi32>], vector<16xf32>,
        %parallel_loop3A_487 = arith.index_cast %parallel_loop3A_483 : i32 to index
        %parallel_loop3A_488 = arith.constant 16 : index
        %parallel_loop3A_489 = tpu.vector_load %arg11[%parallel_loop3A_487, %parallel_loop3A_488] {strides = array<i32>} : memref<64x128xf32, #tpu.memory_space<vmem>>, vector<16xf32>,
        tpu.vector_store %arg11[%parallel_loop3A_487, %parallel_loop3A_488], %parallel_loop3A_486 {strides = array<i32>} : memref<64x128xf32, #tpu.memory_space<vmem>>, vector<16xf32>,
      } {sc.loop_unroll_factor = 8 : i64, sc.parallel_access}
      %iota3A_284 = tpu.iota {dimensions = array<i32: 0>} : vector<16xi32>
      %add3A_285 = arith.constant 32 : i32
      %add3A_286 = vector.broadcast %add3A_285 : i32 to vector<16xi32>
      %add3A_287 = arith.addi %iota3A_284, %add3A_286 : vector<16xi32>
      %get3A_288 = arith.index_cast %add3A_263 : i32 to index
      %get3A_289 = arith.constant 32 : index
      %get3A_290 = tpu.vector_load %arg6[%get3A_288, %get3A_289] {strides = array<i32>} : memref<200x128xi32, #tpu.memory_space<vmem>>, vector<16xi32>,
      %parallel_loop3A_291 = arith.constant 0 : i32
      %parallel_loop3A_292 = arith.constant 64 : i32
      %parallel_loop3A_293 = arith.constant 1 : i32
      scf.for %parallel_loop3A_483 = %parallel_loop3A_291 to %parallel_loop3A_292 step %parallel_loop3A_293  : i32 {
        %parallel_loop3A_484 = vector.broadcast %parallel_loop3A_483 : i32 to vector<16xi32>
        %parallel_loop3A_485 = arith.addi %get3A_290, %parallel_loop3A_484 : vector<16xi32>
        %parallel_loop3A_486 = tpu.vector_load_idx %arg9[%add3A_287, %parallel_loop3A_485] : memref<128x128xf32, #tpu.memory_space<vmem>>[vector<16xi32>, vector<16xi32>], vector<16xf32>,
        %parallel_loop3A_487 = arith.index_cast %parallel_loop3A_483 : i32 to index
        %parallel_loop3A_488 = arith.constant 32 : index
        %parallel_loop3A_489 = tpu.vector_load %arg11[%parallel_loop3A_487, %parallel_loop3A_488] {strides = array<i32>} : memref<64x128xf32, #tpu.memory_space<vmem>>, vector<16xf32>,
        tpu.vector_store %arg11[%parallel_loop3A_487, %parallel_loop3A_488], %parallel_loop3A_486 {strides = array<i32>} : memref<64x128xf32, #tpu.memory_space<vmem>>, vector<16xf32>,
      } {sc.loop_unroll_factor = 8 : i64, sc.parallel_access}
      %iota3A_294 = tpu.iota {dimensions = array<i32: 0>} : vector<16xi32>
      %add3A_295 = arith.constant 48 : i32
      %add3A_296 = vector.broadcast %add3A_295 : i32 to vector<16xi32>
      %add3A_297 = arith.addi %iota3A_294, %add3A_296 : vector<16xi32>
      %get3A_298 = arith.index_cast %add3A_263 : i32 to index
      %get3A_299 = arith.constant 48 : index
      %get3A_300 = tpu.vector_load %arg6[%get3A_298, %get3A_299] {strides = array<i32>} : memref<200x128xi32, #tpu.memory_space<vmem>>, vector<16xi32>,
      %parallel_loop3A_301 = arith.constant 0 : i32
      %parallel_loop3A_302 = arith.constant 64 : i32
      %parallel_loop3A_303 = arith.constant 1 : i32
      scf.for %parallel_loop3A_483 = %parallel_loop3A_301 to %parallel_loop3A_302 step %parallel_loop3A_303  : i32 {
        %parallel_loop3A_484 = vector.broadcast %parallel_loop3A_483 : i32 to vector<16xi32>
        %parallel_loop3A_485 = arith.addi %get3A_300, %parallel_loop3A_484 : vector<16xi32>
        %parallel_loop3A_486 = tpu.vector_load_idx %arg9[%add3A_297, %parallel_loop3A_485] : memref<128x128xf32, #tpu.memory_space<vmem>>[vector<16xi32>, vector<16xi32>], vector<16xf32>,
        %parallel_loop3A_487 = arith.index_cast %parallel_loop3A_483 : i32 to index
        %parallel_loop3A_488 = arith.constant 48 : index
        %parallel_loop3A_489 = tpu.vector_load %arg11[%parallel_loop3A_487, %parallel_loop3A_488] {strides = array<i32>} : memref<64x128xf32, #tpu.memory_space<vmem>>, vector<16xf32>,
        tpu.vector_store %arg11[%parallel_loop3A_487, %parallel_loop3A_488], %parallel_loop3A_486 {strides = array<i32>} : memref<64x128xf32, #tpu.memory_space<vmem>>, vector<16xf32>,
      } {sc.loop_unroll_factor = 8 : i64, sc.parallel_access}
      %iota3A_304 = tpu.iota {dimensions = array<i32: 0>} : vector<16xi32>
      %add3A_305 = arith.constant 64 : i32
      %add3A_306 = vector.broadcast %add3A_305 : i32 to vector<16xi32>
      %add3A_307 = arith.addi %iota3A_304, %add3A_306 : vector<16xi32>
      %get3A_308 = arith.index_cast %add3A_263 : i32 to index
      %get3A_309 = arith.constant 64 : index
      %get3A_310 = tpu.vector_load %arg6[%get3A_308, %get3A_309] {strides = array<i32>} : memref<200x128xi32, #tpu.memory_space<vmem>>, vector<16xi32>,
      %parallel_loop3A_311 = arith.constant 0 : i32
      %parallel_loop3A_312 = arith.constant 64 : i32
      %parallel_loop3A_313 = arith.constant 1 : i32
      scf.for %parallel_loop3A_483 = %parallel_loop3A_311 to %parallel_loop3A_312 step %parallel_loop3A_313  : i32 {
        %parallel_loop3A_484 = vector.broadcast %parallel_loop3A_483 : i32 to vector<16xi32>
        %parallel_loop3A_485 = arith.addi %get3A_310, %parallel_loop3A_484 : vector<16xi32>
        %parallel_loop3A_486 = tpu.vector_load_idx %arg9[%add3A_307, %parallel_loop3A_485] : memref<128x128xf32, #tpu.memory_space<vmem>>[vector<16xi32>, vector<16xi32>], vector<16xf32>,
        %parallel_loop3A_487 = arith.index_cast %parallel_loop3A_483 : i32 to index
        %parallel_loop3A_488 = arith.constant 64 : index
        %parallel_loop3A_489 = tpu.vector_load %arg11[%parallel_loop3A_487, %parallel_loop3A_488] {strides = array<i32>} : memref<64x128xf32, #tpu.memory_space<vmem>>, vector<16xf32>,
        tpu.vector_store %arg11[%parallel_loop3A_487, %parallel_loop3A_488], %parallel_loop3A_486 {strides = array<i32>} : memref<64x128xf32, #tpu.memory_space<vmem>>, vector<16xf32>,
      } {sc.loop_unroll_factor = 8 : i64, sc.parallel_access}
      %iota3A_314 = tpu.iota {dimensions = array<i32: 0>} : vector<16xi32>
      %add3A_315 = arith.constant 80 : i32
      %add3A_316 = vector.broadcast %add3A_315 : i32 to vector<16xi32>
      %add3A_317 = arith.addi %iota3A_314, %add3A_316 : vector<16xi32>
      %get3A_318 = arith.index_cast %add3A_263 : i32 to index
      %get3A_319 = arith.constant 80 : index
      %get3A_320 = tpu.vector_load %arg6[%get3A_318, %get3A_319] {strides = array<i32>} : memref<200x128xi32, #tpu.memory_space<vmem>>, vector<16xi32>,
      %parallel_loop3A_321 = arith.constant 0 : i32
      %parallel_loop3A_322 = arith.constant 64 : i32
      %parallel_loop3A_323 = arith.constant 1 : i32
      scf.for %parallel_loop3A_483 = %parallel_loop3A_321 to %parallel_loop3A_322 step %parallel_loop3A_323  : i32 {
        %parallel_loop3A_484 = vector.broadcast %parallel_loop3A_483 : i32 to vector<16xi32>
        %parallel_loop3A_485 = arith.addi %get3A_320, %parallel_loop3A_484 : vector<16xi32>
        %parallel_loop3A_486 = tpu.vector_load_idx %arg9[%add3A_317, %parallel_loop3A_485] : memref<128x128xf32, #tpu.memory_space<vmem>>[vector<16xi32>, vector<16xi32>], vector<16xf32>,
        %parallel_loop3A_487 = arith.index_cast %parallel_loop3A_483 : i32 to index
        %parallel_loop3A_488 = arith.constant 80 : index
        %parallel_loop3A_489 = tpu.vector_load %arg11[%parallel_loop3A_487, %parallel_loop3A_488] {strides = array<i32>} : memref<64x128xf32, #tpu.memory_space<vmem>>, vector<16xf32>,
        tpu.vector_store %arg11[%parallel_loop3A_487, %parallel_loop3A_488], %parallel_loop3A_486 {strides = array<i32>} : memref<64x128xf32, #tpu.memory_space<vmem>>, vector<16xf32>,
      } {sc.loop_unroll_factor = 8 : i64, sc.parallel_access}
      %iota3A_324 = tpu.iota {dimensions = array<i32: 0>} : vector<16xi32>
      %add3A_325 = arith.constant 96 : i32
      %add3A_326 = vector.broadcast %add3A_325 : i32 to vector<16xi32>
      %add3A_327 = arith.addi %iota3A_324, %add3A_326 : vector<16xi32>
      %get3A_328 = arith.index_cast %add3A_263 : i32 to index
      %get3A_329 = arith.constant 96 : index
      %get3A_330 = tpu.vector_load %arg6[%get3A_328, %get3A_329] {strides = array<i32>} : memref<200x128xi32, #tpu.memory_space<vmem>>, vector<16xi32>,
      %parallel_loop3A_331 = arith.constant 0 : i32
      %parallel_loop3A_332 = arith.constant 64 : i32
      %parallel_loop3A_333 = arith.constant 1 : i32
      scf.for %parallel_loop3A_483 = %parallel_loop3A_331 to %parallel_loop3A_332 step %parallel_loop3A_333  : i32 {
        %parallel_loop3A_484 = vector.broadcast %parallel_loop3A_483 : i32 to vector<16xi32>
        %parallel_loop3A_485 = arith.addi %get3A_330, %parallel_loop3A_484 : vector<16xi32>
        %parallel_loop3A_486 = tpu.vector_load_idx %arg9[%add3A_327, %parallel_loop3A_485] : memref<128x128xf32, #tpu.memory_space<vmem>>[vector<16xi32>, vector<16xi32>], vector<16xf32>,
        %parallel_loop3A_487 = arith.index_cast %parallel_loop3A_483 : i32 to index
        %parallel_loop3A_488 = arith.constant 96 : index
        %parallel_loop3A_489 = tpu.vector_load %arg11[%parallel_loop3A_487, %parallel_loop3A_488] {strides = array<i32>} : memref<64x128xf32, #tpu.memory_space<vmem>>, vector<16xf32>,
        tpu.vector_store %arg11[%parallel_loop3A_487, %parallel_loop3A_488], %parallel_loop3A_486 {strides = array<i32>} : memref<64x128xf32, #tpu.memory_space<vmem>>, vector<16xf32>,
      } {sc.loop_unroll_factor = 8 : i64, sc.parallel_access}
      %iota3A_334 = tpu.iota {dimensions = array<i32: 0>} : vector<16xi32>
      %add3A_335 = arith.constant 112 : i32
      %add3A_336 = vector.broadcast %add3A_335 : i32 to vector<16xi32>
      %add3A_337 = arith.addi %iota3A_334, %add3A_336 : vector<16xi32>
      %get3A_338 = arith.index_cast %add3A_263 : i32 to index
      %get3A_339 = arith.constant 112 : index
      %get3A_340 = tpu.vector_load %arg6[%get3A_338, %get3A_339] {strides = array<i32>} : memref<200x128xi32, #tpu.memory_space<vmem>>, vector<16xi32>,
      %parallel_loop3A_341 = arith.constant 0 : i32
      %parallel_loop3A_342 = arith.constant 64 : i32
      %parallel_loop3A_343 = arith.constant 1 : i32
      scf.for %parallel_loop3A_483 = %parallel_loop3A_341 to %parallel_loop3A_342 step %parallel_loop3A_343  : i32 {
        %parallel_loop3A_484 = vector.broadcast %parallel_loop3A_483 : i32 to vector<16xi32>
        %parallel_loop3A_485 = arith.addi %get3A_340, %parallel_loop3A_484 : vector<16xi32>
        %parallel_loop3A_486 = tpu.vector_load_idx %arg9[%add3A_337, %parallel_loop3A_485] : memref<128x128xf32, #tpu.memory_space<vmem>>[vector<16xi32>, vector<16xi32>], vector<16xf32>,
        %parallel_loop3A_487 = arith.index_cast %parallel_loop3A_483 : i32 to index
        %parallel_loop3A_488 = arith.constant 112 : index
        %parallel_loop3A_489 = tpu.vector_load %arg11[%parallel_loop3A_487, %parallel_loop3A_488] {strides = array<i32>} : memref<64x128xf32, #tpu.memory_space<vmem>>, vector<16xf32>,
        tpu.vector_store %arg11[%parallel_loop3A_487, %parallel_loop3A_488], %parallel_loop3A_486 {strides = array<i32>} : memref<64x128xf32, #tpu.memory_space<vmem>>, vector<16xf32>,
      } {sc.loop_unroll_factor = 8 : i64, sc.parallel_access}
      %ge3A_344 = arith.constant 1 : i32
      %ge3A_345 = arith.cmpi sge, %add3A_263, %ge3A_344 : i32
      %convert_element_type3A_346 = arith.extui %ge3A_345 : i1 to i32
      %cond3A_347 = arith.constant 0 : i32
      %cond3A_348 = arith.cmpi ne, %convert_element_type3A_346, %cond3A_347 : i32
      scf.if %cond3A_348 {
        %sub3A = arith.constant 1 : i32
        %sub3A_483 = arith.subi %add3A_263, %sub3A : i32
        %dma_wait3A_484 = arith.constant 0 : i32
        %dma_wait3A_485 = tpu.memref_slice %arg4[%sub3A_483, %dma_wait3A_484, %mul3A_2] : memref<200x64x4096xf32, #tpu.memory_space<hbm>> -> memref<1x64x128xf32, #tpu.memory_space<hbm>>
        %dma_wait3A_486 = tpu.memref_squeeze %dma_wait3A_485 : memref<1x64x128xf32, #tpu.memory_space<hbm>> -> memref<64x128xf32, #tpu.memory_space<hbm>>
        %dma_wait3A_487 = arith.constant 0 : i32
        %dma_wait3A_488 = tpu.memref_slice %arg4[%sub3A_483, %dma_wait3A_487, %mul3A_2] : memref<200x64x4096xf32, #tpu.memory_space<hbm>> -> memref<1x64x128xf32, #tpu.memory_space<hbm>>
        %dma_wait3A_489 = tpu.memref_squeeze %dma_wait3A_488 : memref<1x64x128xf32, #tpu.memory_space<hbm>> -> memref<64x128xf32, #tpu.memory_space<hbm>>
        tpu.wait_dma2 semaphore(%arg13 : memref<!tpu.dma_semaphore, #tpu.memory_space<semaphore_mem>>) src(%arg11 : memref<64x128xf32, #tpu.memory_space<vmem>>) dst(%dma_wait3A_489 : memref<64x128xf32, #tpu.memory_space<hbm>>)
      } else {
      }
      %dma_start3A_349 = arith.constant 0 : i32
      %dma_start3A_350 = tpu.memref_slice %arg4[%add3A_263, %dma_start3A_349, %mul3A_2] : memref<200x64x4096xf32, #tpu.memory_space<hbm>> -> memref<1x64x128xf32, #tpu.memory_space<hbm>>
      %dma_start3A_351 = tpu.memref_squeeze %dma_start3A_350 : memref<1x64x128xf32, #tpu.memory_space<hbm>> -> memref<64x128xf32, #tpu.memory_space<hbm>>
      %dma_start3A_352 = arith.constant 0 : i32
      %dma_start3A_353 = tpu.memref_slice %arg4[%add3A_263, %dma_start3A_352, %mul3A_2] : memref<200x64x4096xf32, #tpu.memory_space<hbm>> -> memref<1x64x128xf32, #tpu.memory_space<hbm>>
      %dma_start3A_354 = tpu.memref_squeeze %dma_start3A_353 : memref<1x64x128xf32, #tpu.memory_space<hbm>> -> memref<64x128xf32, #tpu.memory_space<hbm>>
      tpu.enqueue_dma source(%arg11 : memref<64x128xf32, #tpu.memory_space<vmem>>) target(%dma_start3A_354 : memref<64x128xf32, #tpu.memory_space<hbm>>) target_semaphore(%arg13 : memref<!tpu.dma_semaphore, #tpu.memory_space<semaphore_mem>>)
      %add3A_355 = arith.constant 3 : i32
      %add3A_356 = arith.addi %mul3A_49, %add3A_355 : i32
      %iota3A_357 = tpu.iota {dimensions = array<i32: 0>} : vector<16xi32>
      %add3A_358 = arith.constant 0 : i32
      %add3A_359 = vector.broadcast %add3A_358 : i32 to vector<16xi32>
      %add3A_360 = arith.addi %iota3A_357, %add3A_359 : vector<16xi32>
      %get3A_361 = arith.index_cast %add3A_356 : i32 to index
      %get3A_362 = arith.constant 0 : index
      %get3A_363 = tpu.vector_load %arg6[%get3A_361, %get3A_362] {strides = array<i32>} : memref<200x128xi32, #tpu.memory_space<vmem>>, vector<16xi32>,
      %parallel_loop3A_364 = arith.constant 0 : i32
      %parallel_loop3A_365 = arith.constant 64 : i32
      %parallel_loop3A_366 = arith.constant 1 : i32
      scf.for %parallel_loop3A_483 = %parallel_loop3A_364 to %parallel_loop3A_365 step %parallel_loop3A_366  : i32 {
        %parallel_loop3A_484 = vector.broadcast %parallel_loop3A_483 : i32 to vector<16xi32>
        %parallel_loop3A_485 = arith.addi %get3A_363, %parallel_loop3A_484 : vector<16xi32>
        %parallel_loop3A_486 = tpu.vector_load_idx %arg10[%add3A_360, %parallel_loop3A_485] : memref<128x128xf32, #tpu.memory_space<vmem>>[vector<16xi32>, vector<16xi32>], vector<16xf32>,
        %parallel_loop3A_487 = arith.index_cast %parallel_loop3A_483 : i32 to index
        %parallel_loop3A_488 = arith.constant 0 : index
        %parallel_loop3A_489 = tpu.vector_load %arg11[%parallel_loop3A_487, %parallel_loop3A_488] {strides = array<i32>} : memref<64x128xf32, #tpu.memory_space<vmem>>, vector<16xf32>,
        tpu.vector_store %arg11[%parallel_loop3A_487, %parallel_loop3A_488], %parallel_loop3A_486 {strides = array<i32>} : memref<64x128xf32, #tpu.memory_space<vmem>>, vector<16xf32>,
      } {sc.loop_unroll_factor = 8 : i64, sc.parallel_access}
      %iota3A_367 = tpu.iota {dimensions = array<i32: 0>} : vector<16xi32>
      %add3A_368 = arith.constant 16 : i32
      %add3A_369 = vector.broadcast %add3A_368 : i32 to vector<16xi32>
      %add3A_370 = arith.addi %iota3A_367, %add3A_369 : vector<16xi32>
      %get3A_371 = arith.index_cast %add3A_356 : i32 to index
      %get3A_372 = arith.constant 16 : index
      %get3A_373 = tpu.vector_load %arg6[%get3A_371, %get3A_372] {strides = array<i32>} : memref<200x128xi32, #tpu.memory_space<vmem>>, vector<16xi32>,
      %parallel_loop3A_374 = arith.constant 0 : i32
      %parallel_loop3A_375 = arith.constant 64 : i32
      %parallel_loop3A_376 = arith.constant 1 : i32
      scf.for %parallel_loop3A_483 = %parallel_loop3A_374 to %parallel_loop3A_375 step %parallel_loop3A_376  : i32 {
        %parallel_loop3A_484 = vector.broadcast %parallel_loop3A_483 : i32 to vector<16xi32>
        %parallel_loop3A_485 = arith.addi %get3A_373, %parallel_loop3A_484 : vector<16xi32>
        %parallel_loop3A_486 = tpu.vector_load_idx %arg10[%add3A_370, %parallel_loop3A_485] : memref<128x128xf32, #tpu.memory_space<vmem>>[vector<16xi32>, vector<16xi32>], vector<16xf32>,
        %parallel_loop3A_487 = arith.index_cast %parallel_loop3A_483 : i32 to index
        %parallel_loop3A_488 = arith.constant 16 : index
        %parallel_loop3A_489 = tpu.vector_load %arg11[%parallel_loop3A_487, %parallel_loop3A_488] {strides = array<i32>} : memref<64x128xf32, #tpu.memory_space<vmem>>, vector<16xf32>,
        tpu.vector_store %arg11[%parallel_loop3A_487, %parallel_loop3A_488], %parallel_loop3A_486 {strides = array<i32>} : memref<64x128xf32, #tpu.memory_space<vmem>>, vector<16xf32>,
      } {sc.loop_unroll_factor = 8 : i64, sc.parallel_access}
      %iota3A_377 = tpu.iota {dimensions = array<i32: 0>} : vector<16xi32>
      %add3A_378 = arith.constant 32 : i32
      %add3A_379 = vector.broadcast %add3A_378 : i32 to vector<16xi32>
      %add3A_380 = arith.addi %iota3A_377, %add3A_379 : vector<16xi32>
      %get3A_381 = arith.index_cast %add3A_356 : i32 to index
      %get3A_382 = arith.constant 32 : index
      %get3A_383 = tpu.vector_load %arg6[%get3A_381, %get3A_382] {strides = array<i32>} : memref<200x128xi32, #tpu.memory_space<vmem>>, vector<16xi32>,
      %parallel_loop3A_384 = arith.constant 0 : i32
      %parallel_loop3A_385 = arith.constant 64 : i32
      %parallel_loop3A_386 = arith.constant 1 : i32
      scf.for %parallel_loop3A_483 = %parallel_loop3A_384 to %parallel_loop3A_385 step %parallel_loop3A_386  : i32 {
        %parallel_loop3A_484 = vector.broadcast %parallel_loop3A_483 : i32 to vector<16xi32>
        %parallel_loop3A_485 = arith.addi %get3A_383, %parallel_loop3A_484 : vector<16xi32>
        %parallel_loop3A_486 = tpu.vector_load_idx %arg10[%add3A_380, %parallel_loop3A_485] : memref<128x128xf32, #tpu.memory_space<vmem>>[vector<16xi32>, vector<16xi32>], vector<16xf32>,
        %parallel_loop3A_487 = arith.index_cast %parallel_loop3A_483 : i32 to index
        %parallel_loop3A_488 = arith.constant 32 : index
        %parallel_loop3A_489 = tpu.vector_load %arg11[%parallel_loop3A_487, %parallel_loop3A_488] {strides = array<i32>} : memref<64x128xf32, #tpu.memory_space<vmem>>, vector<16xf32>,
        tpu.vector_store %arg11[%parallel_loop3A_487, %parallel_loop3A_488], %parallel_loop3A_486 {strides = array<i32>} : memref<64x128xf32, #tpu.memory_space<vmem>>, vector<16xf32>,
      } {sc.loop_unroll_factor = 8 : i64, sc.parallel_access}
      %iota3A_387 = tpu.iota {dimensions = array<i32: 0>} : vector<16xi32>
      %add3A_388 = arith.constant 48 : i32
      %add3A_389 = vector.broadcast %add3A_388 : i32 to vector<16xi32>
      %add3A_390 = arith.addi %iota3A_387, %add3A_389 : vector<16xi32>
      %get3A_391 = arith.index_cast %add3A_356 : i32 to index
      %get3A_392 = arith.constant 48 : index
      %get3A_393 = tpu.vector_load %arg6[%get3A_391, %get3A_392] {strides = array<i32>} : memref<200x128xi32, #tpu.memory_space<vmem>>, vector<16xi32>,
      %parallel_loop3A_394 = arith.constant 0 : i32
      %parallel_loop3A_395 = arith.constant 64 : i32
      %parallel_loop3A_396 = arith.constant 1 : i32
      scf.for %parallel_loop3A_483 = %parallel_loop3A_394 to %parallel_loop3A_395 step %parallel_loop3A_396  : i32 {
        %parallel_loop3A_484 = vector.broadcast %parallel_loop3A_483 : i32 to vector<16xi32>
        %parallel_loop3A_485 = arith.addi %get3A_393, %parallel_loop3A_484 : vector<16xi32>
        %parallel_loop3A_486 = tpu.vector_load_idx %arg10[%add3A_390, %parallel_loop3A_485] : memref<128x128xf32, #tpu.memory_space<vmem>>[vector<16xi32>, vector<16xi32>], vector<16xf32>,
        %parallel_loop3A_487 = arith.index_cast %parallel_loop3A_483 : i32 to index
        %parallel_loop3A_488 = arith.constant 48 : index
        %parallel_loop3A_489 = tpu.vector_load %arg11[%parallel_loop3A_487, %parallel_loop3A_488] {strides = array<i32>} : memref<64x128xf32, #tpu.memory_space<vmem>>, vector<16xf32>,
        tpu.vector_store %arg11[%parallel_loop3A_487, %parallel_loop3A_488], %parallel_loop3A_486 {strides = array<i32>} : memref<64x128xf32, #tpu.memory_space<vmem>>, vector<16xf32>,
      } {sc.loop_unroll_factor = 8 : i64, sc.parallel_access}
      %iota3A_397 = tpu.iota {dimensions = array<i32: 0>} : vector<16xi32>
      %add3A_398 = arith.constant 64 : i32
      %add3A_399 = vector.broadcast %add3A_398 : i32 to vector<16xi32>
      %add3A_400 = arith.addi %iota3A_397, %add3A_399 : vector<16xi32>
      %get3A_401 = arith.index_cast %add3A_356 : i32 to index
      %get3A_402 = arith.constant 64 : index
      %get3A_403 = tpu.vector_load %arg6[%get3A_401, %get3A_402] {strides = array<i32>} : memref<200x128xi32, #tpu.memory_space<vmem>>, vector<16xi32>,
      %parallel_loop3A_404 = arith.constant 0 : i32
      %parallel_loop3A_405 = arith.constant 64 : i32
      %parallel_loop3A_406 = arith.constant 1 : i32
      scf.for %parallel_loop3A_483 = %parallel_loop3A_404 to %parallel_loop3A_405 step %parallel_loop3A_406  : i32 {
        %parallel_loop3A_484 = vector.broadcast %parallel_loop3A_483 : i32 to vector<16xi32>
        %parallel_loop3A_485 = arith.addi %get3A_403, %parallel_loop3A_484 : vector<16xi32>
        %parallel_loop3A_486 = tpu.vector_load_idx %arg10[%add3A_400, %parallel_loop3A_485] : memref<128x128xf32, #tpu.memory_space<vmem>>[vector<16xi32>, vector<16xi32>], vector<16xf32>,
        %parallel_loop3A_487 = arith.index_cast %parallel_loop3A_483 : i32 to index
        %parallel_loop3A_488 = arith.constant 64 : index
        %parallel_loop3A_489 = tpu.vector_load %arg11[%parallel_loop3A_487, %parallel_loop3A_488] {strides = array<i32>} : memref<64x128xf32, #tpu.memory_space<vmem>>, vector<16xf32>,
        tpu.vector_store %arg11[%parallel_loop3A_487, %parallel_loop3A_488], %parallel_loop3A_486 {strides = array<i32>} : memref<64x128xf32, #tpu.memory_space<vmem>>, vector<16xf32>,
      } {sc.loop_unroll_factor = 8 : i64, sc.parallel_access}
      %iota3A_407 = tpu.iota {dimensions = array<i32: 0>} : vector<16xi32>
      %add3A_408 = arith.constant 80 : i32
      %add3A_409 = vector.broadcast %add3A_408 : i32 to vector<16xi32>
      %add3A_410 = arith.addi %iota3A_407, %add3A_409 : vector<16xi32>
      %get3A_411 = arith.index_cast %add3A_356 : i32 to index
      %get3A_412 = arith.constant 80 : index
      %get3A_413 = tpu.vector_load %arg6[%get3A_411, %get3A_412] {strides = array<i32>} : memref<200x128xi32, #tpu.memory_space<vmem>>, vector<16xi32>,
      %parallel_loop3A_414 = arith.constant 0 : i32
      %parallel_loop3A_415 = arith.constant 64 : i32
      %parallel_loop3A_416 = arith.constant 1 : i32
      scf.for %parallel_loop3A_483 = %parallel_loop3A_414 to %parallel_loop3A_415 step %parallel_loop3A_416  : i32 {
        %parallel_loop3A_484 = vector.broadcast %parallel_loop3A_483 : i32 to vector<16xi32>
        %parallel_loop3A_485 = arith.addi %get3A_413, %parallel_loop3A_484 : vector<16xi32>
        %parallel_loop3A_486 = tpu.vector_load_idx %arg10[%add3A_410, %parallel_loop3A_485] : memref<128x128xf32, #tpu.memory_space<vmem>>[vector<16xi32>, vector<16xi32>], vector<16xf32>,
        %parallel_loop3A_487 = arith.index_cast %parallel_loop3A_483 : i32 to index
        %parallel_loop3A_488 = arith.constant 80 : index
        %parallel_loop3A_489 = tpu.vector_load %arg11[%parallel_loop3A_487, %parallel_loop3A_488] {strides = array<i32>} : memref<64x128xf32, #tpu.memory_space<vmem>>, vector<16xf32>,
        tpu.vector_store %arg11[%parallel_loop3A_487, %parallel_loop3A_488], %parallel_loop3A_486 {strides = array<i32>} : memref<64x128xf32, #tpu.memory_space<vmem>>, vector<16xf32>,
      } {sc.loop_unroll_factor = 8 : i64, sc.parallel_access}
      %iota3A_417 = tpu.iota {dimensions = array<i32: 0>} : vector<16xi32>
      %add3A_418 = arith.constant 96 : i32
      %add3A_419 = vector.broadcast %add3A_418 : i32 to vector<16xi32>
      %add3A_420 = arith.addi %iota3A_417, %add3A_419 : vector<16xi32>
      %get3A_421 = arith.index_cast %add3A_356 : i32 to index
      %get3A_422 = arith.constant 96 : index
      %get3A_423 = tpu.vector_load %arg6[%get3A_421, %get3A_422] {strides = array<i32>} : memref<200x128xi32, #tpu.memory_space<vmem>>, vector<16xi32>,
      %parallel_loop3A_424 = arith.constant 0 : i32
      %parallel_loop3A_425 = arith.constant 64 : i32
      %parallel_loop3A_426 = arith.constant 1 : i32
      scf.for %parallel_loop3A_483 = %parallel_loop3A_424 to %parallel_loop3A_425 step %parallel_loop3A_426  : i32 {
        %parallel_loop3A_484 = vector.broadcast %parallel_loop3A_483 : i32 to vector<16xi32>
        %parallel_loop3A_485 = arith.addi %get3A_423, %parallel_loop3A_484 : vector<16xi32>
        %parallel_loop3A_486 = tpu.vector_load_idx %arg10[%add3A_420, %parallel_loop3A_485] : memref<128x128xf32, #tpu.memory_space<vmem>>[vector<16xi32>, vector<16xi32>], vector<16xf32>,
        %parallel_loop3A_487 = arith.index_cast %parallel_loop3A_483 : i32 to index
        %parallel_loop3A_488 = arith.constant 96 : index
        %parallel_loop3A_489 = tpu.vector_load %arg11[%parallel_loop3A_487, %parallel_loop3A_488] {strides = array<i32>} : memref<64x128xf32, #tpu.memory_space<vmem>>, vector<16xf32>,
        tpu.vector_store %arg11[%parallel_loop3A_487, %parallel_loop3A_488], %parallel_loop3A_486 {strides = array<i32>} : memref<64x128xf32, #tpu.memory_space<vmem>>, vector<16xf32>,
      } {sc.loop_unroll_factor = 8 : i64, sc.parallel_access}
      %iota3A_427 = tpu.iota {dimensions = array<i32: 0>} : vector<16xi32>
      %add3A_428 = arith.constant 112 : i32
      %add3A_429 = vector.broadcast %add3A_428 : i32 to vector<16xi32>
      %add3A_430 = arith.addi %iota3A_427, %add3A_429 : vector<16xi32>
      %get3A_431 = arith.index_cast %add3A_356 : i32 to index
      %get3A_432 = arith.constant 112 : index
      %get3A_433 = tpu.vector_load %arg6[%get3A_431, %get3A_432] {strides = array<i32>} : memref<200x128xi32, #tpu.memory_space<vmem>>, vector<16xi32>,
      %parallel_loop3A_434 = arith.constant 0 : i32
      %parallel_loop3A_435 = arith.constant 64 : i32
      %parallel_loop3A_436 = arith.constant 1 : i32
      scf.for %parallel_loop3A_483 = %parallel_loop3A_434 to %parallel_loop3A_435 step %parallel_loop3A_436  : i32 {
        %parallel_loop3A_484 = vector.broadcast %parallel_loop3A_483 : i32 to vector<16xi32>
        %parallel_loop3A_485 = arith.addi %get3A_433, %parallel_loop3A_484 : vector<16xi32>
        %parallel_loop3A_486 = tpu.vector_load_idx %arg10[%add3A_430, %parallel_loop3A_485] : memref<128x128xf32, #tpu.memory_space<vmem>>[vector<16xi32>, vector<16xi32>], vector<16xf32>,
        %parallel_loop3A_487 = arith.index_cast %parallel_loop3A_483 : i32 to index
        %parallel_loop3A_488 = arith.constant 112 : index
        %parallel_loop3A_489 = tpu.vector_load %arg11[%parallel_loop3A_487, %parallel_loop3A_488] {strides = array<i32>} : memref<64x128xf32, #tpu.memory_space<vmem>>, vector<16xf32>,
        tpu.vector_store %arg11[%parallel_loop3A_487, %parallel_loop3A_488], %parallel_loop3A_486 {strides = array<i32>} : memref<64x128xf32, #tpu.memory_space<vmem>>, vector<16xf32>,
      } {sc.loop_unroll_factor = 8 : i64, sc.parallel_access}
      %ge3A_437 = arith.constant 1 : i32
      %ge3A_438 = arith.cmpi sge, %add3A_356, %ge3A_437 : i32
      %convert_element_type3A_439 = arith.extui %ge3A_438 : i1 to i32
      %cond3A_440 = arith.constant 0 : i32
      %cond3A_441 = arith.cmpi ne, %convert_element_type3A_439, %cond3A_440 : i32
      scf.if %cond3A_441 {
        %sub3A = arith.constant 1 : i32
        %sub3A_483 = arith.subi %add3A_356, %sub3A : i32
        %dma_wait3A_484 = arith.constant 0 : i32
        %dma_wait3A_485 = tpu.memref_slice %arg4[%sub3A_483, %dma_wait3A_484, %mul3A_2] : memref<200x64x4096xf32, #tpu.memory_space<hbm>> -> memref<1x64x128xf32, #tpu.memory_space<hbm>>
        %dma_wait3A_486 = tpu.memref_squeeze %dma_wait3A_485 : memref<1x64x128xf32, #tpu.memory_space<hbm>> -> memref<64x128xf32, #tpu.memory_space<hbm>>
        %dma_wait3A_487 = arith.constant 0 : i32
        %dma_wait3A_488 = tpu.memref_slice %arg4[%sub3A_483, %dma_wait3A_487, %mul3A_2] : memref<200x64x4096xf32, #tpu.memory_space<hbm>> -> memref<1x64x128xf32, #tpu.memory_space<hbm>>
        %dma_wait3A_489 = tpu.memref_squeeze %dma_wait3A_488 : memref<1x64x128xf32, #tpu.memory_space<hbm>> -> memref<64x128xf32, #tpu.memory_space<hbm>>
        tpu.wait_dma2 semaphore(%arg13 : memref<!tpu.dma_semaphore, #tpu.memory_space<semaphore_mem>>) src(%arg11 : memref<64x128xf32, #tpu.memory_space<vmem>>) dst(%dma_wait3A_489 : memref<64x128xf32, #tpu.memory_space<hbm>>)
      } else {
      }
      %dma_start3A_442 = arith.constant 0 : i32
      %dma_start3A_443 = tpu.memref_slice %arg4[%add3A_356, %dma_start3A_442, %mul3A_2] : memref<200x64x4096xf32, #tpu.memory_space<hbm>> -> memref<1x64x128xf32, #tpu.memory_space<hbm>>
      %dma_start3A_444 = tpu.memref_squeeze %dma_start3A_443 : memref<1x64x128xf32, #tpu.memory_space<hbm>> -> memref<64x128xf32, #tpu.memory_space<hbm>>
      %dma_start3A_445 = arith.constant 0 : i32
      %dma_start3A_446 = tpu.memref_slice %arg4[%add3A_356, %dma_start3A_445, %mul3A_2] : memref<200x64x4096xf32, #tpu.memory_space<hbm>> -> memref<1x64x128xf32, #tpu.memory_space<hbm>>
      %dma_start3A_447 = tpu.memref_squeeze %dma_start3A_446 : memref<1x64x128xf32, #tpu.memory_space<hbm>> -> memref<64x128xf32, #tpu.memory_space<hbm>>
      tpu.enqueue_dma source(%arg11 : memref<64x128xf32, #tpu.memory_space<vmem>>) target(%dma_start3A_447 : memref<64x128xf32, #tpu.memory_space<hbm>>) target_semaphore(%arg13 : memref<!tpu.dma_semaphore, #tpu.memory_space<semaphore_mem>>)
      %add3A_448 = arith.constant 0 : i32
      %add3A_449 = arith.addi %mul3A_49, %add3A_448 : i32
      %add3A_450 = arith.constant 4 : i32
      %add3A_451 = arith.addi %add3A_449, %add3A_450 : i32
      %lt3A = arith.constant 200 : i32
      %lt3A_452 = arith.cmpi slt, %add3A_451, %lt3A : i32
      %convert_element_type3A_453 = arith.extui %lt3A_452 : i1 to i32
      %cond3A_454 = arith.constant 0 : i32
      %cond3A_455 = arith.cmpi ne, %convert_element_type3A_453, %cond3A_454 : i32
      scf.if %cond3A_455 {
        %dma_start3A_483 = arith.constant 0 : i32
        %dma_start3A_484 = tpu.memref_slice %arg5[%add3A_451, %dma_start3A_483] : memref<200x128xi32, #tpu.memory_space<vmem>> -> memref<1x128xi32, #tpu.memory_space<vmem>>
        %dma_start3A_485 = tpu.memref_squeeze %dma_start3A_484 : memref<1x128xi32, #tpu.memory_space<vmem>> -> memref<128xi32, #tpu.memory_space<vmem>>
        %dma_start3A_486 = arith.constant 0 : i32
        %dma_start3A_487 = arith.constant 0 : i32
        %dma_start3A_488 = tpu.memref_slice %arg3[%dma_start3A_486, %dma_start3A_487] : memref<500000x128xf32, #tpu.memory_space<hbm>> -> memref<500000x128xf32, #tpu.memory_space<hbm>>
        tpu.enqueue_indirect_dma source(%dma_start3A_488 : memref<500000x128xf32, #tpu.memory_space<hbm>>) target(%arg7 : memref<128x128xf32, #tpu.memory_space<vmem>>) offsets(%dma_start3A_485 : memref<128xi32, #tpu.memory_space<vmem>>) semaphore(%arg12 : memref<!tpu.dma_semaphore, #tpu.memory_space<semaphore_mem>>)
      } else {
      }
      %add3A_456 = arith.constant 1 : i32
      %add3A_457 = arith.addi %mul3A_49, %add3A_456 : i32
      %add3A_458 = arith.constant 4 : i32
      %add3A_459 = arith.addi %add3A_457, %add3A_458 : i32
      %lt3A_460 = arith.constant 200 : i32
      %lt3A_461 = arith.cmpi slt, %add3A_459, %lt3A_460 : i32
      %convert_element_type3A_462 = arith.extui %lt3A_461 : i1 to i32
      %cond3A_463 = arith.constant 0 : i32
      %cond3A_464 = arith.cmpi ne, %convert_element_type3A_462, %cond3A_463 : i32
      scf.if %cond3A_464 {
        %dma_start3A_483 = arith.constant 0 : i32
        %dma_start3A_484 = tpu.memref_slice %arg5[%add3A_459, %dma_start3A_483] : memref<200x128xi32, #tpu.memory_space<vmem>> -> memref<1x128xi32, #tpu.memory_space<vmem>>
        %dma_start3A_485 = tpu.memref_squeeze %dma_start3A_484 : memref<1x128xi32, #tpu.memory_space<vmem>> -> memref<128xi32, #tpu.memory_space<vmem>>
        %dma_start3A_486 = arith.constant 0 : i32
        %dma_start3A_487 = arith.constant 0 : i32
        %dma_start3A_488 = tpu.memref_slice %arg3[%dma_start3A_486, %dma_start3A_487] : memref<500000x128xf32, #tpu.memory_space<hbm>> -> memref<500000x128xf32, #tpu.memory_space<hbm>>
        tpu.enqueue_indirect_dma source(%dma_start3A_488 : memref<500000x128xf32, #tpu.memory_space<hbm>>) target(%arg8 : memref<128x128xf32, #tpu.memory_space<vmem>>) offsets(%dma_start3A_485 : memref<128xi32, #tpu.memory_space<vmem>>) semaphore(%arg12 : memref<!tpu.dma_semaphore, #tpu.memory_space<semaphore_mem>>)
      } else {
      }
      %add3A_465 = arith.constant 2 : i32
      %add3A_466 = arith.addi %mul3A_49, %add3A_465 : i32
      %add3A_467 = arith.constant 4 : i32
      %add3A_468 = arith.addi %add3A_466, %add3A_467 : i32
      %lt3A_469 = arith.constant 200 : i32
      %lt3A_470 = arith.cmpi slt, %add3A_468, %lt3A_469 : i32
      %convert_element_type3A_471 = arith.extui %lt3A_470 : i1 to i32
      %cond3A_472 = arith.constant 0 : i32
      %cond3A_473 = arith.cmpi ne, %convert_element_type3A_471, %cond3A_472 : i32
      scf.if %cond3A_473 {
        %dma_start3A_483 = arith.constant 0 : i32
        %dma_start3A_484 = tpu.memref_slice %arg5[%add3A_468, %dma_start3A_483] : memref<200x128xi32, #tpu.memory_space<vmem>> -> memref<1x128xi32, #tpu.memory_space<vmem>>
        %dma_start3A_485 = tpu.memref_squeeze %dma_start3A_484 : memref<1x128xi32, #tpu.memory_space<vmem>> -> memref<128xi32, #tpu.memory_space<vmem>>
        %dma_start3A_486 = arith.constant 0 : i32
        %dma_start3A_487 = arith.constant 0 : i32
        %dma_start3A_488 = tpu.memref_slice %arg3[%dma_start3A_486, %dma_start3A_487] : memref<500000x128xf32, #tpu.memory_space<hbm>> -> memref<500000x128xf32, #tpu.memory_space<hbm>>
        tpu.enqueue_indirect_dma source(%dma_start3A_488 : memref<500000x128xf32, #tpu.memory_space<hbm>>) target(%arg9 : memref<128x128xf32, #tpu.memory_space<vmem>>) offsets(%dma_start3A_485 : memref<128xi32, #tpu.memory_space<vmem>>) semaphore(%arg12 : memref<!tpu.dma_semaphore, #tpu.memory_space<semaphore_mem>>)
      } else {
      }
      %add3A_474 = arith.constant 3 : i32
      %add3A_475 = arith.addi %mul3A_49, %add3A_474 : i32
      %add3A_476 = arith.constant 4 : i32
      %add3A_477 = arith.addi %add3A_475, %add3A_476 : i32
      %lt3A_478 = arith.constant 200 : i32
      %lt3A_479 = arith.cmpi slt, %add3A_477, %lt3A_478 : i32
      %convert_element_type3A_480 = arith.extui %lt3A_479 : i1 to i32
      %cond3A_481 = arith.constant 0 : i32
      %cond3A_482 = arith.cmpi ne, %convert_element_type3A_480, %cond3A_481 : i32
      scf.if %cond3A_482 {
        %dma_start3A_483 = arith.constant 0 : i32
        %dma_start3A_484 = tpu.memref_slice %arg5[%add3A_477, %dma_start3A_483] : memref<200x128xi32, #tpu.memory_space<vmem>> -> memref<1x128xi32, #tpu.memory_space<vmem>>
        %dma_start3A_485 = tpu.memref_squeeze %dma_start3A_484 : memref<1x128xi32, #tpu.memory_space<vmem>> -> memref<128xi32, #tpu.memory_space<vmem>>
        %dma_start3A_486 = arith.constant 0 : i32
        %dma_start3A_487 = arith.constant 0 : i32
        %dma_start3A_488 = tpu.memref_slice %arg3[%dma_start3A_486, %dma_start3A_487] : memref<500000x128xf32, #tpu.memory_space<hbm>> -> memref<500000x128xf32, #tpu.memory_space<hbm>>
        tpu.enqueue_indirect_dma source(%dma_start3A_488 : memref<500000x128xf32, #tpu.memory_space<hbm>>) target(%arg10 : memref<128x128xf32, #tpu.memory_space<vmem>>) offsets(%dma_start3A_485 : memref<128xi32, #tpu.memory_space<vmem>>) semaphore(%arg12 : memref<!tpu.dma_semaphore, #tpu.memory_space<semaphore_mem>>)
      } else {
      }
    }
    %scan3A_40 = arith.constant 50 : i32
    %dma_wait3A = arith.constant 199 : i32
    %dma_wait3A_41 = arith.constant 0 : i32
    %dma_wait3A_42 = tpu.memref_slice %arg4[%dma_wait3A, %dma_wait3A_41, %mul3A_2] : memref<200x64x4096xf32, #tpu.memory_space<hbm>> -> memref<1x64x128xf32, #tpu.memory_space<hbm>>
    %dma_wait3A_43 = tpu.memref_squeeze %dma_wait3A_42 : memref<1x64x128xf32, #tpu.memory_space<hbm>> -> memref<64x128xf32, #tpu.memory_space<hbm>>
    %dma_wait3A_44 = arith.constant 0 : i32
    %dma_wait3A_45 = tpu.memref_slice %arg4[%dma_wait3A, %dma_wait3A_44, %mul3A_2] : memref<200x64x4096xf32, #tpu.memory_space<hbm>> -> memref<1x64x128xf32, #tpu.memory_space<hbm>>
    %dma_wait3A_46 = tpu.memref_squeeze %dma_wait3A_45 : memref<1x64x128xf32, #tpu.memory_space<hbm>> -> memref<64x128xf32, #tpu.memory_space<hbm>>
    tpu.wait_dma2 semaphore(%arg13 : memref<!tpu.dma_semaphore, #tpu.memory_space<semaphore_mem>>) src(%arg11 : memref<64x128xf32, #tpu.memory_space<vmem>>) dst(%dma_wait3A_46 : memref<64x128xf32, #tpu.memory_space<hbm>>)
    return
  }
}

</mosaic_0001>

<sc_bundles>
// kernel: _gather.3.cloned.1.call-start
scs
__scs_entry_jumppad:
0x0: {  	(pc) =	sbr.rel $0x88, $3  }
0x1: {  	(tag) =	ssettag $0x0;
	lr =	simm.s32 $0x1  }
0x2: {  	[smem:$0x3F9F] =	sst lr;
	_ =	strace $0xD0000000  }
0x3: {  	_ = 	snop  }
0x4: {  	_ = 	snop  }
0x5: {  	_ = 	snop  }
0x6: {  	_ = 	snop  }
0x7: {  	_ = 	snop  }
__scs_overlays_trampoline_lowered:
0x8: {  	[smem:$0x3FAE] =	sst s0  }
0x9: {  	[smem:$0x3FAF] =	sst s1  }
0xa: {  	[smem:$0x3FB0] =	sst s2  }
0xb: {  	[smem:$0x3FB1] =	sst s3  }
0xc: {  	[smem:$0x3FB2] =	sst s4  }
0xd: {  	[smem:$0x3FB3] =	sst s5  }
0xe: {  	[smem:$0x3FB4] =	sst s6  }
0xf: {  	[smem:$0x3FB5] =	sst s7  }
0x10: {  	[smem:$0x3FB6] =	sst s8  }
0x11: {  	[smem:$0x3FB7] =	sst s9;
	s0 =	simm.s32 @!p0 $0x0  }
0x12: {  	s1 =	sld [smem:$0x3F9D];
	s0 =	simm.s32 @p0 $0x1  }
0x13: {  	[smem:$0x3FB8] =	sst s0;
	s0 =	simm.s32 @!p1 $0x0  }
0x14: {  	s2 =	sld [smem:$0x3F9C];
	s0 =	simm.s32 @p1 $0x1  }
0x15: {  	[smem:$0x3FB9] =	sst s0;
	s0 =	simm.s32 @!p2 $0x0  }
0x16: {  	s3 =	sld [smem:$0x3FDB];
	s0 =	simm.s32 @p2 $0x1  }
0x17: {  	s4 =	simm.s32 $0x1BF5;
	[smem:$0x3FBB] =	sst s0  }
0x18: {  	s0 =	sld [smem:$0x3F9E];
	_ =	swait.ge [sflag:s4], $0x0  }
0x19: {  	s7 =	sld [smem:$0x3F9F]  }
0x1a: {  	s8 =	sadd.s32 $0xFFFFE003, lr  }
0x1b: {  	s9 =	sadd.s32 $0xFFFFFEF7, lr;
	s5 =	simm.s32 $0xFFFFFFFF;
	p2 =	slt.u32 s8, $0xFFFFF086  }
0x1c: {  	p1 =	slt.u32 s9, $0xF7A;
	s5 =	simm.s32 @!p2 $0x0  }
0x1d: {  	s5 =	simm.s32 @p1 $0x1;
	p0 =	seq.s32 s7, s2  }
0x1e: {  	s7 =	smul.u32 @!p0 $0xF7A, s2;
	p2 =	seq.s32 @!p0 s5, $0x0  }
0x1f: {  	s9 =	smul.u32 $0xF7A, s1;
	s8 =	simm.s32 @!p0 $0x1BF5;
	p2 =	por !p2, p0  }
0x20: {  	[sflag:s8] =	ssyncset.s32 @!p0 $0xFFFFF086;
	s6 =	sadd.s32 @!p0 s3, s7;
	s7 =	simm.s32 @!p0 $0x108  }
0x21: {  	s3 =	sadd.s32 s3, s9;
	s6 =	sadd.s32 @!p0 $0x88, s6;
	s7 =	simm.s32 @p2 $0x1082  }
0x22: {  	[simem:s7], [sflag:s8] =	dma.local @!p0 [hbm:s6], $0xF7A  }
0x23: {  	s9 =	sor.u32 $0xD0000000, s2;
	s6 =	simm.s32 $0x108;
	_ =	swait.ge @!p0 [sflag:s8], $0x0  }
0x24: {  	s3 =	sadd.s32 $0x88, s3;
	s6 =	simm.s32 @!p1 $0x1082;
	[sflag:s4] =	ssyncset.s32 $0xFFFFF086  }
0x25: {  	[simem:s6], [sflag:s4] =	dma.local [hbm:s3], $0xF7A  }
0x26: {  	[smem:$0x3F9F] =	sst s1;
	(tag) =	ssettag s2;
	_ =	strace s9  }
0x27: {  	s1 =	sld [smem:$0x3FAF]  }
0x28: {  	s2 =	sld [smem:$0x3FB0]  }
0x29: {  	s4 =	sld [smem:$0x3FB2]  }
0x2a: {  	p0 =	seq.s32 s5, $0x0;
	s5 =	sld [smem:$0x3FB3]  }
0x2b: {  	s6 =	sld [smem:$0x3FB4]  }
0x2c: {  	s7 =	sld [smem:$0x3FB5]  }
0x2d: {  	s3 =	simm.s32 $0x108;
	s8 =	sld [smem:$0x3FB6]  }
0x2e: {  	s3 =	simm.s32 @!p0 $0x1082;
	s9 =	sld [smem:$0x3FB7]  }
0x2f: {  	lr =	sadd.s32 s0, s3;
	s0 =	sld [smem:$0x3FAE]  }
0x30: {  	s3 =	sld [smem:$0x3FB1]  }
0x31: {  	[smem:$0x3FBA] =	sst s10  }
0x32: {  	s10 =	sld [smem:$0x3FB8];
	_ =	sdelay $0x3  }
0x33: {  	p0 =	seq.s32 s10, $0x1;
	s10 =	sld [smem:$0x3FBA];
	_ =	sdelay $0x3  }
0x34: {  	[smem:$0x3FBA] =	sst s10  }
0x35: {  	s10 =	sld [smem:$0x3FB9];
	_ =	sdelay $0x3  }
0x36: {  	p1 =	seq.s32 s10, $0x1;
	s10 =	sld [smem:$0x3FBA];
	_ =	sdelay $0x3  }
0x37: {  	[smem:$0x3FBA] =	sst s10  }
0x38: {  	s10 =	sld [smem:$0x3FBB]  }
0x39: {  	_ = 	snop;
	(pc) =	sbr.ind lr, $3  }
0x3a: {  	_ = 	snop  }
0x3b: {  	_ = 	snop  }
0x3c: {  	p2 =	seq.s32 s10, $0x1;
	s10 =	sld [smem:$0x3FBA]  }
0x3d: {  	_ =	shalt  }
0x3e: {  	_ =	shalt  }
0x3f: {  	_ =	shalt  }
0x40: {  	_ =	shalt  }
0x41: {  	_ =	shalt  }
0x42: {  	_ =	shalt  }
0x43: {  	_ =	shalt  }
0x44: {  	_ =	shalt  }
0x45: {  	_ =	shalt  }
0x46: {  	_ =	shalt  }
0x47: {  	_ =	shalt  }
0x48: {  	_ =	shalt  }
0x49: {  	_ =	shalt  }
0x4a: {  	_ =	shalt  }
0x4b: {  	_ =	shalt  }
0x4c: {  	_ =	shalt  }
0x4d: {  	_ =	shalt  }
0x4e: {  	_ =	shalt  }
0x4f: {  	_ =	shalt  }
0x50: {  	_ =	shalt  }
0x51: {  	_ =	shalt  }
0x52: {  	_ =	shalt  }
0x53: {  	_ =	shalt  }
0x54: {  	_ =	shalt  }
0x55: {  	_ =	shalt  }
0x56: {  	_ =	shalt  }
0x57: {  	_ =	shalt  }
0x58: {  	_ =	shalt  }
0x59: {  	_ =	shalt  }
0x5a: {  	_ =	shalt  }
0x5b: {  	_ =	shalt  }
0x5c: {  	_ =	shalt  }
0x5d: {  	_ =	shalt  }
0x5e: {  	_ =	shalt  }
0x5f: {  	_ =	shalt  }
0x60: {  	_ =	shalt  }
0x61: {  	_ =	shalt  }
0x62: {  	_ =	shalt  }
0x63: {  	_ =	shalt  }
0x64: {  	_ =	shalt  }
0x65: {  	_ =	shalt  }
0x66: {  	_ =	shalt  }
0x67: {  	_ =	shalt  }
0x68: {  	_ =	shalt  }
0x69: {  	_ =	shalt  }
0x6a: {  	_ =	shalt  }
0x6b: {  	_ =	shalt  }
0x6c: {  	_ =	shalt  }
0x6d: {  	_ =	shalt  }
0x6e: {  	_ =	shalt  }
0x6f: {  	_ =	shalt  }
0x70: {  	_ =	shalt  }
0x71: {  	_ =	shalt  }
0x72: {  	_ =	shalt  }
0x73: {  	_ =	shalt  }
0x74: {  	_ =	shalt  }
0x75: {  	_ =	shalt  }
0x76: {  	_ =	shalt  }
0x77: {  	_ =	shalt  }
0x78: {  	_ =	shalt  }
0x79: {  	_ =	shalt  }
0x7a: {  	_ =	shalt  }
0x7b: {  	_ =	shalt  }
0x7c: {  	_ =	shalt  }
0x7d: {  	_ =	shalt  }
0x7e: {  	_ =	shalt  }
0x7f: {  	_ =	shalt  }
0x80: {  	_ =	shalt  }
0x81: {  	_ =	shalt  }
0x82: {  	_ =	shalt  }
0x83: {  	_ =	shalt  }
0x84: {  	_ =	shalt  }
0x85: {  	_ =	shalt  }
0x86: {  	_ =	shalt  }
0x87: {  	_ =	shalt  }
.Lfunc_end0:
.L_simem_size_0:
called_computation_lowered:
.L_overlay_start_0:
0x88: {  	s2 =	sld [smem:$0x3FD9]  }
0x89: {  	s3 =	sld [smem:$0x3FFE];
	_ =	sdelay $0x1  }
0x8a: {  	s1 =	srdreg.scid  }
0x8b: {  	s0 =	sand.u32 $0x1, s1  }
0x8c: {  	s18 =	sshll.u32 s0, $0xA;
	s2 =	sadd.s32 s3, s2  }
0x8d: {  	s2 =	sadd.s32 s2, s18  }
0x8e: {  	[smem:$0x3FC6] =	sst s2  }
0x8f: {  	_ = 	snop  }
0x90: {  	s2 =	sld [smem:$0x3FC9]  }
0x91: {  	s19 =	sld [smem:$0x3FC8]  }
0x92: {  	s4 =	sld [smem:$0x3FD0];
	(tm) =	ssettm $0x1  }
0x93: {  	s5 =	sld [smem:$0x3FFB];
	_ =	sdelay $0x3  }
0x94: {  	_ =	strace s5  }
0x95: {  	s5 =	sld [smem:$0x3FFC];
	_ =	sdelay $0x3  }
0x96: {  	_ =	strace s5  }
0x97: {  	s5 =	sld [smem:$0x3FFD];
	_ =	sdelay $0x3  }
0x98: {  	_ =	strace s5  }
0x99: {  	_ =	strace $0x8FFFFFFF  }
0x9a: {  	s20 =	sld [smem:$0x3FDB];
	_ =	sdelay $0x1  }
0x9b: {  	s6 =	simm.s32 $_scs_section_size  }
0x9c: {  	s7 =	simm.s32 $_size__tile_overlayer_lowered;
	s8 =	simm.s32 $_tile_overlayer_lowered  }
0x9d: {  	s23 =	simm.s32 $0x1BFF;
	s22 =	sshll.u32 s8, $0x1;
	s5 =	sadd.s32 s6, s20  }
0x9e: {  	s9 =	simm.s32 $0x0;
	s21 =	sshll.u32 s7, $0x1;
	s7 =	sadd.s32 s22, s5  }
0x9f: {  	[timem:s9], [sflag:s23] =	dma.local [hbm:s7], s21  }
0xa0: {  	_ =	swait.ge [sflag:s23], s21  }
0xa1: {  	s6 =	ssub.s32 $0x0, s21;
	[sflag:s23] =	ssyncset.done $0x0  }
0xa2: {  	[sflag:s23] =	ssyncadd.s32 s6;
	_ =	sdelay $0x1  }
0xa3: {  	s24 =	simm.s32 $0x1B8B  }
0xa4: {  	_ =	swait.ge [sflag:s24], $0x1  }
0xa5: {  	[sflag:s24] =	ssyncset.done $0x0  }
0xa6: {  	s25 =	simm.s32 $0x1B8E;
	[sflag:s24] =	ssyncadd.s32 $0xFFFFFFFF  }
0xa7: {  	s26 =	simm.s32 $execute0_lowered;
	[smem:$0x3FD2] =	sst s25  }
0xa8: {  	s6 =	sshll.u32 s26, $0x1;
	_ =	strace $0x80000046;
	[dreg:$0x1] =	wrdreg $0xFFFFFFFF  }
0xa9: {  	s28 =	simm.s32 $_size_execute0_lowered;
	s5 =	sadd.s32 s5, s6;
	[dreg:$0x0] =	wrdreg $0x0  }
0xaa: {  	s6 =	sshll.u32 s28, $0x1;
	[dreg:$0x2] =	wrdreg s5  }
0xab: {  	[dreg:$0x3] =	wrdreg s6  }
0xac: {  	[dreg:$0x4] =	wrdreg $0xC0  }
0xad: {  	_ =	task [dreg:s9], $0x5FFFF  }
0xae: {  	[dreg:$0x1] =	wrdreg $0xFFFFFFFF  }
0xaf: {  	[dreg:$0x0] =	wrdreg $0x60  }
0xb0: {  	[dreg:$0x2] =	wrdreg s2  }
0xb1: {  	[dreg:$0x3] =	wrdreg s19  }
0xb2: {  	[dreg:$0x4] =	wrdreg s4  }
0xb3: {  	[dreg:$0x5] =	wrdreg $0x9  }
0xb4: {  	_ =	task.clear_ibuf [dreg:s9], $0x6FFFF;
	_ =	strace $0x90000046  }
0xb5: {  	s29 =	simm.s32 $0x9;
	_ =	strace $0x80000048  }
0xb6: {  	_ =	swait.ge [sflag:s29], $0x1  }
0xb7: {  	[sflag:s29] =	ssyncadd.s32 $0xFFFFFFFF  }
0xb8: {  	_ =	strace $0x90000048  }
0xb9: {  	_ =	sfence  }
0xba: {  	s30 =	sld [smem:$0x0];
	_ =	sdelay $0x2  }
0xbb: {  	s31 =	sshll.u32 s1, $0xD;
	s1 =	sshrl.u32 s1, $0x2  }
0xbc: {  	s3 =	sand.u32 $0x4000, s31;
	s1 =	sadd.s32 s1, s30  }
0xbd: {  	s0 =	sor.u32 s3, s0;
	s1 =	sshll.u32 s1, $0x11  }
0xbe: {  	s0 =	sor.u32 s1, s0  }
0xbf: {  	s0 =	sadd.s32 $0x8F2B, s0  }
0xc0: {  	[sflag:s0] =	ssyncadd.remote.s32 $0x1  }
0xc1: {  	_ =	sfence.sel $0xFFFF  }
0xc2: {  	[dreg:$0x0] =	wrdreg $0xFFFFFFFF;
	(pc) =	sbr.abs _section_cstart, $3  }
0xc3: {  	[dreg:$0x1] =	wrdreg $0xFFFFFFFF  }
0xc4: {  	_ =	task.clear_ibuf [dreg:s9], $0x2FFFF;
	_ =	strace $0x9FFFFFFF  }
0xc5: {  	(tm) =	ssettm $0x7FFFFFFF  }
tec
execute0_lowered:
.L_overlay_start_1:
0x0: {  	(tag) =	ssettag $0x1  }
0x1: {  	s1 =	rddreg [dreg:$0x0]  }
0x2: {  	s2 =	rddreg [dreg:$0x1];
	s4 =	srdreg.scid  }
0x3: {  	s0 =	stileid.u32;
	s3 =	rddreg [dreg:$0x2]  }
0x4: {  	s9 =	simm.s32 $0x80;
	s10 =	simm.s32 $0xC800;
	s11 =	simm.s32 $0x10800  }
0x5: {  	s13 =	simm.s32 $0x14800;
	s14 =	simm.s32 $0x180;
	s15 =	simm.s32 $0x18800  }
0x6: {  	s16 =	simm.s32 $0x1;
	s17 =	simm.s32 $0x400;
	s18 =	simm.s32 $0x8000  }
0x7: {  	v0 =	vlaneseq.u32;
	s19 =	simm.s32 $0x1C800;
	s20 =	simm.s32 $0x2;
	s21 =	simm.s32 $0x0  }
.Ltmp0:
0x8: {  	s5 =	sand.u32 $0x1, s4;
	s6 =	sshll.u32 s0, $0x1;
	v0 =	vmul.u32 $0x80, v0;
	(pc) =	sbr.rel .LBB2_1-.Ltmp0, $4  }
0x9: {  	s4 =	simm.s32 $0x0;
	s6 =	sor.u32 s5, s6;
	s5 =	ssub.s32 $0x2, s5  }
0xa: {  	[smem:$0x7FF] =	sst s4;
	s7 =	smul.u32 $0xC80, s6;
	s8 =	sshrl.u32 s5, $0x1;
	v1 =	vor.u32 $0x800, v0  }
0xb: {  	_ =	strace $0x80000047;
	s6 =	sshll.u32 s6, $0xA;
	v2 =	vor.u32 $0x1000, v0;
	v3 =	vor.u32 $0x1800, v0;
	v4 =	vor.u32 $0x2000, v0;
	s8 =	ssub.s32 s5, s8  }
0xc: {  	v5 =	vor.u32 $0x2800, v0;
	v6 =	vor.u32 $0x3000, v0;
	v7 =	vor.u32 $0x3800, v0;
	s5 =	sadd.s32 s1, s7;
	s7 =	smax.u32 s8, $0x1;
	s8 =	simm.s32 $0x3  }
.LBB2_70:
0xd: {  	s21 =	sadd.s32 $0x1, s21  }
0xe: {  	p0 =	sne.s32 s21, s7  }
.Ltmp1:
0xf: {  	_ = 	snop;
	(pc) =	sbr.rel @!p0 .LBB2_71-.Ltmp1, $4  }
0x10: {  	_ = 	snop  }
0x11: {  	_ =	swait.ge [sflag:s20], $0x2000  }
0x12: {  	[sflag:s20] =	ssyncset.done $0x0  }
0x13: {  	[sflag:s20] =	ssyncadd.s32 $0xFFFFE000  }
.LBB2_1:
0x14: {  	[tilespmem:s4], [sflag:$0x3] =	stream.linear.gather [hbm4b:s5+s4], $0x6400, $0x38;
	[tilespmem:$0x1E800] =	vst v63  }
0x15: {  	_ =	swait.ge [sflag:s8], $0x6400  }
0x16: {  	[sflag:s8] =	ssyncset.done $0x0  }
0x17: {  	s22 =	simm.s32 $0x0;
	[sflag:s8] =	ssyncadd.s32 $0xFFFF9C00  }
0x18: {  	v9 =	vld [tilespmem:s22+$0x0]  }
0x19: {  	v12 =	vld [tilespmem:s22+$0x10]  }
0x1a: {  	v11 =	vld [tilespmem:s22+$0x20]  }
0x1b: {  	v10 =	vld [tilespmem:s22+$0x30]  }
0x1c: {  	v8 =	vld [tilespmem:s22+$0x40]  }
0x1d: {  	s23 =	simm.s32 $0x200;
	v14 =	vshrl.u32 v9, $0x1;
	v13 =	vshll.u32 v9, $0x6;
	v9 =	vld [tilespmem:s22+$0x50]  }
.LBB2_2:
0x1e: {  	p0 =	sne.s32 s23, $0x18E00;
	[tilespmem:s22+$0x0] =	vst v14;
	v13 =	vand.u32 $0x40, v13;
	v14 =	vshrl.u32 v12, $0x1;
	v12 =	vshll.u32 v12, $0x6;
	v15 =	vld [tilespmem:s22+$0x60]  }
0x1f: {  	[tilespmem:s22+$0x10] =	vst v14;
	v12 =	vand.u32 $0x40, v12;
	v14 =	vshrl.u32 v11, $0x1;
	v11 =	vshll.u32 v11, $0x6;
	v16 =	vld [tilespmem:s22+$0x70]  }
0x20: {  	[tilespmem:s22+$0x20] =	vst v14;
	v11 =	vand.u32 $0x40, v11;
	v14 =	vshrl.u32 v10, $0x1;
	v10 =	vshll.u32 v10, $0x6  }
0x21: {  	[tilespmem:s22+$0x30] =	vst v14;
	v10 =	vand.u32 $0x40, v10;
	v14 =	vshrl.u32 v8, $0x1;
	v8 =	vshll.u32 v8, $0x6  }
0x22: {  	[tilespmem:s22+$0x40] =	vst v14;
	v8 =	vand.u32 $0x40, v8;
	v14 =	vshrl.u32 v9, $0x1;
	v9 =	vshll.u32 v9, $0x6  }
0x23: {  	[tilespmem:s22+$0x50] =	vst v14;
	v9 =	vand.u32 $0x40, v9;
	v14 =	vshrl.u32 v15, $0x1;
	v15 =	vshll.u32 v15, $0x6  }
0x24: {  	[tilespmem:s22+$0x60] =	vst v14;
	v14 =	vand.u32 $0x40, v15;
	v15 =	vshrl.u32 v16, $0x1;
	v16 =	vshll.u32 v16, $0x6  }
0x25: {  	[tilespmem:s22+$0x70] =	vst v15;
	v15 =	vand.u32 $0x40, v16  }
0x26: {  	[tilespmem:s22+$0x6400] =	vst v13  }
0x27: {  	s1 =	sshra.s32 s23, $0x2;
	[tilespmem:s22+$0x6410] =	vst v12  }
0x28: {  	v13 =	vld [tilespmem:s1+$0x0];
	[tilespmem:s22+$0x6420] =	vst v11  }
.Ltmp2:
0x29: {  	v12 =	vld [tilespmem:s1+$0x10];
	[tilespmem:s22+$0x6430] =	vst v10;
	(pc) =	sbr.rel @p0 .LBB2_2-.Ltmp2, $4  }
0x2a: {  	v11 =	vld [tilespmem:s1+$0x20];
	[tilespmem:s22+$0x6440] =	vst v8  }
0x2b: {  	v10 =	vld [tilespmem:s1+$0x30];
	[tilespmem:s22+$0x6450] =	vst v9  }
0x2c: {  	v8 =	vld [tilespmem:s1+$0x40];
	[tilespmem:s22+$0x6460] =	vst v14  }
0x2d: {  	s23 =	sadd.s32 $0x200, s23;
	v14 =	vshrl.u32 v13, $0x1;
	v13 =	vshll.u32 v13, $0x6;
	v9 =	vld [tilespmem:s1+$0x50];
	[tilespmem:s22+$0x6470] =	vst v15;
	s22 =	smov.u32 s1  }
0x2e: {  	[tilespmem:s22+$0x0] =	vst v14;
	v50 =	vshrl.u32 v12, $0x1  }
0x2f: {  	v13 =	vand.u32 $0x40, v13;
	[tilespmem:s22+$0x10] =	vst v50  }
0x30: {  	v57 =	vshll.u32 v12, $0x6;
	v51 =	vshrl.u32 v11, $0x1;
	[tilespmem:s22+$0x6400] =	vst v13  }
0x31: {  	v12 =	vand.u32 $0x40, v57;
	[tilespmem:s22+$0x20] =	vst v51  }
0x32: {  	v58 =	vshll.u32 v11, $0x6;
	v52 =	vshrl.u32 v10, $0x1;
	[tilespmem:s22+$0x6410] =	vst v12  }
0x33: {  	v15 =	vld [tilespmem:s22+$0x60];
	v11 =	vand.u32 $0x40, v58;
	[tilespmem:s22+$0x30] =	vst v52  }
0x34: {  	v16 =	vld [tilespmem:s22+$0x70];
	v59 =	vshll.u32 v10, $0x6;
	v53 =	vshrl.u32 v8, $0x1;
	[tilespmem:s22+$0x6420] =	vst v11  }
0x35: {  	v10 =	vand.u32 $0x40, v59;
	[tilespmem:s22+$0x40] =	vst v53  }
0x36: {  	v8 =	vshll.u32 v8, $0x6;
	v54 =	vshrl.u32 v9, $0x1;
	[tilespmem:s22+$0x6430] =	vst v10  }
0x37: {  	v8 =	vand.u32 $0x40, v8;
	[tilespmem:s22+$0x50] =	vst v54  }
0x38: {  	v55 =	vshrl.u32 v15, $0x1;
	[tilespmem:s22+$0x6440] =	vst v8  }
0x39: {  	v60 =	vshll.u32 v9, $0x6;
	v56 =	vshrl.u32 v16, $0x1;
	[tilespmem:s22+$0x60] =	vst v55  }
0x3a: {  	v9 =	vand.u32 $0x40, v60;
	v61 =	vshll.u32 v15, $0x6;
	[tilespmem:s22+$0x70] =	vst v56  }
0x3b: {  	v62 =	vshll.u32 v16, $0x6;
	v8 =	vand.u32 $0x40, v61;
	[tilespmem:s22+$0x6450] =	vst v9  }
0x3c: {  	v63 =	vand.u32 $0x40, v62;
	[tilespmem:s22+$0x6460] =	vst v8  }
0x3d: {  	[tilespmem:s22+$0x6470] =	vst v63;
	s22 =	simm.s32 $0x0  }
0x3e: {  	[tilespmem:s10], [sflag:$0x1] =	stream.indirect.gather [hbm4b:s2+s9], $0x80, s22, s9, $0xb8;
	[tilespmem:$0x1E800] =	vst v63  }
0x3f: {  	_ = 	snop  }
0x40: {  	[tilespmem:s11], [sflag:$0x1] =	stream.indirect.gather [hbm4b:s2+s9], $0x80, s9, s9, $0xb8;
	[tilespmem:$0x1E800] =	vst v63  }
0x41: {  	s0 =	simm.s32 $0x100  }
0x42: {  	[tilespmem:s13], [sflag:$0x1] =	stream.indirect.gather [hbm4b:s2+s9], $0x80, s0, s9, $0xb8;
	[tilespmem:$0x1E800] =	vst v63  }
0x43: {  	s23 =	simm.s32 $0x0  }
0x44: {  	[tilespmem:s15], [sflag:$0x1] =	stream.indirect.gather [hbm4b:s2+s9], $0x80, s14, s9, $0xb8;
	[tilespmem:$0x1E800] =	vst v63  }
.LBB2_4:
0x45: {  	_ =	swait.ge [sflag:s16], $0x4000  }
0x46: {  	[sflag:s16] =	ssyncset.done $0x0  }
0x47: {  	[sflag:s16] =	ssyncadd.s32 $0xFFFFC000  }
0x48: {  	_ =	swait.ge [sflag:s16], $0x4000  }
0x49: {  	[sflag:s16] =	ssyncset.done $0x0  }
0x4a: {  	[sflag:s16] =	ssyncadd.s32 $0xFFFFC000  }
0x4b: {  	_ =	swait.ge [sflag:s16], $0x4000  }
0x4c: {  	[sflag:s16] =	ssyncset.done $0x0  }
0x4d: {  	[sflag:s16] =	ssyncadd.s32 $0xFFFFC000  }
0x4e: {  	_ =	swait.ge [sflag:s16], $0x4000  }
0x4f: {  	s1 =	sshll.u32 s23, $0xB;
	[sflag:s16] =	ssyncset.done $0x0  }
0x50: {  	s24 =	sshrl.u32 s1, $0x2;
	[sflag:s16] =	ssyncadd.s32 $0xFFFFC000  }
0x51: {  	v8 =	vld [tilespmem:s24+$0x6400];
	_ =	sdelay $0x3  }
0x52: {  	s30 =	simm.s32 $0x7  }
0x53: {  	s25 =	simm.s32 $0x1;
	v9 =	vadd.s32 s30, v8  }
0x54: {  	s31 =	simm.s32 $0x2;
	v10 =	vadd.s32 s25, v8;
	v9 =	vadd.s32 v0, v9  }
0x55: {  	s0 =	simm.s32 $0x3;
	v11 =	vadd.s32 s31, v8;
	v10 =	vadd.s32 v0, v10  }
0x56: {  	s12 =	simm.s32 $0x4;
	v12 =	vadd.s32 s0, v8;
	v11 =	vadd.s32 v0, v11  }
0x57: {  	v13 =	vadd.s32 s12, v8;
	s25 =	simm.s32 $0x5;
	v12 =	vadd.s32 v0, v12  }
0x58: {  	s26 =	simm.s32 $0x6;
	v13 =	vadd.s32 v0, v13;
	v14 =	vadd.s32 s25, v8  }
0x59: {  	v15 =	vadd.s32 s26, v8;
	v14 =	vadd.s32 v0, v14;
	v16 =	vld.idx.msk [tilespmem:v9+s10+$0x0], $0xffff  }
0x5a: {  	s30 =	simm.s32 $0xF;
	v9 =	vadd.s32 s22, v8;
	v17 =	vld.idx.msk [tilespmem:v10+s10+$0x0], $0xffff;
	v10 =	vadd.s32 v0, v15  }
0x5b: {  	s31 =	simm.s32 $0x9;
	v15 =	vadd.s32 s30, v8;
	v20 =	vld.idx.msk [tilespmem:v11+s10+$0x0], $0xffff;
	v19 =	vadd.s32 v0, v9  }
0x5c: {  	s0 =	simm.s32 $0xA;
	v21 =	vld.idx.msk [tilespmem:v12+s10+$0x0], $0xffff;
	v9 =	vadd.s32 s31, v8;
	v11 =	vadd.s32 v0, v15  }
0x5d: {  	s26 =	simm.s32 $0xB;
	v12 =	vld.idx.msk [tilespmem:v13+s10+$0x0], $0xffff;
	v13 =	vadd.s32 s0, v8;
	v22 =	vadd.s32 v0, v9  }
0x5e: {  	s12 =	simm.s32 $0xC;
	s25 =	simm.s32 $0x1CA00;
	v18 =	vadd.s32 v0, v13;
	v9 =	vld.idx.msk [tilespmem:v14+s10+$0x0], $0xffff;
	v14 =	vadd.s32 s26, v8  }
0x5f: {  	v13 =	vadd.s32 s12, v8;
	s26 =	simm.s32 $0xD;
	v15 =	vadd.s32 v0, v14;
	v10 =	vld.idx.msk [tilespmem:v10+s10+$0x0], $0xffff;
	[tilespmem:s25+$0x180] =	vst v16  }
0x60: {  	s31 =	simm.s32 $0xE;
	[tilespmem:s25+$0xFFFFFE80] =	vst v17;
	v16 =	vadd.s32 v0, v13;
	v13 =	vadd.s32 s26, v8;
	v14 =	vld.idx.msk [tilespmem:v19+s10+$0x0], $0xffff  }
0x61: {  	s30 =	simm.s32 $0x8;
	[tilespmem:s25+$0xFFFFFF00] =	vst v20;
	v19 =	vadd.s32 s31, v8;
	v11 =	vld.idx.msk [tilespmem:v11+s10+$0x0], $0xffff;
	v17 =	vadd.s32 v0, v13  }
0x62: {  	s29 =	simm.s32 $0x17;
	s28 =	simm.s32 $0x18;
	s26 =	simm.s32 $0x10;
	v20 =	vadd.s32 s30, v8;
	[tilespmem:s25+$0xFFFFFF80] =	vst v21;
	v13 =	vld.idx.msk [tilespmem:v22+s10+$0x0], $0xffff;
	v19 =	vadd.s32 v0, v19  }
.LBB2_5:
0x63: {  	p0 =	slt.u32 s28, $0x38;
	s1 =	sadd.s32 $0x1, s26;
	v21 =	vadd.s32 s29, v8;
	v20 =	vadd.s32 v0, v20;
	v22 =	vld.idx.msk [tilespmem:v18+s10+$0x0], $0xffff;
	[tilespmem:s25+$0x0] =	vst v12  }
0x64: {  	v12 =	vadd.s32 s1, v8;
	s1 =	sadd.s32 $0x2, s26;
	v21 =	vadd.s32 v0, v21;
	v23 =	vld.idx.msk [tilespmem:v15+s10+$0x0], $0xffff;
	[tilespmem:s25+$0x80] =	vst v9  }
0x65: {  	v24 =	vadd.s32 v0, v12;
	v9 =	vadd.s32 s1, v8;
	s1 =	sadd.s32 $0x3, s26;
	v12 =	vld.idx.msk [tilespmem:v16+s10+$0x0], $0xffff;
	[tilespmem:s25+$0x100] =	vst v10  }
.Ltmp3:
0x66: {  	v18 =	vadd.s32 v0, v9;
	v10 =	vadd.s32 s1, v8;
	s1 =	sadd.s32 $0x4, s26;
	v9 =	vld.idx.msk [tilespmem:v17+s10+$0x0], $0xffff;
	[tilespmem:s25+$0xFFFFFE00] =	vst v14;
	s25 =	sadd.s32 $0x400, s25;
	(pc) =	sbr.rel @p0 .LBB2_5-.Ltmp3, $4  }
0x67: {  	v15 =	vadd.s32 v0, v10;
	v14 =	vadd.s32 s1, v8;
	s1 =	sadd.s32 $0x5, s26;
	v10 =	vld.idx.msk [tilespmem:v19+s10+$0x0], $0xffff;
	[tilespmem:s25+$0x180] =	vst v11  }
0x68: {  	v16 =	vadd.s32 v0, v14;
	v11 =	vadd.s32 s1, v8;
	s1 =	sadd.s32 $0x6, s26;
	v14 =	vld.idx.msk [tilespmem:v20+s10+$0x0], $0xffff;
	[tilespmem:s25+$0xFFFFFE80] =	vst v13  }
0x69: {  	v17 =	vadd.s32 v0, v11;
	v19 =	vadd.s32 s1, v8;
	v11 =	vld.idx.msk [tilespmem:v21+s10+$0x0], $0xffff;
	[tilespmem:s25+$0xFFFFFF00] =	vst v22  }
0x6a: {  	s29 =	sadd.s32 $0x7, s28;
	v20 =	vadd.s32 s26, v8;
	s26 =	smov.u32 s28;
	s28 =	sadd.s32 $0x8, s28;
	v13 =	vld.idx.msk [tilespmem:v24+s10+$0x0], $0xffff;
	v19 =	vadd.s32 v0, v19;
	[tilespmem:s25+$0xFFFFFF80] =	vst v23  }
0x6b: {  	_ =	sdelay $0x2  }
0x6c: {  	[tilespmem:s25+$0x0] =	vst v12  }
0x6d: {  	s1 =	sadd.s32 $0x1, s26;
	v12 =	vadd.s32 s29, v8;
	v20 =	vadd.s32 v0, v20;
	v18 =	vld.idx.msk [tilespmem:v18+s10+$0x0], $0xffff;
	[tilespmem:s25+$0x80] =	vst v9  }
0x6e: {  	s12 =	sadd.s32 $0x2, s26;
	v15 =	vld.idx.msk [tilespmem:v15+s10+$0x0], $0xffff;
	v9 =	vadd.s32 s1, v8;
	v12 =	vadd.s32 v0, v12;
	[tilespmem:s25+$0x100] =	vst v10  }
0x6f: {  	s30 =	sadd.s32 $0x3, s26;
	v16 =	vld.idx.msk [tilespmem:v16+s10+$0x0], $0xffff;
	s31 =	sadd.s32 $0x400, s25;
	v10 =	vadd.s32 s12, v8;
	v9 =	vadd.s32 v0, v9;
	[tilespmem:s25+$0xFFFFFE00] =	vst v14  }
0x70: {  	s0 =	sadd.s32 $0x4, s26;
	v17 =	vld.idx.msk [tilespmem:v17+s10+$0x0], $0xffff;
	v10 =	vadd.s32 v0, v10;
	v14 =	vadd.s32 s30, v8;
	[tilespmem:s31+$0x180] =	vst v11  }
0x71: {  	v19 =	vld.idx.msk [tilespmem:v19+s10+$0x0], $0xffff;
	s12 =	sadd.s32 $0x5, s26;
	v11 =	vadd.s32 v0, v14;
	v14 =	vadd.s32 s0, v8;
	[tilespmem:s31+$0xFFFFFE80] =	vst v13  }
0x72: {  	s30 =	sadd.s32 $0x6, s26;
	v13 =	vadd.s32 v0, v14;
	v14 =	vadd.s32 s12, v8;
	v20 =	vld.idx.msk [tilespmem:v20+s10+$0x0], $0xffff;
	[tilespmem:s31+$0xFFFFFF00] =	vst v18  }
0x73: {  	v14 =	vadd.s32 v0, v14;
	v18 =	vadd.s32 s30, v8;
	[tilespmem:s31+$0xFFFFFF80] =	vst v15;
	v12 =	vld.idx.msk [tilespmem:v12+s10+$0x0], $0xffff  }
0x74: {  	v8 =	vadd.s32 s26, v8;
	[tilespmem:s31+$0x0] =	vst v16;
	v15 =	vadd.s32 v0, v18;
	v9 =	vld.idx.msk [tilespmem:v9+s10+$0x0], $0xffff  }
0x75: {  	[tilespmem:s31+$0x80] =	vst v17;
	v8 =	vadd.s32 v0, v8;
	v10 =	vld.idx.msk [tilespmem:v10+s10+$0x0], $0xffff  }
0x76: {  	[tilespmem:s31+$0x100] =	vst v19;
	v11 =	vld.idx.msk [tilespmem:v11+s10+$0x0], $0xffff  }
0x77: {  	v13 =	vld.idx.msk [tilespmem:v13+s10+$0x0], $0xffff;
	[tilespmem:s31+$0xFFFFFE00] =	vst v20;
	s31 =	sadd.s32 $0x400, s31  }
0x78: {  	v14 =	vld.idx.msk [tilespmem:v14+s10+$0x0], $0xffff;
	[tilespmem:s31+$0x180] =	vst v12  }
0x79: {  	v12 =	vld.idx.msk [tilespmem:v15+s10+$0x0], $0xffff;
	[tilespmem:s31+$0xFFFFFE80] =	vst v9  }
0x7a: {  	v8 =	vld.idx.msk [tilespmem:v8+s10+$0x0], $0xffff;
	[tilespmem:s31+$0xFFFFFF00] =	vst v10  }
0x7b: {  	[tilespmem:s31+$0xFFFFFF80] =	vst v11  }
0x7c: {  	[tilespmem:s31+$0x0] =	vst v13  }
0x7d: {  	[tilespmem:s31+$0x80] =	vst v14  }
0x7e: {  	[tilespmem:s31+$0x100] =	vst v12  }
0x7f: {  	[tilespmem:s31+$0xFFFFFE00] =	vst v8  }
0x80: {  	v8 =	vld [tilespmem:s24+$0x6410];
	_ =	sdelay $0x3  }
0x81: {  	s0 =	simm.s32 $0x7  }
0x82: {  	s12 =	simm.s32 $0x1;
	v9 =	vadd.s32 s0, v8  }
0x83: {  	s25 =	simm.s32 $0x2;
	v10 =	vadd.s32 s12, v8;
	v9 =	vadd.s32 v1, v9  }
0x84: {  	s26 =	simm.s32 $0x3;
	v11 =	vadd.s32 s25, v8;
	v10 =	vadd.s32 v1, v10  }
0x85: {  	s30 =	simm.s32 $0x4;
	v12 =	vadd.s32 s26, v8;
	v11 =	vadd.s32 v1, v11  }
0x86: {  	s31 =	simm.s32 $0x5;
	v13 =	vadd.s32 s30, v8;
	v12 =	vadd.s32 v1, v12  }
0x87: {  	v14 =	vadd.s32 s31, v8;
	s0 =	simm.s32 $0x6;
	v13 =	vadd.s32 v1, v13  }
0x88: {  	s12 =	simm.s32 $0x0;
	v14 =	vadd.s32 v1, v14;
	v15 =	vadd.s32 s0, v8;
	v16 =	vld.idx.msk [tilespmem:v9+s10+$0x0], $0xffff  }
0x89: {  	s26 =	simm.s32 $0xF;
	v9 =	vadd.s32 s12, v8;
	v17 =	vld.idx.msk [tilespmem:v10+s10+$0x0], $0xffff;
	v10 =	vadd.s32 v1, v15  }
0x8a: {  	s30 =	simm.s32 $0x9;
	v15 =	vadd.s32 s26, v8;
	v20 =	vld.idx.msk [tilespmem:v11+s10+$0x0], $0xffff;
	v19 =	vadd.s32 v1, v9  }
0x8b: {  	s31 =	simm.s32 $0xA;
	v21 =	vld.idx.msk [tilespmem:v12+s10+$0x0], $0xffff;
	v9 =	vadd.s32 s30, v8;
	v11 =	vadd.s32 v1, v15  }
0x8c: {  	s0 =	simm.s32 $0xB;
	v12 =	vld.idx.msk [tilespmem:v13+s10+$0x0], $0xffff;
	v13 =	vadd.s32 s31, v8;
	v22 =	vadd.s32 v1, v9  }
0x8d: {  	s25 =	simm.s32 $0x1CA10;
	s12 =	simm.s32 $0xC;
	v18 =	vadd.s32 v1, v13;
	v9 =	vld.idx.msk [tilespmem:v14+s10+$0x0], $0xffff;
	v14 =	vadd.s32 s0, v8  }
0x8e: {  	s26 =	simm.s32 $0xD;
	v13 =	vadd.s32 s12, v8;
	v15 =	vadd.s32 v1, v14;
	v10 =	vld.idx.msk [tilespmem:v10+s10+$0x0], $0xffff;
	[tilespmem:s25+$0x180] =	vst v16  }
0x8f: {  	s31 =	simm.s32 $0xE;
	[tilespmem:s25+$0xFFFFFE80] =	vst v17;
	v16 =	vadd.s32 v1, v13;
	v13 =	vadd.s32 s26, v8;
	v14 =	vld.idx.msk [tilespmem:v19+s10+$0x0], $0xffff  }
0x90: {  	s30 =	simm.s32 $0x8;
	[tilespmem:s25+$0xFFFFFF00] =	vst v20;
	v19 =	vadd.s32 s31, v8;
	v11 =	vld.idx.msk [tilespmem:v11+s10+$0x0], $0xffff;
	v17 =	vadd.s32 v1, v13  }
0x91: {  	s29 =	simm.s32 $0x17;
	s28 =	simm.s32 $0x18;
	s26 =	simm.s32 $0x10;
	v20 =	vadd.s32 s30, v8;
	[tilespmem:s25+$0xFFFFFF80] =	vst v21;
	v13 =	vld.idx.msk [tilespmem:v22+s10+$0x0], $0xffff;
	v19 =	vadd.s32 v1, v19  }
.LBB2_7:
0x92: {  	p0 =	slt.u32 s28, $0x38;
	s1 =	sadd.s32 $0x1, s26;
	v21 =	vadd.s32 s29, v8;
	v20 =	vadd.s32 v1, v20;
	v22 =	vld.idx.msk [tilespmem:v18+s10+$0x0], $0xffff;
	[tilespmem:s25+$0x0] =	vst v12  }
0x93: {  	v12 =	vadd.s32 s1, v8;
	s1 =	sadd.s32 $0x2, s26;
	v21 =	vadd.s32 v1, v21;
	v23 =	vld.idx.msk [tilespmem:v15+s10+$0x0], $0xffff;
	[tilespmem:s25+$0x80] =	vst v9  }
0x94: {  	v24 =	vadd.s32 v1, v12;
	v9 =	vadd.s32 s1, v8;
	s1 =	sadd.s32 $0x3, s26;
	v12 =	vld.idx.msk [tilespmem:v16+s10+$0x0], $0xffff;
	[tilespmem:s25+$0x100] =	vst v10  }
.Ltmp4:
0x95: {  	v18 =	vadd.s32 v1, v9;
	v10 =	vadd.s32 s1, v8;
	s1 =	sadd.s32 $0x4, s26;
	v9 =	vld.idx.msk [tilespmem:v17+s10+$0x0], $0xffff;
	[tilespmem:s25+$0xFFFFFE00] =	vst v14;
	s25 =	sadd.s32 $0x400, s25;
	(pc) =	sbr.rel @p0 .LBB2_7-.Ltmp4, $4  }
0x96: {  	v15 =	vadd.s32 v1, v10;
	v14 =	vadd.s32 s1, v8;
	s1 =	sadd.s32 $0x5, s26;
	v10 =	vld.idx.msk [tilespmem:v19+s10+$0x0], $0xffff;
	[tilespmem:s25+$0x180] =	vst v11  }
0x97: {  	v16 =	vadd.s32 v1, v14;
	v11 =	vadd.s32 s1, v8;
	s1 =	sadd.s32 $0x6, s26;
	v14 =	vld.idx.msk [tilespmem:v20+s10+$0x0], $0xffff;
	[tilespmem:s25+$0xFFFFFE80] =	vst v13  }
0x98: {  	v17 =	vadd.s32 v1, v11;
	v19 =	vadd.s32 s1, v8;
	v11 =	vld.idx.msk [tilespmem:v21+s10+$0x0], $0xffff;
	[tilespmem:s25+$0xFFFFFF00] =	vst v22  }
0x99: {  	s29 =	sadd.s32 $0x7, s28;
	v20 =	vadd.s32 s26, v8;
	s26 =	smov.u32 s28;
	s28 =	sadd.s32 $0x8, s28;
	v13 =	vld.idx.msk [tilespmem:v24+s10+$0x0], $0xffff;
	v19 =	vadd.s32 v1, v19;
	[tilespmem:s25+$0xFFFFFF80] =	vst v23  }
0x9a: {  	_ =	sdelay $0x2  }
0x9b: {  	[tilespmem:s25+$0x0] =	vst v12  }
0x9c: {  	s1 =	sadd.s32 $0x1, s26;
	v12 =	vadd.s32 s29, v8;
	v20 =	vadd.s32 v1, v20;
	v18 =	vld.idx.msk [tilespmem:v18+s10+$0x0], $0xffff;
	[tilespmem:s25+$0x80] =	vst v9  }
0x9d: {  	s12 =	sadd.s32 $0x2, s26;
	v15 =	vld.idx.msk [tilespmem:v15+s10+$0x0], $0xffff;
	v9 =	vadd.s32 s1, v8;
	v12 =	vadd.s32 v1, v12;
	[tilespmem:s25+$0x100] =	vst v10  }
0x9e: {  	s30 =	sadd.s32 $0x3, s26;
	v16 =	vld.idx.msk [tilespmem:v16+s10+$0x0], $0xffff;
	s31 =	sadd.s32 $0x400, s25;
	v10 =	vadd.s32 s12, v8;
	v9 =	vadd.s32 v1, v9;
	[tilespmem:s25+$0xFFFFFE00] =	vst v14  }
0x9f: {  	s0 =	sadd.s32 $0x4, s26;
	v17 =	vld.idx.msk [tilespmem:v17+s10+$0x0], $0xffff;
	v10 =	vadd.s32 v1, v10;
	v14 =	vadd.s32 s30, v8;
	[tilespmem:s31+$0x180] =	vst v11  }
0xa0: {  	v19 =	vld.idx.msk [tilespmem:v19+s10+$0x0], $0xffff;
	s12 =	sadd.s32 $0x5, s26;
	v11 =	vadd.s32 v1, v14;
	v14 =	vadd.s32 s0, v8;
	[tilespmem:s31+$0xFFFFFE80] =	vst v13  }
0xa1: {  	s30 =	sadd.s32 $0x6, s26;
	v13 =	vadd.s32 v1, v14;
	v14 =	vadd.s32 s12, v8;
	v20 =	vld.idx.msk [tilespmem:v20+s10+$0x0], $0xffff;
	[tilespmem:s31+$0xFFFFFF00] =	vst v18  }
0xa2: {  	v14 =	vadd.s32 v1, v14;
	v18 =	vadd.s32 s30, v8;
	[tilespmem:s31+$0xFFFFFF80] =	vst v15;
	v12 =	vld.idx.msk [tilespmem:v12+s10+$0x0], $0xffff  }
0xa3: {  	v8 =	vadd.s32 s26, v8;
	[tilespmem:s31+$0x0] =	vst v16;
	v15 =	vadd.s32 v1, v18;
	v9 =	vld.idx.msk [tilespmem:v9+s10+$0x0], $0xffff  }
0xa4: {  	[tilespmem:s31+$0x80] =	vst v17;
	v8 =	vadd.s32 v1, v8;
	v10 =	vld.idx.msk [tilespmem:v10+s10+$0x0], $0xffff  }
0xa5: {  	[tilespmem:s31+$0x100] =	vst v19;
	v11 =	vld.idx.msk [tilespmem:v11+s10+$0x0], $0xffff  }
0xa6: {  	v13 =	vld.idx.msk [tilespmem:v13+s10+$0x0], $0xffff;
	[tilespmem:s31+$0xFFFFFE00] =	vst v20;
	s31 =	sadd.s32 $0x400, s31  }
0xa7: {  	v14 =	vld.idx.msk [tilespmem:v14+s10+$0x0], $0xffff;
	[tilespmem:s31+$0x180] =	vst v12  }
0xa8: {  	v12 =	vld.idx.msk [tilespmem:v15+s10+$0x0], $0xffff;
	[tilespmem:s31+$0xFFFFFE80] =	vst v9  }
0xa9: {  	v8 =	vld.idx.msk [tilespmem:v8+s10+$0x0], $0xffff;
	[tilespmem:s31+$0xFFFFFF00] =	vst v10  }
0xaa: {  	[tilespmem:s31+$0xFFFFFF80] =	vst v11  }
0xab: {  	[tilespmem:s31+$0x0] =	vst v13  }
0xac: {  	[tilespmem:s31+$0x80] =	vst v14  }
0xad: {  	[tilespmem:s31+$0x100] =	vst v12  }
0xae: {  	[tilespmem:s31+$0xFFFFFE00] =	vst v8  }
0xaf: {  	v8 =	vld [tilespmem:s24+$0x6420];
	_ =	sdelay $0x3  }
0xb0: {  	s0 =	simm.s32 $0x7  }
0xb1: {  	s12 =	simm.s32 $0x1;
	v9 =	vadd.s32 s0, v8  }
0xb2: {  	s25 =	simm.s32 $0x2;
	v10 =	vadd.s32 s12, v8;
	v9 =	vadd.s32 v2, v9  }
0xb3: {  	s26 =	simm.s32 $0x3;
	v11 =	vadd.s32 s25, v8;
	v10 =	vadd.s32 v2, v10  }
0xb4: {  	s30 =	simm.s32 $0x4;
	v12 =	vadd.s32 s26, v8;
	v11 =	vadd.s32 v2, v11  }
0xb5: {  	s31 =	simm.s32 $0x5;
	v13 =	vadd.s32 s30, v8;
	v12 =	vadd.s32 v2, v12  }
0xb6: {  	v14 =	vadd.s32 s31, v8;
	s0 =	simm.s32 $0x6;
	v13 =	vadd.s32 v2, v13  }
0xb7: {  	s12 =	simm.s32 $0x0;
	v14 =	vadd.s32 v2, v14;
	v15 =	vadd.s32 s0, v8;
	v16 =	vld.idx.msk [tilespmem:v9+s10+$0x0], $0xffff  }
0xb8: {  	s26 =	simm.s32 $0xF;
	v9 =	vadd.s32 s12, v8;
	v17 =	vld.idx.msk [tilespmem:v10+s10+$0x0], $0xffff;
	v10 =	vadd.s32 v2, v15  }
0xb9: {  	s30 =	simm.s32 $0x9;
	v15 =	vadd.s32 s26, v8;
	v20 =	vld.idx.msk [tilespmem:v11+s10+$0x0], $0xffff;
	v19 =	vadd.s32 v2, v9  }
0xba: {  	s31 =	simm.s32 $0xA;
	v21 =	vld.idx.msk [tilespmem:v12+s10+$0x0], $0xffff;
	v9 =	vadd.s32 s30, v8;
	v11 =	vadd.s32 v2, v15  }
0xbb: {  	s0 =	simm.s32 $0xB;
	v12 =	vld.idx.msk [tilespmem:v13+s10+$0x0], $0xffff;
	v13 =	vadd.s32 s31, v8;
	v22 =	vadd.s32 v2, v9  }
0xbc: {  	s25 =	simm.s32 $0x1CA20;
	s12 =	simm.s32 $0xC;
	v18 =	vadd.s32 v2, v13;
	v9 =	vld.idx.msk [tilespmem:v14+s10+$0x0], $0xffff;
	v14 =	vadd.s32 s0, v8  }
0xbd: {  	s26 =	simm.s32 $0xD;
	v13 =	vadd.s32 s12, v8;
	v15 =	vadd.s32 v2, v14;
	v10 =	vld.idx.msk [tilespmem:v10+s10+$0x0], $0xffff;
	[tilespmem:s25+$0x180] =	vst v16  }
0xbe: {  	s31 =	simm.s32 $0xE;
	[tilespmem:s25+$0xFFFFFE80] =	vst v17;
	v16 =	vadd.s32 v2, v13;
	v13 =	vadd.s32 s26, v8;
	v14 =	vld.idx.msk [tilespmem:v19+s10+$0x0], $0xffff  }
0xbf: {  	s30 =	simm.s32 $0x8;
	[tilespmem:s25+$0xFFFFFF00] =	vst v20;
	v19 =	vadd.s32 s31, v8;
	v11 =	vld.idx.msk [tilespmem:v11+s10+$0x0], $0xffff;
	v17 =	vadd.s32 v2, v13  }
0xc0: {  	s29 =	simm.s32 $0x17;
	s28 =	simm.s32 $0x18;
	s26 =	simm.s32 $0x10;
	v20 =	vadd.s32 s30, v8;
	[tilespmem:s25+$0xFFFFFF80] =	vst v21;
	v13 =	vld.idx.msk [tilespmem:v22+s10+$0x0], $0xffff;
	v19 =	vadd.s32 v2, v19  }
.LBB2_9:
0xc1: {  	p0 =	slt.u32 s28, $0x38;
	s1 =	sadd.s32 $0x1, s26;
	v21 =	vadd.s32 s29, v8;
	v20 =	vadd.s32 v2, v20;
	v22 =	vld.idx.msk [tilespmem:v18+s10+$0x0], $0xffff;
	[tilespmem:s25+$0x0] =	vst v12  }
0xc2: {  	v12 =	vadd.s32 s1, v8;
	s1 =	sadd.s32 $0x2, s26;
	v21 =	vadd.s32 v2, v21;
	v23 =	vld.idx.msk [tilespmem:v15+s10+$0x0], $0xffff;
	[tilespmem:s25+$0x80] =	vst v9  }
0xc3: {  	v24 =	vadd.s32 v2, v12;
	v9 =	vadd.s32 s1, v8;
	s1 =	sadd.s32 $0x3, s26;
	v12 =	vld.idx.msk [tilespmem:v16+s10+$0x0], $0xffff;
	[tilespmem:s25+$0x100] =	vst v10  }
.Ltmp5:
0xc4: {  	v18 =	vadd.s32 v2, v9;
	v10 =	vadd.s32 s1, v8;
	s1 =	sadd.s32 $0x4, s26;
	v9 =	vld.idx.msk [tilespmem:v17+s10+$0x0], $0xffff;
	[tilespmem:s25+$0xFFFFFE00] =	vst v14;
	s25 =	sadd.s32 $0x400, s25;
	(pc) =	sbr.rel @p0 .LBB2_9-.Ltmp5, $4  }
0xc5: {  	v15 =	vadd.s32 v2, v10;
	v14 =	vadd.s32 s1, v8;
	s1 =	sadd.s32 $0x5, s26;
	v10 =	vld.idx.msk [tilespmem:v19+s10+$0x0], $0xffff;
	[tilespmem:s25+$0x180] =	vst v11  }
0xc6: {  	v16 =	vadd.s32 v2, v14;
	v11 =	vadd.s32 s1, v8;
	s1 =	sadd.s32 $0x6, s26;
	v14 =	vld.idx.msk [tilespmem:v20+s10+$0x0], $0xffff;
	[tilespmem:s25+$0xFFFFFE80] =	vst v13  }
0xc7: {  	v17 =	vadd.s32 v2, v11;
	v19 =	vadd.s32 s1, v8;
	v11 =	vld.idx.msk [tilespmem:v21+s10+$0x0], $0xffff;
	[tilespmem:s25+$0xFFFFFF00] =	vst v22  }
0xc8: {  	s29 =	sadd.s32 $0x7, s28;
	v20 =	vadd.s32 s26, v8;
	s26 =	smov.u32 s28;
	s28 =	sadd.s32 $0x8, s28;
	v13 =	vld.idx.msk [tilespmem:v24+s10+$0x0], $0xffff;
	v19 =	vadd.s32 v2, v19;
	[tilespmem:s25+$0xFFFFFF80] =	vst v23  }
0xc9: {  	_ =	sdelay $0x2  }
0xca: {  	[tilespmem:s25+$0x0] =	vst v12  }
0xcb: {  	s1 =	sadd.s32 $0x1, s26;
	v12 =	vadd.s32 s29, v8;
	v20 =	vadd.s32 v2, v20;
	v18 =	vld.idx.msk [tilespmem:v18+s10+$0x0], $0xffff;
	[tilespmem:s25+$0x80] =	vst v9  }
0xcc: {  	s12 =	sadd.s32 $0x2, s26;
	v15 =	vld.idx.msk [tilespmem:v15+s10+$0x0], $0xffff;
	v9 =	vadd.s32 s1, v8;
	v12 =	vadd.s32 v2, v12;
	[tilespmem:s25+$0x100] =	vst v10  }
0xcd: {  	s30 =	sadd.s32 $0x3, s26;
	v16 =	vld.idx.msk [tilespmem:v16+s10+$0x0], $0xffff;
	s31 =	sadd.s32 $0x400, s25;
	v10 =	vadd.s32 s12, v8;
	v9 =	vadd.s32 v2, v9;
	[tilespmem:s25+$0xFFFFFE00] =	vst v14  }
0xce: {  	s0 =	sadd.s32 $0x4, s26;
	v17 =	vld.idx.msk [tilespmem:v17+s10+$0x0], $0xffff;
	v10 =	vadd.s32 v2, v10;
	v14 =	vadd.s32 s30, v8;
	[tilespmem:s31+$0x180] =	vst v11  }
0xcf: {  	v19 =	vld.idx.msk [tilespmem:v19+s10+$0x0], $0xffff;
	s12 =	sadd.s32 $0x5, s26;
	v11 =	vadd.s32 v2, v14;
	v14 =	vadd.s32 s0, v8;
	[tilespmem:s31+$0xFFFFFE80] =	vst v13  }
0xd0: {  	s30 =	sadd.s32 $0x6, s26;
	v13 =	vadd.s32 v2, v14;
	v14 =	vadd.s32 s12, v8;
	v20 =	vld.idx.msk [tilespmem:v20+s10+$0x0], $0xffff;
	[tilespmem:s31+$0xFFFFFF00] =	vst v18  }
0xd1: {  	v14 =	vadd.s32 v2, v14;
	v18 =	vadd.s32 s30, v8;
	[tilespmem:s31+$0xFFFFFF80] =	vst v15;
	v12 =	vld.idx.msk [tilespmem:v12+s10+$0x0], $0xffff  }
0xd2: {  	v8 =	vadd.s32 s26, v8;
	[tilespmem:s31+$0x0] =	vst v16;
	v15 =	vadd.s32 v2, v18;
	v9 =	vld.idx.msk [tilespmem:v9+s10+$0x0], $0xffff  }
0xd3: {  	[tilespmem:s31+$0x80] =	vst v17;
	v8 =	vadd.s32 v2, v8;
	v10 =	vld.idx.msk [tilespmem:v10+s10+$0x0], $0xffff  }
0xd4: {  	[tilespmem:s31+$0x100] =	vst v19;
	v11 =	vld.idx.msk [tilespmem:v11+s10+$0x0], $0xffff  }
0xd5: {  	v13 =	vld.idx.msk [tilespmem:v13+s10+$0x0], $0xffff;
	[tilespmem:s31+$0xFFFFFE00] =	vst v20;
	s31 =	sadd.s32 $0x400, s31  }
0xd6: {  	v14 =	vld.idx.msk [tilespmem:v14+s10+$0x0], $0xffff;
	[tilespmem:s31+$0x180] =	vst v12  }
0xd7: {  	v12 =	vld.idx.msk [tilespmem:v15+s10+$0x0], $0xffff;
	[tilespmem:s31+$0xFFFFFE80] =	vst v9  }
0xd8: {  	v8 =	vld.idx.msk [tilespmem:v8+s10+$0x0], $0xffff;
	[tilespmem:s31+$0xFFFFFF00] =	vst v10  }
0xd9: {  	[tilespmem:s31+$0xFFFFFF80] =	vst v11  }
0xda: {  	[tilespmem:s31+$0x0] =	vst v13  }
0xdb: {  	[tilespmem:s31+$0x80] =	vst v14  }
0xdc: {  	[tilespmem:s31+$0x100] =	vst v12  }
0xdd: {  	[tilespmem:s31+$0xFFFFFE00] =	vst v8  }
0xde: {  	v8 =	vld [tilespmem:s24+$0x6430];
	_ =	sdelay $0x3  }
0xdf: {  	s0 =	simm.s32 $0x7  }
0xe0: {  	s12 =	simm.s32 $0x1;
	v9 =	vadd.s32 s0, v8  }
0xe1: {  	s25 =	simm.s32 $0x2;
	v10 =	vadd.s32 s12, v8;
	v9 =	vadd.s32 v3, v9  }
0xe2: {  	s26 =	simm.s32 $0x3;
	v11 =	vadd.s32 s25, v8;
	v10 =	vadd.s32 v3, v10  }
0xe3: {  	s30 =	simm.s32 $0x4;
	v12 =	vadd.s32 s26, v8;
	v11 =	vadd.s32 v3, v11  }
0xe4: {  	s31 =	simm.s32 $0x5;
	v13 =	vadd.s32 s30, v8;
	v12 =	vadd.s32 v3, v12  }
0xe5: {  	v14 =	vadd.s32 s31, v8;
	s0 =	simm.s32 $0x6;
	v13 =	vadd.s32 v3, v13  }
0xe6: {  	s12 =	simm.s32 $0x0;
	v14 =	vadd.s32 v3, v14;
	v15 =	vadd.s32 s0, v8;
	v16 =	vld.idx.msk [tilespmem:v9+s10+$0x0], $0xffff  }
0xe7: {  	s26 =	simm.s32 $0xF;
	v9 =	vadd.s32 s12, v8;
	v17 =	vld.idx.msk [tilespmem:v10+s10+$0x0], $0xffff;
	v10 =	vadd.s32 v3, v15  }
0xe8: {  	s30 =	simm.s32 $0x9;
	v15 =	vadd.s32 s26, v8;
	v20 =	vld.idx.msk [tilespmem:v11+s10+$0x0], $0xffff;
	v19 =	vadd.s32 v3, v9  }
0xe9: {  	s31 =	simm.s32 $0xA;
	v21 =	vld.idx.msk [tilespmem:v12+s10+$0x0], $0xffff;
	v9 =	vadd.s32 s30, v8;
	v11 =	vadd.s32 v3, v15  }
0xea: {  	s0 =	simm.s32 $0xB;
	v12 =	vld.idx.msk [tilespmem:v13+s10+$0x0], $0xffff;
	v13 =	vadd.s32 s31, v8;
	v22 =	vadd.s32 v3, v9  }
0xeb: {  	s25 =	simm.s32 $0x1CA30;
	s12 =	simm.s32 $0xC;
	v18 =	vadd.s32 v3, v13;
	v9 =	vld.idx.msk [tilespmem:v14+s10+$0x0], $0xffff;
	v14 =	vadd.s32 s0, v8  }
0xec: {  	s26 =	simm.s32 $0xD;
	v13 =	vadd.s32 s12, v8;
	v15 =	vadd.s32 v3, v14;
	v10 =	vld.idx.msk [tilespmem:v10+s10+$0x0], $0xffff;
	[tilespmem:s25+$0x180] =	vst v16  }
0xed: {  	s31 =	simm.s32 $0xE;
	[tilespmem:s25+$0xFFFFFE80] =	vst v17;
	v16 =	vadd.s32 v3, v13;
	v13 =	vadd.s32 s26, v8;
	v14 =	vld.idx.msk [tilespmem:v19+s10+$0x0], $0xffff  }
0xee: {  	s30 =	simm.s32 $0x8;
	[tilespmem:s25+$0xFFFFFF00] =	vst v20;
	v19 =	vadd.s32 s31, v8;
	v11 =	vld.idx.msk [tilespmem:v11+s10+$0x0], $0xffff;
	v17 =	vadd.s32 v3, v13  }
0xef: {  	s29 =	simm.s32 $0x17;
	s28 =	simm.s32 $0x18;
	s26 =	simm.s32 $0x10;
	v20 =	vadd.s32 s30, v8;
	[tilespmem:s25+$0xFFFFFF80] =	vst v21;
	v13 =	vld.idx.msk [tilespmem:v22+s10+$0x0], $0xffff;
	v19 =	vadd.s32 v3, v19  }
.LBB2_11:
0xf0: {  	p0 =	slt.u32 s28, $0x38;
	s1 =	sadd.s32 $0x1, s26;
	v21 =	vadd.s32 s29, v8;
	v20 =	vadd.s32 v3, v20;
	v22 =	vld.idx.msk [tilespmem:v18+s10+$0x0], $0xffff;
	[tilespmem:s25+$0x0] =	vst v12  }
0xf1: {  	v12 =	vadd.s32 s1, v8;
	s1 =	sadd.s32 $0x2, s26;
	v21 =	vadd.s32 v3, v21;
	v23 =	vld.idx.msk [tilespmem:v15+s10+$0x0], $0xffff;
	[tilespmem:s25+$0x80] =	vst v9  }
0xf2: {  	v24 =	vadd.s32 v3, v12;
	v9 =	vadd.s32 s1, v8;
	s1 =	sadd.s32 $0x3, s26;
	v12 =	vld.idx.msk [tilespmem:v16+s10+$0x0], $0xffff;
	[tilespmem:s25+$0x100] =	vst v10  }
.Ltmp6:
0xf3: {  	v18 =	vadd.s32 v3, v9;
	v10 =	vadd.s32 s1, v8;
	s1 =	sadd.s32 $0x4, s26;
	v9 =	vld.idx.msk [tilespmem:v17+s10+$0x0], $0xffff;
	[tilespmem:s25+$0xFFFFFE00] =	vst v14;
	s25 =	sadd.s32 $0x400, s25;
	(pc) =	sbr.rel @p0 .LBB2_11-.Ltmp6, $4  }
0xf4: {  	v15 =	vadd.s32 v3, v10;
	v14 =	vadd.s32 s1, v8;
	s1 =	sadd.s32 $0x5, s26;
	v10 =	vld.idx.msk [tilespmem:v19+s10+$0x0], $0xffff;
	[tilespmem:s25+$0x180] =	vst v11  }
0xf5: {  	v16 =	vadd.s32 v3, v14;
	v11 =	vadd.s32 s1, v8;
	s1 =	sadd.s32 $0x6, s26;
	v14 =	vld.idx.msk [tilespmem:v20+s10+$0x0], $0xffff;
	[tilespmem:s25+$0xFFFFFE80] =	vst v13  }
0xf6: {  	v17 =	vadd.s32 v3, v11;
	v19 =	vadd.s32 s1, v8;
	v11 =	vld.idx.msk [tilespmem:v21+s10+$0x0], $0xffff;
	[tilespmem:s25+$0xFFFFFF00] =	vst v22  }
0xf7: {  	s29 =	sadd.s32 $0x7, s28;
	v20 =	vadd.s32 s26, v8;
	s26 =	smov.u32 s28;
	s28 =	sadd.s32 $0x8, s28;
	v13 =	vld.idx.msk [tilespmem:v24+s10+$0x0], $0xffff;
	v19 =	vadd.s32 v3, v19;
	[tilespmem:s25+$0xFFFFFF80] =	vst v23  }
0xf8: {  	_ =	sdelay $0x2  }
0xf9: {  	[tilespmem:s25+$0x0] =	vst v12  }
0xfa: {  	s1 =	sadd.s32 $0x1, s26;
	v12 =	vadd.s32 s29, v8;
	v20 =	vadd.s32 v3, v20;
	v18 =	vld.idx.msk [tilespmem:v18+s10+$0x0], $0xffff;
	[tilespmem:s25+$0x80] =	vst v9  }
0xfb: {  	s12 =	sadd.s32 $0x2, s26;
	v15 =	vld.idx.msk [tilespmem:v15+s10+$0x0], $0xffff;
	v9 =	vadd.s32 s1, v8;
	v12 =	vadd.s32 v3, v12;
	[tilespmem:s25+$0x100] =	vst v10  }
0xfc: {  	s30 =	sadd.s32 $0x3, s26;
	v16 =	vld.idx.msk [tilespmem:v16+s10+$0x0], $0xffff;
	s31 =	sadd.s32 $0x400, s25;
	v10 =	vadd.s32 s12, v8;
	v9 =	vadd.s32 v3, v9;
	[tilespmem:s25+$0xFFFFFE00] =	vst v14  }
0xfd: {  	s0 =	sadd.s32 $0x4, s26;
	v17 =	vld.idx.msk [tilespmem:v17+s10+$0x0], $0xffff;
	v10 =	vadd.s32 v3, v10;
	v14 =	vadd.s32 s30, v8;
	[tilespmem:s31+$0x180] =	vst v11  }
0xfe: {  	v19 =	vld.idx.msk [tilespmem:v19+s10+$0x0], $0xffff;
	s12 =	sadd.s32 $0x5, s26;
	v11 =	vadd.s32 v3, v14;
	v14 =	vadd.s32 s0, v8;
	[tilespmem:s31+$0xFFFFFE80] =	vst v13  }
0xff: {  	s30 =	sadd.s32 $0x6, s26;
	v13 =	vadd.s32 v3, v14;
	v14 =	vadd.s32 s12, v8;
	v20 =	vld.idx.msk [tilespmem:v20+s10+$0x0], $0xffff;
	[tilespmem:s31+$0xFFFFFF00] =	vst v18  }
0x100: {  	v14 =	vadd.s32 v3, v14;
	v18 =	vadd.s32 s30, v8;
	[tilespmem:s31+$0xFFFFFF80] =	vst v15;
	v12 =	vld.idx.msk [tilespmem:v12+s10+$0x0], $0xffff  }
0x101: {  	v8 =	vadd.s32 s26, v8;
	[tilespmem:s31+$0x0] =	vst v16;
	v15 =	vadd.s32 v3, v18;
	v9 =	vld.idx.msk [tilespmem:v9+s10+$0x0], $0xffff  }
0x102: {  	[tilespmem:s31+$0x80] =	vst v17;
	v8 =	vadd.s32 v3, v8;
	v10 =	vld.idx.msk [tilespmem:v10+s10+$0x0], $0xffff  }
0x103: {  	[tilespmem:s31+$0x100] =	vst v19;
	v11 =	vld.idx.msk [tilespmem:v11+s10+$0x0], $0xffff  }
0x104: {  	v13 =	vld.idx.msk [tilespmem:v13+s10+$0x0], $0xffff;
	[tilespmem:s31+$0xFFFFFE00] =	vst v20;
	s31 =	sadd.s32 $0x400, s31  }
0x105: {  	v14 =	vld.idx.msk [tilespmem:v14+s10+$0x0], $0xffff;
	[tilespmem:s31+$0x180] =	vst v12  }
0x106: {  	v12 =	vld.idx.msk [tilespmem:v15+s10+$0x0], $0xffff;
	[tilespmem:s31+$0xFFFFFE80] =	vst v9  }
0x107: {  	v8 =	vld.idx.msk [tilespmem:v8+s10+$0x0], $0xffff;
	[tilespmem:s31+$0xFFFFFF00] =	vst v10  }
0x108: {  	[tilespmem:s31+$0xFFFFFF80] =	vst v11  }
0x109: {  	[tilespmem:s31+$0x0] =	vst v13  }
0x10a: {  	[tilespmem:s31+$0x80] =	vst v14  }
0x10b: {  	[tilespmem:s31+$0x100] =	vst v12  }
0x10c: {  	[tilespmem:s31+$0xFFFFFE00] =	vst v8  }
0x10d: {  	v8 =	vld [tilespmem:s24+$0x6440];
	_ =	sdelay $0x3  }
0x10e: {  	s0 =	simm.s32 $0x7  }
0x10f: {  	s12 =	simm.s32 $0x1;
	v9 =	vadd.s32 s0, v8  }
0x110: {  	s25 =	simm.s32 $0x2;
	v10 =	vadd.s32 s12, v8;
	v9 =	vadd.s32 v4, v9  }
0x111: {  	s26 =	simm.s32 $0x3;
	v11 =	vadd.s32 s25, v8;
	v10 =	vadd.s32 v4, v10  }
0x112: {  	s30 =	simm.s32 $0x4;
	v12 =	vadd.s32 s26, v8;
	v11 =	vadd.s32 v4, v11  }
0x113: {  	s31 =	simm.s32 $0x5;
	v13 =	vadd.s32 s30, v8;
	v12 =	vadd.s32 v4, v12  }
0x114: {  	v14 =	vadd.s32 s31, v8;
	s0 =	simm.s32 $0x6;
	v13 =	vadd.s32 v4, v13  }
0x115: {  	s12 =	simm.s32 $0x0;
	v14 =	vadd.s32 v4, v14;
	v15 =	vadd.s32 s0, v8;
	v16 =	vld.idx.msk [tilespmem:v9+s10+$0x0], $0xffff  }
0x116: {  	s26 =	simm.s32 $0xF;
	v9 =	vadd.s32 s12, v8;
	v17 =	vld.idx.msk [tilespmem:v10+s10+$0x0], $0xffff;
	v10 =	vadd.s32 v4, v15  }
0x117: {  	s30 =	simm.s32 $0x9;
	v15 =	vadd.s32 s26, v8;
	v20 =	vld.idx.msk [tilespmem:v11+s10+$0x0], $0xffff;
	v19 =	vadd.s32 v4, v9  }
0x118: {  	s31 =	simm.s32 $0xA;
	v21 =	vld.idx.msk [tilespmem:v12+s10+$0x0], $0xffff;
	v9 =	vadd.s32 s30, v8;
	v11 =	vadd.s32 v4, v15  }
0x119: {  	s0 =	simm.s32 $0xB;
	v12 =	vld.idx.msk [tilespmem:v13+s10+$0x0], $0xffff;
	v13 =	vadd.s32 s31, v8;
	v22 =	vadd.s32 v4, v9  }
0x11a: {  	s25 =	simm.s32 $0x1CA40;
	s12 =	simm.s32 $0xC;
	v18 =	vadd.s32 v4, v13;
	v9 =	vld.idx.msk [tilespmem:v14+s10+$0x0], $0xffff;
	v14 =	vadd.s32 s0, v8  }
0x11b: {  	s26 =	simm.s32 $0xD;
	v13 =	vadd.s32 s12, v8;
	v15 =	vadd.s32 v4, v14;
	v10 =	vld.idx.msk [tilespmem:v10+s10+$0x0], $0xffff;
	[tilespmem:s25+$0x180] =	vst v16  }
0x11c: {  	s31 =	simm.s32 $0xE;
	[tilespmem:s25+$0xFFFFFE80] =	vst v17;
	v16 =	vadd.s32 v4, v13;
	v13 =	vadd.s32 s26, v8;
	v14 =	vld.idx.msk [tilespmem:v19+s10+$0x0], $0xffff  }
0x11d: {  	s30 =	simm.s32 $0x8;
	[tilespmem:s25+$0xFFFFFF00] =	vst v20;
	v19 =	vadd.s32 s31, v8;
	v11 =	vld.idx.msk [tilespmem:v11+s10+$0x0], $0xffff;
	v17 =	vadd.s32 v4, v13  }
0x11e: {  	s29 =	simm.s32 $0x17;
	s28 =	simm.s32 $0x18;
	s26 =	simm.s32 $0x10;
	v20 =	vadd.s32 s30, v8;
	[tilespmem:s25+$0xFFFFFF80] =	vst v21;
	v13 =	vld.idx.msk [tilespmem:v22+s10+$0x0], $0xffff;
	v19 =	vadd.s32 v4, v19  }
.LBB2_13:
0x11f: {  	p0 =	slt.u32 s28, $0x38;
	s1 =	sadd.s32 $0x1, s26;
	v21 =	vadd.s32 s29, v8;
	v20 =	vadd.s32 v4, v20;
	v22 =	vld.idx.msk [tilespmem:v18+s10+$0x0], $0xffff;
	[tilespmem:s25+$0x0] =	vst v12  }
0x120: {  	v12 =	vadd.s32 s1, v8;
	s1 =	sadd.s32 $0x2, s26;
	v21 =	vadd.s32 v4, v21;
	v23 =	vld.idx.msk [tilespmem:v15+s10+$0x0], $0xffff;
	[tilespmem:s25+$0x80] =	vst v9  }
0x121: {  	v24 =	vadd.s32 v4, v12;
	v9 =	vadd.s32 s1, v8;
	s1 =	sadd.s32 $0x3, s26;
	v12 =	vld.idx.msk [tilespmem:v16+s10+$0x0], $0xffff;
	[tilespmem:s25+$0x100] =	vst v10  }
.Ltmp7:
0x122: {  	v18 =	vadd.s32 v4, v9;
	v10 =	vadd.s32 s1, v8;
	s1 =	sadd.s32 $0x4, s26;
	v9 =	vld.idx.msk [tilespmem:v17+s10+$0x0], $0xffff;
	[tilespmem:s25+$0xFFFFFE00] =	vst v14;
	s25 =	sadd.s32 $0x400, s25;
	(pc) =	sbr.rel @p0 .LBB2_13-.Ltmp7, $4  }
0x123: {  	v15 =	vadd.s32 v4, v10;
	v14 =	vadd.s32 s1, v8;
	s1 =	sadd.s32 $0x5, s26;
	v10 =	vld.idx.msk [tilespmem:v19+s10+$0x0], $0xffff;
	[tilespmem:s25+$0x180] =	vst v11  }
0x124: {  	v16 =	vadd.s32 v4, v14;
	v11 =	vadd.s32 s1, v8;
	s1 =	sadd.s32 $0x6, s26;
	v14 =	vld.idx.msk [tilespmem:v20+s10+$0x0], $0xffff;
	[tilespmem:s25+$0xFFFFFE80] =	vst v13  }
0x125: {  	v17 =	vadd.s32 v4, v11;
	v19 =	vadd.s32 s1, v8;
	v11 =	vld.idx.msk [tilespmem:v21+s10+$0x0], $0xffff;
	[tilespmem:s25+$0xFFFFFF00] =	vst v22  }
0x126: {  	s29 =	sadd.s32 $0x7, s28;
	v20 =	vadd.s32 s26, v8;
	s26 =	smov.u32 s28;
	s28 =	sadd.s32 $0x8, s28;
	v13 =	vld.idx.msk [tilespmem:v24+s10+$0x0], $0xffff;
	v19 =	vadd.s32 v4, v19;
	[tilespmem:s25+$0xFFFFFF80] =	vst v23  }
0x127: {  	_ =	sdelay $0x2  }
0x128: {  	[tilespmem:s25+$0x0] =	vst v12  }
0x129: {  	s1 =	sadd.s32 $0x1, s26;
	v12 =	vadd.s32 s29, v8;
	v20 =	vadd.s32 v4, v20;
	v18 =	vld.idx.msk [tilespmem:v18+s10+$0x0], $0xffff;
	[tilespmem:s25+$0x80] =	vst v9  }
0x12a: {  	s12 =	sadd.s32 $0x2, s26;
	v15 =	vld.idx.msk [tilespmem:v15+s10+$0x0], $0xffff;
	v9 =	vadd.s32 s1, v8;
	v12 =	vadd.s32 v4, v12;
	[tilespmem:s25+$0x100] =	vst v10  }
0x12b: {  	s30 =	sadd.s32 $0x3, s26;
	v16 =	vld.idx.msk [tilespmem:v16+s10+$0x0], $0xffff;
	s31 =	sadd.s32 $0x400, s25;
	v10 =	vadd.s32 s12, v8;
	v9 =	vadd.s32 v4, v9;
	[tilespmem:s25+$0xFFFFFE00] =	vst v14  }
0x12c: {  	s0 =	sadd.s32 $0x4, s26;
	v17 =	vld.idx.msk [tilespmem:v17+s10+$0x0], $0xffff;
	v10 =	vadd.s32 v4, v10;
	v14 =	vadd.s32 s30, v8;
	[tilespmem:s31+$0x180] =	vst v11  }
0x12d: {  	v19 =	vld.idx.msk [tilespmem:v19+s10+$0x0], $0xffff;
	s12 =	sadd.s32 $0x5, s26;
	v11 =	vadd.s32 v4, v14;
	v14 =	vadd.s32 s0, v8;
	[tilespmem:s31+$0xFFFFFE80] =	vst v13  }
0x12e: {  	s30 =	sadd.s32 $0x6, s26;
	v13 =	vadd.s32 v4, v14;
	v14 =	vadd.s32 s12, v8;
	v20 =	vld.idx.msk [tilespmem:v20+s10+$0x0], $0xffff;
	[tilespmem:s31+$0xFFFFFF00] =	vst v18  }
0x12f: {  	v14 =	vadd.s32 v4, v14;
	v18 =	vadd.s32 s30, v8;
	[tilespmem:s31+$0xFFFFFF80] =	vst v15;
	v12 =	vld.idx.msk [tilespmem:v12+s10+$0x0], $0xffff  }
0x130: {  	v8 =	vadd.s32 s26, v8;
	[tilespmem:s31+$0x0] =	vst v16;
	v15 =	vadd.s32 v4, v18;
	v9 =	vld.idx.msk [tilespmem:v9+s10+$0x0], $0xffff  }
0x131: {  	[tilespmem:s31+$0x80] =	vst v17;
	v8 =	vadd.s32 v4, v8;
	v10 =	vld.idx.msk [tilespmem:v10+s10+$0x0], $0xffff  }
0x132: {  	[tilespmem:s31+$0x100] =	vst v19;
	v11 =	vld.idx.msk [tilespmem:v11+s10+$0x0], $0xffff  }
0x133: {  	v13 =	vld.idx.msk [tilespmem:v13+s10+$0x0], $0xffff;
	[tilespmem:s31+$0xFFFFFE00] =	vst v20;
	s31 =	sadd.s32 $0x400, s31  }
0x134: {  	v14 =	vld.idx.msk [tilespmem:v14+s10+$0x0], $0xffff;
	[tilespmem:s31+$0x180] =	vst v12  }
0x135: {  	v12 =	vld.idx.msk [tilespmem:v15+s10+$0x0], $0xffff;
	[tilespmem:s31+$0xFFFFFE80] =	vst v9  }
0x136: {  	v8 =	vld.idx.msk [tilespmem:v8+s10+$0x0], $0xffff;
	[tilespmem:s31+$0xFFFFFF00] =	vst v10  }
0x137: {  	[tilespmem:s31+$0xFFFFFF80] =	vst v11  }
0x138: {  	[tilespmem:s31+$0x0] =	vst v13  }
0x139: {  	[tilespmem:s31+$0x80] =	vst v14  }
0x13a: {  	[tilespmem:s31+$0x100] =	vst v12  }
0x13b: {  	[tilespmem:s31+$0xFFFFFE00] =	vst v8  }
0x13c: {  	v8 =	vld [tilespmem:s24+$0x6450];
	_ =	sdelay $0x3  }
0x13d: {  	s0 =	simm.s32 $0x7  }
0x13e: {  	s12 =	simm.s32 $0x1;
	v9 =	vadd.s32 s0, v8  }
0x13f: {  	s25 =	simm.s32 $0x2;
	v10 =	vadd.s32 s12, v8;
	v9 =	vadd.s32 v5, v9  }
0x140: {  	s26 =	simm.s32 $0x3;
	v11 =	vadd.s32 s25, v8;
	v10 =	vadd.s32 v5, v10  }
0x141: {  	s30 =	simm.s32 $0x4;
	v12 =	vadd.s32 s26, v8;
	v11 =	vadd.s32 v5, v11  }
0x142: {  	s31 =	simm.s32 $0x5;
	v13 =	vadd.s32 s30, v8;
	v12 =	vadd.s32 v5, v12  }
0x143: {  	v14 =	vadd.s32 s31, v8;
	s0 =	simm.s32 $0x6;
	v13 =	vadd.s32 v5, v13  }
0x144: {  	s12 =	simm.s32 $0x0;
	v14 =	vadd.s32 v5, v14;
	v15 =	vadd.s32 s0, v8;
	v16 =	vld.idx.msk [tilespmem:v9+s10+$0x0], $0xffff  }
0x145: {  	s26 =	simm.s32 $0xF;
	v9 =	vadd.s32 s12, v8;
	v17 =	vld.idx.msk [tilespmem:v10+s10+$0x0], $0xffff;
	v10 =	vadd.s32 v5, v15  }
0x146: {  	s30 =	simm.s32 $0x9;
	v15 =	vadd.s32 s26, v8;
	v20 =	vld.idx.msk [tilespmem:v11+s10+$0x0], $0xffff;
	v19 =	vadd.s32 v5, v9  }
0x147: {  	s31 =	simm.s32 $0xA;
	v21 =	vld.idx.msk [tilespmem:v12+s10+$0x0], $0xffff;
	v9 =	vadd.s32 s30, v8;
	v11 =	vadd.s32 v5, v15  }
0x148: {  	s0 =	simm.s32 $0xB;
	v12 =	vld.idx.msk [tilespmem:v13+s10+$0x0], $0xffff;
	v13 =	vadd.s32 s31, v8;
	v22 =	vadd.s32 v5, v9  }
0x149: {  	s25 =	simm.s32 $0x1CA50;
	s12 =	simm.s32 $0xC;
	v18 =	vadd.s32 v5, v13;
	v9 =	vld.idx.msk [tilespmem:v14+s10+$0x0], $0xffff;
	v14 =	vadd.s32 s0, v8  }
0x14a: {  	s26 =	simm.s32 $0xD;
	v13 =	vadd.s32 s12, v8;
	v15 =	vadd.s32 v5, v14;
	v10 =	vld.idx.msk [tilespmem:v10+s10+$0x0], $0xffff;
	[tilespmem:s25+$0x180] =	vst v16  }
0x14b: {  	s31 =	simm.s32 $0xE;
	[tilespmem:s25+$0xFFFFFE80] =	vst v17;
	v16 =	vadd.s32 v5, v13;
	v13 =	vadd.s32 s26, v8;
	v14 =	vld.idx.msk [tilespmem:v19+s10+$0x0], $0xffff  }
0x14c: {  	s30 =	simm.s32 $0x8;
	[tilespmem:s25+$0xFFFFFF00] =	vst v20;
	v19 =	vadd.s32 s31, v8;
	v11 =	vld.idx.msk [tilespmem:v11+s10+$0x0], $0xffff;
	v17 =	vadd.s32 v5, v13  }
0x14d: {  	s29 =	simm.s32 $0x17;
	s28 =	simm.s32 $0x18;
	s26 =	simm.s32 $0x10;
	v20 =	vadd.s32 s30, v8;
	[tilespmem:s25+$0xFFFFFF80] =	vst v21;
	v13 =	vld.idx.msk [tilespmem:v22+s10+$0x0], $0xffff;
	v19 =	vadd.s32 v5, v19  }
.LBB2_15:
0x14e: {  	p0 =	slt.u32 s28, $0x38;
	s1 =	sadd.s32 $0x1, s26;
	v21 =	vadd.s32 s29, v8;
	v20 =	vadd.s32 v5, v20;
	v22 =	vld.idx.msk [tilespmem:v18+s10+$0x0], $0xffff;
	[tilespmem:s25+$0x0] =	vst v12  }
0x14f: {  	v12 =	vadd.s32 s1, v8;
	s1 =	sadd.s32 $0x2, s26;
	v21 =	vadd.s32 v5, v21;
	v23 =	vld.idx.msk [tilespmem:v15+s10+$0x0], $0xffff;
	[tilespmem:s25+$0x80] =	vst v9  }
0x150: {  	v24 =	vadd.s32 v5, v12;
	v9 =	vadd.s32 s1, v8;
	s1 =	sadd.s32 $0x3, s26;
	v12 =	vld.idx.msk [tilespmem:v16+s10+$0x0], $0xffff;
	[tilespmem:s25+$0x100] =	vst v10  }
.Ltmp8:
0x151: {  	v18 =	vadd.s32 v5, v9;
	v10 =	vadd.s32 s1, v8;
	s1 =	sadd.s32 $0x4, s26;
	v9 =	vld.idx.msk [tilespmem:v17+s10+$0x0], $0xffff;
	[tilespmem:s25+$0xFFFFFE00] =	vst v14;
	s25 =	sadd.s32 $0x400, s25;
	(pc) =	sbr.rel @p0 .LBB2_15-.Ltmp8, $4  }
0x152: {  	v15 =	vadd.s32 v5, v10;
	v14 =	vadd.s32 s1, v8;
	s1 =	sadd.s32 $0x5, s26;
	v10 =	vld.idx.msk [tilespmem:v19+s10+$0x0], $0xffff;
	[tilespmem:s25+$0x180] =	vst v11  }
0x153: {  	v16 =	vadd.s32 v5, v14;
	v11 =	vadd.s32 s1, v8;
	s1 =	sadd.s32 $0x6, s26;
	v14 =	vld.idx.msk [tilespmem:v20+s10+$0x0], $0xffff;
	[tilespmem:s25+$0xFFFFFE80] =	vst v13  }
0x154: {  	v17 =	vadd.s32 v5, v11;
	v19 =	vadd.s32 s1, v8;
	v11 =	vld.idx.msk [tilespmem:v21+s10+$0x0], $0xffff;
	[tilespmem:s25+$0xFFFFFF00] =	vst v22  }
0x155: {  	s29 =	sadd.s32 $0x7, s28;
	v20 =	vadd.s32 s26, v8;
	s26 =	smov.u32 s28;
	s28 =	sadd.s32 $0x8, s28;
	v13 =	vld.idx.msk [tilespmem:v24+s10+$0x0], $0xffff;
	v19 =	vadd.s32 v5, v19;
	[tilespmem:s25+$0xFFFFFF80] =	vst v23  }
0x156: {  	_ =	sdelay $0x2  }
0x157: {  	[tilespmem:s25+$0x0] =	vst v12  }
0x158: {  	s1 =	sadd.s32 $0x1, s26;
	v12 =	vadd.s32 s29, v8;
	v20 =	vadd.s32 v5, v20;
	v18 =	vld.idx.msk [tilespmem:v18+s10+$0x0], $0xffff;
	[tilespmem:s25+$0x80] =	vst v9  }
0x159: {  	s12 =	sadd.s32 $0x2, s26;
	v15 =	vld.idx.msk [tilespmem:v15+s10+$0x0], $0xffff;
	v9 =	vadd.s32 s1, v8;
	v12 =	vadd.s32 v5, v12;
	[tilespmem:s25+$0x100] =	vst v10  }
0x15a: {  	s30 =	sadd.s32 $0x3, s26;
	v16 =	vld.idx.msk [tilespmem:v16+s10+$0x0], $0xffff;
	s31 =	sadd.s32 $0x400, s25;
	v10 =	vadd.s32 s12, v8;
	v9 =	vadd.s32 v5, v9;
	[tilespmem:s25+$0xFFFFFE00] =	vst v14  }
0x15b: {  	s0 =	sadd.s32 $0x4, s26;
	v17 =	vld.idx.msk [tilespmem:v17+s10+$0x0], $0xffff;
	v10 =	vadd.s32 v5, v10;
	v14 =	vadd.s32 s30, v8;
	[tilespmem:s31+$0x180] =	vst v11  }
0x15c: {  	v19 =	vld.idx.msk [tilespmem:v19+s10+$0x0], $0xffff;
	s12 =	sadd.s32 $0x5, s26;
	v11 =	vadd.s32 v5, v14;
	v14 =	vadd.s32 s0, v8;
	[tilespmem:s31+$0xFFFFFE80] =	vst v13  }
0x15d: {  	s30 =	sadd.s32 $0x6, s26;
	v13 =	vadd.s32 v5, v14;
	v14 =	vadd.s32 s12, v8;
	v20 =	vld.idx.msk [tilespmem:v20+s10+$0x0], $0xffff;
	[tilespmem:s31+$0xFFFFFF00] =	vst v18  }
0x15e: {  	v14 =	vadd.s32 v5, v14;
	v18 =	vadd.s32 s30, v8;
	[tilespmem:s31+$0xFFFFFF80] =	vst v15;
	v12 =	vld.idx.msk [tilespmem:v12+s10+$0x0], $0xffff  }
0x15f: {  	v8 =	vadd.s32 s26, v8;
	[tilespmem:s31+$0x0] =	vst v16;
	v15 =	vadd.s32 v5, v18;
	v9 =	vld.idx.msk [tilespmem:v9+s10+$0x0], $0xffff  }
0x160: {  	[tilespmem:s31+$0x80] =	vst v17;
	v8 =	vadd.s32 v5, v8;
	v10 =	vld.idx.msk [tilespmem:v10+s10+$0x0], $0xffff  }
0x161: {  	[tilespmem:s31+$0x100] =	vst v19;
	v11 =	vld.idx.msk [tilespmem:v11+s10+$0x0], $0xffff  }
0x162: {  	v13 =	vld.idx.msk [tilespmem:v13+s10+$0x0], $0xffff;
	[tilespmem:s31+$0xFFFFFE00] =	vst v20;
	s31 =	sadd.s32 $0x400, s31  }
0x163: {  	v14 =	vld.idx.msk [tilespmem:v14+s10+$0x0], $0xffff;
	[tilespmem:s31+$0x180] =	vst v12  }
0x164: {  	v12 =	vld.idx.msk [tilespmem:v15+s10+$0x0], $0xffff;
	[tilespmem:s31+$0xFFFFFE80] =	vst v9  }
0x165: {  	v8 =	vld.idx.msk [tilespmem:v8+s10+$0x0], $0xffff;
	[tilespmem:s31+$0xFFFFFF00] =	vst v10  }
0x166: {  	[tilespmem:s31+$0xFFFFFF80] =	vst v11  }
0x167: {  	[tilespmem:s31+$0x0] =	vst v13  }
0x168: {  	[tilespmem:s31+$0x80] =	vst v14  }
0x169: {  	[tilespmem:s31+$0x100] =	vst v12  }
0x16a: {  	[tilespmem:s31+$0xFFFFFE00] =	vst v8  }
0x16b: {  	v8 =	vld [tilespmem:s24+$0x6460];
	_ =	sdelay $0x3  }
0x16c: {  	s0 =	simm.s32 $0x7  }
0x16d: {  	s12 =	simm.s32 $0x1;
	v9 =	vadd.s32 s0, v8  }
0x16e: {  	s25 =	simm.s32 $0x2;
	v10 =	vadd.s32 s12, v8;
	v9 =	vadd.s32 v6, v9  }
0x16f: {  	s26 =	simm.s32 $0x3;
	v11 =	vadd.s32 s25, v8;
	v10 =	vadd.s32 v6, v10  }
0x170: {  	s30 =	simm.s32 $0x4;
	v12 =	vadd.s32 s26, v8;
	v11 =	vadd.s32 v6, v11  }
0x171: {  	s31 =	simm.s32 $0x5;
	v13 =	vadd.s32 s30, v8;
	v12 =	vadd.s32 v6, v12  }
0x172: {  	v14 =	vadd.s32 s31, v8;
	s0 =	simm.s32 $0x6;
	v13 =	vadd.s32 v6, v13  }
0x173: {  	s12 =	simm.s32 $0x0;
	v14 =	vadd.s32 v6, v14;
	v15 =	vadd.s32 s0, v8;
	v16 =	vld.idx.msk [tilespmem:v9+s10+$0x0], $0xffff  }
0x174: {  	s26 =	simm.s32 $0xF;
	v9 =	vadd.s32 s12, v8;
	v17 =	vld.idx.msk [tilespmem:v10+s10+$0x0], $0xffff;
	v10 =	vadd.s32 v6, v15  }
0x175: {  	s30 =	simm.s32 $0x9;
	v15 =	vadd.s32 s26, v8;
	v20 =	vld.idx.msk [tilespmem:v11+s10+$0x0], $0xffff;
	v19 =	vadd.s32 v6, v9  }
0x176: {  	s31 =	simm.s32 $0xA;
	v21 =	vld.idx.msk [tilespmem:v12+s10+$0x0], $0xffff;
	v9 =	vadd.s32 s30, v8;
	v11 =	vadd.s32 v6, v15  }
0x177: {  	s0 =	simm.s32 $0xB;
	v12 =	vld.idx.msk [tilespmem:v13+s10+$0x0], $0xffff;
	v13 =	vadd.s32 s31, v8;
	v22 =	vadd.s32 v6, v9  }
0x178: {  	s25 =	simm.s32 $0x1CA60;
	s12 =	simm.s32 $0xC;
	v18 =	vadd.s32 v6, v13;
	v9 =	vld.idx.msk [tilespmem:v14+s10+$0x0], $0xffff;
	v14 =	vadd.s32 s0, v8  }
0x179: {  	s26 =	simm.s32 $0xD;
	v13 =	vadd.s32 s12, v8;
	v15 =	vadd.s32 v6, v14;
	v10 =	vld.idx.msk [tilespmem:v10+s10+$0x0], $0xffff;
	[tilespmem:s25+$0x180] =	vst v16  }
0x17a: {  	s31 =	simm.s32 $0xE;
	[tilespmem:s25+$0xFFFFFE80] =	vst v17;
	v16 =	vadd.s32 v6, v13;
	v13 =	vadd.s32 s26, v8;
	v14 =	vld.idx.msk [tilespmem:v19+s10+$0x0], $0xffff  }
0x17b: {  	s30 =	simm.s32 $0x8;
	[tilespmem:s25+$0xFFFFFF00] =	vst v20;
	v19 =	vadd.s32 s31, v8;
	v11 =	vld.idx.msk [tilespmem:v11+s10+$0x0], $0xffff;
	v17 =	vadd.s32 v6, v13  }
0x17c: {  	s29 =	simm.s32 $0x17;
	s28 =	simm.s32 $0x18;
	s26 =	simm.s32 $0x10;
	v20 =	vadd.s32 s30, v8;
	[tilespmem:s25+$0xFFFFFF80] =	vst v21;
	v13 =	vld.idx.msk [tilespmem:v22+s10+$0x0], $0xffff;
	v19 =	vadd.s32 v6, v19  }
.LBB2_17:
0x17d: {  	p0 =	slt.u32 s28, $0x38;
	s1 =	sadd.s32 $0x1, s26;
	v21 =	vadd.s32 s29, v8;
	v20 =	vadd.s32 v6, v20;
	v22 =	vld.idx.msk [tilespmem:v18+s10+$0x0], $0xffff;
	[tilespmem:s25+$0x0] =	vst v12  }
0x17e: {  	v12 =	vadd.s32 s1, v8;
	s1 =	sadd.s32 $0x2, s26;
	v21 =	vadd.s32 v6, v21;
	v23 =	vld.idx.msk [tilespmem:v15+s10+$0x0], $0xffff;
	[tilespmem:s25+$0x80] =	vst v9  }
0x17f: {  	v24 =	vadd.s32 v6, v12;
	v9 =	vadd.s32 s1, v8;
	s1 =	sadd.s32 $0x3, s26;
	v12 =	vld.idx.msk [tilespmem:v16+s10+$0x0], $0xffff;
	[tilespmem:s25+$0x100] =	vst v10  }
.Ltmp9:
0x180: {  	v18 =	vadd.s32 v6, v9;
	v10 =	vadd.s32 s1, v8;
	s1 =	sadd.s32 $0x4, s26;
	v9 =	vld.idx.msk [tilespmem:v17+s10+$0x0], $0xffff;
	[tilespmem:s25+$0xFFFFFE00] =	vst v14;
	s25 =	sadd.s32 $0x400, s25;
	(pc) =	sbr.rel @p0 .LBB2_17-.Ltmp9, $4  }
0x181: {  	v15 =	vadd.s32 v6, v10;
	v14 =	vadd.s32 s1, v8;
	s1 =	sadd.s32 $0x5, s26;
	v10 =	vld.idx.msk [tilespmem:v19+s10+$0x0], $0xffff;
	[tilespmem:s25+$0x180] =	vst v11  }
0x182: {  	v16 =	vadd.s32 v6, v14;
	v11 =	vadd.s32 s1, v8;
	s1 =	sadd.s32 $0x6, s26;
	v14 =	vld.idx.msk [tilespmem:v20+s10+$0x0], $0xffff;
	[tilespmem:s25+$0xFFFFFE80] =	vst v13  }
0x183: {  	v17 =	vadd.s32 v6, v11;
	v19 =	vadd.s32 s1, v8;
	v11 =	vld.idx.msk [tilespmem:v21+s10+$0x0], $0xffff;
	[tilespmem:s25+$0xFFFFFF00] =	vst v22  }
0x184: {  	s29 =	sadd.s32 $0x7, s28;
	v20 =	vadd.s32 s26, v8;
	s26 =	smov.u32 s28;
	s28 =	sadd.s32 $0x8, s28;
	v13 =	vld.idx.msk [tilespmem:v24+s10+$0x0], $0xffff;
	v19 =	vadd.s32 v6, v19;
	[tilespmem:s25+$0xFFFFFF80] =	vst v23  }
0x185: {  	_ =	sdelay $0x2  }
0x186: {  	[tilespmem:s25+$0x0] =	vst v12  }
0x187: {  	s1 =	sadd.s32 $0x1, s26;
	v12 =	vadd.s32 s29, v8;
	v20 =	vadd.s32 v6, v20;
	v18 =	vld.idx.msk [tilespmem:v18+s10+$0x0], $0xffff;
	[tilespmem:s25+$0x80] =	vst v9  }
0x188: {  	s12 =	sadd.s32 $0x2, s26;
	v15 =	vld.idx.msk [tilespmem:v15+s10+$0x0], $0xffff;
	v9 =	vadd.s32 s1, v8;
	v12 =	vadd.s32 v6, v12;
	[tilespmem:s25+$0x100] =	vst v10  }
0x189: {  	s30 =	sadd.s32 $0x3, s26;
	v16 =	vld.idx.msk [tilespmem:v16+s10+$0x0], $0xffff;
	s31 =	sadd.s32 $0x400, s25;
	v10 =	vadd.s32 s12, v8;
	v9 =	vadd.s32 v6, v9;
	[tilespmem:s25+$0xFFFFFE00] =	vst v14  }
0x18a: {  	s0 =	sadd.s32 $0x4, s26;
	v17 =	vld.idx.msk [tilespmem:v17+s10+$0x0], $0xffff;
	v10 =	vadd.s32 v6, v10;
	v14 =	vadd.s32 s30, v8;
	[tilespmem:s31+$0x180] =	vst v11  }
0x18b: {  	v19 =	vld.idx.msk [tilespmem:v19+s10+$0x0], $0xffff;
	s12 =	sadd.s32 $0x5, s26;
	v11 =	vadd.s32 v6, v14;
	v14 =	vadd.s32 s0, v8;
	[tilespmem:s31+$0xFFFFFE80] =	vst v13  }
0x18c: {  	s30 =	sadd.s32 $0x6, s26;
	v13 =	vadd.s32 v6, v14;
	v14 =	vadd.s32 s12, v8;
	v20 =	vld.idx.msk [tilespmem:v20+s10+$0x0], $0xffff;
	[tilespmem:s31+$0xFFFFFF00] =	vst v18  }
0x18d: {  	v14 =	vadd.s32 v6, v14;
	v18 =	vadd.s32 s30, v8;
	[tilespmem:s31+$0xFFFFFF80] =	vst v15;
	v12 =	vld.idx.msk [tilespmem:v12+s10+$0x0], $0xffff  }
0x18e: {  	v8 =	vadd.s32 s26, v8;
	[tilespmem:s31+$0x0] =	vst v16;
	v15 =	vadd.s32 v6, v18;
	v9 =	vld.idx.msk [tilespmem:v9+s10+$0x0], $0xffff  }
0x18f: {  	[tilespmem:s31+$0x80] =	vst v17;
	v8 =	vadd.s32 v6, v8;
	v10 =	vld.idx.msk [tilespmem:v10+s10+$0x0], $0xffff  }
0x190: {  	[tilespmem:s31+$0x100] =	vst v19;
	v11 =	vld.idx.msk [tilespmem:v11+s10+$0x0], $0xffff  }
0x191: {  	v13 =	vld.idx.msk [tilespmem:v13+s10+$0x0], $0xffff;
	[tilespmem:s31+$0xFFFFFE00] =	vst v20;
	s31 =	sadd.s32 $0x400, s31  }
0x192: {  	v14 =	vld.idx.msk [tilespmem:v14+s10+$0x0], $0xffff;
	[tilespmem:s31+$0x180] =	vst v12  }
0x193: {  	v12 =	vld.idx.msk [tilespmem:v15+s10+$0x0], $0xffff;
	[tilespmem:s31+$0xFFFFFE80] =	vst v9  }
0x194: {  	v8 =	vld.idx.msk [tilespmem:v8+s10+$0x0], $0xffff;
	[tilespmem:s31+$0xFFFFFF00] =	vst v10  }
0x195: {  	[tilespmem:s31+$0xFFFFFF80] =	vst v11  }
0x196: {  	[tilespmem:s31+$0x0] =	vst v13  }
0x197: {  	[tilespmem:s31+$0x80] =	vst v14  }
0x198: {  	[tilespmem:s31+$0x100] =	vst v12  }
0x199: {  	[tilespmem:s31+$0xFFFFFE00] =	vst v8  }
0x19a: {  	v8 =	vld [tilespmem:s24+$0x6470];
	_ =	sdelay $0x3  }
0x19b: {  	s0 =	simm.s32 $0x7  }
0x19c: {  	s12 =	simm.s32 $0x1;
	v9 =	vadd.s32 s0, v8  }
0x19d: {  	s25 =	simm.s32 $0x2;
	v10 =	vadd.s32 s12, v8;
	v9 =	vadd.s32 v7, v9  }
0x19e: {  	s26 =	simm.s32 $0x3;
	v11 =	vadd.s32 s25, v8;
	v10 =	vadd.s32 v7, v10  }
0x19f: {  	s30 =	simm.s32 $0x4;
	v12 =	vadd.s32 s26, v8;
	v11 =	vadd.s32 v7, v11  }
0x1a0: {  	s31 =	simm.s32 $0x5;
	v13 =	vadd.s32 s30, v8;
	v12 =	vadd.s32 v7, v12  }
0x1a1: {  	v14 =	vadd.s32 s31, v8;
	s0 =	simm.s32 $0x6;
	v13 =	vadd.s32 v7, v13  }
0x1a2: {  	s12 =	simm.s32 $0x0;
	v14 =	vadd.s32 v7, v14;
	v15 =	vadd.s32 s0, v8;
	v16 =	vld.idx.msk [tilespmem:v9+s10+$0x0], $0xffff  }
0x1a3: {  	s26 =	simm.s32 $0xF;
	v9 =	vadd.s32 s12, v8;
	v17 =	vld.idx.msk [tilespmem:v10+s10+$0x0], $0xffff;
	v10 =	vadd.s32 v7, v15  }
0x1a4: {  	s30 =	simm.s32 $0x9;
	v15 =	vadd.s32 s26, v8;
	v20 =	vld.idx.msk [tilespmem:v11+s10+$0x0], $0xffff;
	v19 =	vadd.s32 v7, v9  }
0x1a5: {  	s31 =	simm.s32 $0xA;
	v21 =	vld.idx.msk [tilespmem:v12+s10+$0x0], $0xffff;
	v9 =	vadd.s32 s30, v8;
	v11 =	vadd.s32 v7, v15  }
0x1a6: {  	s0 =	simm.s32 $0xB;
	v12 =	vld.idx.msk [tilespmem:v13+s10+$0x0], $0xffff;
	v13 =	vadd.s32 s31, v8;
	v22 =	vadd.s32 v7, v9  }
0x1a7: {  	s25 =	simm.s32 $0x1CA70;
	s12 =	simm.s32 $0xC;
	v18 =	vadd.s32 v7, v13;
	v9 =	vld.idx.msk [tilespmem:v14+s10+$0x0], $0xffff;
	v14 =	vadd.s32 s0, v8  }
0x1a8: {  	s26 =	simm.s32 $0xD;
	v13 =	vadd.s32 s12, v8;
	v15 =	vadd.s32 v7, v14;
	v10 =	vld.idx.msk [tilespmem:v10+s10+$0x0], $0xffff;
	[tilespmem:s25+$0x180] =	vst v16  }
0x1a9: {  	s31 =	simm.s32 $0xE;
	[tilespmem:s25+$0xFFFFFE80] =	vst v17;
	v16 =	vadd.s32 v7, v13;
	v13 =	vadd.s32 s26, v8;
	v14 =	vld.idx.msk [tilespmem:v19+s10+$0x0], $0xffff  }
0x1aa: {  	s30 =	simm.s32 $0x8;
	[tilespmem:s25+$0xFFFFFF00] =	vst v20;
	v19 =	vadd.s32 s31, v8;
	v11 =	vld.idx.msk [tilespmem:v11+s10+$0x0], $0xffff;
	v17 =	vadd.s32 v7, v13  }
0x1ab: {  	s29 =	simm.s32 $0x17;
	s28 =	simm.s32 $0x18;
	s26 =	simm.s32 $0x10;
	v20 =	vadd.s32 s30, v8;
	[tilespmem:s25+$0xFFFFFF80] =	vst v21;
	v13 =	vld.idx.msk [tilespmem:v22+s10+$0x0], $0xffff;
	v19 =	vadd.s32 v7, v19  }
.LBB2_19:
0x1ac: {  	p0 =	slt.u32 s28, $0x38;
	s1 =	sadd.s32 $0x1, s26;
	v21 =	vadd.s32 s29, v8;
	v20 =	vadd.s32 v7, v20;
	v22 =	vld.idx.msk [tilespmem:v18+s10+$0x0], $0xffff;
	[tilespmem:s25+$0x0] =	vst v12  }
0x1ad: {  	v12 =	vadd.s32 s1, v8;
	s1 =	sadd.s32 $0x2, s26;
	v21 =	vadd.s32 v7, v21;
	v23 =	vld.idx.msk [tilespmem:v15+s10+$0x0], $0xffff;
	[tilespmem:s25+$0x80] =	vst v9  }
0x1ae: {  	v24 =	vadd.s32 v7, v12;
	v9 =	vadd.s32 s1, v8;
	s1 =	sadd.s32 $0x3, s26;
	v12 =	vld.idx.msk [tilespmem:v16+s10+$0x0], $0xffff;
	[tilespmem:s25+$0x100] =	vst v10  }
.Ltmp10:
0x1af: {  	v18 =	vadd.s32 v7, v9;
	v10 =	vadd.s32 s1, v8;
	s1 =	sadd.s32 $0x4, s26;
	v9 =	vld.idx.msk [tilespmem:v17+s10+$0x0], $0xffff;
	[tilespmem:s25+$0xFFFFFE00] =	vst v14;
	s25 =	sadd.s32 $0x400, s25;
	(pc) =	sbr.rel @p0 .LBB2_19-.Ltmp10, $4  }
0x1b0: {  	v15 =	vadd.s32 v7, v10;
	v14 =	vadd.s32 s1, v8;
	s1 =	sadd.s32 $0x5, s26;
	v10 =	vld.idx.msk [tilespmem:v19+s10+$0x0], $0xffff;
	[tilespmem:s25+$0x180] =	vst v11  }
0x1b1: {  	v16 =	vadd.s32 v7, v14;
	v11 =	vadd.s32 s1, v8;
	s1 =	sadd.s32 $0x6, s26;
	v14 =	vld.idx.msk [tilespmem:v20+s10+$0x0], $0xffff;
	[tilespmem:s25+$0xFFFFFE80] =	vst v13  }
0x1b2: {  	v17 =	vadd.s32 v7, v11;
	v19 =	vadd.s32 s1, v8;
	v11 =	vld.idx.msk [tilespmem:v21+s10+$0x0], $0xffff;
	[tilespmem:s25+$0xFFFFFF00] =	vst v22  }
0x1b3: {  	s29 =	sadd.s32 $0x7, s28;
	v20 =	vadd.s32 s26, v8;
	s26 =	smov.u32 s28;
	s28 =	sadd.s32 $0x8, s28;
	v13 =	vld.idx.msk [tilespmem:v24+s10+$0x0], $0xffff;
	v19 =	vadd.s32 v7, v19;
	[tilespmem:s25+$0xFFFFFF80] =	vst v23  }
0x1b4: {  	_ =	sdelay $0x2  }
0x1b5: {  	[tilespmem:s25+$0x0] =	vst v12  }
0x1b6: {  	s1 =	sadd.s32 $0x1, s26;
	v12 =	vadd.s32 s29, v8;
	v20 =	vadd.s32 v7, v20;
	v18 =	vld.idx.msk [tilespmem:v18+s10+$0x0], $0xffff;
	[tilespmem:s25+$0x80] =	vst v9  }
0x1b7: {  	s12 =	sadd.s32 $0x2, s26;
	v15 =	vld.idx.msk [tilespmem:v15+s10+$0x0], $0xffff;
	v9 =	vadd.s32 s1, v8;
	v12 =	vadd.s32 v7, v12;
	[tilespmem:s25+$0x100] =	vst v10  }
0x1b8: {  	s0 =	sadd.s32 $0x3, s26;
	v16 =	vld.idx.msk [tilespmem:v16+s10+$0x0], $0xffff;
	v10 =	vadd.s32 s12, v8;
	v9 =	vadd.s32 v7, v9;
	[tilespmem:s25+$0xFFFFFE00] =	vst v14;
	s25 =	sadd.s32 $0x400, s25  }
0x1b9: {  	v17 =	vld.idx.msk [tilespmem:v17+s10+$0x0], $0xffff;
	s12 =	sadd.s32 $0x4, s26;
	v10 =	vadd.s32 v7, v10;
	v14 =	vadd.s32 s0, v8;
	[tilespmem:s25+$0x180] =	vst v11  }
0x1ba: {  	v19 =	vld.idx.msk [tilespmem:v19+s10+$0x0], $0xffff;
	s0 =	sadd.s32 $0x5, s26;
	v11 =	vadd.s32 v7, v14;
	v14 =	vadd.s32 s12, v8;
	[tilespmem:s25+$0xFFFFFE80] =	vst v13  }
0x1bb: {  	s12 =	sadd.s32 $0x6, s26;
	v13 =	vadd.s32 v7, v14;
	v14 =	vadd.s32 s0, v8;
	v20 =	vld.idx.msk [tilespmem:v20+s10+$0x0], $0xffff;
	[tilespmem:s25+$0xFFFFFF00] =	vst v18  }
0x1bc: {  	v14 =	vadd.s32 v7, v14;
	v18 =	vadd.s32 s12, v8;
	[tilespmem:s25+$0xFFFFFF80] =	vst v15;
	v12 =	vld.idx.msk [tilespmem:v12+s10+$0x0], $0xffff  }
0x1bd: {  	v8 =	vadd.s32 s26, v8;
	[tilespmem:s25+$0x0] =	vst v16;
	v15 =	vadd.s32 v7, v18;
	v9 =	vld.idx.msk [tilespmem:v9+s10+$0x0], $0xffff  }
0x1be: {  	[tilespmem:s25+$0x80] =	vst v17;
	v8 =	vadd.s32 v7, v8;
	v10 =	vld.idx.msk [tilespmem:v10+s10+$0x0], $0xffff  }
0x1bf: {  	[tilespmem:s25+$0x100] =	vst v19;
	v11 =	vld.idx.msk [tilespmem:v11+s10+$0x0], $0xffff  }
0x1c0: {  	s26 =	sadd.s32 $0x400, s25;
	v13 =	vld.idx.msk [tilespmem:v13+s10+$0x0], $0xffff;
	[tilespmem:s25+$0xFFFFFE00] =	vst v20  }
0x1c1: {  	v14 =	vld.idx.msk [tilespmem:v14+s10+$0x0], $0xffff;
	[tilespmem:s26+$0x180] =	vst v12  }
0x1c2: {  	v12 =	vld.idx.msk [tilespmem:v15+s10+$0x0], $0xffff;
	[tilespmem:s26+$0xFFFFFE80] =	vst v9  }
0x1c3: {  	v8 =	vld.idx.msk [tilespmem:v8+s10+$0x0], $0xffff;
	[tilespmem:s26+$0xFFFFFF00] =	vst v10  }
0x1c4: {  	[tilespmem:s26+$0xFFFFFF80] =	vst v11  }
0x1c5: {  	[tilespmem:s26+$0x0] =	vst v13  }
0x1c6: {  	s0 =	sshll.u32 s23, $0x14;
	[tilespmem:s26+$0x80] =	vst v14  }
0x1c7: {  	p0 =	seq.s32 s23, $0x0;
	s25 =	sor.u32 s6, s0;
	[tilespmem:s26+$0x100] =	vst v12  }
0x1c8: {  	s1 =	simm.s32 @!p0 $0x2;
	s12 =	sshrl.u32 s25, $0x3;
	s25 =	sshll.u32 s23, $0x2;
	[tilespmem:s26+$0xFFFFFE00] =	vst v8  }
0x1c9: {  	s26 =	sor.u32 $0x1, s25;
	_ =	swait.ge @!p0 [sflag:s1], $0x2000  }
0x1ca: {  	s0 =	sadd.s32 s3, s12;
	s12 =	sshll.u32 s26, $0x7;
	[sflag:s1] =	ssyncset.done @!p0 $0x0  }
0x1cb: {  	s28 =	sand.u32 $0x3FFFFF80, s12;
	[sflag:s1] =	ssyncadd.s32 @!p0 $0xFFFFE000  }
0x1cc: {  	[hbm4b:s0+s17] =	stream.strided.scatter [tilespmem:s19], [sflag:$0x2], $0x2000, s18, s17, $0x38;
	[tilespmem:$0x1E800] =	vst v63  }
0x1cd: {  	v8 =	vld [tilespmem:s28+$0x6400];
	_ =	sdelay $0x3  }
0x1ce: {  	s0 =	simm.s32 $0x7  }
0x1cf: {  	s29 =	simm.s32 $0x1;
	v9 =	vadd.s32 s0, v8  }
0x1d0: {  	s12 =	simm.s32 $0x2;
	v10 =	vadd.s32 s29, v8;
	v9 =	vadd.s32 v0, v9  }
0x1d1: {  	v11 =	vadd.s32 s12, v8;
	s0 =	simm.s32 $0x3;
	v10 =	vadd.s32 v0, v10  }
0x1d2: {  	s12 =	simm.s32 $0x4;
	v11 =	vadd.s32 v0, v11;
	v12 =	vadd.s32 s0, v8  }
0x1d3: {  	v13 =	vadd.s32 s12, v8;
	s0 =	simm.s32 $0x5;
	v12 =	vadd.s32 v0, v12  }
0x1d4: {  	s12 =	simm.s32 $0x6;
	v13 =	vadd.s32 v0, v13;
	v14 =	vadd.s32 s0, v8  }
0x1d5: {  	s29 =	simm.s32 $0x0;
	v15 =	vadd.s32 s12, v8;
	v14 =	vadd.s32 v0, v14;
	v16 =	vld.idx.msk [tilespmem:v9+s11+$0x0], $0xffff  }
0x1d6: {  	s0 =	simm.s32 $0xF;
	v9 =	vadd.s32 s29, v8;
	v17 =	vld.idx.msk [tilespmem:v10+s11+$0x0], $0xffff;
	v10 =	vadd.s32 v0, v15  }
0x1d7: {  	s29 =	simm.s32 $0x9;
	v15 =	vadd.s32 s0, v8;
	v20 =	vld.idx.msk [tilespmem:v11+s11+$0x0], $0xffff;
	v19 =	vadd.s32 v0, v9  }
0x1d8: {  	s12 =	simm.s32 $0xA;
	v9 =	vadd.s32 s29, v8;
	v11 =	vadd.s32 v0, v15;
	v21 =	vld.idx.msk [tilespmem:v12+s11+$0x0], $0xffff  }
0x1d9: {  	s30 =	simm.s32 $0xB;
	v12 =	vld.idx.msk [tilespmem:v13+s11+$0x0], $0xffff;
	v13 =	vadd.s32 s12, v8;
	v22 =	vadd.s32 v0, v9  }
0x1da: {  	s0 =	simm.s32 $0xC;
	s29 =	simm.s32 $0x1CA00;
	v9 =	vld.idx.msk [tilespmem:v14+s11+$0x0], $0xffff;
	v14 =	vadd.s32 s30, v8;
	v18 =	vadd.s32 v0, v13  }
0x1db: {  	s12 =	simm.s32 $0xD;
	v13 =	vadd.s32 s0, v8;
	v15 =	vadd.s32 v0, v14;
	v10 =	vld.idx.msk [tilespmem:v10+s11+$0x0], $0xffff;
	[tilespmem:s29+$0x180] =	vst v16  }
0x1dc: {  	s30 =	simm.s32 $0xE;
	[tilespmem:s29+$0xFFFFFE80] =	vst v17;
	v16 =	vadd.s32 v0, v13;
	v13 =	vadd.s32 s12, v8;
	v14 =	vld.idx.msk [tilespmem:v19+s11+$0x0], $0xffff  }
0x1dd: {  	s0 =	simm.s32 $0x8;
	[tilespmem:s29+$0xFFFFFF00] =	vst v20;
	v19 =	vadd.s32 s30, v8;
	v11 =	vld.idx.msk [tilespmem:v11+s11+$0x0], $0xffff;
	v17 =	vadd.s32 v0, v13  }
0x1de: {  	s31 =	simm.s32 $0x18;
	s1 =	simm.s32 $0x17;
	v20 =	vadd.s32 s0, v8;
	s30 =	simm.s32 $0x10;
	[tilespmem:s29+$0xFFFFFF80] =	vst v21;
	v13 =	vld.idx.msk [tilespmem:v22+s11+$0x0], $0xffff;
	v19 =	vadd.s32 v0, v19  }
.LBB2_21:
0x1df: {  	p0 =	slt.u32 s31, $0x38;
	s0 =	sadd.s32 $0x1, s30;
	v21 =	vadd.s32 s1, v8;
	v20 =	vadd.s32 v0, v20;
	v22 =	vld.idx.msk [tilespmem:v18+s11+$0x0], $0xffff;
	[tilespmem:s29+$0x0] =	vst v12  }
0x1e0: {  	v12 =	vadd.s32 s0, v8;
	s0 =	sadd.s32 $0x2, s30;
	v21 =	vadd.s32 v0, v21;
	v23 =	vld.idx.msk [tilespmem:v15+s11+$0x0], $0xffff;
	[tilespmem:s29+$0x80] =	vst v9  }
0x1e1: {  	v24 =	vadd.s32 v0, v12;
	v9 =	vadd.s32 s0, v8;
	s0 =	sadd.s32 $0x3, s30;
	v12 =	vld.idx.msk [tilespmem:v16+s11+$0x0], $0xffff;
	[tilespmem:s29+$0x100] =	vst v10  }
.Ltmp11:
0x1e2: {  	v18 =	vadd.s32 v0, v9;
	v10 =	vadd.s32 s0, v8;
	s0 =	sadd.s32 $0x4, s30;
	v9 =	vld.idx.msk [tilespmem:v17+s11+$0x0], $0xffff;
	[tilespmem:s29+$0xFFFFFE00] =	vst v14;
	s29 =	sadd.s32 $0x400, s29;
	(pc) =	sbr.rel @p0 .LBB2_21-.Ltmp11, $4  }
0x1e3: {  	v15 =	vadd.s32 v0, v10;
	v14 =	vadd.s32 s0, v8;
	s0 =	sadd.s32 $0x5, s30;
	v10 =	vld.idx.msk [tilespmem:v19+s11+$0x0], $0xffff;
	[tilespmem:s29+$0x180] =	vst v11  }
0x1e4: {  	v16 =	vadd.s32 v0, v14;
	v11 =	vadd.s32 s0, v8;
	s0 =	sadd.s32 $0x6, s30;
	v14 =	vld.idx.msk [tilespmem:v20+s11+$0x0], $0xffff;
	[tilespmem:s29+$0xFFFFFE80] =	vst v13  }
0x1e5: {  	v17 =	vadd.s32 v0, v11;
	v19 =	vadd.s32 s0, v8;
	v11 =	vld.idx.msk [tilespmem:v21+s11+$0x0], $0xffff;
	[tilespmem:s29+$0xFFFFFF00] =	vst v22  }
0x1e6: {  	s1 =	sadd.s32 $0x7, s31;
	v20 =	vadd.s32 s30, v8;
	s30 =	smov.u32 s31;
	s31 =	sadd.s32 $0x8, s31;
	v13 =	vld.idx.msk [tilespmem:v24+s11+$0x0], $0xffff;
	v19 =	vadd.s32 v0, v19;
	[tilespmem:s29+$0xFFFFFF80] =	vst v23  }
0x1e7: {  	_ =	sdelay $0x2  }
0x1e8: {  	[tilespmem:s29+$0x0] =	vst v12  }
0x1e9: {  	s0 =	sadd.s32 $0x1, s30;
	v12 =	vadd.s32 s1, v8;
	v20 =	vadd.s32 v0, v20;
	v18 =	vld.idx.msk [tilespmem:v18+s11+$0x0], $0xffff;
	[tilespmem:s29+$0x80] =	vst v9  }
0x1ea: {  	s1 =	sadd.s32 $0x2, s30;
	v15 =	vld.idx.msk [tilespmem:v15+s11+$0x0], $0xffff;
	v9 =	vadd.s32 s0, v8;
	v12 =	vadd.s32 v0, v12;
	[tilespmem:s29+$0x100] =	vst v10  }
0x1eb: {  	s12 =	sadd.s32 $0x3, s30;
	v16 =	vld.idx.msk [tilespmem:v16+s11+$0x0], $0xffff;
	v10 =	vadd.s32 s1, v8;
	s1 =	sadd.s32 $0x400, s29;
	v9 =	vadd.s32 v0, v9;
	[tilespmem:s29+$0xFFFFFE00] =	vst v14  }
0x1ec: {  	v17 =	vld.idx.msk [tilespmem:v17+s11+$0x0], $0xffff;
	v10 =	vadd.s32 v0, v10;
	v14 =	vadd.s32 s12, v8;
	s12 =	sadd.s32 $0x4, s30;
	[tilespmem:s1+$0x180] =	vst v11  }
0x1ed: {  	v19 =	vld.idx.msk [tilespmem:v19+s11+$0x0], $0xffff;
	v11 =	vadd.s32 v0, v14;
	v14 =	vadd.s32 s12, v8;
	s12 =	sadd.s32 $0x5, s30;
	[tilespmem:s1+$0xFFFFFE80] =	vst v13  }
0x1ee: {  	v13 =	vadd.s32 v0, v14;
	v14 =	vadd.s32 s12, v8;
	s12 =	sadd.s32 $0x6, s30;
	v20 =	vld.idx.msk [tilespmem:v20+s11+$0x0], $0xffff;
	[tilespmem:s1+$0xFFFFFF00] =	vst v18  }
0x1ef: {  	v14 =	vadd.s32 v0, v14;
	v18 =	vadd.s32 s12, v8;
	[tilespmem:s1+$0xFFFFFF80] =	vst v15;
	v12 =	vld.idx.msk [tilespmem:v12+s11+$0x0], $0xffff  }
0x1f0: {  	v8 =	vadd.s32 s30, v8;
	[tilespmem:s1+$0x0] =	vst v16;
	v15 =	vadd.s32 v0, v18;
	v9 =	vld.idx.msk [tilespmem:v9+s11+$0x0], $0xffff  }
0x1f1: {  	[tilespmem:s1+$0x80] =	vst v17;
	v8 =	vadd.s32 v0, v8;
	v10 =	vld.idx.msk [tilespmem:v10+s11+$0x0], $0xffff  }
0x1f2: {  	[tilespmem:s1+$0x100] =	vst v19;
	v11 =	vld.idx.msk [tilespmem:v11+s11+$0x0], $0xffff  }
0x1f3: {  	s12 =	sadd.s32 $0x400, s1;
	v13 =	vld.idx.msk [tilespmem:v13+s11+$0x0], $0xffff;
	[tilespmem:s1+$0xFFFFFE00] =	vst v20  }
0x1f4: {  	v14 =	vld.idx.msk [tilespmem:v14+s11+$0x0], $0xffff;
	[tilespmem:s12+$0x180] =	vst v12  }
0x1f5: {  	v12 =	vld.idx.msk [tilespmem:v15+s11+$0x0], $0xffff;
	[tilespmem:s12+$0xFFFFFE80] =	vst v9  }
0x1f6: {  	v8 =	vld.idx.msk [tilespmem:v8+s11+$0x0], $0xffff;
	[tilespmem:s12+$0xFFFFFF00] =	vst v10  }
0x1f7: {  	[tilespmem:s12+$0xFFFFFF80] =	vst v11  }
0x1f8: {  	[tilespmem:s12+$0x0] =	vst v13  }
0x1f9: {  	[tilespmem:s12+$0x80] =	vst v14  }
0x1fa: {  	[tilespmem:s12+$0x100] =	vst v12  }
0x1fb: {  	[tilespmem:s12+$0xFFFFFE00] =	vst v8  }
0x1fc: {  	v8 =	vld [tilespmem:s28+$0x6410];
	_ =	sdelay $0x3  }
0x1fd: {  	s1 =	simm.s32 $0x7  }
0x1fe: {  	s12 =	simm.s32 $0x1;
	v9 =	vadd.s32 s1, v8  }
0x1ff: {  	v10 =	vadd.s32 s12, v8;
	s1 =	simm.s32 $0x2;
	v9 =	vadd.s32 v1, v9  }
0x200: {  	s12 =	simm.s32 $0x3;
	v10 =	vadd.s32 v1, v10;
	v11 =	vadd.s32 s1, v8  }
0x201: {  	v12 =	vadd.s32 s12, v8;
	s1 =	simm.s32 $0x4;
	v11 =	vadd.s32 v1, v11  }
0x202: {  	s12 =	simm.s32 $0x5;
	v12 =	vadd.s32 v1, v12;
	v13 =	vadd.s32 s1, v8  }
0x203: {  	v14 =	vadd.s32 s12, v8;
	s1 =	simm.s32 $0x6;
	v13 =	vadd.s32 v1, v13  }
0x204: {  	s12 =	simm.s32 $0x0;
	v14 =	vadd.s32 v1, v14;
	v15 =	vadd.s32 s1, v8;
	v16 =	vld.idx.msk [tilespmem:v9+s11+$0x0], $0xffff  }
0x205: {  	s0 =	simm.s32 $0xF;
	v9 =	vadd.s32 s12, v8;
	v17 =	vld.idx.msk [tilespmem:v10+s11+$0x0], $0xffff;
	v10 =	vadd.s32 v1, v15  }
0x206: {  	s12 =	simm.s32 $0x9;
	v15 =	vadd.s32 s0, v8;
	v19 =	vadd.s32 v1, v9;
	v20 =	vld.idx.msk [tilespmem:v11+s11+$0x0], $0xffff  }
0x207: {  	s1 =	simm.s32 $0xA;
	v9 =	vadd.s32 s12, v8;
	v11 =	vadd.s32 v1, v15;
	v21 =	vld.idx.msk [tilespmem:v12+s11+$0x0], $0xffff  }
0x208: {  	s12 =	simm.s32 $0xB;
	v22 =	vadd.s32 v1, v9;
	v12 =	vld.idx.msk [tilespmem:v13+s11+$0x0], $0xffff;
	v13 =	vadd.s32 s1, v8  }
0x209: {  	s29 =	simm.s32 $0x1CA10;
	v9 =	vld.idx.msk [tilespmem:v14+s11+$0x0], $0xffff;
	v14 =	vadd.s32 s12, v8;
	s12 =	simm.s32 $0xC;
	v18 =	vadd.s32 v1, v13  }
0x20a: {  	s0 =	simm.s32 $0xD;
	v15 =	vadd.s32 v1, v14;
	v13 =	vadd.s32 s12, v8;
	v10 =	vld.idx.msk [tilespmem:v10+s11+$0x0], $0xffff;
	[tilespmem:s29+$0x180] =	vst v16  }
0x20b: {  	s1 =	simm.s32 $0xE;
	[tilespmem:s29+$0xFFFFFE80] =	vst v17;
	v16 =	vadd.s32 v1, v13;
	v13 =	vadd.s32 s0, v8;
	v14 =	vld.idx.msk [tilespmem:v19+s11+$0x0], $0xffff  }
0x20c: {  	s12 =	simm.s32 $0x8;
	v19 =	vadd.s32 s1, v8;
	v11 =	vld.idx.msk [tilespmem:v11+s11+$0x0], $0xffff;
	[tilespmem:s29+$0xFFFFFF00] =	vst v20;
	v17 =	vadd.s32 v1, v13  }
0x20d: {  	s31 =	simm.s32 $0x18;
	s30 =	simm.s32 $0x10;
	s1 =	simm.s32 $0x17;
	v20 =	vadd.s32 s12, v8;
	[tilespmem:s29+$0xFFFFFF80] =	vst v21;
	v13 =	vld.idx.msk [tilespmem:v22+s11+$0x0], $0xffff;
	v19 =	vadd.s32 v1, v19  }
.LBB2_23:
0x20e: {  	p0 =	slt.u32 s31, $0x38;
	s0 =	sadd.s32 $0x1, s30;
	v21 =	vadd.s32 s1, v8;
	v20 =	vadd.s32 v1, v20;
	v22 =	vld.idx.msk [tilespmem:v18+s11+$0x0], $0xffff;
	[tilespmem:s29+$0x0] =	vst v12  }
0x20f: {  	v12 =	vadd.s32 s0, v8;
	s0 =	sadd.s32 $0x2, s30;
	v21 =	vadd.s32 v1, v21;
	v23 =	vld.idx.msk [tilespmem:v15+s11+$0x0], $0xffff;
	[tilespmem:s29+$0x80] =	vst v9  }
0x210: {  	v24 =	vadd.s32 v1, v12;
	v9 =	vadd.s32 s0, v8;
	s0 =	sadd.s32 $0x3, s30;
	v12 =	vld.idx.msk [tilespmem:v16+s11+$0x0], $0xffff;
	[tilespmem:s29+$0x100] =	vst v10  }
.Ltmp12:
0x211: {  	v18 =	vadd.s32 v1, v9;
	v10 =	vadd.s32 s0, v8;
	s0 =	sadd.s32 $0x4, s30;
	v9 =	vld.idx.msk [tilespmem:v17+s11+$0x0], $0xffff;
	[tilespmem:s29+$0xFFFFFE00] =	vst v14;
	s29 =	sadd.s32 $0x400, s29;
	(pc) =	sbr.rel @p0 .LBB2_23-.Ltmp12, $4  }
0x212: {  	v15 =	vadd.s32 v1, v10;
	v14 =	vadd.s32 s0, v8;
	s0 =	sadd.s32 $0x5, s30;
	v10 =	vld.idx.msk [tilespmem:v19+s11+$0x0], $0xffff;
	[tilespmem:s29+$0x180] =	vst v11  }
0x213: {  	v16 =	vadd.s32 v1, v14;
	v11 =	vadd.s32 s0, v8;
	s0 =	sadd.s32 $0x6, s30;
	v14 =	vld.idx.msk [tilespmem:v20+s11+$0x0], $0xffff;
	[tilespmem:s29+$0xFFFFFE80] =	vst v13  }
0x214: {  	v17 =	vadd.s32 v1, v11;
	v19 =	vadd.s32 s0, v8;
	v11 =	vld.idx.msk [tilespmem:v21+s11+$0x0], $0xffff;
	[tilespmem:s29+$0xFFFFFF00] =	vst v22  }
0x215: {  	s1 =	sadd.s32 $0x7, s31;
	v20 =	vadd.s32 s30, v8;
	s30 =	smov.u32 s31;
	s31 =	sadd.s32 $0x8, s31;
	v13 =	vld.idx.msk [tilespmem:v24+s11+$0x0], $0xffff;
	v19 =	vadd.s32 v1, v19;
	[tilespmem:s29+$0xFFFFFF80] =	vst v23  }
0x216: {  	_ =	sdelay $0x2  }
0x217: {  	[tilespmem:s29+$0x0] =	vst v12  }
0x218: {  	s0 =	sadd.s32 $0x1, s30;
	v12 =	vadd.s32 s1, v8;
	v20 =	vadd.s32 v1, v20;
	v18 =	vld.idx.msk [tilespmem:v18+s11+$0x0], $0xffff;
	[tilespmem:s29+$0x80] =	vst v9  }
0x219: {  	s1 =	sadd.s32 $0x2, s30;
	v15 =	vld.idx.msk [tilespmem:v15+s11+$0x0], $0xffff;
	v9 =	vadd.s32 s0, v8;
	v12 =	vadd.s32 v1, v12;
	[tilespmem:s29+$0x100] =	vst v10  }
0x21a: {  	s12 =	sadd.s32 $0x3, s30;
	v16 =	vld.idx.msk [tilespmem:v16+s11+$0x0], $0xffff;
	v10 =	vadd.s32 s1, v8;
	s1 =	sadd.s32 $0x400, s29;
	v9 =	vadd.s32 v1, v9;
	[tilespmem:s29+$0xFFFFFE00] =	vst v14  }
0x21b: {  	v17 =	vld.idx.msk [tilespmem:v17+s11+$0x0], $0xffff;
	v10 =	vadd.s32 v1, v10;
	v14 =	vadd.s32 s12, v8;
	s12 =	sadd.s32 $0x4, s30;
	[tilespmem:s1+$0x180] =	vst v11  }
0x21c: {  	v19 =	vld.idx.msk [tilespmem:v19+s11+$0x0], $0xffff;
	v11 =	vadd.s32 v1, v14;
	v14 =	vadd.s32 s12, v8;
	s12 =	sadd.s32 $0x5, s30;
	[tilespmem:s1+$0xFFFFFE80] =	vst v13  }
0x21d: {  	v13 =	vadd.s32 v1, v14;
	v14 =	vadd.s32 s12, v8;
	s12 =	sadd.s32 $0x6, s30;
	v20 =	vld.idx.msk [tilespmem:v20+s11+$0x0], $0xffff;
	[tilespmem:s1+$0xFFFFFF00] =	vst v18  }
0x21e: {  	v14 =	vadd.s32 v1, v14;
	v18 =	vadd.s32 s12, v8;
	[tilespmem:s1+$0xFFFFFF80] =	vst v15;
	v12 =	vld.idx.msk [tilespmem:v12+s11+$0x0], $0xffff  }
0x21f: {  	v8 =	vadd.s32 s30, v8;
	[tilespmem:s1+$0x0] =	vst v16;
	v15 =	vadd.s32 v1, v18;
	v9 =	vld.idx.msk [tilespmem:v9+s11+$0x0], $0xffff  }
0x220: {  	[tilespmem:s1+$0x80] =	vst v17;
	v8 =	vadd.s32 v1, v8;
	v10 =	vld.idx.msk [tilespmem:v10+s11+$0x0], $0xffff  }
0x221: {  	[tilespmem:s1+$0x100] =	vst v19;
	v11 =	vld.idx.msk [tilespmem:v11+s11+$0x0], $0xffff  }
0x222: {  	s12 =	sadd.s32 $0x400, s1;
	v13 =	vld.idx.msk [tilespmem:v13+s11+$0x0], $0xffff;
	[tilespmem:s1+$0xFFFFFE00] =	vst v20  }
0x223: {  	v14 =	vld.idx.msk [tilespmem:v14+s11+$0x0], $0xffff;
	[tilespmem:s12+$0x180] =	vst v12  }
0x224: {  	v12 =	vld.idx.msk [tilespmem:v15+s11+$0x0], $0xffff;
	[tilespmem:s12+$0xFFFFFE80] =	vst v9  }
0x225: {  	v8 =	vld.idx.msk [tilespmem:v8+s11+$0x0], $0xffff;
	[tilespmem:s12+$0xFFFFFF00] =	vst v10  }
0x226: {  	[tilespmem:s12+$0xFFFFFF80] =	vst v11  }
0x227: {  	[tilespmem:s12+$0x0] =	vst v13  }
0x228: {  	[tilespmem:s12+$0x80] =	vst v14  }
0x229: {  	[tilespmem:s12+$0x100] =	vst v12  }
0x22a: {  	[tilespmem:s12+$0xFFFFFE00] =	vst v8  }
0x22b: {  	v8 =	vld [tilespmem:s28+$0x6420];
	_ =	sdelay $0x3  }
0x22c: {  	s1 =	simm.s32 $0x7  }
0x22d: {  	s12 =	simm.s32 $0x1;
	v9 =	vadd.s32 s1, v8  }
0x22e: {  	v10 =	vadd.s32 s12, v8;
	s1 =	simm.s32 $0x2;
	v9 =	vadd.s32 v2, v9  }
0x22f: {  	s12 =	simm.s32 $0x3;
	v10 =	vadd.s32 v2, v10;
	v11 =	vadd.s32 s1, v8  }
0x230: {  	v12 =	vadd.s32 s12, v8;
	s1 =	simm.s32 $0x4;
	v11 =	vadd.s32 v2, v11  }
0x231: {  	s12 =	simm.s32 $0x5;
	v12 =	vadd.s32 v2, v12;
	v13 =	vadd.s32 s1, v8  }
0x232: {  	v14 =	vadd.s32 s12, v8;
	s1 =	simm.s32 $0x6;
	v13 =	vadd.s32 v2, v13  }
0x233: {  	s12 =	simm.s32 $0x0;
	v14 =	vadd.s32 v2, v14;
	v15 =	vadd.s32 s1, v8;
	v16 =	vld.idx.msk [tilespmem:v9+s11+$0x0], $0xffff  }
0x234: {  	s0 =	simm.s32 $0xF;
	v9 =	vadd.s32 s12, v8;
	v17 =	vld.idx.msk [tilespmem:v10+s11+$0x0], $0xffff;
	v10 =	vadd.s32 v2, v15  }
0x235: {  	s12 =	simm.s32 $0x9;
	v15 =	vadd.s32 s0, v8;
	v19 =	vadd.s32 v2, v9;
	v20 =	vld.idx.msk [tilespmem:v11+s11+$0x0], $0xffff  }
0x236: {  	s1 =	simm.s32 $0xA;
	v9 =	vadd.s32 s12, v8;
	v11 =	vadd.s32 v2, v15;
	v21 =	vld.idx.msk [tilespmem:v12+s11+$0x0], $0xffff  }
0x237: {  	s12 =	simm.s32 $0xB;
	v22 =	vadd.s32 v2, v9;
	v12 =	vld.idx.msk [tilespmem:v13+s11+$0x0], $0xffff;
	v13 =	vadd.s32 s1, v8  }
0x238: {  	s29 =	simm.s32 $0x1CA20;
	v9 =	vld.idx.msk [tilespmem:v14+s11+$0x0], $0xffff;
	v14 =	vadd.s32 s12, v8;
	s12 =	simm.s32 $0xC;
	v18 =	vadd.s32 v2, v13  }
0x239: {  	s0 =	simm.s32 $0xD;
	v15 =	vadd.s32 v2, v14;
	v13 =	vadd.s32 s12, v8;
	v10 =	vld.idx.msk [tilespmem:v10+s11+$0x0], $0xffff;
	[tilespmem:s29+$0x180] =	vst v16  }
0x23a: {  	s1 =	simm.s32 $0xE;
	[tilespmem:s29+$0xFFFFFE80] =	vst v17;
	v16 =	vadd.s32 v2, v13;
	v13 =	vadd.s32 s0, v8;
	v14 =	vld.idx.msk [tilespmem:v19+s11+$0x0], $0xffff  }
0x23b: {  	s12 =	simm.s32 $0x8;
	v19 =	vadd.s32 s1, v8;
	v11 =	vld.idx.msk [tilespmem:v11+s11+$0x0], $0xffff;
	[tilespmem:s29+$0xFFFFFF00] =	vst v20;
	v17 =	vadd.s32 v2, v13  }
0x23c: {  	s31 =	simm.s32 $0x18;
	s30 =	simm.s32 $0x10;
	s1 =	simm.s32 $0x17;
	v20 =	vadd.s32 s12, v8;
	[tilespmem:s29+$0xFFFFFF80] =	vst v21;
	v13 =	vld.idx.msk [tilespmem:v22+s11+$0x0], $0xffff;
	v19 =	vadd.s32 v2, v19  }
.LBB2_25:
0x23d: {  	p0 =	slt.u32 s31, $0x38;
	s0 =	sadd.s32 $0x1, s30;
	v21 =	vadd.s32 s1, v8;
	v20 =	vadd.s32 v2, v20;
	v22 =	vld.idx.msk [tilespmem:v18+s11+$0x0], $0xffff;
	[tilespmem:s29+$0x0] =	vst v12  }
0x23e: {  	v12 =	vadd.s32 s0, v8;
	s0 =	sadd.s32 $0x2, s30;
	v21 =	vadd.s32 v2, v21;
	v23 =	vld.idx.msk [tilespmem:v15+s11+$0x0], $0xffff;
	[tilespmem:s29+$0x80] =	vst v9  }
0x23f: {  	v24 =	vadd.s32 v2, v12;
	v9 =	vadd.s32 s0, v8;
	s0 =	sadd.s32 $0x3, s30;
	v12 =	vld.idx.msk [tilespmem:v16+s11+$0x0], $0xffff;
	[tilespmem:s29+$0x100] =	vst v10  }
.Ltmp13:
0x240: {  	v18 =	vadd.s32 v2, v9;
	v10 =	vadd.s32 s0, v8;
	s0 =	sadd.s32 $0x4, s30;
	v9 =	vld.idx.msk [tilespmem:v17+s11+$0x0], $0xffff;
	[tilespmem:s29+$0xFFFFFE00] =	vst v14;
	s29 =	sadd.s32 $0x400, s29;
	(pc) =	sbr.rel @p0 .LBB2_25-.Ltmp13, $4  }
0x241: {  	v15 =	vadd.s32 v2, v10;
	v14 =	vadd.s32 s0, v8;
	s0 =	sadd.s32 $0x5, s30;
	v10 =	vld.idx.msk [tilespmem:v19+s11+$0x0], $0xffff;
	[tilespmem:s29+$0x180] =	vst v11  }
0x242: {  	v16 =	vadd.s32 v2, v14;
	v11 =	vadd.s32 s0, v8;
	s0 =	sadd.s32 $0x6, s30;
	v14 =	vld.idx.msk [tilespmem:v20+s11+$0x0], $0xffff;
	[tilespmem:s29+$0xFFFFFE80] =	vst v13  }
0x243: {  	v17 =	vadd.s32 v2, v11;
	v19 =	vadd.s32 s0, v8;
	v11 =	vld.idx.msk [tilespmem:v21+s11+$0x0], $0xffff;
	[tilespmem:s29+$0xFFFFFF00] =	vst v22  }
0x244: {  	s1 =	sadd.s32 $0x7, s31;
	v20 =	vadd.s32 s30, v8;
	s30 =	smov.u32 s31;
	s31 =	sadd.s32 $0x8, s31;
	v13 =	vld.idx.msk [tilespmem:v24+s11+$0x0], $0xffff;
	v19 =	vadd.s32 v2, v19;
	[tilespmem:s29+$0xFFFFFF80] =	vst v23  }
0x245: {  	_ =	sdelay $0x2  }
0x246: {  	[tilespmem:s29+$0x0] =	vst v12  }
0x247: {  	s0 =	sadd.s32 $0x1, s30;
	v12 =	vadd.s32 s1, v8;
	v20 =	vadd.s32 v2, v20;
	v18 =	vld.idx.msk [tilespmem:v18+s11+$0x0], $0xffff;
	[tilespmem:s29+$0x80] =	vst v9  }
0x248: {  	s1 =	sadd.s32 $0x2, s30;
	v15 =	vld.idx.msk [tilespmem:v15+s11+$0x0], $0xffff;
	v9 =	vadd.s32 s0, v8;
	v12 =	vadd.s32 v2, v12;
	[tilespmem:s29+$0x100] =	vst v10  }
0x249: {  	s12 =	sadd.s32 $0x3, s30;
	v16 =	vld.idx.msk [tilespmem:v16+s11+$0x0], $0xffff;
	v10 =	vadd.s32 s1, v8;
	s1 =	sadd.s32 $0x400, s29;
	v9 =	vadd.s32 v2, v9;
	[tilespmem:s29+$0xFFFFFE00] =	vst v14  }
0x24a: {  	v17 =	vld.idx.msk [tilespmem:v17+s11+$0x0], $0xffff;
	v10 =	vadd.s32 v2, v10;
	v14 =	vadd.s32 s12, v8;
	s12 =	sadd.s32 $0x4, s30;
	[tilespmem:s1+$0x180] =	vst v11  }
0x24b: {  	v19 =	vld.idx.msk [tilespmem:v19+s11+$0x0], $0xffff;
	v11 =	vadd.s32 v2, v14;
	v14 =	vadd.s32 s12, v8;
	s12 =	sadd.s32 $0x5, s30;
	[tilespmem:s1+$0xFFFFFE80] =	vst v13  }
0x24c: {  	v13 =	vadd.s32 v2, v14;
	v14 =	vadd.s32 s12, v8;
	s12 =	sadd.s32 $0x6, s30;
	v20 =	vld.idx.msk [tilespmem:v20+s11+$0x0], $0xffff;
	[tilespmem:s1+$0xFFFFFF00] =	vst v18  }
0x24d: {  	v14 =	vadd.s32 v2, v14;
	v18 =	vadd.s32 s12, v8;
	[tilespmem:s1+$0xFFFFFF80] =	vst v15;
	v12 =	vld.idx.msk [tilespmem:v12+s11+$0x0], $0xffff  }
0x24e: {  	v8 =	vadd.s32 s30, v8;
	[tilespmem:s1+$0x0] =	vst v16;
	v15 =	vadd.s32 v2, v18;
	v9 =	vld.idx.msk [tilespmem:v9+s11+$0x0], $0xffff  }
0x24f: {  	[tilespmem:s1+$0x80] =	vst v17;
	v8 =	vadd.s32 v2, v8;
	v10 =	vld.idx.msk [tilespmem:v10+s11+$0x0], $0xffff  }
0x250: {  	[tilespmem:s1+$0x100] =	vst v19;
	v11 =	vld.idx.msk [tilespmem:v11+s11+$0x0], $0xffff  }
0x251: {  	s12 =	sadd.s32 $0x400, s1;
	v13 =	vld.idx.msk [tilespmem:v13+s11+$0x0], $0xffff;
	[tilespmem:s1+$0xFFFFFE00] =	vst v20  }
0x252: {  	v14 =	vld.idx.msk [tilespmem:v14+s11+$0x0], $0xffff;
	[tilespmem:s12+$0x180] =	vst v12  }
0x253: {  	v12 =	vld.idx.msk [tilespmem:v15+s11+$0x0], $0xffff;
	[tilespmem:s12+$0xFFFFFE80] =	vst v9  }
0x254: {  	v8 =	vld.idx.msk [tilespmem:v8+s11+$0x0], $0xffff;
	[tilespmem:s12+$0xFFFFFF00] =	vst v10  }
0x255: {  	[tilespmem:s12+$0xFFFFFF80] =	vst v11  }
0x256: {  	[tilespmem:s12+$0x0] =	vst v13  }
0x257: {  	[tilespmem:s12+$0x80] =	vst v14  }
0x258: {  	[tilespmem:s12+$0x100] =	vst v12  }
0x259: {  	[tilespmem:s12+$0xFFFFFE00] =	vst v8  }
0x25a: {  	v8 =	vld [tilespmem:s28+$0x6430];
	_ =	sdelay $0x3  }
0x25b: {  	s1 =	simm.s32 $0x7  }
0x25c: {  	s12 =	simm.s32 $0x1;
	v9 =	vadd.s32 s1, v8  }
0x25d: {  	v10 =	vadd.s32 s12, v8;
	s1 =	simm.s32 $0x2;
	v9 =	vadd.s32 v3, v9  }
0x25e: {  	s12 =	simm.s32 $0x3;
	v10 =	vadd.s32 v3, v10;
	v11 =	vadd.s32 s1, v8  }
0x25f: {  	v12 =	vadd.s32 s12, v8;
	s1 =	simm.s32 $0x4;
	v11 =	vadd.s32 v3, v11  }
0x260: {  	s12 =	simm.s32 $0x5;
	v12 =	vadd.s32 v3, v12;
	v13 =	vadd.s32 s1, v8  }
0x261: {  	v14 =	vadd.s32 s12, v8;
	s1 =	simm.s32 $0x6;
	v13 =	vadd.s32 v3, v13  }
0x262: {  	s12 =	simm.s32 $0x0;
	v14 =	vadd.s32 v3, v14;
	v15 =	vadd.s32 s1, v8;
	v16 =	vld.idx.msk [tilespmem:v9+s11+$0x0], $0xffff  }
0x263: {  	s0 =	simm.s32 $0xF;
	v9 =	vadd.s32 s12, v8;
	v17 =	vld.idx.msk [tilespmem:v10+s11+$0x0], $0xffff;
	v10 =	vadd.s32 v3, v15  }
0x264: {  	s12 =	simm.s32 $0x9;
	v15 =	vadd.s32 s0, v8;
	v19 =	vadd.s32 v3, v9;
	v20 =	vld.idx.msk [tilespmem:v11+s11+$0x0], $0xffff  }
0x265: {  	s1 =	simm.s32 $0xA;
	v9 =	vadd.s32 s12, v8;
	v11 =	vadd.s32 v3, v15;
	v21 =	vld.idx.msk [tilespmem:v12+s11+$0x0], $0xffff  }
0x266: {  	s12 =	simm.s32 $0xB;
	v22 =	vadd.s32 v3, v9;
	v12 =	vld.idx.msk [tilespmem:v13+s11+$0x0], $0xffff;
	v13 =	vadd.s32 s1, v8  }
0x267: {  	s29 =	simm.s32 $0x1CA30;
	v9 =	vld.idx.msk [tilespmem:v14+s11+$0x0], $0xffff;
	v14 =	vadd.s32 s12, v8;
	s12 =	simm.s32 $0xC;
	v18 =	vadd.s32 v3, v13  }
0x268: {  	s0 =	simm.s32 $0xD;
	v15 =	vadd.s32 v3, v14;
	v13 =	vadd.s32 s12, v8;
	v10 =	vld.idx.msk [tilespmem:v10+s11+$0x0], $0xffff;
	[tilespmem:s29+$0x180] =	vst v16  }
0x269: {  	s1 =	simm.s32 $0xE;
	[tilespmem:s29+$0xFFFFFE80] =	vst v17;
	v16 =	vadd.s32 v3, v13;
	v13 =	vadd.s32 s0, v8;
	v14 =	vld.idx.msk [tilespmem:v19+s11+$0x0], $0xffff  }
0x26a: {  	s12 =	simm.s32 $0x8;
	v19 =	vadd.s32 s1, v8;
	v11 =	vld.idx.msk [tilespmem:v11+s11+$0x0], $0xffff;
	[tilespmem:s29+$0xFFFFFF00] =	vst v20;
	v17 =	vadd.s32 v3, v13  }
0x26b: {  	s31 =	simm.s32 $0x18;
	s30 =	simm.s32 $0x10;
	s1 =	simm.s32 $0x17;
	v20 =	vadd.s32 s12, v8;
	[tilespmem:s29+$0xFFFFFF80] =	vst v21;
	v13 =	vld.idx.msk [tilespmem:v22+s11+$0x0], $0xffff;
	v19 =	vadd.s32 v3, v19  }
.LBB2_27:
0x26c: {  	p0 =	slt.u32 s31, $0x38;
	s0 =	sadd.s32 $0x1, s30;
	v21 =	vadd.s32 s1, v8;
	v20 =	vadd.s32 v3, v20;
	v22 =	vld.idx.msk [tilespmem:v18+s11+$0x0], $0xffff;
	[tilespmem:s29+$0x0] =	vst v12  }
0x26d: {  	v12 =	vadd.s32 s0, v8;
	s0 =	sadd.s32 $0x2, s30;
	v21 =	vadd.s32 v3, v21;
	v23 =	vld.idx.msk [tilespmem:v15+s11+$0x0], $0xffff;
	[tilespmem:s29+$0x80] =	vst v9  }
0x26e: {  	v24 =	vadd.s32 v3, v12;
	v9 =	vadd.s32 s0, v8;
	s0 =	sadd.s32 $0x3, s30;
	v12 =	vld.idx.msk [tilespmem:v16+s11+$0x0], $0xffff;
	[tilespmem:s29+$0x100] =	vst v10  }
.Ltmp14:
0x26f: {  	v18 =	vadd.s32 v3, v9;
	v10 =	vadd.s32 s0, v8;
	s0 =	sadd.s32 $0x4, s30;
	v9 =	vld.idx.msk [tilespmem:v17+s11+$0x0], $0xffff;
	[tilespmem:s29+$0xFFFFFE00] =	vst v14;
	s29 =	sadd.s32 $0x400, s29;
	(pc) =	sbr.rel @p0 .LBB2_27-.Ltmp14, $4  }
0x270: {  	v15 =	vadd.s32 v3, v10;
	v14 =	vadd.s32 s0, v8;
	s0 =	sadd.s32 $0x5, s30;
	v10 =	vld.idx.msk [tilespmem:v19+s11+$0x0], $0xffff;
	[tilespmem:s29+$0x180] =	vst v11  }
0x271: {  	v16 =	vadd.s32 v3, v14;
	v11 =	vadd.s32 s0, v8;
	s0 =	sadd.s32 $0x6, s30;
	v14 =	vld.idx.msk [tilespmem:v20+s11+$0x0], $0xffff;
	[tilespmem:s29+$0xFFFFFE80] =	vst v13  }
0x272: {  	v17 =	vadd.s32 v3, v11;
	v19 =	vadd.s32 s0, v8;
	v11 =	vld.idx.msk [tilespmem:v21+s11+$0x0], $0xffff;
	[tilespmem:s29+$0xFFFFFF00] =	vst v22  }
0x273: {  	s1 =	sadd.s32 $0x7, s31;
	v20 =	vadd.s32 s30, v8;
	s30 =	smov.u32 s31;
	s31 =	sadd.s32 $0x8, s31;
	v13 =	vld.idx.msk [tilespmem:v24+s11+$0x0], $0xffff;
	v19 =	vadd.s32 v3, v19;
	[tilespmem:s29+$0xFFFFFF80] =	vst v23  }
0x274: {  	_ =	sdelay $0x2  }
0x275: {  	[tilespmem:s29+$0x0] =	vst v12  }
0x276: {  	s0 =	sadd.s32 $0x1, s30;
	v12 =	vadd.s32 s1, v8;
	v20 =	vadd.s32 v3, v20;
	v18 =	vld.idx.msk [tilespmem:v18+s11+$0x0], $0xffff;
	[tilespmem:s29+$0x80] =	vst v9  }
0x277: {  	s1 =	sadd.s32 $0x2, s30;
	v15 =	vld.idx.msk [tilespmem:v15+s11+$0x0], $0xffff;
	v9 =	vadd.s32 s0, v8;
	v12 =	vadd.s32 v3, v12;
	[tilespmem:s29+$0x100] =	vst v10  }
0x278: {  	s12 =	sadd.s32 $0x3, s30;
	v16 =	vld.idx.msk [tilespmem:v16+s11+$0x0], $0xffff;
	v10 =	vadd.s32 s1, v8;
	s1 =	sadd.s32 $0x400, s29;
	v9 =	vadd.s32 v3, v9;
	[tilespmem:s29+$0xFFFFFE00] =	vst v14  }
0x279: {  	v17 =	vld.idx.msk [tilespmem:v17+s11+$0x0], $0xffff;
	v10 =	vadd.s32 v3, v10;
	v14 =	vadd.s32 s12, v8;
	s12 =	sadd.s32 $0x4, s30;
	[tilespmem:s1+$0x180] =	vst v11  }
0x27a: {  	v19 =	vld.idx.msk [tilespmem:v19+s11+$0x0], $0xffff;
	v11 =	vadd.s32 v3, v14;
	v14 =	vadd.s32 s12, v8;
	s12 =	sadd.s32 $0x5, s30;
	[tilespmem:s1+$0xFFFFFE80] =	vst v13  }
0x27b: {  	v13 =	vadd.s32 v3, v14;
	v14 =	vadd.s32 s12, v8;
	s12 =	sadd.s32 $0x6, s30;
	v20 =	vld.idx.msk [tilespmem:v20+s11+$0x0], $0xffff;
	[tilespmem:s1+$0xFFFFFF00] =	vst v18  }
0x27c: {  	v14 =	vadd.s32 v3, v14;
	v18 =	vadd.s32 s12, v8;
	[tilespmem:s1+$0xFFFFFF80] =	vst v15;
	v12 =	vld.idx.msk [tilespmem:v12+s11+$0x0], $0xffff  }
0x27d: {  	v8 =	vadd.s32 s30, v8;
	[tilespmem:s1+$0x0] =	vst v16;
	v15 =	vadd.s32 v3, v18;
	v9 =	vld.idx.msk [tilespmem:v9+s11+$0x0], $0xffff  }
0x27e: {  	[tilespmem:s1+$0x80] =	vst v17;
	v8 =	vadd.s32 v3, v8;
	v10 =	vld.idx.msk [tilespmem:v10+s11+$0x0], $0xffff  }
0x27f: {  	[tilespmem:s1+$0x100] =	vst v19;
	v11 =	vld.idx.msk [tilespmem:v11+s11+$0x0], $0xffff  }
0x280: {  	s12 =	sadd.s32 $0x400, s1;
	v13 =	vld.idx.msk [tilespmem:v13+s11+$0x0], $0xffff;
	[tilespmem:s1+$0xFFFFFE00] =	vst v20  }
0x281: {  	v14 =	vld.idx.msk [tilespmem:v14+s11+$0x0], $0xffff;
	[tilespmem:s12+$0x180] =	vst v12  }
0x282: {  	v12 =	vld.idx.msk [tilespmem:v15+s11+$0x0], $0xffff;
	[tilespmem:s12+$0xFFFFFE80] =	vst v9  }
0x283: {  	v8 =	vld.idx.msk [tilespmem:v8+s11+$0x0], $0xffff;
	[tilespmem:s12+$0xFFFFFF00] =	vst v10  }
0x284: {  	[tilespmem:s12+$0xFFFFFF80] =	vst v11  }
0x285: {  	[tilespmem:s12+$0x0] =	vst v13  }
0x286: {  	[tilespmem:s12+$0x80] =	vst v14  }
0x287: {  	[tilespmem:s12+$0x100] =	vst v12  }
0x288: {  	[tilespmem:s12+$0xFFFFFE00] =	vst v8  }
0x289: {  	v8 =	vld [tilespmem:s28+$0x6440];
	_ =	sdelay $0x3  }
0x28a: {  	s1 =	simm.s32 $0x7  }
0x28b: {  	s12 =	simm.s32 $0x1;
	v9 =	vadd.s32 s1, v8  }
0x28c: {  	v10 =	vadd.s32 s12, v8;
	s1 =	simm.s32 $0x2;
	v9 =	vadd.s32 v4, v9  }
0x28d: {  	s12 =	simm.s32 $0x3;
	v10 =	vadd.s32 v4, v10;
	v11 =	vadd.s32 s1, v8  }
0x28e: {  	v12 =	vadd.s32 s12, v8;
	s1 =	simm.s32 $0x4;
	v11 =	vadd.s32 v4, v11  }
0x28f: {  	s12 =	simm.s32 $0x5;
	v12 =	vadd.s32 v4, v12;
	v13 =	vadd.s32 s1, v8  }
0x290: {  	v14 =	vadd.s32 s12, v8;
	s1 =	simm.s32 $0x6;
	v13 =	vadd.s32 v4, v13  }
0x291: {  	s12 =	simm.s32 $0x0;
	v14 =	vadd.s32 v4, v14;
	v15 =	vadd.s32 s1, v8;
	v16 =	vld.idx.msk [tilespmem:v9+s11+$0x0], $0xffff  }
0x292: {  	s0 =	simm.s32 $0xF;
	v9 =	vadd.s32 s12, v8;
	v17 =	vld.idx.msk [tilespmem:v10+s11+$0x0], $0xffff;
	v10 =	vadd.s32 v4, v15  }
0x293: {  	s12 =	simm.s32 $0x9;
	v15 =	vadd.s32 s0, v8;
	v19 =	vadd.s32 v4, v9;
	v20 =	vld.idx.msk [tilespmem:v11+s11+$0x0], $0xffff  }
0x294: {  	s1 =	simm.s32 $0xA;
	v9 =	vadd.s32 s12, v8;
	v11 =	vadd.s32 v4, v15;
	v21 =	vld.idx.msk [tilespmem:v12+s11+$0x0], $0xffff  }
0x295: {  	s12 =	simm.s32 $0xB;
	v22 =	vadd.s32 v4, v9;
	v12 =	vld.idx.msk [tilespmem:v13+s11+$0x0], $0xffff;
	v13 =	vadd.s32 s1, v8  }
0x296: {  	s29 =	simm.s32 $0x1CA40;
	v9 =	vld.idx.msk [tilespmem:v14+s11+$0x0], $0xffff;
	v14 =	vadd.s32 s12, v8;
	s12 =	simm.s32 $0xC;
	v18 =	vadd.s32 v4, v13  }
0x297: {  	s0 =	simm.s32 $0xD;
	v15 =	vadd.s32 v4, v14;
	v13 =	vadd.s32 s12, v8;
	v10 =	vld.idx.msk [tilespmem:v10+s11+$0x0], $0xffff;
	[tilespmem:s29+$0x180] =	vst v16  }
0x298: {  	s1 =	simm.s32 $0xE;
	[tilespmem:s29+$0xFFFFFE80] =	vst v17;
	v16 =	vadd.s32 v4, v13;
	v13 =	vadd.s32 s0, v8;
	v14 =	vld.idx.msk [tilespmem:v19+s11+$0x0], $0xffff  }
0x299: {  	s12 =	simm.s32 $0x8;
	v19 =	vadd.s32 s1, v8;
	v11 =	vld.idx.msk [tilespmem:v11+s11+$0x0], $0xffff;
	[tilespmem:s29+$0xFFFFFF00] =	vst v20;
	v17 =	vadd.s32 v4, v13  }
0x29a: {  	s31 =	simm.s32 $0x18;
	s30 =	simm.s32 $0x10;
	s1 =	simm.s32 $0x17;
	v20 =	vadd.s32 s12, v8;
	[tilespmem:s29+$0xFFFFFF80] =	vst v21;
	v13 =	vld.idx.msk [tilespmem:v22+s11+$0x0], $0xffff;
	v19 =	vadd.s32 v4, v19  }
.LBB2_29:
0x29b: {  	p0 =	slt.u32 s31, $0x38;
	s0 =	sadd.s32 $0x1, s30;
	v21 =	vadd.s32 s1, v8;
	v20 =	vadd.s32 v4, v20;
	v22 =	vld.idx.msk [tilespmem:v18+s11+$0x0], $0xffff;
	[tilespmem:s29+$0x0] =	vst v12  }
0x29c: {  	v12 =	vadd.s32 s0, v8;
	s0 =	sadd.s32 $0x2, s30;
	v21 =	vadd.s32 v4, v21;
	v23 =	vld.idx.msk [tilespmem:v15+s11+$0x0], $0xffff;
	[tilespmem:s29+$0x80] =	vst v9  }
0x29d: {  	v24 =	vadd.s32 v4, v12;
	v9 =	vadd.s32 s0, v8;
	s0 =	sadd.s32 $0x3, s30;
	v12 =	vld.idx.msk [tilespmem:v16+s11+$0x0], $0xffff;
	[tilespmem:s29+$0x100] =	vst v10  }
.Ltmp15:
0x29e: {  	v18 =	vadd.s32 v4, v9;
	v10 =	vadd.s32 s0, v8;
	s0 =	sadd.s32 $0x4, s30;
	v9 =	vld.idx.msk [tilespmem:v17+s11+$0x0], $0xffff;
	[tilespmem:s29+$0xFFFFFE00] =	vst v14;
	s29 =	sadd.s32 $0x400, s29;
	(pc) =	sbr.rel @p0 .LBB2_29-.Ltmp15, $4  }
0x29f: {  	v15 =	vadd.s32 v4, v10;
	v14 =	vadd.s32 s0, v8;
	s0 =	sadd.s32 $0x5, s30;
	v10 =	vld.idx.msk [tilespmem:v19+s11+$0x0], $0xffff;
	[tilespmem:s29+$0x180] =	vst v11  }
0x2a0: {  	v16 =	vadd.s32 v4, v14;
	v11 =	vadd.s32 s0, v8;
	s0 =	sadd.s32 $0x6, s30;
	v14 =	vld.idx.msk [tilespmem:v20+s11+$0x0], $0xffff;
	[tilespmem:s29+$0xFFFFFE80] =	vst v13  }
0x2a1: {  	v17 =	vadd.s32 v4, v11;
	v19 =	vadd.s32 s0, v8;
	v11 =	vld.idx.msk [tilespmem:v21+s11+$0x0], $0xffff;
	[tilespmem:s29+$0xFFFFFF00] =	vst v22  }
0x2a2: {  	s1 =	sadd.s32 $0x7, s31;
	v20 =	vadd.s32 s30, v8;
	s30 =	smov.u32 s31;
	s31 =	sadd.s32 $0x8, s31;
	v13 =	vld.idx.msk [tilespmem:v24+s11+$0x0], $0xffff;
	v19 =	vadd.s32 v4, v19;
	[tilespmem:s29+$0xFFFFFF80] =	vst v23  }
0x2a3: {  	_ =	sdelay $0x2  }
0x2a4: {  	[tilespmem:s29+$0x0] =	vst v12  }
0x2a5: {  	s0 =	sadd.s32 $0x1, s30;
	v12 =	vadd.s32 s1, v8;
	v20 =	vadd.s32 v4, v20;
	v18 =	vld.idx.msk [tilespmem:v18+s11+$0x0], $0xffff;
	[tilespmem:s29+$0x80] =	vst v9  }
0x2a6: {  	s1 =	sadd.s32 $0x2, s30;
	v15 =	vld.idx.msk [tilespmem:v15+s11+$0x0], $0xffff;
	v9 =	vadd.s32 s0, v8;
	v12 =	vadd.s32 v4, v12;
	[tilespmem:s29+$0x100] =	vst v10  }
0x2a7: {  	s12 =	sadd.s32 $0x3, s30;
	v16 =	vld.idx.msk [tilespmem:v16+s11+$0x0], $0xffff;
	v10 =	vadd.s32 s1, v8;
	s1 =	sadd.s32 $0x400, s29;
	v9 =	vadd.s32 v4, v9;
	[tilespmem:s29+$0xFFFFFE00] =	vst v14  }
0x2a8: {  	v17 =	vld.idx.msk [tilespmem:v17+s11+$0x0], $0xffff;
	v10 =	vadd.s32 v4, v10;
	v14 =	vadd.s32 s12, v8;
	s12 =	sadd.s32 $0x4, s30;
	[tilespmem:s1+$0x180] =	vst v11  }
0x2a9: {  	v19 =	vld.idx.msk [tilespmem:v19+s11+$0x0], $0xffff;
	v11 =	vadd.s32 v4, v14;
	v14 =	vadd.s32 s12, v8;
	s12 =	sadd.s32 $0x5, s30;
	[tilespmem:s1+$0xFFFFFE80] =	vst v13  }
0x2aa: {  	v13 =	vadd.s32 v4, v14;
	v14 =	vadd.s32 s12, v8;
	s12 =	sadd.s32 $0x6, s30;
	v20 =	vld.idx.msk [tilespmem:v20+s11+$0x0], $0xffff;
	[tilespmem:s1+$0xFFFFFF00] =	vst v18  }
0x2ab: {  	v14 =	vadd.s32 v4, v14;
	v18 =	vadd.s32 s12, v8;
	[tilespmem:s1+$0xFFFFFF80] =	vst v15;
	v12 =	vld.idx.msk [tilespmem:v12+s11+$0x0], $0xffff  }
0x2ac: {  	v8 =	vadd.s32 s30, v8;
	[tilespmem:s1+$0x0] =	vst v16;
	v15 =	vadd.s32 v4, v18;
	v9 =	vld.idx.msk [tilespmem:v9+s11+$0x0], $0xffff  }
0x2ad: {  	[tilespmem:s1+$0x80] =	vst v17;
	v8 =	vadd.s32 v4, v8;
	v10 =	vld.idx.msk [tilespmem:v10+s11+$0x0], $0xffff  }
0x2ae: {  	[tilespmem:s1+$0x100] =	vst v19;
	v11 =	vld.idx.msk [tilespmem:v11+s11+$0x0], $0xffff  }
0x2af: {  	s12 =	sadd.s32 $0x400, s1;
	v13 =	vld.idx.msk [tilespmem:v13+s11+$0x0], $0xffff;
	[tilespmem:s1+$0xFFFFFE00] =	vst v20  }
0x2b0: {  	v14 =	vld.idx.msk [tilespmem:v14+s11+$0x0], $0xffff;
	[tilespmem:s12+$0x180] =	vst v12  }
0x2b1: {  	v12 =	vld.idx.msk [tilespmem:v15+s11+$0x0], $0xffff;
	[tilespmem:s12+$0xFFFFFE80] =	vst v9  }
0x2b2: {  	v8 =	vld.idx.msk [tilespmem:v8+s11+$0x0], $0xffff;
	[tilespmem:s12+$0xFFFFFF00] =	vst v10  }
0x2b3: {  	[tilespmem:s12+$0xFFFFFF80] =	vst v11  }
0x2b4: {  	[tilespmem:s12+$0x0] =	vst v13  }
0x2b5: {  	[tilespmem:s12+$0x80] =	vst v14  }
0x2b6: {  	[tilespmem:s12+$0x100] =	vst v12  }
0x2b7: {  	[tilespmem:s12+$0xFFFFFE00] =	vst v8  }
0x2b8: {  	v8 =	vld [tilespmem:s28+$0x6450];
	_ =	sdelay $0x3  }
0x2b9: {  	s1 =	simm.s32 $0x7  }
0x2ba: {  	s12 =	simm.s32 $0x1;
	v9 =	vadd.s32 s1, v8  }
0x2bb: {  	v10 =	vadd.s32 s12, v8;
	s1 =	simm.s32 $0x2;
	v9 =	vadd.s32 v5, v9  }
0x2bc: {  	s12 =	simm.s32 $0x3;
	v10 =	vadd.s32 v5, v10;
	v11 =	vadd.s32 s1, v8  }
0x2bd: {  	v12 =	vadd.s32 s12, v8;
	s1 =	simm.s32 $0x4;
	v11 =	vadd.s32 v5, v11  }
0x2be: {  	s12 =	simm.s32 $0x5;
	v12 =	vadd.s32 v5, v12;
	v13 =	vadd.s32 s1, v8  }
0x2bf: {  	v14 =	vadd.s32 s12, v8;
	s1 =	simm.s32 $0x6;
	v13 =	vadd.s32 v5, v13  }
0x2c0: {  	s12 =	simm.s32 $0x0;
	v14 =	vadd.s32 v5, v14;
	v15 =	vadd.s32 s1, v8;
	v16 =	vld.idx.msk [tilespmem:v9+s11+$0x0], $0xffff  }
0x2c1: {  	s0 =	simm.s32 $0xF;
	v9 =	vadd.s32 s12, v8;
	v17 =	vld.idx.msk [tilespmem:v10+s11+$0x0], $0xffff;
	v10 =	vadd.s32 v5, v15  }
0x2c2: {  	s12 =	simm.s32 $0x9;
	v15 =	vadd.s32 s0, v8;
	v19 =	vadd.s32 v5, v9;
	v20 =	vld.idx.msk [tilespmem:v11+s11+$0x0], $0xffff  }
0x2c3: {  	s1 =	simm.s32 $0xA;
	v9 =	vadd.s32 s12, v8;
	v11 =	vadd.s32 v5, v15;
	v21 =	vld.idx.msk [tilespmem:v12+s11+$0x0], $0xffff  }
0x2c4: {  	s12 =	simm.s32 $0xB;
	v22 =	vadd.s32 v5, v9;
	v12 =	vld.idx.msk [tilespmem:v13+s11+$0x0], $0xffff;
	v13 =	vadd.s32 s1, v8  }
0x2c5: {  	s29 =	simm.s32 $0x1CA50;
	v9 =	vld.idx.msk [tilespmem:v14+s11+$0x0], $0xffff;
	v14 =	vadd.s32 s12, v8;
	s12 =	simm.s32 $0xC;
	v18 =	vadd.s32 v5, v13  }
0x2c6: {  	s0 =	simm.s32 $0xD;
	v15 =	vadd.s32 v5, v14;
	v13 =	vadd.s32 s12, v8;
	v10 =	vld.idx.msk [tilespmem:v10+s11+$0x0], $0xffff;
	[tilespmem:s29+$0x180] =	vst v16  }
0x2c7: {  	s1 =	simm.s32 $0xE;
	[tilespmem:s29+$0xFFFFFE80] =	vst v17;
	v16 =	vadd.s32 v5, v13;
	v13 =	vadd.s32 s0, v8;
	v14 =	vld.idx.msk [tilespmem:v19+s11+$0x0], $0xffff  }
0x2c8: {  	s12 =	simm.s32 $0x8;
	v19 =	vadd.s32 s1, v8;
	v11 =	vld.idx.msk [tilespmem:v11+s11+$0x0], $0xffff;
	[tilespmem:s29+$0xFFFFFF00] =	vst v20;
	v17 =	vadd.s32 v5, v13  }
0x2c9: {  	s31 =	simm.s32 $0x18;
	s30 =	simm.s32 $0x10;
	s1 =	simm.s32 $0x17;
	v20 =	vadd.s32 s12, v8;
	[tilespmem:s29+$0xFFFFFF80] =	vst v21;
	v13 =	vld.idx.msk [tilespmem:v22+s11+$0x0], $0xffff;
	v19 =	vadd.s32 v5, v19  }
.LBB2_31:
0x2ca: {  	p0 =	slt.u32 s31, $0x38;
	s0 =	sadd.s32 $0x1, s30;
	v21 =	vadd.s32 s1, v8;
	v20 =	vadd.s32 v5, v20;
	v22 =	vld.idx.msk [tilespmem:v18+s11+$0x0], $0xffff;
	[tilespmem:s29+$0x0] =	vst v12  }
0x2cb: {  	v12 =	vadd.s32 s0, v8;
	s0 =	sadd.s32 $0x2, s30;
	v21 =	vadd.s32 v5, v21;
	v23 =	vld.idx.msk [tilespmem:v15+s11+$0x0], $0xffff;
	[tilespmem:s29+$0x80] =	vst v9  }
0x2cc: {  	v24 =	vadd.s32 v5, v12;
	v9 =	vadd.s32 s0, v8;
	s0 =	sadd.s32 $0x3, s30;
	v12 =	vld.idx.msk [tilespmem:v16+s11+$0x0], $0xffff;
	[tilespmem:s29+$0x100] =	vst v10  }
.Ltmp16:
0x2cd: {  	v18 =	vadd.s32 v5, v9;
	v10 =	vadd.s32 s0, v8;
	s0 =	sadd.s32 $0x4, s30;
	v9 =	vld.idx.msk [tilespmem:v17+s11+$0x0], $0xffff;
	[tilespmem:s29+$0xFFFFFE00] =	vst v14;
	s29 =	sadd.s32 $0x400, s29;
	(pc) =	sbr.rel @p0 .LBB2_31-.Ltmp16, $4  }
0x2ce: {  	v15 =	vadd.s32 v5, v10;
	v14 =	vadd.s32 s0, v8;
	s0 =	sadd.s32 $0x5, s30;
	v10 =	vld.idx.msk [tilespmem:v19+s11+$0x0], $0xffff;
	[tilespmem:s29+$0x180] =	vst v11  }
0x2cf: {  	v16 =	vadd.s32 v5, v14;
	v11 =	vadd.s32 s0, v8;
	s0 =	sadd.s32 $0x6, s30;
	v14 =	vld.idx.msk [tilespmem:v20+s11+$0x0], $0xffff;
	[tilespmem:s29+$0xFFFFFE80] =	vst v13  }
0x2d0: {  	v17 =	vadd.s32 v5, v11;
	v19 =	vadd.s32 s0, v8;
	v11 =	vld.idx.msk [tilespmem:v21+s11+$0x0], $0xffff;
	[tilespmem:s29+$0xFFFFFF00] =	vst v22  }
0x2d1: {  	s1 =	sadd.s32 $0x7, s31;
	v20 =	vadd.s32 s30, v8;
	s30 =	smov.u32 s31;
	s31 =	sadd.s32 $0x8, s31;
	v13 =	vld.idx.msk [tilespmem:v24+s11+$0x0], $0xffff;
	v19 =	vadd.s32 v5, v19;
	[tilespmem:s29+$0xFFFFFF80] =	vst v23  }
0x2d2: {  	_ =	sdelay $0x2  }
0x2d3: {  	[tilespmem:s29+$0x0] =	vst v12  }
0x2d4: {  	s0 =	sadd.s32 $0x1, s30;
	v12 =	vadd.s32 s1, v8;
	v20 =	vadd.s32 v5, v20;
	v18 =	vld.idx.msk [tilespmem:v18+s11+$0x0], $0xffff;
	[tilespmem:s29+$0x80] =	vst v9  }
0x2d5: {  	s1 =	sadd.s32 $0x2, s30;
	v15 =	vld.idx.msk [tilespmem:v15+s11+$0x0], $0xffff;
	v9 =	vadd.s32 s0, v8;
	v12 =	vadd.s32 v5, v12;
	[tilespmem:s29+$0x100] =	vst v10  }
0x2d6: {  	s12 =	sadd.s32 $0x3, s30;
	v16 =	vld.idx.msk [tilespmem:v16+s11+$0x0], $0xffff;
	v10 =	vadd.s32 s1, v8;
	s1 =	sadd.s32 $0x400, s29;
	v9 =	vadd.s32 v5, v9;
	[tilespmem:s29+$0xFFFFFE00] =	vst v14  }
0x2d7: {  	v17 =	vld.idx.msk [tilespmem:v17+s11+$0x0], $0xffff;
	v10 =	vadd.s32 v5, v10;
	v14 =	vadd.s32 s12, v8;
	s12 =	sadd.s32 $0x4, s30;
	[tilespmem:s1+$0x180] =	vst v11  }
0x2d8: {  	v19 =	vld.idx.msk [tilespmem:v19+s11+$0x0], $0xffff;
	v11 =	vadd.s32 v5, v14;
	v14 =	vadd.s32 s12, v8;
	s12 =	sadd.s32 $0x5, s30;
	[tilespmem:s1+$0xFFFFFE80] =	vst v13  }
0x2d9: {  	v13 =	vadd.s32 v5, v14;
	v14 =	vadd.s32 s12, v8;
	s12 =	sadd.s32 $0x6, s30;
	v20 =	vld.idx.msk [tilespmem:v20+s11+$0x0], $0xffff;
	[tilespmem:s1+$0xFFFFFF00] =	vst v18  }
0x2da: {  	v14 =	vadd.s32 v5, v14;
	v18 =	vadd.s32 s12, v8;
	[tilespmem:s1+$0xFFFFFF80] =	vst v15;
	v12 =	vld.idx.msk [tilespmem:v12+s11+$0x0], $0xffff  }
0x2db: {  	v8 =	vadd.s32 s30, v8;
	[tilespmem:s1+$0x0] =	vst v16;
	v15 =	vadd.s32 v5, v18;
	v9 =	vld.idx.msk [tilespmem:v9+s11+$0x0], $0xffff  }
0x2dc: {  	[tilespmem:s1+$0x80] =	vst v17;
	v8 =	vadd.s32 v5, v8;
	v10 =	vld.idx.msk [tilespmem:v10+s11+$0x0], $0xffff  }
0x2dd: {  	[tilespmem:s1+$0x100] =	vst v19;
	v11 =	vld.idx.msk [tilespmem:v11+s11+$0x0], $0xffff  }
0x2de: {  	s12 =	sadd.s32 $0x400, s1;
	v13 =	vld.idx.msk [tilespmem:v13+s11+$0x0], $0xffff;
	[tilespmem:s1+$0xFFFFFE00] =	vst v20  }
0x2df: {  	v14 =	vld.idx.msk [tilespmem:v14+s11+$0x0], $0xffff;
	[tilespmem:s12+$0x180] =	vst v12  }
0x2e0: {  	v12 =	vld.idx.msk [tilespmem:v15+s11+$0x0], $0xffff;
	[tilespmem:s12+$0xFFFFFE80] =	vst v9  }
0x2e1: {  	v8 =	vld.idx.msk [tilespmem:v8+s11+$0x0], $0xffff;
	[tilespmem:s12+$0xFFFFFF00] =	vst v10  }
0x2e2: {  	[tilespmem:s12+$0xFFFFFF80] =	vst v11  }
0x2e3: {  	[tilespmem:s12+$0x0] =	vst v13  }
0x2e4: {  	[tilespmem:s12+$0x80] =	vst v14  }
0x2e5: {  	[tilespmem:s12+$0x100] =	vst v12  }
0x2e6: {  	[tilespmem:s12+$0xFFFFFE00] =	vst v8  }
0x2e7: {  	v8 =	vld [tilespmem:s28+$0x6460];
	_ =	sdelay $0x3  }
0x2e8: {  	s1 =	simm.s32 $0x7  }
0x2e9: {  	s12 =	simm.s32 $0x1;
	v9 =	vadd.s32 s1, v8  }
0x2ea: {  	v10 =	vadd.s32 s12, v8;
	s1 =	simm.s32 $0x2;
	v9 =	vadd.s32 v6, v9  }
0x2eb: {  	s12 =	simm.s32 $0x3;
	v10 =	vadd.s32 v6, v10;
	v11 =	vadd.s32 s1, v8  }
0x2ec: {  	v12 =	vadd.s32 s12, v8;
	s1 =	simm.s32 $0x4;
	v11 =	vadd.s32 v6, v11  }
0x2ed: {  	s12 =	simm.s32 $0x5;
	v12 =	vadd.s32 v6, v12;
	v13 =	vadd.s32 s1, v8  }
0x2ee: {  	v14 =	vadd.s32 s12, v8;
	s1 =	simm.s32 $0x6;
	v13 =	vadd.s32 v6, v13  }
0x2ef: {  	s12 =	simm.s32 $0x0;
	v14 =	vadd.s32 v6, v14;
	v15 =	vadd.s32 s1, v8;
	v16 =	vld.idx.msk [tilespmem:v9+s11+$0x0], $0xffff  }
0x2f0: {  	s0 =	simm.s32 $0xF;
	v9 =	vadd.s32 s12, v8;
	v17 =	vld.idx.msk [tilespmem:v10+s11+$0x0], $0xffff;
	v10 =	vadd.s32 v6, v15  }
0x2f1: {  	s12 =	simm.s32 $0x9;
	v15 =	vadd.s32 s0, v8;
	v19 =	vadd.s32 v6, v9;
	v20 =	vld.idx.msk [tilespmem:v11+s11+$0x0], $0xffff  }
0x2f2: {  	s1 =	simm.s32 $0xA;
	v9 =	vadd.s32 s12, v8;
	v11 =	vadd.s32 v6, v15;
	v21 =	vld.idx.msk [tilespmem:v12+s11+$0x0], $0xffff  }
0x2f3: {  	s12 =	simm.s32 $0xB;
	v22 =	vadd.s32 v6, v9;
	v12 =	vld.idx.msk [tilespmem:v13+s11+$0x0], $0xffff;
	v13 =	vadd.s32 s1, v8  }
0x2f4: {  	s29 =	simm.s32 $0x1CA60;
	v9 =	vld.idx.msk [tilespmem:v14+s11+$0x0], $0xffff;
	v14 =	vadd.s32 s12, v8;
	s12 =	simm.s32 $0xC;
	v18 =	vadd.s32 v6, v13  }
0x2f5: {  	s0 =	simm.s32 $0xD;
	v15 =	vadd.s32 v6, v14;
	v13 =	vadd.s32 s12, v8;
	v10 =	vld.idx.msk [tilespmem:v10+s11+$0x0], $0xffff;
	[tilespmem:s29+$0x180] =	vst v16  }
0x2f6: {  	s1 =	simm.s32 $0xE;
	[tilespmem:s29+$0xFFFFFE80] =	vst v17;
	v16 =	vadd.s32 v6, v13;
	v13 =	vadd.s32 s0, v8;
	v14 =	vld.idx.msk [tilespmem:v19+s11+$0x0], $0xffff  }
0x2f7: {  	s12 =	simm.s32 $0x8;
	v19 =	vadd.s32 s1, v8;
	v11 =	vld.idx.msk [tilespmem:v11+s11+$0x0], $0xffff;
	[tilespmem:s29+$0xFFFFFF00] =	vst v20;
	v17 =	vadd.s32 v6, v13  }
0x2f8: {  	s31 =	simm.s32 $0x18;
	s30 =	simm.s32 $0x10;
	s1 =	simm.s32 $0x17;
	v20 =	vadd.s32 s12, v8;
	[tilespmem:s29+$0xFFFFFF80] =	vst v21;
	v13 =	vld.idx.msk [tilespmem:v22+s11+$0x0], $0xffff;
	v19 =	vadd.s32 v6, v19  }
.LBB2_33:
0x2f9: {  	p0 =	slt.u32 s31, $0x38;
	s0 =	sadd.s32 $0x1, s30;
	v21 =	vadd.s32 s1, v8;
	v20 =	vadd.s32 v6, v20;
	v22 =	vld.idx.msk [tilespmem:v18+s11+$0x0], $0xffff;
	[tilespmem:s29+$0x0] =	vst v12  }
0x2fa: {  	v12 =	vadd.s32 s0, v8;
	s0 =	sadd.s32 $0x2, s30;
	v21 =	vadd.s32 v6, v21;
	v23 =	vld.idx.msk [tilespmem:v15+s11+$0x0], $0xffff;
	[tilespmem:s29+$0x80] =	vst v9  }
0x2fb: {  	v24 =	vadd.s32 v6, v12;
	v9 =	vadd.s32 s0, v8;
	s0 =	sadd.s32 $0x3, s30;
	v12 =	vld.idx.msk [tilespmem:v16+s11+$0x0], $0xffff;
	[tilespmem:s29+$0x100] =	vst v10  }
.Ltmp17:
0x2fc: {  	v18 =	vadd.s32 v6, v9;
	v10 =	vadd.s32 s0, v8;
	s0 =	sadd.s32 $0x4, s30;
	v9 =	vld.idx.msk [tilespmem:v17+s11+$0x0], $0xffff;
	[tilespmem:s29+$0xFFFFFE00] =	vst v14;
	s29 =	sadd.s32 $0x400, s29;
	(pc) =	sbr.rel @p0 .LBB2_33-.Ltmp17, $4  }
0x2fd: {  	v15 =	vadd.s32 v6, v10;
	v14 =	vadd.s32 s0, v8;
	s0 =	sadd.s32 $0x5, s30;
	v10 =	vld.idx.msk [tilespmem:v19+s11+$0x0], $0xffff;
	[tilespmem:s29+$0x180] =	vst v11  }
0x2fe: {  	v16 =	vadd.s32 v6, v14;
	v11 =	vadd.s32 s0, v8;
	s0 =	sadd.s32 $0x6, s30;
	v14 =	vld.idx.msk [tilespmem:v20+s11+$0x0], $0xffff;
	[tilespmem:s29+$0xFFFFFE80] =	vst v13  }
0x2ff: {  	v17 =	vadd.s32 v6, v11;
	v19 =	vadd.s32 s0, v8;
	v11 =	vld.idx.msk [tilespmem:v21+s11+$0x0], $0xffff;
	[tilespmem:s29+$0xFFFFFF00] =	vst v22  }
0x300: {  	s1 =	sadd.s32 $0x7, s31;
	v20 =	vadd.s32 s30, v8;
	s30 =	smov.u32 s31;
	s31 =	sadd.s32 $0x8, s31;
	v13 =	vld.idx.msk [tilespmem:v24+s11+$0x0], $0xffff;
	v19 =	vadd.s32 v6, v19;
	[tilespmem:s29+$0xFFFFFF80] =	vst v23  }
0x301: {  	_ =	sdelay $0x2  }
0x302: {  	[tilespmem:s29+$0x0] =	vst v12  }
0x303: {  	s0 =	sadd.s32 $0x1, s30;
	v12 =	vadd.s32 s1, v8;
	v20 =	vadd.s32 v6, v20;
	v18 =	vld.idx.msk [tilespmem:v18+s11+$0x0], $0xffff;
	[tilespmem:s29+$0x80] =	vst v9  }
0x304: {  	s1 =	sadd.s32 $0x2, s30;
	v15 =	vld.idx.msk [tilespmem:v15+s11+$0x0], $0xffff;
	v9 =	vadd.s32 s0, v8;
	v12 =	vadd.s32 v6, v12;
	[tilespmem:s29+$0x100] =	vst v10  }
0x305: {  	s12 =	sadd.s32 $0x3, s30;
	v16 =	vld.idx.msk [tilespmem:v16+s11+$0x0], $0xffff;
	v10 =	vadd.s32 s1, v8;
	s1 =	sadd.s32 $0x400, s29;
	v9 =	vadd.s32 v6, v9;
	[tilespmem:s29+$0xFFFFFE00] =	vst v14  }
0x306: {  	s31 =	sadd.s32 $0x4, s30;
	v17 =	vld.idx.msk [tilespmem:v17+s11+$0x0], $0xffff;
	v10 =	vadd.s32 v6, v10;
	v14 =	vadd.s32 s12, v8;
	[tilespmem:s1+$0x180] =	vst v11  }
0x307: {  	v19 =	vld.idx.msk [tilespmem:v19+s11+$0x0], $0xffff;
	s12 =	sadd.s32 $0x5, s30;
	v11 =	vadd.s32 v6, v14;
	v14 =	vadd.s32 s31, v8;
	[tilespmem:s1+$0xFFFFFE80] =	vst v13  }
0x308: {  	s31 =	sadd.s32 $0x6, s30;
	v13 =	vadd.s32 v6, v14;
	v14 =	vadd.s32 s12, v8;
	v20 =	vld.idx.msk [tilespmem:v20+s11+$0x0], $0xffff;
	[tilespmem:s1+$0xFFFFFF00] =	vst v18  }
0x309: {  	v14 =	vadd.s32 v6, v14;
	v18 =	vadd.s32 s31, v8;
	[tilespmem:s1+$0xFFFFFF80] =	vst v15;
	v12 =	vld.idx.msk [tilespmem:v12+s11+$0x0], $0xffff  }
0x30a: {  	v8 =	vadd.s32 s30, v8;
	[tilespmem:s1+$0x0] =	vst v16;
	v15 =	vadd.s32 v6, v18;
	v9 =	vld.idx.msk [tilespmem:v9+s11+$0x0], $0xffff  }
0x30b: {  	[tilespmem:s1+$0x80] =	vst v17;
	v8 =	vadd.s32 v6, v8;
	v10 =	vld.idx.msk [tilespmem:v10+s11+$0x0], $0xffff  }
0x30c: {  	[tilespmem:s1+$0x100] =	vst v19;
	v11 =	vld.idx.msk [tilespmem:v11+s11+$0x0], $0xffff  }
0x30d: {  	v13 =	vld.idx.msk [tilespmem:v13+s11+$0x0], $0xffff;
	[tilespmem:s1+$0xFFFFFE00] =	vst v20;
	s1 =	sadd.s32 $0x400, s1  }
0x30e: {  	v14 =	vld.idx.msk [tilespmem:v14+s11+$0x0], $0xffff;
	[tilespmem:s1+$0x180] =	vst v12  }
0x30f: {  	v12 =	vld.idx.msk [tilespmem:v15+s11+$0x0], $0xffff;
	[tilespmem:s1+$0xFFFFFE80] =	vst v9  }
0x310: {  	v8 =	vld.idx.msk [tilespmem:v8+s11+$0x0], $0xffff;
	[tilespmem:s1+$0xFFFFFF00] =	vst v10  }
0x311: {  	[tilespmem:s1+$0xFFFFFF80] =	vst v11  }
0x312: {  	[tilespmem:s1+$0x0] =	vst v13  }
0x313: {  	[tilespmem:s1+$0x80] =	vst v14  }
0x314: {  	[tilespmem:s1+$0x100] =	vst v12  }
0x315: {  	[tilespmem:s1+$0xFFFFFE00] =	vst v8  }
0x316: {  	v8 =	vld [tilespmem:s28+$0x6470];
	_ =	sdelay $0x3  }
0x317: {  	s12 =	simm.s32 $0x7  }
0x318: {  	s31 =	simm.s32 $0x1;
	v9 =	vadd.s32 s12, v8  }
0x319: {  	s1 =	simm.s32 $0x2;
	v10 =	vadd.s32 s31, v8;
	v9 =	vadd.s32 v7, v9  }
0x31a: {  	v11 =	vadd.s32 s1, v8;
	s12 =	simm.s32 $0x3;
	v10 =	vadd.s32 v7, v10  }
0x31b: {  	s31 =	simm.s32 $0x4;
	v11 =	vadd.s32 v7, v11;
	v12 =	vadd.s32 s12, v8  }
0x31c: {  	s1 =	simm.s32 $0x5;
	v13 =	vadd.s32 s31, v8;
	v12 =	vadd.s32 v7, v12  }
0x31d: {  	v14 =	vadd.s32 s1, v8;
	s12 =	simm.s32 $0x6;
	v13 =	vadd.s32 v7, v13  }
0x31e: {  	s31 =	simm.s32 $0x0;
	v14 =	vadd.s32 v7, v14;
	v15 =	vadd.s32 s12, v8;
	v16 =	vld.idx.msk [tilespmem:v9+s11+$0x0], $0xffff  }
0x31f: {  	s12 =	simm.s32 $0xF;
	v9 =	vadd.s32 s31, v8;
	v17 =	vld.idx.msk [tilespmem:v10+s11+$0x0], $0xffff;
	v10 =	vadd.s32 v7, v15  }
0x320: {  	s31 =	simm.s32 $0x9;
	v15 =	vadd.s32 s12, v8;
	v20 =	vld.idx.msk [tilespmem:v11+s11+$0x0], $0xffff;
	v19 =	vadd.s32 v7, v9  }
0x321: {  	s1 =	simm.s32 $0xA;
	v9 =	vadd.s32 s31, v8;
	v11 =	vadd.s32 v7, v15;
	v21 =	vld.idx.msk [tilespmem:v12+s11+$0x0], $0xffff  }
0x322: {  	s12 =	simm.s32 $0xB;
	v12 =	vld.idx.msk [tilespmem:v13+s11+$0x0], $0xffff;
	v13 =	vadd.s32 s1, v8;
	v22 =	vadd.s32 v7, v9  }
0x323: {  	s28 =	simm.s32 $0x1CA70;
	s31 =	simm.s32 $0xC;
	v9 =	vld.idx.msk [tilespmem:v14+s11+$0x0], $0xffff;
	v14 =	vadd.s32 s12, v8;
	v18 =	vadd.s32 v7, v13  }
0x324: {  	s1 =	simm.s32 $0xD;
	v13 =	vadd.s32 s31, v8;
	v15 =	vadd.s32 v7, v14;
	v10 =	vld.idx.msk [tilespmem:v10+s11+$0x0], $0xffff;
	[tilespmem:s28+$0x180] =	vst v16  }
0x325: {  	s31 =	simm.s32 $0xE;
	[tilespmem:s28+$0xFFFFFE80] =	vst v17;
	v16 =	vadd.s32 v7, v13;
	v13 =	vadd.s32 s1, v8;
	v14 =	vld.idx.msk [tilespmem:v19+s11+$0x0], $0xffff  }
0x326: {  	s12 =	simm.s32 $0x8;
	[tilespmem:s28+$0xFFFFFF00] =	vst v20;
	v19 =	vadd.s32 s31, v8;
	v11 =	vld.idx.msk [tilespmem:v11+s11+$0x0], $0xffff;
	v17 =	vadd.s32 v7, v13  }
0x327: {  	s29 =	simm.s32 $0x10;
	s30 =	simm.s32 $0x18;
	s1 =	simm.s32 $0x17;
	v20 =	vadd.s32 s12, v8;
	[tilespmem:s28+$0xFFFFFF80] =	vst v21;
	v13 =	vld.idx.msk [tilespmem:v22+s11+$0x0], $0xffff;
	v19 =	vadd.s32 v7, v19  }
.LBB2_35:
0x328: {  	p0 =	slt.u32 s30, $0x38;
	s0 =	sadd.s32 $0x1, s29;
	v21 =	vadd.s32 s1, v8;
	v20 =	vadd.s32 v7, v20;
	v22 =	vld.idx.msk [tilespmem:v18+s11+$0x0], $0xffff;
	[tilespmem:s28+$0x0] =	vst v12  }
0x329: {  	v12 =	vadd.s32 s0, v8;
	s0 =	sadd.s32 $0x2, s29;
	v21 =	vadd.s32 v7, v21;
	v23 =	vld.idx.msk [tilespmem:v15+s11+$0x0], $0xffff;
	[tilespmem:s28+$0x80] =	vst v9  }
0x32a: {  	v24 =	vadd.s32 v7, v12;
	v9 =	vadd.s32 s0, v8;
	s0 =	sadd.s32 $0x3, s29;
	v12 =	vld.idx.msk [tilespmem:v16+s11+$0x0], $0xffff;
	[tilespmem:s28+$0x100] =	vst v10  }
.Ltmp18:
0x32b: {  	v18 =	vadd.s32 v7, v9;
	v10 =	vadd.s32 s0, v8;
	s0 =	sadd.s32 $0x4, s29;
	v9 =	vld.idx.msk [tilespmem:v17+s11+$0x0], $0xffff;
	[tilespmem:s28+$0xFFFFFE00] =	vst v14;
	s28 =	sadd.s32 $0x400, s28;
	(pc) =	sbr.rel @p0 .LBB2_35-.Ltmp18, $4  }
0x32c: {  	v15 =	vadd.s32 v7, v10;
	v14 =	vadd.s32 s0, v8;
	s0 =	sadd.s32 $0x5, s29;
	v10 =	vld.idx.msk [tilespmem:v19+s11+$0x0], $0xffff;
	[tilespmem:s28+$0x180] =	vst v11  }
0x32d: {  	v16 =	vadd.s32 v7, v14;
	v11 =	vadd.s32 s0, v8;
	s0 =	sadd.s32 $0x6, s29;
	v14 =	vld.idx.msk [tilespmem:v20+s11+$0x0], $0xffff;
	[tilespmem:s28+$0xFFFFFE80] =	vst v13  }
0x32e: {  	v17 =	vadd.s32 v7, v11;
	v19 =	vadd.s32 s0, v8;
	v11 =	vld.idx.msk [tilespmem:v21+s11+$0x0], $0xffff;
	[tilespmem:s28+$0xFFFFFF00] =	vst v22  }
0x32f: {  	s1 =	sadd.s32 $0x7, s30;
	v20 =	vadd.s32 s29, v8;
	s29 =	smov.u32 s30;
	s30 =	sadd.s32 $0x8, s30;
	v13 =	vld.idx.msk [tilespmem:v24+s11+$0x0], $0xffff;
	v19 =	vadd.s32 v7, v19;
	[tilespmem:s28+$0xFFFFFF80] =	vst v23  }
0x330: {  	_ =	sdelay $0x2  }
0x331: {  	[tilespmem:s28+$0x0] =	vst v12  }
0x332: {  	s0 =	sadd.s32 $0x1, s29;
	v12 =	vadd.s32 s1, v8;
	v20 =	vadd.s32 v7, v20;
	v18 =	vld.idx.msk [tilespmem:v18+s11+$0x0], $0xffff;
	[tilespmem:s28+$0x80] =	vst v9  }
0x333: {  	s1 =	sadd.s32 $0x2, s29;
	v15 =	vld.idx.msk [tilespmem:v15+s11+$0x0], $0xffff;
	v9 =	vadd.s32 s0, v8;
	v12 =	vadd.s32 v7, v12;
	[tilespmem:s28+$0x100] =	vst v10  }
0x334: {  	s12 =	sadd.s32 $0x3, s29;
	v16 =	vld.idx.msk [tilespmem:v16+s11+$0x0], $0xffff;
	v10 =	vadd.s32 s1, v8;
	s1 =	sadd.s32 $0x400, s28;
	v9 =	vadd.s32 v7, v9;
	[tilespmem:s28+$0xFFFFFE00] =	vst v14  }
0x335: {  	v17 =	vld.idx.msk [tilespmem:v17+s11+$0x0], $0xffff;
	v10 =	vadd.s32 v7, v10;
	v14 =	vadd.s32 s12, v8;
	s12 =	sadd.s32 $0x4, s29;
	[tilespmem:s1+$0x180] =	vst v11  }
0x336: {  	v19 =	vld.idx.msk [tilespmem:v19+s11+$0x0], $0xffff;
	v11 =	vadd.s32 v7, v14;
	v14 =	vadd.s32 s12, v8;
	s12 =	sadd.s32 $0x5, s29;
	[tilespmem:s1+$0xFFFFFE80] =	vst v13  }
0x337: {  	v13 =	vadd.s32 v7, v14;
	v14 =	vadd.s32 s12, v8;
	s12 =	sadd.s32 $0x6, s29;
	v20 =	vld.idx.msk [tilespmem:v20+s11+$0x0], $0xffff;
	[tilespmem:s1+$0xFFFFFF00] =	vst v18  }
0x338: {  	v14 =	vadd.s32 v7, v14;
	v18 =	vadd.s32 s12, v8;
	[tilespmem:s1+$0xFFFFFF80] =	vst v15;
	v12 =	vld.idx.msk [tilespmem:v12+s11+$0x0], $0xffff  }
0x339: {  	v8 =	vadd.s32 s29, v8;
	[tilespmem:s1+$0x0] =	vst v16;
	v15 =	vadd.s32 v7, v18;
	v9 =	vld.idx.msk [tilespmem:v9+s11+$0x0], $0xffff  }
0x33a: {  	[tilespmem:s1+$0x80] =	vst v17;
	v8 =	vadd.s32 v7, v8;
	v10 =	vld.idx.msk [tilespmem:v10+s11+$0x0], $0xffff  }
0x33b: {  	[tilespmem:s1+$0x100] =	vst v19;
	v11 =	vld.idx.msk [tilespmem:v11+s11+$0x0], $0xffff  }
0x33c: {  	s12 =	sadd.s32 $0x400, s1;
	v13 =	vld.idx.msk [tilespmem:v13+s11+$0x0], $0xffff;
	[tilespmem:s1+$0xFFFFFE00] =	vst v20  }
0x33d: {  	v14 =	vld.idx.msk [tilespmem:v14+s11+$0x0], $0xffff;
	[tilespmem:s12+$0x180] =	vst v12  }
0x33e: {  	v12 =	vld.idx.msk [tilespmem:v15+s11+$0x0], $0xffff;
	[tilespmem:s12+$0xFFFFFE80] =	vst v9  }
0x33f: {  	v8 =	vld.idx.msk [tilespmem:v8+s11+$0x0], $0xffff;
	[tilespmem:s12+$0xFFFFFF00] =	vst v10  }
0x340: {  	[tilespmem:s12+$0xFFFFFF80] =	vst v11  }
0x341: {  	[tilespmem:s12+$0x0] =	vst v13  }
0x342: {  	[tilespmem:s12+$0x80] =	vst v14  }
0x343: {  	[tilespmem:s12+$0x100] =	vst v12  }
0x344: {  	s1 =	sshll.u32 s26, $0x12;
	[tilespmem:s12+$0xFFFFFE00] =	vst v8  }
0x345: {  	s26 =	sor.u32 $0x2, s25;
	s0 =	sor.u32 s6, s1;
	_ =	swait.ge [sflag:s20], $0x2000  }
0x346: {  	s0 =	sshrl.u32 s0, $0x3;
	s12 =	sshll.u32 s26, $0x7;
	[sflag:s20] =	ssyncset.done $0x0  }
0x347: {  	s0 =	sadd.s32 s3, s0;
	s28 =	sand.u32 $0x3FFFFF80, s12;
	[sflag:s20] =	ssyncadd.s32 $0xFFFFE000  }
0x348: {  	[hbm4b:s0+s17] =	stream.strided.scatter [tilespmem:s19], [sflag:$0x2], $0x2000, s18, s17, $0x38;
	[tilespmem:$0x1E800] =	vst v63  }
0x349: {  	v8 =	vld [tilespmem:s28+$0x6400];
	_ =	sdelay $0x3  }
0x34a: {  	s1 =	simm.s32 $0x7  }
0x34b: {  	s12 =	simm.s32 $0x1;
	v9 =	vadd.s32 s1, v8  }
0x34c: {  	v10 =	vadd.s32 s12, v8;
	s1 =	simm.s32 $0x2;
	v9 =	vadd.s32 v0, v9  }
0x34d: {  	s12 =	simm.s32 $0x3;
	v10 =	vadd.s32 v0, v10;
	v11 =	vadd.s32 s1, v8  }
0x34e: {  	v12 =	vadd.s32 s12, v8;
	s1 =	simm.s32 $0x4;
	v11 =	vadd.s32 v0, v11  }
0x34f: {  	s12 =	simm.s32 $0x5;
	v12 =	vadd.s32 v0, v12;
	v13 =	vadd.s32 s1, v8  }
0x350: {  	v14 =	vadd.s32 s12, v8;
	s1 =	simm.s32 $0x6;
	v13 =	vadd.s32 v0, v13  }
0x351: {  	s12 =	simm.s32 $0x0;
	v14 =	vadd.s32 v0, v14;
	v15 =	vadd.s32 s1, v8;
	v16 =	vld.idx.msk [tilespmem:v9+s13+$0x0], $0xffff  }
0x352: {  	s0 =	simm.s32 $0xF;
	v9 =	vadd.s32 s12, v8;
	v17 =	vld.idx.msk [tilespmem:v10+s13+$0x0], $0xffff;
	v10 =	vadd.s32 v0, v15  }
0x353: {  	s12 =	simm.s32 $0x9;
	v15 =	vadd.s32 s0, v8;
	v19 =	vadd.s32 v0, v9;
	v20 =	vld.idx.msk [tilespmem:v11+s13+$0x0], $0xffff  }
0x354: {  	s1 =	simm.s32 $0xA;
	v9 =	vadd.s32 s12, v8;
	v11 =	vadd.s32 v0, v15;
	v21 =	vld.idx.msk [tilespmem:v12+s13+$0x0], $0xffff  }
0x355: {  	s12 =	simm.s32 $0xB;
	v22 =	vadd.s32 v0, v9;
	v12 =	vld.idx.msk [tilespmem:v13+s13+$0x0], $0xffff;
	v13 =	vadd.s32 s1, v8  }
0x356: {  	s29 =	simm.s32 $0x1CA00;
	v9 =	vld.idx.msk [tilespmem:v14+s13+$0x0], $0xffff;
	v14 =	vadd.s32 s12, v8;
	s12 =	simm.s32 $0xC;
	v18 =	vadd.s32 v0, v13  }
0x357: {  	s0 =	simm.s32 $0xD;
	v15 =	vadd.s32 v0, v14;
	v13 =	vadd.s32 s12, v8;
	v10 =	vld.idx.msk [tilespmem:v10+s13+$0x0], $0xffff;
	[tilespmem:s29+$0x180] =	vst v16  }
0x358: {  	s1 =	simm.s32 $0xE;
	[tilespmem:s29+$0xFFFFFE80] =	vst v17;
	v16 =	vadd.s32 v0, v13;
	v13 =	vadd.s32 s0, v8;
	v14 =	vld.idx.msk [tilespmem:v19+s13+$0x0], $0xffff  }
0x359: {  	s12 =	simm.s32 $0x8;
	v19 =	vadd.s32 s1, v8;
	v11 =	vld.idx.msk [tilespmem:v11+s13+$0x0], $0xffff;
	[tilespmem:s29+$0xFFFFFF00] =	vst v20;
	v17 =	vadd.s32 v0, v13  }
0x35a: {  	s30 =	simm.s32 $0x10;
	s31 =	simm.s32 $0x18;
	s1 =	simm.s32 $0x17;
	v20 =	vadd.s32 s12, v8;
	[tilespmem:s29+$0xFFFFFF80] =	vst v21;
	v13 =	vld.idx.msk [tilespmem:v22+s13+$0x0], $0xffff;
	v19 =	vadd.s32 v0, v19  }
.LBB2_37:
0x35b: {  	p0 =	slt.u32 s31, $0x38;
	s0 =	sadd.s32 $0x1, s30;
	v21 =	vadd.s32 s1, v8;
	v20 =	vadd.s32 v0, v20;
	v22 =	vld.idx.msk [tilespmem:v18+s13+$0x0], $0xffff;
	[tilespmem:s29+$0x0] =	vst v12  }
0x35c: {  	v12 =	vadd.s32 s0, v8;
	s0 =	sadd.s32 $0x2, s30;
	v21 =	vadd.s32 v0, v21;
	v23 =	vld.idx.msk [tilespmem:v15+s13+$0x0], $0xffff;
	[tilespmem:s29+$0x80] =	vst v9  }
0x35d: {  	v24 =	vadd.s32 v0, v12;
	v9 =	vadd.s32 s0, v8;
	s0 =	sadd.s32 $0x3, s30;
	v12 =	vld.idx.msk [tilespmem:v16+s13+$0x0], $0xffff;
	[tilespmem:s29+$0x100] =	vst v10  }
.Ltmp19:
0x35e: {  	v18 =	vadd.s32 v0, v9;
	v10 =	vadd.s32 s0, v8;
	s0 =	sadd.s32 $0x4, s30;
	v9 =	vld.idx.msk [tilespmem:v17+s13+$0x0], $0xffff;
	[tilespmem:s29+$0xFFFFFE00] =	vst v14;
	s29 =	sadd.s32 $0x400, s29;
	(pc) =	sbr.rel @p0 .LBB2_37-.Ltmp19, $4  }
0x35f: {  	v15 =	vadd.s32 v0, v10;
	v14 =	vadd.s32 s0, v8;
	s0 =	sadd.s32 $0x5, s30;
	v10 =	vld.idx.msk [tilespmem:v19+s13+$0x0], $0xffff;
	[tilespmem:s29+$0x180] =	vst v11  }
0x360: {  	v16 =	vadd.s32 v0, v14;
	v11 =	vadd.s32 s0, v8;
	s0 =	sadd.s32 $0x6, s30;
	v14 =	vld.idx.msk [tilespmem:v20+s13+$0x0], $0xffff;
	[tilespmem:s29+$0xFFFFFE80] =	vst v13  }
0x361: {  	v17 =	vadd.s32 v0, v11;
	v19 =	vadd.s32 s0, v8;
	v11 =	vld.idx.msk [tilespmem:v21+s13+$0x0], $0xffff;
	[tilespmem:s29+$0xFFFFFF00] =	vst v22  }
0x362: {  	s1 =	sadd.s32 $0x7, s31;
	v20 =	vadd.s32 s30, v8;
	s30 =	smov.u32 s31;
	s31 =	sadd.s32 $0x8, s31;
	v13 =	vld.idx.msk [tilespmem:v24+s13+$0x0], $0xffff;
	v19 =	vadd.s32 v0, v19;
	[tilespmem:s29+$0xFFFFFF80] =	vst v23  }
0x363: {  	_ =	sdelay $0x2  }
0x364: {  	[tilespmem:s29+$0x0] =	vst v12  }
0x365: {  	s0 =	sadd.s32 $0x1, s30;
	v12 =	vadd.s32 s1, v8;
	v20 =	vadd.s32 v0, v20;
	v18 =	vld.idx.msk [tilespmem:v18+s13+$0x0], $0xffff;
	[tilespmem:s29+$0x80] =	vst v9  }
0x366: {  	s1 =	sadd.s32 $0x2, s30;
	v15 =	vld.idx.msk [tilespmem:v15+s13+$0x0], $0xffff;
	v9 =	vadd.s32 s0, v8;
	v12 =	vadd.s32 v0, v12;
	[tilespmem:s29+$0x100] =	vst v10  }
0x367: {  	s12 =	sadd.s32 $0x3, s30;
	v16 =	vld.idx.msk [tilespmem:v16+s13+$0x0], $0xffff;
	v10 =	vadd.s32 s1, v8;
	s1 =	sadd.s32 $0x400, s29;
	v9 =	vadd.s32 v0, v9;
	[tilespmem:s29+$0xFFFFFE00] =	vst v14  }
0x368: {  	v17 =	vld.idx.msk [tilespmem:v17+s13+$0x0], $0xffff;
	v10 =	vadd.s32 v0, v10;
	v14 =	vadd.s32 s12, v8;
	s12 =	sadd.s32 $0x4, s30;
	[tilespmem:s1+$0x180] =	vst v11  }
0x369: {  	v19 =	vld.idx.msk [tilespmem:v19+s13+$0x0], $0xffff;
	v11 =	vadd.s32 v0, v14;
	v14 =	vadd.s32 s12, v8;
	s12 =	sadd.s32 $0x5, s30;
	[tilespmem:s1+$0xFFFFFE80] =	vst v13  }
0x36a: {  	v13 =	vadd.s32 v0, v14;
	v14 =	vadd.s32 s12, v8;
	s12 =	sadd.s32 $0x6, s30;
	v20 =	vld.idx.msk [tilespmem:v20+s13+$0x0], $0xffff;
	[tilespmem:s1+$0xFFFFFF00] =	vst v18  }
0x36b: {  	v14 =	vadd.s32 v0, v14;
	v18 =	vadd.s32 s12, v8;
	[tilespmem:s1+$0xFFFFFF80] =	vst v15;
	v12 =	vld.idx.msk [tilespmem:v12+s13+$0x0], $0xffff  }
0x36c: {  	v8 =	vadd.s32 s30, v8;
	[tilespmem:s1+$0x0] =	vst v16;
	v15 =	vadd.s32 v0, v18;
	v9 =	vld.idx.msk [tilespmem:v9+s13+$0x0], $0xffff  }
0x36d: {  	[tilespmem:s1+$0x80] =	vst v17;
	v8 =	vadd.s32 v0, v8;
	v10 =	vld.idx.msk [tilespmem:v10+s13+$0x0], $0xffff  }
0x36e: {  	[tilespmem:s1+$0x100] =	vst v19;
	v11 =	vld.idx.msk [tilespmem:v11+s13+$0x0], $0xffff  }
0x36f: {  	s12 =	sadd.s32 $0x400, s1;
	v13 =	vld.idx.msk [tilespmem:v13+s13+$0x0], $0xffff;
	[tilespmem:s1+$0xFFFFFE00] =	vst v20  }
0x370: {  	v14 =	vld.idx.msk [tilespmem:v14+s13+$0x0], $0xffff;
	[tilespmem:s12+$0x180] =	vst v12  }
0x371: {  	v12 =	vld.idx.msk [tilespmem:v15+s13+$0x0], $0xffff;
	[tilespmem:s12+$0xFFFFFE80] =	vst v9  }
0x372: {  	v8 =	vld.idx.msk [tilespmem:v8+s13+$0x0], $0xffff;
	[tilespmem:s12+$0xFFFFFF00] =	vst v10  }
0x373: {  	[tilespmem:s12+$0xFFFFFF80] =	vst v11  }
0x374: {  	[tilespmem:s12+$0x0] =	vst v13  }
0x375: {  	[tilespmem:s12+$0x80] =	vst v14  }
0x376: {  	[tilespmem:s12+$0x100] =	vst v12  }
0x377: {  	[tilespmem:s12+$0xFFFFFE00] =	vst v8  }
0x378: {  	v8 =	vld [tilespmem:s28+$0x6410];
	_ =	sdelay $0x3  }
0x379: {  	s1 =	simm.s32 $0x7  }
0x37a: {  	s12 =	simm.s32 $0x1;
	v9 =	vadd.s32 s1, v8  }
0x37b: {  	v10 =	vadd.s32 s12, v8;
	s1 =	simm.s32 $0x2;
	v9 =	vadd.s32 v1, v9  }
0x37c: {  	s12 =	simm.s32 $0x3;
	v10 =	vadd.s32 v1, v10;
	v11 =	vadd.s32 s1, v8  }
0x37d: {  	v12 =	vadd.s32 s12, v8;
	s1 =	simm.s32 $0x4;
	v11 =	vadd.s32 v1, v11  }
0x37e: {  	s12 =	simm.s32 $0x5;
	v12 =	vadd.s32 v1, v12;
	v13 =	vadd.s32 s1, v8  }
0x37f: {  	v14 =	vadd.s32 s12, v8;
	s1 =	simm.s32 $0x6;
	v13 =	vadd.s32 v1, v13  }
0x380: {  	s12 =	simm.s32 $0x0;
	v14 =	vadd.s32 v1, v14;
	v15 =	vadd.s32 s1, v8;
	v16 =	vld.idx.msk [tilespmem:v9+s13+$0x0], $0xffff  }
0x381: {  	s0 =	simm.s32 $0xF;
	v9 =	vadd.s32 s12, v8;
	v17 =	vld.idx.msk [tilespmem:v10+s13+$0x0], $0xffff;
	v10 =	vadd.s32 v1, v15  }
0x382: {  	s12 =	simm.s32 $0x9;
	v15 =	vadd.s32 s0, v8;
	v19 =	vadd.s32 v1, v9;
	v20 =	vld.idx.msk [tilespmem:v11+s13+$0x0], $0xffff  }
0x383: {  	s1 =	simm.s32 $0xA;
	v9 =	vadd.s32 s12, v8;
	v11 =	vadd.s32 v1, v15;
	v21 =	vld.idx.msk [tilespmem:v12+s13+$0x0], $0xffff  }
0x384: {  	s12 =	simm.s32 $0xB;
	v22 =	vadd.s32 v1, v9;
	v12 =	vld.idx.msk [tilespmem:v13+s13+$0x0], $0xffff;
	v13 =	vadd.s32 s1, v8  }
0x385: {  	s29 =	simm.s32 $0x1CA10;
	v9 =	vld.idx.msk [tilespmem:v14+s13+$0x0], $0xffff;
	v14 =	vadd.s32 s12, v8;
	s12 =	simm.s32 $0xC;
	v18 =	vadd.s32 v1, v13  }
0x386: {  	s0 =	simm.s32 $0xD;
	v15 =	vadd.s32 v1, v14;
	v13 =	vadd.s32 s12, v8;
	v10 =	vld.idx.msk [tilespmem:v10+s13+$0x0], $0xffff;
	[tilespmem:s29+$0x180] =	vst v16  }
0x387: {  	s1 =	simm.s32 $0xE;
	[tilespmem:s29+$0xFFFFFE80] =	vst v17;
	v16 =	vadd.s32 v1, v13;
	v13 =	vadd.s32 s0, v8;
	v14 =	vld.idx.msk [tilespmem:v19+s13+$0x0], $0xffff  }
0x388: {  	s12 =	simm.s32 $0x8;
	v19 =	vadd.s32 s1, v8;
	v11 =	vld.idx.msk [tilespmem:v11+s13+$0x0], $0xffff;
	[tilespmem:s29+$0xFFFFFF00] =	vst v20;
	v17 =	vadd.s32 v1, v13  }
0x389: {  	s31 =	simm.s32 $0x18;
	s30 =	simm.s32 $0x10;
	s1 =	simm.s32 $0x17;
	v20 =	vadd.s32 s12, v8;
	[tilespmem:s29+$0xFFFFFF80] =	vst v21;
	v13 =	vld.idx.msk [tilespmem:v22+s13+$0x0], $0xffff;
	v19 =	vadd.s32 v1, v19  }
.LBB2_39:
0x38a: {  	p0 =	slt.u32 s31, $0x38;
	s0 =	sadd.s32 $0x1, s30;
	v21 =	vadd.s32 s1, v8;
	v20 =	vadd.s32 v1, v20;
	v22 =	vld.idx.msk [tilespmem:v18+s13+$0x0], $0xffff;
	[tilespmem:s29+$0x0] =	vst v12  }
0x38b: {  	v12 =	vadd.s32 s0, v8;
	s0 =	sadd.s32 $0x2, s30;
	v21 =	vadd.s32 v1, v21;
	v23 =	vld.idx.msk [tilespmem:v15+s13+$0x0], $0xffff;
	[tilespmem:s29+$0x80] =	vst v9  }
0x38c: {  	v24 =	vadd.s32 v1, v12;
	v9 =	vadd.s32 s0, v8;
	s0 =	sadd.s32 $0x3, s30;
	v12 =	vld.idx.msk [tilespmem:v16+s13+$0x0], $0xffff;
	[tilespmem:s29+$0x100] =	vst v10  }
.Ltmp20:
0x38d: {  	v18 =	vadd.s32 v1, v9;
	v10 =	vadd.s32 s0, v8;
	s0 =	sadd.s32 $0x4, s30;
	v9 =	vld.idx.msk [tilespmem:v17+s13+$0x0], $0xffff;
	[tilespmem:s29+$0xFFFFFE00] =	vst v14;
	s29 =	sadd.s32 $0x400, s29;
	(pc) =	sbr.rel @p0 .LBB2_39-.Ltmp20, $4  }
0x38e: {  	v15 =	vadd.s32 v1, v10;
	v14 =	vadd.s32 s0, v8;
	s0 =	sadd.s32 $0x5, s30;
	v10 =	vld.idx.msk [tilespmem:v19+s13+$0x0], $0xffff;
	[tilespmem:s29+$0x180] =	vst v11  }
0x38f: {  	v16 =	vadd.s32 v1, v14;
	v11 =	vadd.s32 s0, v8;
	s0 =	sadd.s32 $0x6, s30;
	v14 =	vld.idx.msk [tilespmem:v20+s13+$0x0], $0xffff;
	[tilespmem:s29+$0xFFFFFE80] =	vst v13  }
0x390: {  	v17 =	vadd.s32 v1, v11;
	v19 =	vadd.s32 s0, v8;
	v11 =	vld.idx.msk [tilespmem:v21+s13+$0x0], $0xffff;
	[tilespmem:s29+$0xFFFFFF00] =	vst v22  }
0x391: {  	s1 =	sadd.s32 $0x7, s31;
	v20 =	vadd.s32 s30, v8;
	s30 =	smov.u32 s31;
	s31 =	sadd.s32 $0x8, s31;
	v13 =	vld.idx.msk [tilespmem:v24+s13+$0x0], $0xffff;
	v19 =	vadd.s32 v1, v19;
	[tilespmem:s29+$0xFFFFFF80] =	vst v23  }
0x392: {  	_ =	sdelay $0x2  }
0x393: {  	[tilespmem:s29+$0x0] =	vst v12  }
0x394: {  	s0 =	sadd.s32 $0x1, s30;
	v12 =	vadd.s32 s1, v8;
	v20 =	vadd.s32 v1, v20;
	v18 =	vld.idx.msk [tilespmem:v18+s13+$0x0], $0xffff;
	[tilespmem:s29+$0x80] =	vst v9  }
0x395: {  	s1 =	sadd.s32 $0x2, s30;
	v15 =	vld.idx.msk [tilespmem:v15+s13+$0x0], $0xffff;
	v9 =	vadd.s32 s0, v8;
	v12 =	vadd.s32 v1, v12;
	[tilespmem:s29+$0x100] =	vst v10  }
0x396: {  	s12 =	sadd.s32 $0x3, s30;
	v16 =	vld.idx.msk [tilespmem:v16+s13+$0x0], $0xffff;
	v10 =	vadd.s32 s1, v8;
	s1 =	sadd.s32 $0x400, s29;
	v9 =	vadd.s32 v1, v9;
	[tilespmem:s29+$0xFFFFFE00] =	vst v14  }
0x397: {  	v17 =	vld.idx.msk [tilespmem:v17+s13+$0x0], $0xffff;
	v10 =	vadd.s32 v1, v10;
	v14 =	vadd.s32 s12, v8;
	s12 =	sadd.s32 $0x4, s30;
	[tilespmem:s1+$0x180] =	vst v11  }
0x398: {  	v19 =	vld.idx.msk [tilespmem:v19+s13+$0x0], $0xffff;
	v11 =	vadd.s32 v1, v14;
	v14 =	vadd.s32 s12, v8;
	s12 =	sadd.s32 $0x5, s30;
	[tilespmem:s1+$0xFFFFFE80] =	vst v13  }
0x399: {  	v13 =	vadd.s32 v1, v14;
	v14 =	vadd.s32 s12, v8;
	s12 =	sadd.s32 $0x6, s30;
	v20 =	vld.idx.msk [tilespmem:v20+s13+$0x0], $0xffff;
	[tilespmem:s1+$0xFFFFFF00] =	vst v18  }
0x39a: {  	v14 =	vadd.s32 v1, v14;
	v18 =	vadd.s32 s12, v8;
	[tilespmem:s1+$0xFFFFFF80] =	vst v15;
	v12 =	vld.idx.msk [tilespmem:v12+s13+$0x0], $0xffff  }
0x39b: {  	v8 =	vadd.s32 s30, v8;
	[tilespmem:s1+$0x0] =	vst v16;
	v15 =	vadd.s32 v1, v18;
	v9 =	vld.idx.msk [tilespmem:v9+s13+$0x0], $0xffff  }
0x39c: {  	[tilespmem:s1+$0x80] =	vst v17;
	v8 =	vadd.s32 v1, v8;
	v10 =	vld.idx.msk [tilespmem:v10+s13+$0x0], $0xffff  }
0x39d: {  	[tilespmem:s1+$0x100] =	vst v19;
	v11 =	vld.idx.msk [tilespmem:v11+s13+$0x0], $0xffff  }
0x39e: {  	s12 =	sadd.s32 $0x400, s1;
	v13 =	vld.idx.msk [tilespmem:v13+s13+$0x0], $0xffff;
	[tilespmem:s1+$0xFFFFFE00] =	vst v20  }
0x39f: {  	v14 =	vld.idx.msk [tilespmem:v14+s13+$0x0], $0xffff;
	[tilespmem:s12+$0x180] =	vst v12  }
0x3a0: {  	v12 =	vld.idx.msk [tilespmem:v15+s13+$0x0], $0xffff;
	[tilespmem:s12+$0xFFFFFE80] =	vst v9  }
0x3a1: {  	v8 =	vld.idx.msk [tilespmem:v8+s13+$0x0], $0xffff;
	[tilespmem:s12+$0xFFFFFF00] =	vst v10  }
0x3a2: {  	[tilespmem:s12+$0xFFFFFF80] =	vst v11  }
0x3a3: {  	[tilespmem:s12+$0x0] =	vst v13  }
0x3a4: {  	[tilespmem:s12+$0x80] =	vst v14  }
0x3a5: {  	[tilespmem:s12+$0x100] =	vst v12  }
0x3a6: {  	[tilespmem:s12+$0xFFFFFE00] =	vst v8  }
0x3a7: {  	v8 =	vld [tilespmem:s28+$0x6420];
	_ =	sdelay $0x3  }
0x3a8: {  	s1 =	simm.s32 $0x7  }
0x3a9: {  	s12 =	simm.s32 $0x1;
	v9 =	vadd.s32 s1, v8  }
0x3aa: {  	v10 =	vadd.s32 s12, v8;
	s1 =	simm.s32 $0x2;
	v9 =	vadd.s32 v2, v9  }
0x3ab: {  	s12 =	simm.s32 $0x3;
	v10 =	vadd.s32 v2, v10;
	v11 =	vadd.s32 s1, v8  }
0x3ac: {  	v12 =	vadd.s32 s12, v8;
	s1 =	simm.s32 $0x4;
	v11 =	vadd.s32 v2, v11  }
0x3ad: {  	s12 =	simm.s32 $0x5;
	v12 =	vadd.s32 v2, v12;
	v13 =	vadd.s32 s1, v8  }
0x3ae: {  	v14 =	vadd.s32 s12, v8;
	s1 =	simm.s32 $0x6;
	v13 =	vadd.s32 v2, v13  }
0x3af: {  	s12 =	simm.s32 $0x0;
	v14 =	vadd.s32 v2, v14;
	v15 =	vadd.s32 s1, v8;
	v16 =	vld.idx.msk [tilespmem:v9+s13+$0x0], $0xffff  }
0x3b0: {  	s0 =	simm.s32 $0xF;
	v9 =	vadd.s32 s12, v8;
	v17 =	vld.idx.msk [tilespmem:v10+s13+$0x0], $0xffff;
	v10 =	vadd.s32 v2, v15  }
0x3b1: {  	s12 =	simm.s32 $0x9;
	v15 =	vadd.s32 s0, v8;
	v19 =	vadd.s32 v2, v9;
	v20 =	vld.idx.msk [tilespmem:v11+s13+$0x0], $0xffff  }
0x3b2: {  	s1 =	simm.s32 $0xA;
	v9 =	vadd.s32 s12, v8;
	v11 =	vadd.s32 v2, v15;
	v21 =	vld.idx.msk [tilespmem:v12+s13+$0x0], $0xffff  }
0x3b3: {  	s12 =	simm.s32 $0xB;
	v22 =	vadd.s32 v2, v9;
	v12 =	vld.idx.msk [tilespmem:v13+s13+$0x0], $0xffff;
	v13 =	vadd.s32 s1, v8  }
0x3b4: {  	s29 =	simm.s32 $0x1CA20;
	v9 =	vld.idx.msk [tilespmem:v14+s13+$0x0], $0xffff;
	v14 =	vadd.s32 s12, v8;
	s12 =	simm.s32 $0xC;
	v18 =	vadd.s32 v2, v13  }
0x3b5: {  	s0 =	simm.s32 $0xD;
	v15 =	vadd.s32 v2, v14;
	v13 =	vadd.s32 s12, v8;
	v10 =	vld.idx.msk [tilespmem:v10+s13+$0x0], $0xffff;
	[tilespmem:s29+$0x180] =	vst v16  }
0x3b6: {  	s1 =	simm.s32 $0xE;
	[tilespmem:s29+$0xFFFFFE80] =	vst v17;
	v16 =	vadd.s32 v2, v13;
	v13 =	vadd.s32 s0, v8;
	v14 =	vld.idx.msk [tilespmem:v19+s13+$0x0], $0xffff  }
0x3b7: {  	s12 =	simm.s32 $0x8;
	v19 =	vadd.s32 s1, v8;
	v11 =	vld.idx.msk [tilespmem:v11+s13+$0x0], $0xffff;
	[tilespmem:s29+$0xFFFFFF00] =	vst v20;
	v17 =	vadd.s32 v2, v13  }
0x3b8: {  	s31 =	simm.s32 $0x18;
	s30 =	simm.s32 $0x10;
	s1 =	simm.s32 $0x17;
	v20 =	vadd.s32 s12, v8;
	[tilespmem:s29+$0xFFFFFF80] =	vst v21;
	v13 =	vld.idx.msk [tilespmem:v22+s13+$0x0], $0xffff;
	v19 =	vadd.s32 v2, v19  }
.LBB2_41:
0x3b9: {  	p0 =	slt.u32 s31, $0x38;
	s0 =	sadd.s32 $0x1, s30;
	v21 =	vadd.s32 s1, v8;
	v20 =	vadd.s32 v2, v20;
	v22 =	vld.idx.msk [tilespmem:v18+s13+$0x0], $0xffff;
	[tilespmem:s29+$0x0] =	vst v12  }
0x3ba: {  	v12 =	vadd.s32 s0, v8;
	s0 =	sadd.s32 $0x2, s30;
	v21 =	vadd.s32 v2, v21;
	v23 =	vld.idx.msk [tilespmem:v15+s13+$0x0], $0xffff;
	[tilespmem:s29+$0x80] =	vst v9  }
0x3bb: {  	v24 =	vadd.s32 v2, v12;
	v9 =	vadd.s32 s0, v8;
	s0 =	sadd.s32 $0x3, s30;
	v12 =	vld.idx.msk [tilespmem:v16+s13+$0x0], $0xffff;
	[tilespmem:s29+$0x100] =	vst v10  }
.Ltmp21:
0x3bc: {  	v18 =	vadd.s32 v2, v9;
	v10 =	vadd.s32 s0, v8;
	s0 =	sadd.s32 $0x4, s30;
	v9 =	vld.idx.msk [tilespmem:v17+s13+$0x0], $0xffff;
	[tilespmem:s29+$0xFFFFFE00] =	vst v14;
	s29 =	sadd.s32 $0x400, s29;
	(pc) =	sbr.rel @p0 .LBB2_41-.Ltmp21, $4  }
0x3bd: {  	v15 =	vadd.s32 v2, v10;
	v14 =	vadd.s32 s0, v8;
	s0 =	sadd.s32 $0x5, s30;
	v10 =	vld.idx.msk [tilespmem:v19+s13+$0x0], $0xffff;
	[tilespmem:s29+$0x180] =	vst v11  }
0x3be: {  	v16 =	vadd.s32 v2, v14;
	v11 =	vadd.s32 s0, v8;
	s0 =	sadd.s32 $0x6, s30;
	v14 =	vld.idx.msk [tilespmem:v20+s13+$0x0], $0xffff;
	[tilespmem:s29+$0xFFFFFE80] =	vst v13  }
0x3bf: {  	v17 =	vadd.s32 v2, v11;
	v19 =	vadd.s32 s0, v8;
	v11 =	vld.idx.msk [tilespmem:v21+s13+$0x0], $0xffff;
	[tilespmem:s29+$0xFFFFFF00] =	vst v22  }
0x3c0: {  	s1 =	sadd.s32 $0x7, s31;
	v20 =	vadd.s32 s30, v8;
	s30 =	smov.u32 s31;
	s31 =	sadd.s32 $0x8, s31;
	v13 =	vld.idx.msk [tilespmem:v24+s13+$0x0], $0xffff;
	v19 =	vadd.s32 v2, v19;
	[tilespmem:s29+$0xFFFFFF80] =	vst v23  }
0x3c1: {  	_ =	sdelay $0x2  }
0x3c2: {  	[tilespmem:s29+$0x0] =	vst v12  }
0x3c3: {  	s0 =	sadd.s32 $0x1, s30;
	v12 =	vadd.s32 s1, v8;
	v20 =	vadd.s32 v2, v20;
	v18 =	vld.idx.msk [tilespmem:v18+s13+$0x0], $0xffff;
	[tilespmem:s29+$0x80] =	vst v9  }
0x3c4: {  	s1 =	sadd.s32 $0x2, s30;
	v15 =	vld.idx.msk [tilespmem:v15+s13+$0x0], $0xffff;
	v9 =	vadd.s32 s0, v8;
	v12 =	vadd.s32 v2, v12;
	[tilespmem:s29+$0x100] =	vst v10  }
0x3c5: {  	s12 =	sadd.s32 $0x3, s30;
	v16 =	vld.idx.msk [tilespmem:v16+s13+$0x0], $0xffff;
	v10 =	vadd.s32 s1, v8;
	s1 =	sadd.s32 $0x400, s29;
	v9 =	vadd.s32 v2, v9;
	[tilespmem:s29+$0xFFFFFE00] =	vst v14  }
0x3c6: {  	v17 =	vld.idx.msk [tilespmem:v17+s13+$0x0], $0xffff;
	v10 =	vadd.s32 v2, v10;
	v14 =	vadd.s32 s12, v8;
	s12 =	sadd.s32 $0x4, s30;
	[tilespmem:s1+$0x180] =	vst v11  }
0x3c7: {  	v19 =	vld.idx.msk [tilespmem:v19+s13+$0x0], $0xffff;
	v11 =	vadd.s32 v2, v14;
	v14 =	vadd.s32 s12, v8;
	s12 =	sadd.s32 $0x5, s30;
	[tilespmem:s1+$0xFFFFFE80] =	vst v13  }
0x3c8: {  	v13 =	vadd.s32 v2, v14;
	v14 =	vadd.s32 s12, v8;
	s12 =	sadd.s32 $0x6, s30;
	v20 =	vld.idx.msk [tilespmem:v20+s13+$0x0], $0xffff;
	[tilespmem:s1+$0xFFFFFF00] =	vst v18  }
0x3c9: {  	v14 =	vadd.s32 v2, v14;
	v18 =	vadd.s32 s12, v8;
	[tilespmem:s1+$0xFFFFFF80] =	vst v15;
	v12 =	vld.idx.msk [tilespmem:v12+s13+$0x0], $0xffff  }
0x3ca: {  	v8 =	vadd.s32 s30, v8;
	[tilespmem:s1+$0x0] =	vst v16;
	v15 =	vadd.s32 v2, v18;
	v9 =	vld.idx.msk [tilespmem:v9+s13+$0x0], $0xffff  }
0x3cb: {  	[tilespmem:s1+$0x80] =	vst v17;
	v8 =	vadd.s32 v2, v8;
	v10 =	vld.idx.msk [tilespmem:v10+s13+$0x0], $0xffff  }
0x3cc: {  	[tilespmem:s1+$0x100] =	vst v19;
	v11 =	vld.idx.msk [tilespmem:v11+s13+$0x0], $0xffff  }
0x3cd: {  	s12 =	sadd.s32 $0x400, s1;
	v13 =	vld.idx.msk [tilespmem:v13+s13+$0x0], $0xffff;
	[tilespmem:s1+$0xFFFFFE00] =	vst v20  }
0x3ce: {  	v14 =	vld.idx.msk [tilespmem:v14+s13+$0x0], $0xffff;
	[tilespmem:s12+$0x180] =	vst v12  }
0x3cf: {  	v12 =	vld.idx.msk [tilespmem:v15+s13+$0x0], $0xffff;
	[tilespmem:s12+$0xFFFFFE80] =	vst v9  }
0x3d0: {  	v8 =	vld.idx.msk [tilespmem:v8+s13+$0x0], $0xffff;
	[tilespmem:s12+$0xFFFFFF00] =	vst v10  }
0x3d1: {  	[tilespmem:s12+$0xFFFFFF80] =	vst v11  }
0x3d2: {  	[tilespmem:s12+$0x0] =	vst v13  }
0x3d3: {  	[tilespmem:s12+$0x80] =	vst v14  }
0x3d4: {  	[tilespmem:s12+$0x100] =	vst v12  }
0x3d5: {  	[tilespmem:s12+$0xFFFFFE00] =	vst v8  }
0x3d6: {  	v8 =	vld [tilespmem:s28+$0x6430];
	_ =	sdelay $0x3  }
0x3d7: {  	s1 =	simm.s32 $0x7  }
0x3d8: {  	s12 =	simm.s32 $0x1;
	v9 =	vadd.s32 s1, v8  }
0x3d9: {  	v10 =	vadd.s32 s12, v8;
	s1 =	simm.s32 $0x2;
	v9 =	vadd.s32 v3, v9  }
0x3da: {  	s12 =	simm.s32 $0x3;
	v10 =	vadd.s32 v3, v10;
	v11 =	vadd.s32 s1, v8  }
0x3db: {  	v12 =	vadd.s32 s12, v8;
	s1 =	simm.s32 $0x4;
	v11 =	vadd.s32 v3, v11  }
0x3dc: {  	s12 =	simm.s32 $0x5;
	v12 =	vadd.s32 v3, v12;
	v13 =	vadd.s32 s1, v8  }
0x3dd: {  	v14 =	vadd.s32 s12, v8;
	s1 =	simm.s32 $0x6;
	v13 =	vadd.s32 v3, v13  }
0x3de: {  	s12 =	simm.s32 $0x0;
	v14 =	vadd.s32 v3, v14;
	v15 =	vadd.s32 s1, v8;
	v16 =	vld.idx.msk [tilespmem:v9+s13+$0x0], $0xffff  }
0x3df: {  	s0 =	simm.s32 $0xF;
	v9 =	vadd.s32 s12, v8;
	v17 =	vld.idx.msk [tilespmem:v10+s13+$0x0], $0xffff;
	v10 =	vadd.s32 v3, v15  }
0x3e0: {  	s12 =	simm.s32 $0x9;
	v15 =	vadd.s32 s0, v8;
	v19 =	vadd.s32 v3, v9;
	v20 =	vld.idx.msk [tilespmem:v11+s13+$0x0], $0xffff  }
0x3e1: {  	s1 =	simm.s32 $0xA;
	v9 =	vadd.s32 s12, v8;
	v11 =	vadd.s32 v3, v15;
	v21 =	vld.idx.msk [tilespmem:v12+s13+$0x0], $0xffff  }
0x3e2: {  	s12 =	simm.s32 $0xB;
	v22 =	vadd.s32 v3, v9;
	v12 =	vld.idx.msk [tilespmem:v13+s13+$0x0], $0xffff;
	v13 =	vadd.s32 s1, v8  }
0x3e3: {  	s29 =	simm.s32 $0x1CA30;
	v9 =	vld.idx.msk [tilespmem:v14+s13+$0x0], $0xffff;
	v14 =	vadd.s32 s12, v8;
	s12 =	simm.s32 $0xC;
	v18 =	vadd.s32 v3, v13  }
0x3e4: {  	s0 =	simm.s32 $0xD;
	v15 =	vadd.s32 v3, v14;
	v13 =	vadd.s32 s12, v8;
	v10 =	vld.idx.msk [tilespmem:v10+s13+$0x0], $0xffff;
	[tilespmem:s29+$0x180] =	vst v16  }
0x3e5: {  	s1 =	simm.s32 $0xE;
	[tilespmem:s29+$0xFFFFFE80] =	vst v17;
	v16 =	vadd.s32 v3, v13;
	v13 =	vadd.s32 s0, v8;
	v14 =	vld.idx.msk [tilespmem:v19+s13+$0x0], $0xffff  }
0x3e6: {  	s12 =	simm.s32 $0x8;
	v19 =	vadd.s32 s1, v8;
	v11 =	vld.idx.msk [tilespmem:v11+s13+$0x0], $0xffff;
	[tilespmem:s29+$0xFFFFFF00] =	vst v20;
	v17 =	vadd.s32 v3, v13  }
0x3e7: {  	s31 =	simm.s32 $0x18;
	s30 =	simm.s32 $0x10;
	s1 =	simm.s32 $0x17;
	v20 =	vadd.s32 s12, v8;
	[tilespmem:s29+$0xFFFFFF80] =	vst v21;
	v13 =	vld.idx.msk [tilespmem:v22+s13+$0x0], $0xffff;
	v19 =	vadd.s32 v3, v19  }
.LBB2_43:
0x3e8: {  	p0 =	slt.u32 s31, $0x38;
	s0 =	sadd.s32 $0x1, s30;
	v21 =	vadd.s32 s1, v8;
	v20 =	vadd.s32 v3, v20;
	v22 =	vld.idx.msk [tilespmem:v18+s13+$0x0], $0xffff;
	[tilespmem:s29+$0x0] =	vst v12  }
0x3e9: {  	v12 =	vadd.s32 s0, v8;
	s0 =	sadd.s32 $0x2, s30;
	v21 =	vadd.s32 v3, v21;
	v23 =	vld.idx.msk [tilespmem:v15+s13+$0x0], $0xffff;
	[tilespmem:s29+$0x80] =	vst v9  }
0x3ea: {  	v24 =	vadd.s32 v3, v12;
	v9 =	vadd.s32 s0, v8;
	s0 =	sadd.s32 $0x3, s30;
	v12 =	vld.idx.msk [tilespmem:v16+s13+$0x0], $0xffff;
	[tilespmem:s29+$0x100] =	vst v10  }
.Ltmp22:
0x3eb: {  	v18 =	vadd.s32 v3, v9;
	v10 =	vadd.s32 s0, v8;
	s0 =	sadd.s32 $0x4, s30;
	v9 =	vld.idx.msk [tilespmem:v17+s13+$0x0], $0xffff;
	[tilespmem:s29+$0xFFFFFE00] =	vst v14;
	s29 =	sadd.s32 $0x400, s29;
	(pc) =	sbr.rel @p0 .LBB2_43-.Ltmp22, $4  }
0x3ec: {  	v15 =	vadd.s32 v3, v10;
	v14 =	vadd.s32 s0, v8;
	s0 =	sadd.s32 $0x5, s30;
	v10 =	vld.idx.msk [tilespmem:v19+s13+$0x0], $0xffff;
	[tilespmem:s29+$0x180] =	vst v11  }
0x3ed: {  	v16 =	vadd.s32 v3, v14;
	v11 =	vadd.s32 s0, v8;
	s0 =	sadd.s32 $0x6, s30;
	v14 =	vld.idx.msk [tilespmem:v20+s13+$0x0], $0xffff;
	[tilespmem:s29+$0xFFFFFE80] =	vst v13  }
0x3ee: {  	v17 =	vadd.s32 v3, v11;
	v19 =	vadd.s32 s0, v8;
	v11 =	vld.idx.msk [tilespmem:v21+s13+$0x0], $0xffff;
	[tilespmem:s29+$0xFFFFFF00] =	vst v22  }
0x3ef: {  	s1 =	sadd.s32 $0x7, s31;
	v20 =	vadd.s32 s30, v8;
	s30 =	smov.u32 s31;
	s31 =	sadd.s32 $0x8, s31;
	v13 =	vld.idx.msk [tilespmem:v24+s13+$0x0], $0xffff;
	v19 =	vadd.s32 v3, v19;
	[tilespmem:s29+$0xFFFFFF80] =	vst v23  }
0x3f0: {  	_ =	sdelay $0x2  }
0x3f1: {  	[tilespmem:s29+$0x0] =	vst v12  }
0x3f2: {  	s0 =	sadd.s32 $0x1, s30;
	v12 =	vadd.s32 s1, v8;
	v20 =	vadd.s32 v3, v20;
	v18 =	vld.idx.msk [tilespmem:v18+s13+$0x0], $0xffff;
	[tilespmem:s29+$0x80] =	vst v9  }
0x3f3: {  	s1 =	sadd.s32 $0x2, s30;
	v15 =	vld.idx.msk [tilespmem:v15+s13+$0x0], $0xffff;
	v9 =	vadd.s32 s0, v8;
	v12 =	vadd.s32 v3, v12;
	[tilespmem:s29+$0x100] =	vst v10  }
0x3f4: {  	s12 =	sadd.s32 $0x3, s30;
	v16 =	vld.idx.msk [tilespmem:v16+s13+$0x0], $0xffff;
	v10 =	vadd.s32 s1, v8;
	s1 =	sadd.s32 $0x400, s29;
	v9 =	vadd.s32 v3, v9;
	[tilespmem:s29+$0xFFFFFE00] =	vst v14  }
0x3f5: {  	v17 =	vld.idx.msk [tilespmem:v17+s13+$0x0], $0xffff;
	v10 =	vadd.s32 v3, v10;
	v14 =	vadd.s32 s12, v8;
	s12 =	sadd.s32 $0x4, s30;
	[tilespmem:s1+$0x180] =	vst v11  }
0x3f6: {  	v19 =	vld.idx.msk [tilespmem:v19+s13+$0x0], $0xffff;
	v11 =	vadd.s32 v3, v14;
	v14 =	vadd.s32 s12, v8;
	s12 =	sadd.s32 $0x5, s30;
	[tilespmem:s1+$0xFFFFFE80] =	vst v13  }
0x3f7: {  	v13 =	vadd.s32 v3, v14;
	v14 =	vadd.s32 s12, v8;
	s12 =	sadd.s32 $0x6, s30;
	v20 =	vld.idx.msk [tilespmem:v20+s13+$0x0], $0xffff;
	[tilespmem:s1+$0xFFFFFF00] =	vst v18  }
0x3f8: {  	v14 =	vadd.s32 v3, v14;
	v18 =	vadd.s32 s12, v8;
	[tilespmem:s1+$0xFFFFFF80] =	vst v15;
	v12 =	vld.idx.msk [tilespmem:v12+s13+$0x0], $0xffff  }
0x3f9: {  	v8 =	vadd.s32 s30, v8;
	[tilespmem:s1+$0x0] =	vst v16;
	v15 =	vadd.s32 v3, v18;
	v9 =	vld.idx.msk [tilespmem:v9+s13+$0x0], $0xffff  }
0x3fa: {  	[tilespmem:s1+$0x80] =	vst v17;
	v8 =	vadd.s32 v3, v8;
	v10 =	vld.idx.msk [tilespmem:v10+s13+$0x0], $0xffff  }
0x3fb: {  	[tilespmem:s1+$0x100] =	vst v19;
	v11 =	vld.idx.msk [tilespmem:v11+s13+$0x0], $0xffff  }
0x3fc: {  	s12 =	sadd.s32 $0x400, s1;
	v13 =	vld.idx.msk [tilespmem:v13+s13+$0x0], $0xffff;
	[tilespmem:s1+$0xFFFFFE00] =	vst v20  }
0x3fd: {  	v14 =	vld.idx.msk [tilespmem:v14+s13+$0x0], $0xffff;
	[tilespmem:s12+$0x180] =	vst v12  }
0x3fe: {  	v12 =	vld.idx.msk [tilespmem:v15+s13+$0x0], $0xffff;
	[tilespmem:s12+$0xFFFFFE80] =	vst v9  }
0x3ff: {  	v8 =	vld.idx.msk [tilespmem:v8+s13+$0x0], $0xffff;
	[tilespmem:s12+$0xFFFFFF00] =	vst v10  }
0x400: {  	[tilespmem:s12+$0xFFFFFF80] =	vst v11  }
0x401: {  	[tilespmem:s12+$0x0] =	vst v13  }
0x402: {  	[tilespmem:s12+$0x80] =	vst v14  }
0x403: {  	[tilespmem:s12+$0x100] =	vst v12  }
0x404: {  	[tilespmem:s12+$0xFFFFFE00] =	vst v8  }
0x405: {  	v8 =	vld [tilespmem:s28+$0x6440];
	_ =	sdelay $0x3  }
0x406: {  	s1 =	simm.s32 $0x7  }
0x407: {  	s12 =	simm.s32 $0x1;
	v9 =	vadd.s32 s1, v8  }
0x408: {  	v10 =	vadd.s32 s12, v8;
	s1 =	simm.s32 $0x2;
	v9 =	vadd.s32 v4, v9  }
0x409: {  	s12 =	simm.s32 $0x3;
	v10 =	vadd.s32 v4, v10;
	v11 =	vadd.s32 s1, v8  }
0x40a: {  	v12 =	vadd.s32 s12, v8;
	s1 =	simm.s32 $0x4;
	v11 =	vadd.s32 v4, v11  }
0x40b: {  	s12 =	simm.s32 $0x5;
	v12 =	vadd.s32 v4, v12;
	v13 =	vadd.s32 s1, v8  }
0x40c: {  	v14 =	vadd.s32 s12, v8;
	s1 =	simm.s32 $0x6;
	v13 =	vadd.s32 v4, v13  }
0x40d: {  	s12 =	simm.s32 $0x0;
	v14 =	vadd.s32 v4, v14;
	v15 =	vadd.s32 s1, v8;
	v16 =	vld.idx.msk [tilespmem:v9+s13+$0x0], $0xffff  }
0x40e: {  	s0 =	simm.s32 $0xF;
	v9 =	vadd.s32 s12, v8;
	v17 =	vld.idx.msk [tilespmem:v10+s13+$0x0], $0xffff;
	v10 =	vadd.s32 v4, v15  }
0x40f: {  	s12 =	simm.s32 $0x9;
	v15 =	vadd.s32 s0, v8;
	v19 =	vadd.s32 v4, v9;
	v20 =	vld.idx.msk [tilespmem:v11+s13+$0x0], $0xffff  }
0x410: {  	s1 =	simm.s32 $0xA;
	v9 =	vadd.s32 s12, v8;
	v11 =	vadd.s32 v4, v15;
	v21 =	vld.idx.msk [tilespmem:v12+s13+$0x0], $0xffff  }
0x411: {  	s12 =	simm.s32 $0xB;
	v22 =	vadd.s32 v4, v9;
	v12 =	vld.idx.msk [tilespmem:v13+s13+$0x0], $0xffff;
	v13 =	vadd.s32 s1, v8  }
0x412: {  	s29 =	simm.s32 $0x1CA40;
	v9 =	vld.idx.msk [tilespmem:v14+s13+$0x0], $0xffff;
	v14 =	vadd.s32 s12, v8;
	s12 =	simm.s32 $0xC;
	v18 =	vadd.s32 v4, v13  }
0x413: {  	s0 =	simm.s32 $0xD;
	v15 =	vadd.s32 v4, v14;
	v13 =	vadd.s32 s12, v8;
	v10 =	vld.idx.msk [tilespmem:v10+s13+$0x0], $0xffff;
	[tilespmem:s29+$0x180] =	vst v16  }
0x414: {  	s1 =	simm.s32 $0xE;
	[tilespmem:s29+$0xFFFFFE80] =	vst v17;
	v16 =	vadd.s32 v4, v13;
	v13 =	vadd.s32 s0, v8;
	v14 =	vld.idx.msk [tilespmem:v19+s13+$0x0], $0xffff  }
0x415: {  	s12 =	simm.s32 $0x8;
	v19 =	vadd.s32 s1, v8;
	v11 =	vld.idx.msk [tilespmem:v11+s13+$0x0], $0xffff;
	[tilespmem:s29+$0xFFFFFF00] =	vst v20;
	v17 =	vadd.s32 v4, v13  }
0x416: {  	s31 =	simm.s32 $0x18;
	s30 =	simm.s32 $0x10;
	s1 =	simm.s32 $0x17;
	v20 =	vadd.s32 s12, v8;
	[tilespmem:s29+$0xFFFFFF80] =	vst v21;
	v13 =	vld.idx.msk [tilespmem:v22+s13+$0x0], $0xffff;
	v19 =	vadd.s32 v4, v19  }
.LBB2_45:
0x417: {  	p0 =	slt.u32 s31, $0x38;
	s0 =	sadd.s32 $0x1, s30;
	v21 =	vadd.s32 s1, v8;
	v20 =	vadd.s32 v4, v20;
	v22 =	vld.idx.msk [tilespmem:v18+s13+$0x0], $0xffff;
	[tilespmem:s29+$0x0] =	vst v12  }
0x418: {  	v12 =	vadd.s32 s0, v8;
	s0 =	sadd.s32 $0x2, s30;
	v21 =	vadd.s32 v4, v21;
	v23 =	vld.idx.msk [tilespmem:v15+s13+$0x0], $0xffff;
	[tilespmem:s29+$0x80] =	vst v9  }
0x419: {  	v24 =	vadd.s32 v4, v12;
	v9 =	vadd.s32 s0, v8;
	s0 =	sadd.s32 $0x3, s30;
	v12 =	vld.idx.msk [tilespmem:v16+s13+$0x0], $0xffff;
	[tilespmem:s29+$0x100] =	vst v10  }
.Ltmp23:
0x41a: {  	v18 =	vadd.s32 v4, v9;
	v10 =	vadd.s32 s0, v8;
	s0 =	sadd.s32 $0x4, s30;
	v9 =	vld.idx.msk [tilespmem:v17+s13+$0x0], $0xffff;
	[tilespmem:s29+$0xFFFFFE00] =	vst v14;
	s29 =	sadd.s32 $0x400, s29;
	(pc) =	sbr.rel @p0 .LBB2_45-.Ltmp23, $4  }
0x41b: {  	v15 =	vadd.s32 v4, v10;
	v14 =	vadd.s32 s0, v8;
	s0 =	sadd.s32 $0x5, s30;
	v10 =	vld.idx.msk [tilespmem:v19+s13+$0x0], $0xffff;
	[tilespmem:s29+$0x180] =	vst v11  }
0x41c: {  	v16 =	vadd.s32 v4, v14;
	v11 =	vadd.s32 s0, v8;
	s0 =	sadd.s32 $0x6, s30;
	v14 =	vld.idx.msk [tilespmem:v20+s13+$0x0], $0xffff;
	[tilespmem:s29+$0xFFFFFE80] =	vst v13  }
0x41d: {  	v17 =	vadd.s32 v4, v11;
	v19 =	vadd.s32 s0, v8;
	v11 =	vld.idx.msk [tilespmem:v21+s13+$0x0], $0xffff;
	[tilespmem:s29+$0xFFFFFF00] =	vst v22  }
0x41e: {  	s1 =	sadd.s32 $0x7, s31;
	v20 =	vadd.s32 s30, v8;
	s30 =	smov.u32 s31;
	s31 =	sadd.s32 $0x8, s31;
	v13 =	vld.idx.msk [tilespmem:v24+s13+$0x0], $0xffff;
	v19 =	vadd.s32 v4, v19;
	[tilespmem:s29+$0xFFFFFF80] =	vst v23  }
0x41f: {  	_ =	sdelay $0x2  }
0x420: {  	[tilespmem:s29+$0x0] =	vst v12  }
0x421: {  	s0 =	sadd.s32 $0x1, s30;
	v12 =	vadd.s32 s1, v8;
	v20 =	vadd.s32 v4, v20;
	v18 =	vld.idx.msk [tilespmem:v18+s13+$0x0], $0xffff;
	[tilespmem:s29+$0x80] =	vst v9  }
0x422: {  	s1 =	sadd.s32 $0x2, s30;
	v15 =	vld.idx.msk [tilespmem:v15+s13+$0x0], $0xffff;
	v9 =	vadd.s32 s0, v8;
	v12 =	vadd.s32 v4, v12;
	[tilespmem:s29+$0x100] =	vst v10  }
0x423: {  	s12 =	sadd.s32 $0x3, s30;
	v16 =	vld.idx.msk [tilespmem:v16+s13+$0x0], $0xffff;
	v10 =	vadd.s32 s1, v8;
	s1 =	sadd.s32 $0x400, s29;
	v9 =	vadd.s32 v4, v9;
	[tilespmem:s29+$0xFFFFFE00] =	vst v14  }
0x424: {  	v17 =	vld.idx.msk [tilespmem:v17+s13+$0x0], $0xffff;
	v10 =	vadd.s32 v4, v10;
	v14 =	vadd.s32 s12, v8;
	s12 =	sadd.s32 $0x4, s30;
	[tilespmem:s1+$0x180] =	vst v11  }
0x425: {  	v19 =	vld.idx.msk [tilespmem:v19+s13+$0x0], $0xffff;
	v11 =	vadd.s32 v4, v14;
	v14 =	vadd.s32 s12, v8;
	s12 =	sadd.s32 $0x5, s30;
	[tilespmem:s1+$0xFFFFFE80] =	vst v13  }
0x426: {  	v13 =	vadd.s32 v4, v14;
	v14 =	vadd.s32 s12, v8;
	s12 =	sadd.s32 $0x6, s30;
	v20 =	vld.idx.msk [tilespmem:v20+s13+$0x0], $0xffff;
	[tilespmem:s1+$0xFFFFFF00] =	vst v18  }
0x427: {  	v14 =	vadd.s32 v4, v14;
	v18 =	vadd.s32 s12, v8;
	[tilespmem:s1+$0xFFFFFF80] =	vst v15;
	v12 =	vld.idx.msk [tilespmem:v12+s13+$0x0], $0xffff  }
0x428: {  	v8 =	vadd.s32 s30, v8;
	[tilespmem:s1+$0x0] =	vst v16;
	v15 =	vadd.s32 v4, v18;
	v9 =	vld.idx.msk [tilespmem:v9+s13+$0x0], $0xffff  }
0x429: {  	[tilespmem:s1+$0x80] =	vst v17;
	v8 =	vadd.s32 v4, v8;
	v10 =	vld.idx.msk [tilespmem:v10+s13+$0x0], $0xffff  }
0x42a: {  	[tilespmem:s1+$0x100] =	vst v19;
	v11 =	vld.idx.msk [tilespmem:v11+s13+$0x0], $0xffff  }
0x42b: {  	s12 =	sadd.s32 $0x400, s1;
	v13 =	vld.idx.msk [tilespmem:v13+s13+$0x0], $0xffff;
	[tilespmem:s1+$0xFFFFFE00] =	vst v20  }
0x42c: {  	v14 =	vld.idx.msk [tilespmem:v14+s13+$0x0], $0xffff;
	[tilespmem:s12+$0x180] =	vst v12  }
0x42d: {  	v12 =	vld.idx.msk [tilespmem:v15+s13+$0x0], $0xffff;
	[tilespmem:s12+$0xFFFFFE80] =	vst v9  }
0x42e: {  	v8 =	vld.idx.msk [tilespmem:v8+s13+$0x0], $0xffff;
	[tilespmem:s12+$0xFFFFFF00] =	vst v10  }
0x42f: {  	[tilespmem:s12+$0xFFFFFF80] =	vst v11  }
0x430: {  	[tilespmem:s12+$0x0] =	vst v13  }
0x431: {  	[tilespmem:s12+$0x80] =	vst v14  }
0x432: {  	[tilespmem:s12+$0x100] =	vst v12  }
0x433: {  	[tilespmem:s12+$0xFFFFFE00] =	vst v8  }
0x434: {  	v8 =	vld [tilespmem:s28+$0x6450];
	_ =	sdelay $0x3  }
0x435: {  	s1 =	simm.s32 $0x7  }
0x436: {  	s12 =	simm.s32 $0x1;
	v9 =	vadd.s32 s1, v8  }
0x437: {  	v10 =	vadd.s32 s12, v8;
	s1 =	simm.s32 $0x2;
	v9 =	vadd.s32 v5, v9  }
0x438: {  	s12 =	simm.s32 $0x3;
	v10 =	vadd.s32 v5, v10;
	v11 =	vadd.s32 s1, v8  }
0x439: {  	v12 =	vadd.s32 s12, v8;
	s1 =	simm.s32 $0x4;
	v11 =	vadd.s32 v5, v11  }
0x43a: {  	s12 =	simm.s32 $0x5;
	v12 =	vadd.s32 v5, v12;
	v13 =	vadd.s32 s1, v8  }
0x43b: {  	v14 =	vadd.s32 s12, v8;
	s1 =	simm.s32 $0x6;
	v13 =	vadd.s32 v5, v13  }
0x43c: {  	s12 =	simm.s32 $0x0;
	v14 =	vadd.s32 v5, v14;
	v15 =	vadd.s32 s1, v8;
	v16 =	vld.idx.msk [tilespmem:v9+s13+$0x0], $0xffff  }
0x43d: {  	s0 =	simm.s32 $0xF;
	v9 =	vadd.s32 s12, v8;
	v17 =	vld.idx.msk [tilespmem:v10+s13+$0x0], $0xffff;
	v10 =	vadd.s32 v5, v15  }
0x43e: {  	s12 =	simm.s32 $0x9;
	v15 =	vadd.s32 s0, v8;
	v19 =	vadd.s32 v5, v9;
	v20 =	vld.idx.msk [tilespmem:v11+s13+$0x0], $0xffff  }
0x43f: {  	s1 =	simm.s32 $0xA;
	v9 =	vadd.s32 s12, v8;
	v11 =	vadd.s32 v5, v15;
	v21 =	vld.idx.msk [tilespmem:v12+s13+$0x0], $0xffff  }
0x440: {  	s12 =	simm.s32 $0xB;
	v22 =	vadd.s32 v5, v9;
	v12 =	vld.idx.msk [tilespmem:v13+s13+$0x0], $0xffff;
	v13 =	vadd.s32 s1, v8  }
0x441: {  	s29 =	simm.s32 $0x1CA50;
	v9 =	vld.idx.msk [tilespmem:v14+s13+$0x0], $0xffff;
	v14 =	vadd.s32 s12, v8;
	s12 =	simm.s32 $0xC;
	v18 =	vadd.s32 v5, v13  }
0x442: {  	s0 =	simm.s32 $0xD;
	v15 =	vadd.s32 v5, v14;
	v13 =	vadd.s32 s12, v8;
	v10 =	vld.idx.msk [tilespmem:v10+s13+$0x0], $0xffff;
	[tilespmem:s29+$0x180] =	vst v16  }
0x443: {  	s1 =	simm.s32 $0xE;
	[tilespmem:s29+$0xFFFFFE80] =	vst v17;
	v16 =	vadd.s32 v5, v13;
	v13 =	vadd.s32 s0, v8;
	v14 =	vld.idx.msk [tilespmem:v19+s13+$0x0], $0xffff  }
0x444: {  	s12 =	simm.s32 $0x8;
	v19 =	vadd.s32 s1, v8;
	v11 =	vld.idx.msk [tilespmem:v11+s13+$0x0], $0xffff;
	[tilespmem:s29+$0xFFFFFF00] =	vst v20;
	v17 =	vadd.s32 v5, v13  }
0x445: {  	s31 =	simm.s32 $0x18;
	s30 =	simm.s32 $0x10;
	s1 =	simm.s32 $0x17;
	v20 =	vadd.s32 s12, v8;
	[tilespmem:s29+$0xFFFFFF80] =	vst v21;
	v13 =	vld.idx.msk [tilespmem:v22+s13+$0x0], $0xffff;
	v19 =	vadd.s32 v5, v19  }
.LBB2_47:
0x446: {  	p0 =	slt.u32 s31, $0x38;
	s0 =	sadd.s32 $0x1, s30;
	v21 =	vadd.s32 s1, v8;
	v20 =	vadd.s32 v5, v20;
	v22 =	vld.idx.msk [tilespmem:v18+s13+$0x0], $0xffff;
	[tilespmem:s29+$0x0] =	vst v12  }
0x447: {  	v12 =	vadd.s32 s0, v8;
	s0 =	sadd.s32 $0x2, s30;
	v21 =	vadd.s32 v5, v21;
	v23 =	vld.idx.msk [tilespmem:v15+s13+$0x0], $0xffff;
	[tilespmem:s29+$0x80] =	vst v9  }
0x448: {  	v24 =	vadd.s32 v5, v12;
	v9 =	vadd.s32 s0, v8;
	s0 =	sadd.s32 $0x3, s30;
	v12 =	vld.idx.msk [tilespmem:v16+s13+$0x0], $0xffff;
	[tilespmem:s29+$0x100] =	vst v10  }
.Ltmp24:
0x449: {  	v18 =	vadd.s32 v5, v9;
	v10 =	vadd.s32 s0, v8;
	s0 =	sadd.s32 $0x4, s30;
	v9 =	vld.idx.msk [tilespmem:v17+s13+$0x0], $0xffff;
	[tilespmem:s29+$0xFFFFFE00] =	vst v14;
	s29 =	sadd.s32 $0x400, s29;
	(pc) =	sbr.rel @p0 .LBB2_47-.Ltmp24, $4  }
0x44a: {  	v15 =	vadd.s32 v5, v10;
	v14 =	vadd.s32 s0, v8;
	s0 =	sadd.s32 $0x5, s30;
	v10 =	vld.idx.msk [tilespmem:v19+s13+$0x0], $0xffff;
	[tilespmem:s29+$0x180] =	vst v11  }
0x44b: {  	v16 =	vadd.s32 v5, v14;
	v11 =	vadd.s32 s0, v8;
	s0 =	sadd.s32 $0x6, s30;
	v14 =	vld.idx.msk [tilespmem:v20+s13+$0x0], $0xffff;
	[tilespmem:s29+$0xFFFFFE80] =	vst v13  }
0x44c: {  	v17 =	vadd.s32 v5, v11;
	v19 =	vadd.s32 s0, v8;
	v11 =	vld.idx.msk [tilespmem:v21+s13+$0x0], $0xffff;
	[tilespmem:s29+$0xFFFFFF00] =	vst v22  }
0x44d: {  	s1 =	sadd.s32 $0x7, s31;
	v20 =	vadd.s32 s30, v8;
	s30 =	smov.u32 s31;
	s31 =	sadd.s32 $0x8, s31;
	v13 =	vld.idx.msk [tilespmem:v24+s13+$0x0], $0xffff;
	v19 =	vadd.s32 v5, v19;
	[tilespmem:s29+$0xFFFFFF80] =	vst v23  }
0x44e: {  	_ =	sdelay $0x2  }
0x44f: {  	[tilespmem:s29+$0x0] =	vst v12  }
0x450: {  	s0 =	sadd.s32 $0x1, s30;
	v12 =	vadd.s32 s1, v8;
	v20 =	vadd.s32 v5, v20;
	v18 =	vld.idx.msk [tilespmem:v18+s13+$0x0], $0xffff;
	[tilespmem:s29+$0x80] =	vst v9  }
0x451: {  	s1 =	sadd.s32 $0x2, s30;
	v15 =	vld.idx.msk [tilespmem:v15+s13+$0x0], $0xffff;
	v9 =	vadd.s32 s0, v8;
	v12 =	vadd.s32 v5, v12;
	[tilespmem:s29+$0x100] =	vst v10  }
0x452: {  	s12 =	sadd.s32 $0x3, s30;
	v16 =	vld.idx.msk [tilespmem:v16+s13+$0x0], $0xffff;
	v10 =	vadd.s32 s1, v8;
	s1 =	sadd.s32 $0x400, s29;
	v9 =	vadd.s32 v5, v9;
	[tilespmem:s29+$0xFFFFFE00] =	vst v14  }
0x453: {  	v17 =	vld.idx.msk [tilespmem:v17+s13+$0x0], $0xffff;
	v10 =	vadd.s32 v5, v10;
	v14 =	vadd.s32 s12, v8;
	s12 =	sadd.s32 $0x4, s30;
	[tilespmem:s1+$0x180] =	vst v11  }
0x454: {  	v19 =	vld.idx.msk [tilespmem:v19+s13+$0x0], $0xffff;
	v11 =	vadd.s32 v5, v14;
	v14 =	vadd.s32 s12, v8;
	s12 =	sadd.s32 $0x5, s30;
	[tilespmem:s1+$0xFFFFFE80] =	vst v13  }
0x455: {  	v13 =	vadd.s32 v5, v14;
	v14 =	vadd.s32 s12, v8;
	s12 =	sadd.s32 $0x6, s30;
	v20 =	vld.idx.msk [tilespmem:v20+s13+$0x0], $0xffff;
	[tilespmem:s1+$0xFFFFFF00] =	vst v18  }
0x456: {  	v14 =	vadd.s32 v5, v14;
	v18 =	vadd.s32 s12, v8;
	[tilespmem:s1+$0xFFFFFF80] =	vst v15;
	v12 =	vld.idx.msk [tilespmem:v12+s13+$0x0], $0xffff  }
0x457: {  	v8 =	vadd.s32 s30, v8;
	[tilespmem:s1+$0x0] =	vst v16;
	v15 =	vadd.s32 v5, v18;
	v9 =	vld.idx.msk [tilespmem:v9+s13+$0x0], $0xffff  }
0x458: {  	[tilespmem:s1+$0x80] =	vst v17;
	v8 =	vadd.s32 v5, v8;
	v10 =	vld.idx.msk [tilespmem:v10+s13+$0x0], $0xffff  }
0x459: {  	[tilespmem:s1+$0x100] =	vst v19;
	v11 =	vld.idx.msk [tilespmem:v11+s13+$0x0], $0xffff  }
0x45a: {  	s12 =	sadd.s32 $0x400, s1;
	v13 =	vld.idx.msk [tilespmem:v13+s13+$0x0], $0xffff;
	[tilespmem:s1+$0xFFFFFE00] =	vst v20  }
0x45b: {  	v14 =	vld.idx.msk [tilespmem:v14+s13+$0x0], $0xffff;
	[tilespmem:s12+$0x180] =	vst v12  }
0x45c: {  	v12 =	vld.idx.msk [tilespmem:v15+s13+$0x0], $0xffff;
	[tilespmem:s12+$0xFFFFFE80] =	vst v9  }
0x45d: {  	v8 =	vld.idx.msk [tilespmem:v8+s13+$0x0], $0xffff;
	[tilespmem:s12+$0xFFFFFF00] =	vst v10  }
0x45e: {  	[tilespmem:s12+$0xFFFFFF80] =	vst v11  }
0x45f: {  	[tilespmem:s12+$0x0] =	vst v13  }
0x460: {  	[tilespmem:s12+$0x80] =	vst v14  }
0x461: {  	[tilespmem:s12+$0x100] =	vst v12  }
0x462: {  	[tilespmem:s12+$0xFFFFFE00] =	vst v8  }
0x463: {  	v8 =	vld [tilespmem:s28+$0x6460];
	_ =	sdelay $0x3  }
0x464: {  	s1 =	simm.s32 $0x7  }
0x465: {  	s12 =	simm.s32 $0x1;
	v9 =	vadd.s32 s1, v8  }
0x466: {  	v10 =	vadd.s32 s12, v8;
	s1 =	simm.s32 $0x2;
	v9 =	vadd.s32 v6, v9  }
0x467: {  	s12 =	simm.s32 $0x3;
	v10 =	vadd.s32 v6, v10;
	v11 =	vadd.s32 s1, v8  }
0x468: {  	v12 =	vadd.s32 s12, v8;
	s1 =	simm.s32 $0x4;
	v11 =	vadd.s32 v6, v11  }
0x469: {  	s12 =	simm.s32 $0x5;
	v12 =	vadd.s32 v6, v12;
	v13 =	vadd.s32 s1, v8  }
0x46a: {  	v14 =	vadd.s32 s12, v8;
	s1 =	simm.s32 $0x6;
	v13 =	vadd.s32 v6, v13  }
0x46b: {  	s12 =	simm.s32 $0x0;
	v14 =	vadd.s32 v6, v14;
	v15 =	vadd.s32 s1, v8;
	v16 =	vld.idx.msk [tilespmem:v9+s13+$0x0], $0xffff  }
0x46c: {  	s0 =	simm.s32 $0xF;
	v9 =	vadd.s32 s12, v8;
	v17 =	vld.idx.msk [tilespmem:v10+s13+$0x0], $0xffff;
	v10 =	vadd.s32 v6, v15  }
0x46d: {  	s12 =	simm.s32 $0x9;
	v15 =	vadd.s32 s0, v8;
	v19 =	vadd.s32 v6, v9;
	v20 =	vld.idx.msk [tilespmem:v11+s13+$0x0], $0xffff  }
0x46e: {  	s1 =	simm.s32 $0xA;
	v9 =	vadd.s32 s12, v8;
	v11 =	vadd.s32 v6, v15;
	v21 =	vld.idx.msk [tilespmem:v12+s13+$0x0], $0xffff  }
0x46f: {  	s12 =	simm.s32 $0xB;
	v22 =	vadd.s32 v6, v9;
	v12 =	vld.idx.msk [tilespmem:v13+s13+$0x0], $0xffff;
	v13 =	vadd.s32 s1, v8  }
0x470: {  	s29 =	simm.s32 $0x1CA60;
	v9 =	vld.idx.msk [tilespmem:v14+s13+$0x0], $0xffff;
	v14 =	vadd.s32 s12, v8;
	s12 =	simm.s32 $0xC;
	v18 =	vadd.s32 v6, v13  }
0x471: {  	s0 =	simm.s32 $0xD;
	v15 =	vadd.s32 v6, v14;
	v13 =	vadd.s32 s12, v8;
	v10 =	vld.idx.msk [tilespmem:v10+s13+$0x0], $0xffff;
	[tilespmem:s29+$0x180] =	vst v16  }
0x472: {  	s1 =	simm.s32 $0xE;
	[tilespmem:s29+$0xFFFFFE80] =	vst v17;
	v16 =	vadd.s32 v6, v13;
	v13 =	vadd.s32 s0, v8;
	v14 =	vld.idx.msk [tilespmem:v19+s13+$0x0], $0xffff  }
0x473: {  	s12 =	simm.s32 $0x8;
	v19 =	vadd.s32 s1, v8;
	v11 =	vld.idx.msk [tilespmem:v11+s13+$0x0], $0xffff;
	[tilespmem:s29+$0xFFFFFF00] =	vst v20;
	v17 =	vadd.s32 v6, v13  }
0x474: {  	s31 =	simm.s32 $0x18;
	s30 =	simm.s32 $0x10;
	s1 =	simm.s32 $0x17;
	v20 =	vadd.s32 s12, v8;
	[tilespmem:s29+$0xFFFFFF80] =	vst v21;
	v13 =	vld.idx.msk [tilespmem:v22+s13+$0x0], $0xffff;
	v19 =	vadd.s32 v6, v19  }
.LBB2_49:
0x475: {  	p0 =	slt.u32 s31, $0x38;
	s0 =	sadd.s32 $0x1, s30;
	v21 =	vadd.s32 s1, v8;
	v20 =	vadd.s32 v6, v20;
	v22 =	vld.idx.msk [tilespmem:v18+s13+$0x0], $0xffff;
	[tilespmem:s29+$0x0] =	vst v12  }
0x476: {  	v12 =	vadd.s32 s0, v8;
	s0 =	sadd.s32 $0x2, s30;
	v21 =	vadd.s32 v6, v21;
	v23 =	vld.idx.msk [tilespmem:v15+s13+$0x0], $0xffff;
	[tilespmem:s29+$0x80] =	vst v9  }
0x477: {  	v24 =	vadd.s32 v6, v12;
	v9 =	vadd.s32 s0, v8;
	s0 =	sadd.s32 $0x3, s30;
	v12 =	vld.idx.msk [tilespmem:v16+s13+$0x0], $0xffff;
	[tilespmem:s29+$0x100] =	vst v10  }
.Ltmp25:
0x478: {  	v18 =	vadd.s32 v6, v9;
	v10 =	vadd.s32 s0, v8;
	s0 =	sadd.s32 $0x4, s30;
	v9 =	vld.idx.msk [tilespmem:v17+s13+$0x0], $0xffff;
	[tilespmem:s29+$0xFFFFFE00] =	vst v14;
	s29 =	sadd.s32 $0x400, s29;
	(pc) =	sbr.rel @p0 .LBB2_49-.Ltmp25, $4  }
0x479: {  	v15 =	vadd.s32 v6, v10;
	v14 =	vadd.s32 s0, v8;
	s0 =	sadd.s32 $0x5, s30;
	v10 =	vld.idx.msk [tilespmem:v19+s13+$0x0], $0xffff;
	[tilespmem:s29+$0x180] =	vst v11  }
0x47a: {  	v16 =	vadd.s32 v6, v14;
	v11 =	vadd.s32 s0, v8;
	s0 =	sadd.s32 $0x6, s30;
	v14 =	vld.idx.msk [tilespmem:v20+s13+$0x0], $0xffff;
	[tilespmem:s29+$0xFFFFFE80] =	vst v13  }
0x47b: {  	v17 =	vadd.s32 v6, v11;
	v19 =	vadd.s32 s0, v8;
	v11 =	vld.idx.msk [tilespmem:v21+s13+$0x0], $0xffff;
	[tilespmem:s29+$0xFFFFFF00] =	vst v22  }
0x47c: {  	s1 =	sadd.s32 $0x7, s31;
	v20 =	vadd.s32 s30, v8;
	s30 =	smov.u32 s31;
	s31 =	sadd.s32 $0x8, s31;
	v13 =	vld.idx.msk [tilespmem:v24+s13+$0x0], $0xffff;
	v19 =	vadd.s32 v6, v19;
	[tilespmem:s29+$0xFFFFFF80] =	vst v23  }
0x47d: {  	_ =	sdelay $0x2  }
0x47e: {  	[tilespmem:s29+$0x0] =	vst v12  }
0x47f: {  	s0 =	sadd.s32 $0x1, s30;
	v12 =	vadd.s32 s1, v8;
	v20 =	vadd.s32 v6, v20;
	v18 =	vld.idx.msk [tilespmem:v18+s13+$0x0], $0xffff;
	[tilespmem:s29+$0x80] =	vst v9  }
0x480: {  	s1 =	sadd.s32 $0x2, s30;
	v15 =	vld.idx.msk [tilespmem:v15+s13+$0x0], $0xffff;
	v9 =	vadd.s32 s0, v8;
	v12 =	vadd.s32 v6, v12;
	[tilespmem:s29+$0x100] =	vst v10  }
0x481: {  	s12 =	sadd.s32 $0x3, s30;
	v16 =	vld.idx.msk [tilespmem:v16+s13+$0x0], $0xffff;
	v10 =	vadd.s32 s1, v8;
	s1 =	sadd.s32 $0x400, s29;
	v9 =	vadd.s32 v6, v9;
	[tilespmem:s29+$0xFFFFFE00] =	vst v14  }
0x482: {  	s31 =	sadd.s32 $0x4, s30;
	v17 =	vld.idx.msk [tilespmem:v17+s13+$0x0], $0xffff;
	v10 =	vadd.s32 v6, v10;
	v14 =	vadd.s32 s12, v8;
	[tilespmem:s1+$0x180] =	vst v11  }
0x483: {  	v19 =	vld.idx.msk [tilespmem:v19+s13+$0x0], $0xffff;
	s12 =	sadd.s32 $0x5, s30;
	v11 =	vadd.s32 v6, v14;
	v14 =	vadd.s32 s31, v8;
	[tilespmem:s1+$0xFFFFFE80] =	vst v13  }
0x484: {  	s31 =	sadd.s32 $0x6, s30;
	v13 =	vadd.s32 v6, v14;
	v14 =	vadd.s32 s12, v8;
	v20 =	vld.idx.msk [tilespmem:v20+s13+$0x0], $0xffff;
	[tilespmem:s1+$0xFFFFFF00] =	vst v18  }
0x485: {  	v14 =	vadd.s32 v6, v14;
	v18 =	vadd.s32 s31, v8;
	[tilespmem:s1+$0xFFFFFF80] =	vst v15;
	v12 =	vld.idx.msk [tilespmem:v12+s13+$0x0], $0xffff  }
0x486: {  	v8 =	vadd.s32 s30, v8;
	[tilespmem:s1+$0x0] =	vst v16;
	v15 =	vadd.s32 v6, v18;
	v9 =	vld.idx.msk [tilespmem:v9+s13+$0x0], $0xffff  }
0x487: {  	[tilespmem:s1+$0x80] =	vst v17;
	v8 =	vadd.s32 v6, v8;
	v10 =	vld.idx.msk [tilespmem:v10+s13+$0x0], $0xffff  }
0x488: {  	[tilespmem:s1+$0x100] =	vst v19;
	v11 =	vld.idx.msk [tilespmem:v11+s13+$0x0], $0xffff  }
0x489: {  	v13 =	vld.idx.msk [tilespmem:v13+s13+$0x0], $0xffff;
	[tilespmem:s1+$0xFFFFFE00] =	vst v20;
	s1 =	sadd.s32 $0x400, s1  }
0x48a: {  	v14 =	vld.idx.msk [tilespmem:v14+s13+$0x0], $0xffff;
	[tilespmem:s1+$0x180] =	vst v12  }
0x48b: {  	v12 =	vld.idx.msk [tilespmem:v15+s13+$0x0], $0xffff;
	[tilespmem:s1+$0xFFFFFE80] =	vst v9  }
0x48c: {  	v8 =	vld.idx.msk [tilespmem:v8+s13+$0x0], $0xffff;
	[tilespmem:s1+$0xFFFFFF00] =	vst v10  }
0x48d: {  	[tilespmem:s1+$0xFFFFFF80] =	vst v11  }
0x48e: {  	[tilespmem:s1+$0x0] =	vst v13  }
0x48f: {  	[tilespmem:s1+$0x80] =	vst v14  }
0x490: {  	[tilespmem:s1+$0x100] =	vst v12  }
0x491: {  	[tilespmem:s1+$0xFFFFFE00] =	vst v8  }
0x492: {  	v8 =	vld [tilespmem:s28+$0x6470];
	_ =	sdelay $0x3  }
0x493: {  	s12 =	simm.s32 $0x7  }
0x494: {  	s31 =	simm.s32 $0x1;
	v9 =	vadd.s32 s12, v8  }
0x495: {  	s1 =	simm.s32 $0x2;
	v10 =	vadd.s32 s31, v8;
	v9 =	vadd.s32 v7, v9  }
0x496: {  	v11 =	vadd.s32 s1, v8;
	s12 =	simm.s32 $0x3;
	v10 =	vadd.s32 v7, v10  }
0x497: {  	s31 =	simm.s32 $0x4;
	v11 =	vadd.s32 v7, v11;
	v12 =	vadd.s32 s12, v8  }
0x498: {  	s1 =	simm.s32 $0x5;
	v13 =	vadd.s32 s31, v8;
	v12 =	vadd.s32 v7, v12  }
0x499: {  	v14 =	vadd.s32 s1, v8;
	s12 =	simm.s32 $0x6;
	v13 =	vadd.s32 v7, v13  }
0x49a: {  	s31 =	simm.s32 $0x0;
	v14 =	vadd.s32 v7, v14;
	v15 =	vadd.s32 s12, v8;
	v16 =	vld.idx.msk [tilespmem:v9+s13+$0x0], $0xffff  }
0x49b: {  	s12 =	simm.s32 $0xF;
	v9 =	vadd.s32 s31, v8;
	v17 =	vld.idx.msk [tilespmem:v10+s13+$0x0], $0xffff;
	v10 =	vadd.s32 v7, v15  }
0x49c: {  	s31 =	simm.s32 $0x9;
	v15 =	vadd.s32 s12, v8;
	v20 =	vld.idx.msk [tilespmem:v11+s13+$0x0], $0xffff;
	v19 =	vadd.s32 v7, v9  }
0x49d: {  	s1 =	simm.s32 $0xA;
	v9 =	vadd.s32 s31, v8;
	v11 =	vadd.s32 v7, v15;
	v21 =	vld.idx.msk [tilespmem:v12+s13+$0x0], $0xffff  }
0x49e: {  	s12 =	simm.s32 $0xB;
	v12 =	vld.idx.msk [tilespmem:v13+s13+$0x0], $0xffff;
	v13 =	vadd.s32 s1, v8;
	v22 =	vadd.s32 v7, v9  }
0x49f: {  	s28 =	simm.s32 $0x1CA70;
	s31 =	simm.s32 $0xC;
	v9 =	vld.idx.msk [tilespmem:v14+s13+$0x0], $0xffff;
	v14 =	vadd.s32 s12, v8;
	v18 =	vadd.s32 v7, v13  }
0x4a0: {  	s1 =	simm.s32 $0xD;
	v13 =	vadd.s32 s31, v8;
	v15 =	vadd.s32 v7, v14;
	v10 =	vld.idx.msk [tilespmem:v10+s13+$0x0], $0xffff;
	[tilespmem:s28+$0x180] =	vst v16  }
0x4a1: {  	s31 =	simm.s32 $0xE;
	[tilespmem:s28+$0xFFFFFE80] =	vst v17;
	v16 =	vadd.s32 v7, v13;
	v13 =	vadd.s32 s1, v8;
	v14 =	vld.idx.msk [tilespmem:v19+s13+$0x0], $0xffff  }
0x4a2: {  	s12 =	simm.s32 $0x8;
	[tilespmem:s28+$0xFFFFFF00] =	vst v20;
	v19 =	vadd.s32 s31, v8;
	v11 =	vld.idx.msk [tilespmem:v11+s13+$0x0], $0xffff;
	v17 =	vadd.s32 v7, v13  }
0x4a3: {  	s29 =	simm.s32 $0x10;
	s30 =	simm.s32 $0x18;
	s1 =	simm.s32 $0x17;
	v20 =	vadd.s32 s12, v8;
	[tilespmem:s28+$0xFFFFFF80] =	vst v21;
	v13 =	vld.idx.msk [tilespmem:v22+s13+$0x0], $0xffff;
	v19 =	vadd.s32 v7, v19  }
.LBB2_51:
0x4a4: {  	p0 =	slt.u32 s30, $0x38;
	s0 =	sadd.s32 $0x1, s29;
	v21 =	vadd.s32 s1, v8;
	v20 =	vadd.s32 v7, v20;
	v22 =	vld.idx.msk [tilespmem:v18+s13+$0x0], $0xffff;
	[tilespmem:s28+$0x0] =	vst v12  }
0x4a5: {  	v12 =	vadd.s32 s0, v8;
	s0 =	sadd.s32 $0x2, s29;
	v21 =	vadd.s32 v7, v21;
	v23 =	vld.idx.msk [tilespmem:v15+s13+$0x0], $0xffff;
	[tilespmem:s28+$0x80] =	vst v9  }
0x4a6: {  	v24 =	vadd.s32 v7, v12;
	v9 =	vadd.s32 s0, v8;
	s0 =	sadd.s32 $0x3, s29;
	v12 =	vld.idx.msk [tilespmem:v16+s13+$0x0], $0xffff;
	[tilespmem:s28+$0x100] =	vst v10  }
.Ltmp26:
0x4a7: {  	v18 =	vadd.s32 v7, v9;
	v10 =	vadd.s32 s0, v8;
	s0 =	sadd.s32 $0x4, s29;
	v9 =	vld.idx.msk [tilespmem:v17+s13+$0x0], $0xffff;
	[tilespmem:s28+$0xFFFFFE00] =	vst v14;
	s28 =	sadd.s32 $0x400, s28;
	(pc) =	sbr.rel @p0 .LBB2_51-.Ltmp26, $4  }
0x4a8: {  	v15 =	vadd.s32 v7, v10;
	v14 =	vadd.s32 s0, v8;
	s0 =	sadd.s32 $0x5, s29;
	v10 =	vld.idx.msk [tilespmem:v19+s13+$0x0], $0xffff;
	[tilespmem:s28+$0x180] =	vst v11  }
0x4a9: {  	v16 =	vadd.s32 v7, v14;
	v11 =	vadd.s32 s0, v8;
	s0 =	sadd.s32 $0x6, s29;
	v14 =	vld.idx.msk [tilespmem:v20+s13+$0x0], $0xffff;
	[tilespmem:s28+$0xFFFFFE80] =	vst v13  }
0x4aa: {  	v17 =	vadd.s32 v7, v11;
	v19 =	vadd.s32 s0, v8;
	v11 =	vld.idx.msk [tilespmem:v21+s13+$0x0], $0xffff;
	[tilespmem:s28+$0xFFFFFF00] =	vst v22  }
0x4ab: {  	s1 =	sadd.s32 $0x7, s30;
	v20 =	vadd.s32 s29, v8;
	s29 =	smov.u32 s30;
	s30 =	sadd.s32 $0x8, s30;
	v13 =	vld.idx.msk [tilespmem:v24+s13+$0x0], $0xffff;
	v19 =	vadd.s32 v7, v19;
	[tilespmem:s28+$0xFFFFFF80] =	vst v23  }
0x4ac: {  	_ =	sdelay $0x2  }
0x4ad: {  	[tilespmem:s28+$0x0] =	vst v12  }
0x4ae: {  	s0 =	sadd.s32 $0x1, s29;
	v12 =	vadd.s32 s1, v8;
	v20 =	vadd.s32 v7, v20;
	v18 =	vld.idx.msk [tilespmem:v18+s13+$0x0], $0xffff;
	[tilespmem:s28+$0x80] =	vst v9  }
0x4af: {  	s1 =	sadd.s32 $0x2, s29;
	v15 =	vld.idx.msk [tilespmem:v15+s13+$0x0], $0xffff;
	v9 =	vadd.s32 s0, v8;
	v12 =	vadd.s32 v7, v12;
	[tilespmem:s28+$0x100] =	vst v10  }
0x4b0: {  	s12 =	sadd.s32 $0x3, s29;
	v16 =	vld.idx.msk [tilespmem:v16+s13+$0x0], $0xffff;
	v10 =	vadd.s32 s1, v8;
	s1 =	sadd.s32 $0x400, s28;
	v9 =	vadd.s32 v7, v9;
	[tilespmem:s28+$0xFFFFFE00] =	vst v14  }
0x4b1: {  	s31 =	sadd.s32 $0x4, s29;
	v17 =	vld.idx.msk [tilespmem:v17+s13+$0x0], $0xffff;
	v10 =	vadd.s32 v7, v10;
	v14 =	vadd.s32 s12, v8;
	[tilespmem:s1+$0x180] =	vst v11  }
0x4b2: {  	v19 =	vld.idx.msk [tilespmem:v19+s13+$0x0], $0xffff;
	s12 =	sadd.s32 $0x5, s29;
	v11 =	vadd.s32 v7, v14;
	v14 =	vadd.s32 s31, v8;
	[tilespmem:s1+$0xFFFFFE80] =	vst v13  }
0x4b3: {  	s31 =	sadd.s32 $0x6, s29;
	v13 =	vadd.s32 v7, v14;
	v14 =	vadd.s32 s12, v8;
	v20 =	vld.idx.msk [tilespmem:v20+s13+$0x0], $0xffff;
	[tilespmem:s1+$0xFFFFFF00] =	vst v18  }
0x4b4: {  	v14 =	vadd.s32 v7, v14;
	v18 =	vadd.s32 s31, v8;
	[tilespmem:s1+$0xFFFFFF80] =	vst v15;
	v12 =	vld.idx.msk [tilespmem:v12+s13+$0x0], $0xffff  }
0x4b5: {  	v8 =	vadd.s32 s29, v8;
	[tilespmem:s1+$0x0] =	vst v16;
	v15 =	vadd.s32 v7, v18;
	v9 =	vld.idx.msk [tilespmem:v9+s13+$0x0], $0xffff  }
0x4b6: {  	[tilespmem:s1+$0x80] =	vst v17;
	v8 =	vadd.s32 v7, v8;
	v10 =	vld.idx.msk [tilespmem:v10+s13+$0x0], $0xffff  }
0x4b7: {  	[tilespmem:s1+$0x100] =	vst v19;
	v11 =	vld.idx.msk [tilespmem:v11+s13+$0x0], $0xffff  }
0x4b8: {  	s12 =	sadd.s32 $0x400, s1;
	v13 =	vld.idx.msk [tilespmem:v13+s13+$0x0], $0xffff;
	[tilespmem:s1+$0xFFFFFE00] =	vst v20  }
0x4b9: {  	v14 =	vld.idx.msk [tilespmem:v14+s13+$0x0], $0xffff;
	[tilespmem:s12+$0x180] =	vst v12  }
0x4ba: {  	v12 =	vld.idx.msk [tilespmem:v15+s13+$0x0], $0xffff;
	[tilespmem:s12+$0xFFFFFE80] =	vst v9  }
0x4bb: {  	v8 =	vld.idx.msk [tilespmem:v8+s13+$0x0], $0xffff;
	[tilespmem:s12+$0xFFFFFF00] =	vst v10  }
0x4bc: {  	[tilespmem:s12+$0xFFFFFF80] =	vst v11  }
0x4bd: {  	[tilespmem:s12+$0x0] =	vst v13  }
0x4be: {  	[tilespmem:s12+$0x80] =	vst v14  }
0x4bf: {  	[tilespmem:s12+$0x100] =	vst v12  }
0x4c0: {  	s31 =	sshll.u32 s26, $0x12;
	[tilespmem:s12+$0xFFFFFE00] =	vst v8  }
0x4c1: {  	s25 =	sor.u32 $0x3, s25;
	s0 =	sor.u32 s6, s31;
	_ =	swait.ge [sflag:s20], $0x2000  }
0x4c2: {  	s0 =	sshrl.u32 s0, $0x3;
	s1 =	sshll.u32 s25, $0x7;
	[sflag:s20] =	ssyncset.done $0x0  }
0x4c3: {  	s0 =	sadd.s32 s3, s0;
	s26 =	sand.u32 $0x3FFFFF80, s1;
	[sflag:s20] =	ssyncadd.s32 $0xFFFFE000  }
0x4c4: {  	[hbm4b:s0+s17] =	stream.strided.scatter [tilespmem:s19], [sflag:$0x2], $0x2000, s18, s17, $0x38;
	[tilespmem:$0x1E800] =	vst v63  }
0x4c5: {  	v8 =	vld [tilespmem:s26+$0x6400];
	_ =	sdelay $0x3  }
0x4c6: {  	s12 =	simm.s32 $0x7  }
0x4c7: {  	s31 =	simm.s32 $0x1;
	v9 =	vadd.s32 s12, v8  }
0x4c8: {  	s1 =	simm.s32 $0x2;
	v10 =	vadd.s32 s31, v8;
	v9 =	vadd.s32 v0, v9  }
0x4c9: {  	v11 =	vadd.s32 s1, v8;
	s12 =	simm.s32 $0x3;
	v10 =	vadd.s32 v0, v10  }
0x4ca: {  	s31 =	simm.s32 $0x4;
	v11 =	vadd.s32 v0, v11;
	v12 =	vadd.s32 s12, v8  }
0x4cb: {  	s1 =	simm.s32 $0x5;
	v13 =	vadd.s32 s31, v8;
	v12 =	vadd.s32 v0, v12  }
0x4cc: {  	v14 =	vadd.s32 s1, v8;
	s12 =	simm.s32 $0x6;
	v13 =	vadd.s32 v0, v13  }
0x4cd: {  	s31 =	simm.s32 $0x0;
	v14 =	vadd.s32 v0, v14;
	v15 =	vadd.s32 s12, v8;
	v16 =	vld.idx.msk [tilespmem:v9+s15+$0x0], $0xffff  }
0x4ce: {  	s12 =	simm.s32 $0xF;
	v9 =	vadd.s32 s31, v8;
	v17 =	vld.idx.msk [tilespmem:v10+s15+$0x0], $0xffff;
	v10 =	vadd.s32 v0, v15  }
0x4cf: {  	s31 =	simm.s32 $0x9;
	v15 =	vadd.s32 s12, v8;
	v20 =	vld.idx.msk [tilespmem:v11+s15+$0x0], $0xffff;
	v19 =	vadd.s32 v0, v9  }
0x4d0: {  	s1 =	simm.s32 $0xA;
	v9 =	vadd.s32 s31, v8;
	v11 =	vadd.s32 v0, v15;
	v21 =	vld.idx.msk [tilespmem:v12+s15+$0x0], $0xffff  }
0x4d1: {  	s12 =	simm.s32 $0xB;
	v12 =	vld.idx.msk [tilespmem:v13+s15+$0x0], $0xffff;
	v13 =	vadd.s32 s1, v8;
	v22 =	vadd.s32 v0, v9  }
0x4d2: {  	s28 =	simm.s32 $0x1CA00;
	s31 =	simm.s32 $0xC;
	v9 =	vld.idx.msk [tilespmem:v14+s15+$0x0], $0xffff;
	v14 =	vadd.s32 s12, v8;
	v18 =	vadd.s32 v0, v13  }
0x4d3: {  	s1 =	simm.s32 $0xD;
	v13 =	vadd.s32 s31, v8;
	v15 =	vadd.s32 v0, v14;
	v10 =	vld.idx.msk [tilespmem:v10+s15+$0x0], $0xffff;
	[tilespmem:s28+$0x180] =	vst v16  }
0x4d4: {  	s31 =	simm.s32 $0xE;
	[tilespmem:s28+$0xFFFFFE80] =	vst v17;
	v16 =	vadd.s32 v0, v13;
	v13 =	vadd.s32 s1, v8;
	v14 =	vld.idx.msk [tilespmem:v19+s15+$0x0], $0xffff  }
0x4d5: {  	s12 =	simm.s32 $0x8;
	[tilespmem:s28+$0xFFFFFF00] =	vst v20;
	v19 =	vadd.s32 s31, v8;
	v11 =	vld.idx.msk [tilespmem:v11+s15+$0x0], $0xffff;
	v17 =	vadd.s32 v0, v13  }
0x4d6: {  	s30 =	simm.s32 $0x18;
	s29 =	simm.s32 $0x10;
	s1 =	simm.s32 $0x17;
	v20 =	vadd.s32 s12, v8;
	[tilespmem:s28+$0xFFFFFF80] =	vst v21;
	v13 =	vld.idx.msk [tilespmem:v22+s15+$0x0], $0xffff;
	v19 =	vadd.s32 v0, v19  }
.LBB2_53:
0x4d7: {  	p0 =	slt.u32 s30, $0x38;
	s0 =	sadd.s32 $0x1, s29;
	v21 =	vadd.s32 s1, v8;
	v20 =	vadd.s32 v0, v20;
	v22 =	vld.idx.msk [tilespmem:v18+s15+$0x0], $0xffff;
	[tilespmem:s28+$0x0] =	vst v12  }
0x4d8: {  	v12 =	vadd.s32 s0, v8;
	s0 =	sadd.s32 $0x2, s29;
	v21 =	vadd.s32 v0, v21;
	v23 =	vld.idx.msk [tilespmem:v15+s15+$0x0], $0xffff;
	[tilespmem:s28+$0x80] =	vst v9  }
0x4d9: {  	v24 =	vadd.s32 v0, v12;
	v9 =	vadd.s32 s0, v8;
	s0 =	sadd.s32 $0x3, s29;
	v12 =	vld.idx.msk [tilespmem:v16+s15+$0x0], $0xffff;
	[tilespmem:s28+$0x100] =	vst v10  }
.Ltmp27:
0x4da: {  	v18 =	vadd.s32 v0, v9;
	v10 =	vadd.s32 s0, v8;
	s0 =	sadd.s32 $0x4, s29;
	v9 =	vld.idx.msk [tilespmem:v17+s15+$0x0], $0xffff;
	[tilespmem:s28+$0xFFFFFE00] =	vst v14;
	s28 =	sadd.s32 $0x400, s28;
	(pc) =	sbr.rel @p0 .LBB2_53-.Ltmp27, $4  }
0x4db: {  	v15 =	vadd.s32 v0, v10;
	v14 =	vadd.s32 s0, v8;
	s0 =	sadd.s32 $0x5, s29;
	v10 =	vld.idx.msk [tilespmem:v19+s15+$0x0], $0xffff;
	[tilespmem:s28+$0x180] =	vst v11  }
0x4dc: {  	v16 =	vadd.s32 v0, v14;
	v11 =	vadd.s32 s0, v8;
	s0 =	sadd.s32 $0x6, s29;
	v14 =	vld.idx.msk [tilespmem:v20+s15+$0x0], $0xffff;
	[tilespmem:s28+$0xFFFFFE80] =	vst v13  }
0x4dd: {  	v17 =	vadd.s32 v0, v11;
	v19 =	vadd.s32 s0, v8;
	v11 =	vld.idx.msk [tilespmem:v21+s15+$0x0], $0xffff;
	[tilespmem:s28+$0xFFFFFF00] =	vst v22  }
0x4de: {  	s1 =	sadd.s32 $0x7, s30;
	v20 =	vadd.s32 s29, v8;
	s29 =	smov.u32 s30;
	s30 =	sadd.s32 $0x8, s30;
	v13 =	vld.idx.msk [tilespmem:v24+s15+$0x0], $0xffff;
	v19 =	vadd.s32 v0, v19;
	[tilespmem:s28+$0xFFFFFF80] =	vst v23  }
0x4df: {  	_ =	sdelay $0x2  }
0x4e0: {  	[tilespmem:s28+$0x0] =	vst v12  }
0x4e1: {  	s0 =	sadd.s32 $0x1, s29;
	v12 =	vadd.s32 s1, v8;
	v20 =	vadd.s32 v0, v20;
	v18 =	vld.idx.msk [tilespmem:v18+s15+$0x0], $0xffff;
	[tilespmem:s28+$0x80] =	vst v9  }
0x4e2: {  	s1 =	sadd.s32 $0x2, s29;
	v15 =	vld.idx.msk [tilespmem:v15+s15+$0x0], $0xffff;
	v9 =	vadd.s32 s0, v8;
	v12 =	vadd.s32 v0, v12;
	[tilespmem:s28+$0x100] =	vst v10  }
0x4e3: {  	s12 =	sadd.s32 $0x3, s29;
	v16 =	vld.idx.msk [tilespmem:v16+s15+$0x0], $0xffff;
	v10 =	vadd.s32 s1, v8;
	s1 =	sadd.s32 $0x400, s28;
	v9 =	vadd.s32 v0, v9;
	[tilespmem:s28+$0xFFFFFE00] =	vst v14  }
0x4e4: {  	s31 =	sadd.s32 $0x4, s29;
	v17 =	vld.idx.msk [tilespmem:v17+s15+$0x0], $0xffff;
	v10 =	vadd.s32 v0, v10;
	v14 =	vadd.s32 s12, v8;
	[tilespmem:s1+$0x180] =	vst v11  }
0x4e5: {  	v19 =	vld.idx.msk [tilespmem:v19+s15+$0x0], $0xffff;
	s12 =	sadd.s32 $0x5, s29;
	v11 =	vadd.s32 v0, v14;
	v14 =	vadd.s32 s31, v8;
	[tilespmem:s1+$0xFFFFFE80] =	vst v13  }
0x4e6: {  	s31 =	sadd.s32 $0x6, s29;
	v13 =	vadd.s32 v0, v14;
	v14 =	vadd.s32 s12, v8;
	v20 =	vld.idx.msk [tilespmem:v20+s15+$0x0], $0xffff;
	[tilespmem:s1+$0xFFFFFF00] =	vst v18  }
0x4e7: {  	v14 =	vadd.s32 v0, v14;
	v18 =	vadd.s32 s31, v8;
	[tilespmem:s1+$0xFFFFFF80] =	vst v15;
	v12 =	vld.idx.msk [tilespmem:v12+s15+$0x0], $0xffff  }
0x4e8: {  	v8 =	vadd.s32 s29, v8;
	[tilespmem:s1+$0x0] =	vst v16;
	v15 =	vadd.s32 v0, v18;
	v9 =	vld.idx.msk [tilespmem:v9+s15+$0x0], $0xffff  }
0x4e9: {  	[tilespmem:s1+$0x80] =	vst v17;
	v8 =	vadd.s32 v0, v8;
	v10 =	vld.idx.msk [tilespmem:v10+s15+$0x0], $0xffff  }
0x4ea: {  	[tilespmem:s1+$0x100] =	vst v19;
	v11 =	vld.idx.msk [tilespmem:v11+s15+$0x0], $0xffff  }
0x4eb: {  	v13 =	vld.idx.msk [tilespmem:v13+s15+$0x0], $0xffff;
	[tilespmem:s1+$0xFFFFFE00] =	vst v20;
	s1 =	sadd.s32 $0x400, s1  }
0x4ec: {  	v14 =	vld.idx.msk [tilespmem:v14+s15+$0x0], $0xffff;
	[tilespmem:s1+$0x180] =	vst v12  }
0x4ed: {  	v12 =	vld.idx.msk [tilespmem:v15+s15+$0x0], $0xffff;
	[tilespmem:s1+$0xFFFFFE80] =	vst v9  }
0x4ee: {  	v8 =	vld.idx.msk [tilespmem:v8+s15+$0x0], $0xffff;
	[tilespmem:s1+$0xFFFFFF00] =	vst v10  }
0x4ef: {  	[tilespmem:s1+$0xFFFFFF80] =	vst v11  }
0x4f0: {  	[tilespmem:s1+$0x0] =	vst v13  }
0x4f1: {  	[tilespmem:s1+$0x80] =	vst v14  }
0x4f2: {  	[tilespmem:s1+$0x100] =	vst v12  }
0x4f3: {  	[tilespmem:s1+$0xFFFFFE00] =	vst v8  }
0x4f4: {  	v8 =	vld [tilespmem:s26+$0x6410];
	_ =	sdelay $0x3  }
0x4f5: {  	s12 =	simm.s32 $0x7  }
0x4f6: {  	s31 =	simm.s32 $0x1;
	v9 =	vadd.s32 s12, v8  }
0x4f7: {  	s1 =	simm.s32 $0x2;
	v10 =	vadd.s32 s31, v8;
	v9 =	vadd.s32 v1, v9  }
0x4f8: {  	v11 =	vadd.s32 s1, v8;
	s12 =	simm.s32 $0x3;
	v10 =	vadd.s32 v1, v10  }
0x4f9: {  	s31 =	simm.s32 $0x4;
	v11 =	vadd.s32 v1, v11;
	v12 =	vadd.s32 s12, v8  }
0x4fa: {  	s1 =	simm.s32 $0x5;
	v13 =	vadd.s32 s31, v8;
	v12 =	vadd.s32 v1, v12  }
0x4fb: {  	v14 =	vadd.s32 s1, v8;
	s12 =	simm.s32 $0x6;
	v13 =	vadd.s32 v1, v13  }
0x4fc: {  	s31 =	simm.s32 $0x0;
	v14 =	vadd.s32 v1, v14;
	v15 =	vadd.s32 s12, v8;
	v16 =	vld.idx.msk [tilespmem:v9+s15+$0x0], $0xffff  }
0x4fd: {  	s12 =	simm.s32 $0xF;
	v9 =	vadd.s32 s31, v8;
	v17 =	vld.idx.msk [tilespmem:v10+s15+$0x0], $0xffff;
	v10 =	vadd.s32 v1, v15  }
0x4fe: {  	s31 =	simm.s32 $0x9;
	v15 =	vadd.s32 s12, v8;
	v20 =	vld.idx.msk [tilespmem:v11+s15+$0x0], $0xffff;
	v19 =	vadd.s32 v1, v9  }
0x4ff: {  	s1 =	simm.s32 $0xA;
	v9 =	vadd.s32 s31, v8;
	v11 =	vadd.s32 v1, v15;
	v21 =	vld.idx.msk [tilespmem:v12+s15+$0x0], $0xffff  }
0x500: {  	s12 =	simm.s32 $0xB;
	v12 =	vld.idx.msk [tilespmem:v13+s15+$0x0], $0xffff;
	v13 =	vadd.s32 s1, v8;
	v22 =	vadd.s32 v1, v9  }
0x501: {  	s28 =	simm.s32 $0x1CA10;
	s31 =	simm.s32 $0xC;
	v9 =	vld.idx.msk [tilespmem:v14+s15+$0x0], $0xffff;
	v14 =	vadd.s32 s12, v8;
	v18 =	vadd.s32 v1, v13  }
0x502: {  	s1 =	simm.s32 $0xD;
	v13 =	vadd.s32 s31, v8;
	v15 =	vadd.s32 v1, v14;
	v10 =	vld.idx.msk [tilespmem:v10+s15+$0x0], $0xffff;
	[tilespmem:s28+$0x180] =	vst v16  }
0x503: {  	s31 =	simm.s32 $0xE;
	[tilespmem:s28+$0xFFFFFE80] =	vst v17;
	v16 =	vadd.s32 v1, v13;
	v13 =	vadd.s32 s1, v8;
	v14 =	vld.idx.msk [tilespmem:v19+s15+$0x0], $0xffff  }
0x504: {  	s12 =	simm.s32 $0x8;
	[tilespmem:s28+$0xFFFFFF00] =	vst v20;
	v19 =	vadd.s32 s31, v8;
	v11 =	vld.idx.msk [tilespmem:v11+s15+$0x0], $0xffff;
	v17 =	vadd.s32 v1, v13  }
0x505: {  	s30 =	simm.s32 $0x18;
	s29 =	simm.s32 $0x10;
	s1 =	simm.s32 $0x17;
	v20 =	vadd.s32 s12, v8;
	[tilespmem:s28+$0xFFFFFF80] =	vst v21;
	v13 =	vld.idx.msk [tilespmem:v22+s15+$0x0], $0xffff;
	v19 =	vadd.s32 v1, v19  }
.LBB2_55:
0x506: {  	p0 =	slt.u32 s30, $0x38;
	s0 =	sadd.s32 $0x1, s29;
	v21 =	vadd.s32 s1, v8;
	v20 =	vadd.s32 v1, v20;
	v22 =	vld.idx.msk [tilespmem:v18+s15+$0x0], $0xffff;
	[tilespmem:s28+$0x0] =	vst v12  }
0x507: {  	v12 =	vadd.s32 s0, v8;
	s0 =	sadd.s32 $0x2, s29;
	v21 =	vadd.s32 v1, v21;
	v23 =	vld.idx.msk [tilespmem:v15+s15+$0x0], $0xffff;
	[tilespmem:s28+$0x80] =	vst v9  }
0x508: {  	v24 =	vadd.s32 v1, v12;
	v9 =	vadd.s32 s0, v8;
	s0 =	sadd.s32 $0x3, s29;
	v12 =	vld.idx.msk [tilespmem:v16+s15+$0x0], $0xffff;
	[tilespmem:s28+$0x100] =	vst v10  }
.Ltmp28:
0x509: {  	v18 =	vadd.s32 v1, v9;
	v10 =	vadd.s32 s0, v8;
	s0 =	sadd.s32 $0x4, s29;
	v9 =	vld.idx.msk [tilespmem:v17+s15+$0x0], $0xffff;
	[tilespmem:s28+$0xFFFFFE00] =	vst v14;
	s28 =	sadd.s32 $0x400, s28;
	(pc) =	sbr.rel @p0 .LBB2_55-.Ltmp28, $4  }
0x50a: {  	v15 =	vadd.s32 v1, v10;
	v14 =	vadd.s32 s0, v8;
	s0 =	sadd.s32 $0x5, s29;
	v10 =	vld.idx.msk [tilespmem:v19+s15+$0x0], $0xffff;
	[tilespmem:s28+$0x180] =	vst v11  }
0x50b: {  	v16 =	vadd.s32 v1, v14;
	v11 =	vadd.s32 s0, v8;
	s0 =	sadd.s32 $0x6, s29;
	v14 =	vld.idx.msk [tilespmem:v20+s15+$0x0], $0xffff;
	[tilespmem:s28+$0xFFFFFE80] =	vst v13  }
0x50c: {  	v17 =	vadd.s32 v1, v11;
	v19 =	vadd.s32 s0, v8;
	v11 =	vld.idx.msk [tilespmem:v21+s15+$0x0], $0xffff;
	[tilespmem:s28+$0xFFFFFF00] =	vst v22  }
0x50d: {  	s1 =	sadd.s32 $0x7, s30;
	v20 =	vadd.s32 s29, v8;
	s29 =	smov.u32 s30;
	s30 =	sadd.s32 $0x8, s30;
	v13 =	vld.idx.msk [tilespmem:v24+s15+$0x0], $0xffff;
	v19 =	vadd.s32 v1, v19;
	[tilespmem:s28+$0xFFFFFF80] =	vst v23  }
0x50e: {  	_ =	sdelay $0x2  }
0x50f: {  	[tilespmem:s28+$0x0] =	vst v12  }
0x510: {  	s0 =	sadd.s32 $0x1, s29;
	v12 =	vadd.s32 s1, v8;
	v20 =	vadd.s32 v1, v20;
	v18 =	vld.idx.msk [tilespmem:v18+s15+$0x0], $0xffff;
	[tilespmem:s28+$0x80] =	vst v9  }
0x511: {  	s1 =	sadd.s32 $0x2, s29;
	v15 =	vld.idx.msk [tilespmem:v15+s15+$0x0], $0xffff;
	v9 =	vadd.s32 s0, v8;
	v12 =	vadd.s32 v1, v12;
	[tilespmem:s28+$0x100] =	vst v10  }
0x512: {  	s12 =	sadd.s32 $0x3, s29;
	v16 =	vld.idx.msk [tilespmem:v16+s15+$0x0], $0xffff;
	v10 =	vadd.s32 s1, v8;
	s1 =	sadd.s32 $0x400, s28;
	v9 =	vadd.s32 v1, v9;
	[tilespmem:s28+$0xFFFFFE00] =	vst v14  }
0x513: {  	s31 =	sadd.s32 $0x4, s29;
	v17 =	vld.idx.msk [tilespmem:v17+s15+$0x0], $0xffff;
	v10 =	vadd.s32 v1, v10;
	v14 =	vadd.s32 s12, v8;
	[tilespmem:s1+$0x180] =	vst v11  }
0x514: {  	v19 =	vld.idx.msk [tilespmem:v19+s15+$0x0], $0xffff;
	s12 =	sadd.s32 $0x5, s29;
	v11 =	vadd.s32 v1, v14;
	v14 =	vadd.s32 s31, v8;
	[tilespmem:s1+$0xFFFFFE80] =	vst v13  }
0x515: {  	s31 =	sadd.s32 $0x6, s29;
	v13 =	vadd.s32 v1, v14;
	v14 =	vadd.s32 s12, v8;
	v20 =	vld.idx.msk [tilespmem:v20+s15+$0x0], $0xffff;
	[tilespmem:s1+$0xFFFFFF00] =	vst v18  }
0x516: {  	v14 =	vadd.s32 v1, v14;
	v18 =	vadd.s32 s31, v8;
	[tilespmem:s1+$0xFFFFFF80] =	vst v15;
	v12 =	vld.idx.msk [tilespmem:v12+s15+$0x0], $0xffff  }
0x517: {  	v8 =	vadd.s32 s29, v8;
	[tilespmem:s1+$0x0] =	vst v16;
	v15 =	vadd.s32 v1, v18;
	v9 =	vld.idx.msk [tilespmem:v9+s15+$0x0], $0xffff  }
0x518: {  	[tilespmem:s1+$0x80] =	vst v17;
	v8 =	vadd.s32 v1, v8;
	v10 =	vld.idx.msk [tilespmem:v10+s15+$0x0], $0xffff  }
0x519: {  	[tilespmem:s1+$0x100] =	vst v19;
	v11 =	vld.idx.msk [tilespmem:v11+s15+$0x0], $0xffff  }
0x51a: {  	v13 =	vld.idx.msk [tilespmem:v13+s15+$0x0], $0xffff;
	[tilespmem:s1+$0xFFFFFE00] =	vst v20;
	s1 =	sadd.s32 $0x400, s1  }
0x51b: {  	v14 =	vld.idx.msk [tilespmem:v14+s15+$0x0], $0xffff;
	[tilespmem:s1+$0x180] =	vst v12  }
0x51c: {  	v12 =	vld.idx.msk [tilespmem:v15+s15+$0x0], $0xffff;
	[tilespmem:s1+$0xFFFFFE80] =	vst v9  }
0x51d: {  	v8 =	vld.idx.msk [tilespmem:v8+s15+$0x0], $0xffff;
	[tilespmem:s1+$0xFFFFFF00] =	vst v10  }
0x51e: {  	[tilespmem:s1+$0xFFFFFF80] =	vst v11  }
0x51f: {  	[tilespmem:s1+$0x0] =	vst v13  }
0x520: {  	[tilespmem:s1+$0x80] =	vst v14  }
0x521: {  	[tilespmem:s1+$0x100] =	vst v12  }
0x522: {  	[tilespmem:s1+$0xFFFFFE00] =	vst v8  }
0x523: {  	v8 =	vld [tilespmem:s26+$0x6420];
	_ =	sdelay $0x3  }
0x524: {  	s12 =	simm.s32 $0x7  }
0x525: {  	s31 =	simm.s32 $0x1;
	v9 =	vadd.s32 s12, v8  }
0x526: {  	s1 =	simm.s32 $0x2;
	v10 =	vadd.s32 s31, v8;
	v9 =	vadd.s32 v2, v9  }
0x527: {  	v11 =	vadd.s32 s1, v8;
	s12 =	simm.s32 $0x3;
	v10 =	vadd.s32 v2, v10  }
0x528: {  	s31 =	simm.s32 $0x4;
	v11 =	vadd.s32 v2, v11;
	v12 =	vadd.s32 s12, v8  }
0x529: {  	s1 =	simm.s32 $0x5;
	v13 =	vadd.s32 s31, v8;
	v12 =	vadd.s32 v2, v12  }
0x52a: {  	v14 =	vadd.s32 s1, v8;
	s12 =	simm.s32 $0x6;
	v13 =	vadd.s32 v2, v13  }
0x52b: {  	s31 =	simm.s32 $0x0;
	v14 =	vadd.s32 v2, v14;
	v15 =	vadd.s32 s12, v8;
	v16 =	vld.idx.msk [tilespmem:v9+s15+$0x0], $0xffff  }
0x52c: {  	s12 =	simm.s32 $0xF;
	v9 =	vadd.s32 s31, v8;
	v17 =	vld.idx.msk [tilespmem:v10+s15+$0x0], $0xffff;
	v10 =	vadd.s32 v2, v15  }
0x52d: {  	s31 =	simm.s32 $0x9;
	v15 =	vadd.s32 s12, v8;
	v20 =	vld.idx.msk [tilespmem:v11+s15+$0x0], $0xffff;
	v19 =	vadd.s32 v2, v9  }
0x52e: {  	s1 =	simm.s32 $0xA;
	v9 =	vadd.s32 s31, v8;
	v11 =	vadd.s32 v2, v15;
	v21 =	vld.idx.msk [tilespmem:v12+s15+$0x0], $0xffff  }
0x52f: {  	s12 =	simm.s32 $0xB;
	v12 =	vld.idx.msk [tilespmem:v13+s15+$0x0], $0xffff;
	v13 =	vadd.s32 s1, v8;
	v22 =	vadd.s32 v2, v9  }
0x530: {  	s28 =	simm.s32 $0x1CA20;
	s31 =	simm.s32 $0xC;
	v9 =	vld.idx.msk [tilespmem:v14+s15+$0x0], $0xffff;
	v14 =	vadd.s32 s12, v8;
	v18 =	vadd.s32 v2, v13  }
0x531: {  	s1 =	simm.s32 $0xD;
	v13 =	vadd.s32 s31, v8;
	v15 =	vadd.s32 v2, v14;
	v10 =	vld.idx.msk [tilespmem:v10+s15+$0x0], $0xffff;
	[tilespmem:s28+$0x180] =	vst v16  }
0x532: {  	s31 =	simm.s32 $0xE;
	[tilespmem:s28+$0xFFFFFE80] =	vst v17;
	v16 =	vadd.s32 v2, v13;
	v13 =	vadd.s32 s1, v8;
	v14 =	vld.idx.msk [tilespmem:v19+s15+$0x0], $0xffff  }
0x533: {  	s12 =	simm.s32 $0x8;
	[tilespmem:s28+$0xFFFFFF00] =	vst v20;
	v19 =	vadd.s32 s31, v8;
	v11 =	vld.idx.msk [tilespmem:v11+s15+$0x0], $0xffff;
	v17 =	vadd.s32 v2, v13  }
0x534: {  	s30 =	simm.s32 $0x18;
	s29 =	simm.s32 $0x10;
	s1 =	simm.s32 $0x17;
	v20 =	vadd.s32 s12, v8;
	[tilespmem:s28+$0xFFFFFF80] =	vst v21;
	v13 =	vld.idx.msk [tilespmem:v22+s15+$0x0], $0xffff;
	v19 =	vadd.s32 v2, v19  }
.LBB2_57:
0x535: {  	p0 =	slt.u32 s30, $0x38;
	s0 =	sadd.s32 $0x1, s29;
	v21 =	vadd.s32 s1, v8;
	v20 =	vadd.s32 v2, v20;
	v22 =	vld.idx.msk [tilespmem:v18+s15+$0x0], $0xffff;
	[tilespmem:s28+$0x0] =	vst v12  }
0x536: {  	v12 =	vadd.s32 s0, v8;
	s0 =	sadd.s32 $0x2, s29;
	v21 =	vadd.s32 v2, v21;
	v23 =	vld.idx.msk [tilespmem:v15+s15+$0x0], $0xffff;
	[tilespmem:s28+$0x80] =	vst v9  }
0x537: {  	v24 =	vadd.s32 v2, v12;
	v9 =	vadd.s32 s0, v8;
	s0 =	sadd.s32 $0x3, s29;
	v12 =	vld.idx.msk [tilespmem:v16+s15+$0x0], $0xffff;
	[tilespmem:s28+$0x100] =	vst v10  }
.Ltmp29:
0x538: {  	v18 =	vadd.s32 v2, v9;
	v10 =	vadd.s32 s0, v8;
	s0 =	sadd.s32 $0x4, s29;
	v9 =	vld.idx.msk [tilespmem:v17+s15+$0x0], $0xffff;
	[tilespmem:s28+$0xFFFFFE00] =	vst v14;
	s28 =	sadd.s32 $0x400, s28;
	(pc) =	sbr.rel @p0 .LBB2_57-.Ltmp29, $4  }
0x539: {  	v15 =	vadd.s32 v2, v10;
	v14 =	vadd.s32 s0, v8;
	s0 =	sadd.s32 $0x5, s29;
	v10 =	vld.idx.msk [tilespmem:v19+s15+$0x0], $0xffff;
	[tilespmem:s28+$0x180] =	vst v11  }
0x53a: {  	v16 =	vadd.s32 v2, v14;
	v11 =	vadd.s32 s0, v8;
	s0 =	sadd.s32 $0x6, s29;
	v14 =	vld.idx.msk [tilespmem:v20+s15+$0x0], $0xffff;
	[tilespmem:s28+$0xFFFFFE80] =	vst v13  }
0x53b: {  	v17 =	vadd.s32 v2, v11;
	v19 =	vadd.s32 s0, v8;
	v11 =	vld.idx.msk [tilespmem:v21+s15+$0x0], $0xffff;
	[tilespmem:s28+$0xFFFFFF00] =	vst v22  }
0x53c: {  	s1 =	sadd.s32 $0x7, s30;
	v20 =	vadd.s32 s29, v8;
	s29 =	smov.u32 s30;
	s30 =	sadd.s32 $0x8, s30;
	v13 =	vld.idx.msk [tilespmem:v24+s15+$0x0], $0xffff;
	v19 =	vadd.s32 v2, v19;
	[tilespmem:s28+$0xFFFFFF80] =	vst v23  }
0x53d: {  	_ =	sdelay $0x2  }
0x53e: {  	[tilespmem:s28+$0x0] =	vst v12  }
0x53f: {  	s0 =	sadd.s32 $0x1, s29;
	v12 =	vadd.s32 s1, v8;
	v20 =	vadd.s32 v2, v20;
	v18 =	vld.idx.msk [tilespmem:v18+s15+$0x0], $0xffff;
	[tilespmem:s28+$0x80] =	vst v9  }
0x540: {  	s1 =	sadd.s32 $0x2, s29;
	v15 =	vld.idx.msk [tilespmem:v15+s15+$0x0], $0xffff;
	v9 =	vadd.s32 s0, v8;
	v12 =	vadd.s32 v2, v12;
	[tilespmem:s28+$0x100] =	vst v10  }
0x541: {  	s12 =	sadd.s32 $0x3, s29;
	v16 =	vld.idx.msk [tilespmem:v16+s15+$0x0], $0xffff;
	v10 =	vadd.s32 s1, v8;
	s1 =	sadd.s32 $0x400, s28;
	v9 =	vadd.s32 v2, v9;
	[tilespmem:s28+$0xFFFFFE00] =	vst v14  }
0x542: {  	s31 =	sadd.s32 $0x4, s29;
	v17 =	vld.idx.msk [tilespmem:v17+s15+$0x0], $0xffff;
	v10 =	vadd.s32 v2, v10;
	v14 =	vadd.s32 s12, v8;
	[tilespmem:s1+$0x180] =	vst v11  }
0x543: {  	v19 =	vld.idx.msk [tilespmem:v19+s15+$0x0], $0xffff;
	s12 =	sadd.s32 $0x5, s29;
	v11 =	vadd.s32 v2, v14;
	v14 =	vadd.s32 s31, v8;
	[tilespmem:s1+$0xFFFFFE80] =	vst v13  }
0x544: {  	s31 =	sadd.s32 $0x6, s29;
	v13 =	vadd.s32 v2, v14;
	v14 =	vadd.s32 s12, v8;
	v20 =	vld.idx.msk [tilespmem:v20+s15+$0x0], $0xffff;
	[tilespmem:s1+$0xFFFFFF00] =	vst v18  }
0x545: {  	v14 =	vadd.s32 v2, v14;
	v18 =	vadd.s32 s31, v8;
	[tilespmem:s1+$0xFFFFFF80] =	vst v15;
	v12 =	vld.idx.msk [tilespmem:v12+s15+$0x0], $0xffff  }
0x546: {  	v8 =	vadd.s32 s29, v8;
	[tilespmem:s1+$0x0] =	vst v16;
	v15 =	vadd.s32 v2, v18;
	v9 =	vld.idx.msk [tilespmem:v9+s15+$0x0], $0xffff  }
0x547: {  	[tilespmem:s1+$0x80] =	vst v17;
	v8 =	vadd.s32 v2, v8;
	v10 =	vld.idx.msk [tilespmem:v10+s15+$0x0], $0xffff  }
0x548: {  	[tilespmem:s1+$0x100] =	vst v19;
	v11 =	vld.idx.msk [tilespmem:v11+s15+$0x0], $0xffff  }
0x549: {  	v13 =	vld.idx.msk [tilespmem:v13+s15+$0x0], $0xffff;
	[tilespmem:s1+$0xFFFFFE00] =	vst v20;
	s1 =	sadd.s32 $0x400, s1  }
0x54a: {  	v14 =	vld.idx.msk [tilespmem:v14+s15+$0x0], $0xffff;
	[tilespmem:s1+$0x180] =	vst v12  }
0x54b: {  	v12 =	vld.idx.msk [tilespmem:v15+s15+$0x0], $0xffff;
	[tilespmem:s1+$0xFFFFFE80] =	vst v9  }
0x54c: {  	v8 =	vld.idx.msk [tilespmem:v8+s15+$0x0], $0xffff;
	[tilespmem:s1+$0xFFFFFF00] =	vst v10  }
0x54d: {  	[tilespmem:s1+$0xFFFFFF80] =	vst v11  }
0x54e: {  	[tilespmem:s1+$0x0] =	vst v13  }
0x54f: {  	[tilespmem:s1+$0x80] =	vst v14  }
0x550: {  	[tilespmem:s1+$0x100] =	vst v12  }
0x551: {  	[tilespmem:s1+$0xFFFFFE00] =	vst v8  }
0x552: {  	v8 =	vld [tilespmem:s26+$0x6430];
	_ =	sdelay $0x3  }
0x553: {  	s12 =	simm.s32 $0x7  }
0x554: {  	s31 =	simm.s32 $0x1;
	v9 =	vadd.s32 s12, v8  }
0x555: {  	s1 =	simm.s32 $0x2;
	v10 =	vadd.s32 s31, v8;
	v9 =	vadd.s32 v3, v9  }
0x556: {  	v11 =	vadd.s32 s1, v8;
	s12 =	simm.s32 $0x3;
	v10 =	vadd.s32 v3, v10  }
0x557: {  	s31 =	simm.s32 $0x4;
	v11 =	vadd.s32 v3, v11;
	v12 =	vadd.s32 s12, v8  }
0x558: {  	s1 =	simm.s32 $0x5;
	v13 =	vadd.s32 s31, v8;
	v12 =	vadd.s32 v3, v12  }
0x559: {  	v14 =	vadd.s32 s1, v8;
	s12 =	simm.s32 $0x6;
	v13 =	vadd.s32 v3, v13  }
0x55a: {  	s31 =	simm.s32 $0x0;
	v14 =	vadd.s32 v3, v14;
	v15 =	vadd.s32 s12, v8;
	v16 =	vld.idx.msk [tilespmem:v9+s15+$0x0], $0xffff  }
0x55b: {  	s12 =	simm.s32 $0xF;
	v9 =	vadd.s32 s31, v8;
	v17 =	vld.idx.msk [tilespmem:v10+s15+$0x0], $0xffff;
	v10 =	vadd.s32 v3, v15  }
0x55c: {  	s31 =	simm.s32 $0x9;
	v15 =	vadd.s32 s12, v8;
	v20 =	vld.idx.msk [tilespmem:v11+s15+$0x0], $0xffff;
	v19 =	vadd.s32 v3, v9  }
0x55d: {  	s1 =	simm.s32 $0xA;
	v9 =	vadd.s32 s31, v8;
	v11 =	vadd.s32 v3, v15;
	v21 =	vld.idx.msk [tilespmem:v12+s15+$0x0], $0xffff  }
0x55e: {  	s12 =	simm.s32 $0xB;
	v12 =	vld.idx.msk [tilespmem:v13+s15+$0x0], $0xffff;
	v13 =	vadd.s32 s1, v8;
	v22 =	vadd.s32 v3, v9  }
0x55f: {  	s28 =	simm.s32 $0x1CA30;
	s31 =	simm.s32 $0xC;
	v9 =	vld.idx.msk [tilespmem:v14+s15+$0x0], $0xffff;
	v14 =	vadd.s32 s12, v8;
	v18 =	vadd.s32 v3, v13  }
0x560: {  	s1 =	simm.s32 $0xD;
	v13 =	vadd.s32 s31, v8;
	v15 =	vadd.s32 v3, v14;
	v10 =	vld.idx.msk [tilespmem:v10+s15+$0x0], $0xffff;
	[tilespmem:s28+$0x180] =	vst v16  }
0x561: {  	s31 =	simm.s32 $0xE;
	[tilespmem:s28+$0xFFFFFE80] =	vst v17;
	v16 =	vadd.s32 v3, v13;
	v13 =	vadd.s32 s1, v8;
	v14 =	vld.idx.msk [tilespmem:v19+s15+$0x0], $0xffff  }
0x562: {  	s12 =	simm.s32 $0x8;
	[tilespmem:s28+$0xFFFFFF00] =	vst v20;
	v19 =	vadd.s32 s31, v8;
	v11 =	vld.idx.msk [tilespmem:v11+s15+$0x0], $0xffff;
	v17 =	vadd.s32 v3, v13  }
0x563: {  	s30 =	simm.s32 $0x18;
	s29 =	simm.s32 $0x10;
	s1 =	simm.s32 $0x17;
	v20 =	vadd.s32 s12, v8;
	[tilespmem:s28+$0xFFFFFF80] =	vst v21;
	v13 =	vld.idx.msk [tilespmem:v22+s15+$0x0], $0xffff;
	v19 =	vadd.s32 v3, v19  }
.LBB2_59:
0x564: {  	p0 =	slt.u32 s30, $0x38;
	s0 =	sadd.s32 $0x1, s29;
	v21 =	vadd.s32 s1, v8;
	v20 =	vadd.s32 v3, v20;
	v22 =	vld.idx.msk [tilespmem:v18+s15+$0x0], $0xffff;
	[tilespmem:s28+$0x0] =	vst v12  }
0x565: {  	v12 =	vadd.s32 s0, v8;
	s0 =	sadd.s32 $0x2, s29;
	v21 =	vadd.s32 v3, v21;
	v23 =	vld.idx.msk [tilespmem:v15+s15+$0x0], $0xffff;
	[tilespmem:s28+$0x80] =	vst v9  }
0x566: {  	v24 =	vadd.s32 v3, v12;
	v9 =	vadd.s32 s0, v8;
	s0 =	sadd.s32 $0x3, s29;
	v12 =	vld.idx.msk [tilespmem:v16+s15+$0x0], $0xffff;
	[tilespmem:s28+$0x100] =	vst v10  }
.Ltmp30:
0x567: {  	v18 =	vadd.s32 v3, v9;
	v10 =	vadd.s32 s0, v8;
	s0 =	sadd.s32 $0x4, s29;
	v9 =	vld.idx.msk [tilespmem:v17+s15+$0x0], $0xffff;
	[tilespmem:s28+$0xFFFFFE00] =	vst v14;
	s28 =	sadd.s32 $0x400, s28;
	(pc) =	sbr.rel @p0 .LBB2_59-.Ltmp30, $4  }
0x568: {  	v15 =	vadd.s32 v3, v10;
	v14 =	vadd.s32 s0, v8;
	s0 =	sadd.s32 $0x5, s29;
	v10 =	vld.idx.msk [tilespmem:v19+s15+$0x0], $0xffff;
	[tilespmem:s28+$0x180] =	vst v11  }
0x569: {  	v16 =	vadd.s32 v3, v14;
	v11 =	vadd.s32 s0, v8;
	s0 =	sadd.s32 $0x6, s29;
	v14 =	vld.idx.msk [tilespmem:v20+s15+$0x0], $0xffff;
	[tilespmem:s28+$0xFFFFFE80] =	vst v13  }
0x56a: {  	v17 =	vadd.s32 v3, v11;
	v19 =	vadd.s32 s0, v8;
	v11 =	vld.idx.msk [tilespmem:v21+s15+$0x0], $0xffff;
	[tilespmem:s28+$0xFFFFFF00] =	vst v22  }
0x56b: {  	s1 =	sadd.s32 $0x7, s30;
	v20 =	vadd.s32 s29, v8;
	s29 =	smov.u32 s30;
	s30 =	sadd.s32 $0x8, s30;
	v13 =	vld.idx.msk [tilespmem:v24+s15+$0x0], $0xffff;
	v19 =	vadd.s32 v3, v19;
	[tilespmem:s28+$0xFFFFFF80] =	vst v23  }
0x56c: {  	_ =	sdelay $0x2  }
0x56d: {  	[tilespmem:s28+$0x0] =	vst v12  }
0x56e: {  	s0 =	sadd.s32 $0x1, s29;
	v12 =	vadd.s32 s1, v8;
	v20 =	vadd.s32 v3, v20;
	v18 =	vld.idx.msk [tilespmem:v18+s15+$0x0], $0xffff;
	[tilespmem:s28+$0x80] =	vst v9  }
0x56f: {  	s1 =	sadd.s32 $0x2, s29;
	v15 =	vld.idx.msk [tilespmem:v15+s15+$0x0], $0xffff;
	v9 =	vadd.s32 s0, v8;
	v12 =	vadd.s32 v3, v12;
	[tilespmem:s28+$0x100] =	vst v10  }
0x570: {  	s12 =	sadd.s32 $0x3, s29;
	v16 =	vld.idx.msk [tilespmem:v16+s15+$0x0], $0xffff;
	v10 =	vadd.s32 s1, v8;
	s1 =	sadd.s32 $0x400, s28;
	v9 =	vadd.s32 v3, v9;
	[tilespmem:s28+$0xFFFFFE00] =	vst v14  }
0x571: {  	s31 =	sadd.s32 $0x4, s29;
	v17 =	vld.idx.msk [tilespmem:v17+s15+$0x0], $0xffff;
	v10 =	vadd.s32 v3, v10;
	v14 =	vadd.s32 s12, v8;
	[tilespmem:s1+$0x180] =	vst v11  }
0x572: {  	v19 =	vld.idx.msk [tilespmem:v19+s15+$0x0], $0xffff;
	s12 =	sadd.s32 $0x5, s29;
	v11 =	vadd.s32 v3, v14;
	v14 =	vadd.s32 s31, v8;
	[tilespmem:s1+$0xFFFFFE80] =	vst v13  }
0x573: {  	s31 =	sadd.s32 $0x6, s29;
	v13 =	vadd.s32 v3, v14;
	v14 =	vadd.s32 s12, v8;
	v20 =	vld.idx.msk [tilespmem:v20+s15+$0x0], $0xffff;
	[tilespmem:s1+$0xFFFFFF00] =	vst v18  }
0x574: {  	v14 =	vadd.s32 v3, v14;
	v18 =	vadd.s32 s31, v8;
	[tilespmem:s1+$0xFFFFFF80] =	vst v15;
	v12 =	vld.idx.msk [tilespmem:v12+s15+$0x0], $0xffff  }
0x575: {  	v8 =	vadd.s32 s29, v8;
	[tilespmem:s1+$0x0] =	vst v16;
	v15 =	vadd.s32 v3, v18;
	v9 =	vld.idx.msk [tilespmem:v9+s15+$0x0], $0xffff  }
0x576: {  	[tilespmem:s1+$0x80] =	vst v17;
	v8 =	vadd.s32 v3, v8;
	v10 =	vld.idx.msk [tilespmem:v10+s15+$0x0], $0xffff  }
0x577: {  	[tilespmem:s1+$0x100] =	vst v19;
	v11 =	vld.idx.msk [tilespmem:v11+s15+$0x0], $0xffff  }
0x578: {  	v13 =	vld.idx.msk [tilespmem:v13+s15+$0x0], $0xffff;
	[tilespmem:s1+$0xFFFFFE00] =	vst v20;
	s1 =	sadd.s32 $0x400, s1  }
0x579: {  	v14 =	vld.idx.msk [tilespmem:v14+s15+$0x0], $0xffff;
	[tilespmem:s1+$0x180] =	vst v12  }
0x57a: {  	v12 =	vld.idx.msk [tilespmem:v15+s15+$0x0], $0xffff;
	[tilespmem:s1+$0xFFFFFE80] =	vst v9  }
0x57b: {  	v8 =	vld.idx.msk [tilespmem:v8+s15+$0x0], $0xffff;
	[tilespmem:s1+$0xFFFFFF00] =	vst v10  }
0x57c: {  	[tilespmem:s1+$0xFFFFFF80] =	vst v11  }
0x57d: {  	[tilespmem:s1+$0x0] =	vst v13  }
0x57e: {  	[tilespmem:s1+$0x80] =	vst v14  }
0x57f: {  	[tilespmem:s1+$0x100] =	vst v12  }
0x580: {  	[tilespmem:s1+$0xFFFFFE00] =	vst v8  }
0x581: {  	v8 =	vld [tilespmem:s26+$0x6440];
	_ =	sdelay $0x3  }
0x582: {  	s12 =	simm.s32 $0x7  }
0x583: {  	s31 =	simm.s32 $0x1;
	v9 =	vadd.s32 s12, v8  }
0x584: {  	s1 =	simm.s32 $0x2;
	v10 =	vadd.s32 s31, v8;
	v9 =	vadd.s32 v4, v9  }
0x585: {  	v11 =	vadd.s32 s1, v8;
	s12 =	simm.s32 $0x3;
	v10 =	vadd.s32 v4, v10  }
0x586: {  	s31 =	simm.s32 $0x4;
	v11 =	vadd.s32 v4, v11;
	v12 =	vadd.s32 s12, v8  }
0x587: {  	s1 =	simm.s32 $0x5;
	v13 =	vadd.s32 s31, v8;
	v12 =	vadd.s32 v4, v12  }
0x588: {  	v14 =	vadd.s32 s1, v8;
	s12 =	simm.s32 $0x6;
	v13 =	vadd.s32 v4, v13  }
0x589: {  	s31 =	simm.s32 $0x0;
	v14 =	vadd.s32 v4, v14;
	v15 =	vadd.s32 s12, v8;
	v16 =	vld.idx.msk [tilespmem:v9+s15+$0x0], $0xffff  }
0x58a: {  	s12 =	simm.s32 $0xF;
	v9 =	vadd.s32 s31, v8;
	v17 =	vld.idx.msk [tilespmem:v10+s15+$0x0], $0xffff;
	v10 =	vadd.s32 v4, v15  }
0x58b: {  	s31 =	simm.s32 $0x9;
	v15 =	vadd.s32 s12, v8;
	v20 =	vld.idx.msk [tilespmem:v11+s15+$0x0], $0xffff;
	v19 =	vadd.s32 v4, v9  }
0x58c: {  	s1 =	simm.s32 $0xA;
	v9 =	vadd.s32 s31, v8;
	v11 =	vadd.s32 v4, v15;
	v21 =	vld.idx.msk [tilespmem:v12+s15+$0x0], $0xffff  }
0x58d: {  	s12 =	simm.s32 $0xB;
	v12 =	vld.idx.msk [tilespmem:v13+s15+$0x0], $0xffff;
	v13 =	vadd.s32 s1, v8;
	v22 =	vadd.s32 v4, v9  }
0x58e: {  	s28 =	simm.s32 $0x1CA40;
	s31 =	simm.s32 $0xC;
	v9 =	vld.idx.msk [tilespmem:v14+s15+$0x0], $0xffff;
	v14 =	vadd.s32 s12, v8;
	v18 =	vadd.s32 v4, v13  }
0x58f: {  	s1 =	simm.s32 $0xD;
	v13 =	vadd.s32 s31, v8;
	v15 =	vadd.s32 v4, v14;
	v10 =	vld.idx.msk [tilespmem:v10+s15+$0x0], $0xffff;
	[tilespmem:s28+$0x180] =	vst v16  }
0x590: {  	s31 =	simm.s32 $0xE;
	[tilespmem:s28+$0xFFFFFE80] =	vst v17;
	v16 =	vadd.s32 v4, v13;
	v13 =	vadd.s32 s1, v8;
	v14 =	vld.idx.msk [tilespmem:v19+s15+$0x0], $0xffff  }
0x591: {  	s12 =	simm.s32 $0x8;
	[tilespmem:s28+$0xFFFFFF00] =	vst v20;
	v19 =	vadd.s32 s31, v8;
	v11 =	vld.idx.msk [tilespmem:v11+s15+$0x0], $0xffff;
	v17 =	vadd.s32 v4, v13  }
0x592: {  	s30 =	simm.s32 $0x18;
	s29 =	simm.s32 $0x10;
	s1 =	simm.s32 $0x17;
	v20 =	vadd.s32 s12, v8;
	[tilespmem:s28+$0xFFFFFF80] =	vst v21;
	v13 =	vld.idx.msk [tilespmem:v22+s15+$0x0], $0xffff;
	v19 =	vadd.s32 v4, v19  }
.LBB2_61:
0x593: {  	p0 =	slt.u32 s30, $0x38;
	s0 =	sadd.s32 $0x1, s29;
	v21 =	vadd.s32 s1, v8;
	v20 =	vadd.s32 v4, v20;
	v22 =	vld.idx.msk [tilespmem:v18+s15+$0x0], $0xffff;
	[tilespmem:s28+$0x0] =	vst v12  }
0x594: {  	v12 =	vadd.s32 s0, v8;
	s0 =	sadd.s32 $0x2, s29;
	v21 =	vadd.s32 v4, v21;
	v23 =	vld.idx.msk [tilespmem:v15+s15+$0x0], $0xffff;
	[tilespmem:s28+$0x80] =	vst v9  }
0x595: {  	v24 =	vadd.s32 v4, v12;
	v9 =	vadd.s32 s0, v8;
	s0 =	sadd.s32 $0x3, s29;
	v12 =	vld.idx.msk [tilespmem:v16+s15+$0x0], $0xffff;
	[tilespmem:s28+$0x100] =	vst v10  }
.Ltmp31:
0x596: {  	v18 =	vadd.s32 v4, v9;
	v10 =	vadd.s32 s0, v8;
	s0 =	sadd.s32 $0x4, s29;
	v9 =	vld.idx.msk [tilespmem:v17+s15+$0x0], $0xffff;
	[tilespmem:s28+$0xFFFFFE00] =	vst v14;
	s28 =	sadd.s32 $0x400, s28;
	(pc) =	sbr.rel @p0 .LBB2_61-.Ltmp31, $4  }
0x597: {  	v15 =	vadd.s32 v4, v10;
	v14 =	vadd.s32 s0, v8;
	s0 =	sadd.s32 $0x5, s29;
	v10 =	vld.idx.msk [tilespmem:v19+s15+$0x0], $0xffff;
	[tilespmem:s28+$0x180] =	vst v11  }
0x598: {  	v16 =	vadd.s32 v4, v14;
	v11 =	vadd.s32 s0, v8;
	s0 =	sadd.s32 $0x6, s29;
	v14 =	vld.idx.msk [tilespmem:v20+s15+$0x0], $0xffff;
	[tilespmem:s28+$0xFFFFFE80] =	vst v13  }
0x599: {  	v17 =	vadd.s32 v4, v11;
	v19 =	vadd.s32 s0, v8;
	v11 =	vld.idx.msk [tilespmem:v21+s15+$0x0], $0xffff;
	[tilespmem:s28+$0xFFFFFF00] =	vst v22  }
0x59a: {  	s1 =	sadd.s32 $0x7, s30;
	v20 =	vadd.s32 s29, v8;
	s29 =	smov.u32 s30;
	s30 =	sadd.s32 $0x8, s30;
	v13 =	vld.idx.msk [tilespmem:v24+s15+$0x0], $0xffff;
	v19 =	vadd.s32 v4, v19;
	[tilespmem:s28+$0xFFFFFF80] =	vst v23  }
0x59b: {  	_ =	sdelay $0x2  }
0x59c: {  	[tilespmem:s28+$0x0] =	vst v12  }
0x59d: {  	s0 =	sadd.s32 $0x1, s29;
	v12 =	vadd.s32 s1, v8;
	v20 =	vadd.s32 v4, v20;
	v18 =	vld.idx.msk [tilespmem:v18+s15+$0x0], $0xffff;
	[tilespmem:s28+$0x80] =	vst v9  }
0x59e: {  	s1 =	sadd.s32 $0x2, s29;
	v15 =	vld.idx.msk [tilespmem:v15+s15+$0x0], $0xffff;
	v9 =	vadd.s32 s0, v8;
	v12 =	vadd.s32 v4, v12;
	[tilespmem:s28+$0x100] =	vst v10  }
0x59f: {  	s12 =	sadd.s32 $0x3, s29;
	v16 =	vld.idx.msk [tilespmem:v16+s15+$0x0], $0xffff;
	v10 =	vadd.s32 s1, v8;
	s1 =	sadd.s32 $0x400, s28;
	v9 =	vadd.s32 v4, v9;
	[tilespmem:s28+$0xFFFFFE00] =	vst v14  }
0x5a0: {  	s31 =	sadd.s32 $0x4, s29;
	v17 =	vld.idx.msk [tilespmem:v17+s15+$0x0], $0xffff;
	v10 =	vadd.s32 v4, v10;
	v14 =	vadd.s32 s12, v8;
	[tilespmem:s1+$0x180] =	vst v11  }
0x5a1: {  	v19 =	vld.idx.msk [tilespmem:v19+s15+$0x0], $0xffff;
	s12 =	sadd.s32 $0x5, s29;
	v11 =	vadd.s32 v4, v14;
	v14 =	vadd.s32 s31, v8;
	[tilespmem:s1+$0xFFFFFE80] =	vst v13  }
0x5a2: {  	s31 =	sadd.s32 $0x6, s29;
	v13 =	vadd.s32 v4, v14;
	v14 =	vadd.s32 s12, v8;
	v20 =	vld.idx.msk [tilespmem:v20+s15+$0x0], $0xffff;
	[tilespmem:s1+$0xFFFFFF00] =	vst v18  }
0x5a3: {  	v14 =	vadd.s32 v4, v14;
	v18 =	vadd.s32 s31, v8;
	[tilespmem:s1+$0xFFFFFF80] =	vst v15;
	v12 =	vld.idx.msk [tilespmem:v12+s15+$0x0], $0xffff  }
0x5a4: {  	v8 =	vadd.s32 s29, v8;
	[tilespmem:s1+$0x0] =	vst v16;
	v15 =	vadd.s32 v4, v18;
	v9 =	vld.idx.msk [tilespmem:v9+s15+$0x0], $0xffff  }
0x5a5: {  	[tilespmem:s1+$0x80] =	vst v17;
	v8 =	vadd.s32 v4, v8;
	v10 =	vld.idx.msk [tilespmem:v10+s15+$0x0], $0xffff  }
0x5a6: {  	[tilespmem:s1+$0x100] =	vst v19;
	v11 =	vld.idx.msk [tilespmem:v11+s15+$0x0], $0xffff  }
0x5a7: {  	v13 =	vld.idx.msk [tilespmem:v13+s15+$0x0], $0xffff;
	[tilespmem:s1+$0xFFFFFE00] =	vst v20;
	s1 =	sadd.s32 $0x400, s1  }
0x5a8: {  	v14 =	vld.idx.msk [tilespmem:v14+s15+$0x0], $0xffff;
	[tilespmem:s1+$0x180] =	vst v12  }
0x5a9: {  	v12 =	vld.idx.msk [tilespmem:v15+s15+$0x0], $0xffff;
	[tilespmem:s1+$0xFFFFFE80] =	vst v9  }
0x5aa: {  	v8 =	vld.idx.msk [tilespmem:v8+s15+$0x0], $0xffff;
	[tilespmem:s1+$0xFFFFFF00] =	vst v10  }
0x5ab: {  	[tilespmem:s1+$0xFFFFFF80] =	vst v11  }
0x5ac: {  	[tilespmem:s1+$0x0] =	vst v13  }
0x5ad: {  	[tilespmem:s1+$0x80] =	vst v14  }
0x5ae: {  	[tilespmem:s1+$0x100] =	vst v12  }
0x5af: {  	[tilespmem:s1+$0xFFFFFE00] =	vst v8  }
0x5b0: {  	v8 =	vld [tilespmem:s26+$0x6450];
	_ =	sdelay $0x3  }
0x5b1: {  	s12 =	simm.s32 $0x7  }
0x5b2: {  	s31 =	simm.s32 $0x1;
	v9 =	vadd.s32 s12, v8  }
0x5b3: {  	s1 =	simm.s32 $0x2;
	v10 =	vadd.s32 s31, v8;
	v9 =	vadd.s32 v5, v9  }
0x5b4: {  	v11 =	vadd.s32 s1, v8;
	s12 =	simm.s32 $0x3;
	v10 =	vadd.s32 v5, v10  }
0x5b5: {  	s31 =	simm.s32 $0x4;
	v11 =	vadd.s32 v5, v11;
	v12 =	vadd.s32 s12, v8  }
0x5b6: {  	s1 =	simm.s32 $0x5;
	v13 =	vadd.s32 s31, v8;
	v12 =	vadd.s32 v5, v12  }
0x5b7: {  	v14 =	vadd.s32 s1, v8;
	s12 =	simm.s32 $0x6;
	v13 =	vadd.s32 v5, v13  }
0x5b8: {  	s31 =	simm.s32 $0x0;
	v14 =	vadd.s32 v5, v14;
	v15 =	vadd.s32 s12, v8;
	v16 =	vld.idx.msk [tilespmem:v9+s15+$0x0], $0xffff  }
0x5b9: {  	s12 =	simm.s32 $0xF;
	v9 =	vadd.s32 s31, v8;
	v17 =	vld.idx.msk [tilespmem:v10+s15+$0x0], $0xffff;
	v10 =	vadd.s32 v5, v15  }
0x5ba: {  	s31 =	simm.s32 $0x9;
	v15 =	vadd.s32 s12, v8;
	v20 =	vld.idx.msk [tilespmem:v11+s15+$0x0], $0xffff;
	v19 =	vadd.s32 v5, v9  }
0x5bb: {  	s1 =	simm.s32 $0xA;
	v9 =	vadd.s32 s31, v8;
	v11 =	vadd.s32 v5, v15;
	v21 =	vld.idx.msk [tilespmem:v12+s15+$0x0], $0xffff  }
0x5bc: {  	s12 =	simm.s32 $0xB;
	v12 =	vld.idx.msk [tilespmem:v13+s15+$0x0], $0xffff;
	v13 =	vadd.s32 s1, v8;
	v22 =	vadd.s32 v5, v9  }
0x5bd: {  	s28 =	simm.s32 $0x1CA50;
	s31 =	simm.s32 $0xC;
	v9 =	vld.idx.msk [tilespmem:v14+s15+$0x0], $0xffff;
	v14 =	vadd.s32 s12, v8;
	v18 =	vadd.s32 v5, v13  }
0x5be: {  	s1 =	simm.s32 $0xD;
	v13 =	vadd.s32 s31, v8;
	v15 =	vadd.s32 v5, v14;
	v10 =	vld.idx.msk [tilespmem:v10+s15+$0x0], $0xffff;
	[tilespmem:s28+$0x180] =	vst v16  }
0x5bf: {  	s31 =	simm.s32 $0xE;
	[tilespmem:s28+$0xFFFFFE80] =	vst v17;
	v16 =	vadd.s32 v5, v13;
	v13 =	vadd.s32 s1, v8;
	v14 =	vld.idx.msk [tilespmem:v19+s15+$0x0], $0xffff  }
0x5c0: {  	s12 =	simm.s32 $0x8;
	[tilespmem:s28+$0xFFFFFF00] =	vst v20;
	v19 =	vadd.s32 s31, v8;
	v11 =	vld.idx.msk [tilespmem:v11+s15+$0x0], $0xffff;
	v17 =	vadd.s32 v5, v13  }
0x5c1: {  	s30 =	simm.s32 $0x18;
	s29 =	simm.s32 $0x10;
	s1 =	simm.s32 $0x17;
	v20 =	vadd.s32 s12, v8;
	[tilespmem:s28+$0xFFFFFF80] =	vst v21;
	v13 =	vld.idx.msk [tilespmem:v22+s15+$0x0], $0xffff;
	v19 =	vadd.s32 v5, v19  }
.LBB2_63:
0x5c2: {  	p0 =	slt.u32 s30, $0x38;
	s0 =	sadd.s32 $0x1, s29;
	v21 =	vadd.s32 s1, v8;
	v20 =	vadd.s32 v5, v20;
	v22 =	vld.idx.msk [tilespmem:v18+s15+$0x0], $0xffff;
	[tilespmem:s28+$0x0] =	vst v12  }
0x5c3: {  	v12 =	vadd.s32 s0, v8;
	s0 =	sadd.s32 $0x2, s29;
	v21 =	vadd.s32 v5, v21;
	v23 =	vld.idx.msk [tilespmem:v15+s15+$0x0], $0xffff;
	[tilespmem:s28+$0x80] =	vst v9  }
0x5c4: {  	v24 =	vadd.s32 v5, v12;
	v9 =	vadd.s32 s0, v8;
	s0 =	sadd.s32 $0x3, s29;
	v12 =	vld.idx.msk [tilespmem:v16+s15+$0x0], $0xffff;
	[tilespmem:s28+$0x100] =	vst v10  }
.Ltmp32:
0x5c5: {  	v18 =	vadd.s32 v5, v9;
	v10 =	vadd.s32 s0, v8;
	s0 =	sadd.s32 $0x4, s29;
	v9 =	vld.idx.msk [tilespmem:v17+s15+$0x0], $0xffff;
	[tilespmem:s28+$0xFFFFFE00] =	vst v14;
	s28 =	sadd.s32 $0x400, s28;
	(pc) =	sbr.rel @p0 .LBB2_63-.Ltmp32, $4  }
0x5c6: {  	v15 =	vadd.s32 v5, v10;
	v14 =	vadd.s32 s0, v8;
	s0 =	sadd.s32 $0x5, s29;
	v10 =	vld.idx.msk [tilespmem:v19+s15+$0x0], $0xffff;
	[tilespmem:s28+$0x180] =	vst v11  }
0x5c7: {  	v16 =	vadd.s32 v5, v14;
	v11 =	vadd.s32 s0, v8;
	s0 =	sadd.s32 $0x6, s29;
	v14 =	vld.idx.msk [tilespmem:v20+s15+$0x0], $0xffff;
	[tilespmem:s28+$0xFFFFFE80] =	vst v13  }
0x5c8: {  	v17 =	vadd.s32 v5, v11;
	v19 =	vadd.s32 s0, v8;
	v11 =	vld.idx.msk [tilespmem:v21+s15+$0x0], $0xffff;
	[tilespmem:s28+$0xFFFFFF00] =	vst v22  }
0x5c9: {  	s1 =	sadd.s32 $0x7, s30;
	v20 =	vadd.s32 s29, v8;
	s29 =	smov.u32 s30;
	s30 =	sadd.s32 $0x8, s30;
	v13 =	vld.idx.msk [tilespmem:v24+s15+$0x0], $0xffff;
	v19 =	vadd.s32 v5, v19;
	[tilespmem:s28+$0xFFFFFF80] =	vst v23  }
0x5ca: {  	_ =	sdelay $0x2  }
0x5cb: {  	[tilespmem:s28+$0x0] =	vst v12  }
0x5cc: {  	s0 =	sadd.s32 $0x1, s29;
	v12 =	vadd.s32 s1, v8;
	v20 =	vadd.s32 v5, v20;
	v18 =	vld.idx.msk [tilespmem:v18+s15+$0x0], $0xffff;
	[tilespmem:s28+$0x80] =	vst v9  }
0x5cd: {  	s1 =	sadd.s32 $0x2, s29;
	v15 =	vld.idx.msk [tilespmem:v15+s15+$0x0], $0xffff;
	v9 =	vadd.s32 s0, v8;
	v12 =	vadd.s32 v5, v12;
	[tilespmem:s28+$0x100] =	vst v10  }
0x5ce: {  	s12 =	sadd.s32 $0x3, s29;
	v16 =	vld.idx.msk [tilespmem:v16+s15+$0x0], $0xffff;
	v10 =	vadd.s32 s1, v8;
	s1 =	sadd.s32 $0x400, s28;
	v9 =	vadd.s32 v5, v9;
	[tilespmem:s28+$0xFFFFFE00] =	vst v14  }
0x5cf: {  	s31 =	sadd.s32 $0x4, s29;
	v17 =	vld.idx.msk [tilespmem:v17+s15+$0x0], $0xffff;
	v10 =	vadd.s32 v5, v10;
	v14 =	vadd.s32 s12, v8;
	[tilespmem:s1+$0x180] =	vst v11  }
0x5d0: {  	v19 =	vld.idx.msk [tilespmem:v19+s15+$0x0], $0xffff;
	s12 =	sadd.s32 $0x5, s29;
	v11 =	vadd.s32 v5, v14;
	v14 =	vadd.s32 s31, v8;
	[tilespmem:s1+$0xFFFFFE80] =	vst v13  }
0x5d1: {  	s31 =	sadd.s32 $0x6, s29;
	v13 =	vadd.s32 v5, v14;
	v14 =	vadd.s32 s12, v8;
	v20 =	vld.idx.msk [tilespmem:v20+s15+$0x0], $0xffff;
	[tilespmem:s1+$0xFFFFFF00] =	vst v18  }
0x5d2: {  	v14 =	vadd.s32 v5, v14;
	v18 =	vadd.s32 s31, v8;
	[tilespmem:s1+$0xFFFFFF80] =	vst v15;
	v12 =	vld.idx.msk [tilespmem:v12+s15+$0x0], $0xffff  }
0x5d3: {  	v8 =	vadd.s32 s29, v8;
	[tilespmem:s1+$0x0] =	vst v16;
	v15 =	vadd.s32 v5, v18;
	v9 =	vld.idx.msk [tilespmem:v9+s15+$0x0], $0xffff  }
0x5d4: {  	[tilespmem:s1+$0x80] =	vst v17;
	v8 =	vadd.s32 v5, v8;
	v10 =	vld.idx.msk [tilespmem:v10+s15+$0x0], $0xffff  }
0x5d5: {  	[tilespmem:s1+$0x100] =	vst v19;
	v11 =	vld.idx.msk [tilespmem:v11+s15+$0x0], $0xffff  }
0x5d6: {  	v13 =	vld.idx.msk [tilespmem:v13+s15+$0x0], $0xffff;
	[tilespmem:s1+$0xFFFFFE00] =	vst v20;
	s1 =	sadd.s32 $0x400, s1  }
0x5d7: {  	v14 =	vld.idx.msk [tilespmem:v14+s15+$0x0], $0xffff;
	[tilespmem:s1+$0x180] =	vst v12  }
0x5d8: {  	v12 =	vld.idx.msk [tilespmem:v15+s15+$0x0], $0xffff;
	[tilespmem:s1+$0xFFFFFE80] =	vst v9  }
0x5d9: {  	v8 =	vld.idx.msk [tilespmem:v8+s15+$0x0], $0xffff;
	[tilespmem:s1+$0xFFFFFF00] =	vst v10  }
0x5da: {  	[tilespmem:s1+$0xFFFFFF80] =	vst v11  }
0x5db: {  	[tilespmem:s1+$0x0] =	vst v13  }
0x5dc: {  	[tilespmem:s1+$0x80] =	vst v14  }
0x5dd: {  	[tilespmem:s1+$0x100] =	vst v12  }
0x5de: {  	[tilespmem:s1+$0xFFFFFE00] =	vst v8  }
0x5df: {  	v8 =	vld [tilespmem:s26+$0x6460];
	_ =	sdelay $0x3  }
0x5e0: {  	s12 =	simm.s32 $0x7  }
0x5e1: {  	s31 =	simm.s32 $0x1;
	v9 =	vadd.s32 s12, v8  }
0x5e2: {  	s1 =	simm.s32 $0x2;
	v10 =	vadd.s32 s31, v8;
	v9 =	vadd.s32 v6, v9  }
0x5e3: {  	v11 =	vadd.s32 s1, v8;
	s12 =	simm.s32 $0x3;
	v10 =	vadd.s32 v6, v10  }
0x5e4: {  	s31 =	simm.s32 $0x4;
	v11 =	vadd.s32 v6, v11;
	v12 =	vadd.s32 s12, v8  }
0x5e5: {  	s1 =	simm.s32 $0x5;
	v13 =	vadd.s32 s31, v8;
	v12 =	vadd.s32 v6, v12  }
0x5e6: {  	v14 =	vadd.s32 s1, v8;
	s12 =	simm.s32 $0x6;
	v13 =	vadd.s32 v6, v13  }
0x5e7: {  	s31 =	simm.s32 $0x0;
	v14 =	vadd.s32 v6, v14;
	v15 =	vadd.s32 s12, v8;
	v16 =	vld.idx.msk [tilespmem:v9+s15+$0x0], $0xffff  }
0x5e8: {  	s12 =	simm.s32 $0xF;
	v9 =	vadd.s32 s31, v8;
	v17 =	vld.idx.msk [tilespmem:v10+s15+$0x0], $0xffff;
	v10 =	vadd.s32 v6, v15  }
0x5e9: {  	s31 =	simm.s32 $0x9;
	v15 =	vadd.s32 s12, v8;
	v20 =	vld.idx.msk [tilespmem:v11+s15+$0x0], $0xffff;
	v19 =	vadd.s32 v6, v9  }
0x5ea: {  	s1 =	simm.s32 $0xA;
	v9 =	vadd.s32 s31, v8;
	v11 =	vadd.s32 v6, v15;
	v21 =	vld.idx.msk [tilespmem:v12+s15+$0x0], $0xffff  }
0x5eb: {  	s12 =	simm.s32 $0xB;
	v12 =	vld.idx.msk [tilespmem:v13+s15+$0x0], $0xffff;
	v13 =	vadd.s32 s1, v8;
	v22 =	vadd.s32 v6, v9  }
0x5ec: {  	s28 =	simm.s32 $0x1CA60;
	s31 =	simm.s32 $0xC;
	v9 =	vld.idx.msk [tilespmem:v14+s15+$0x0], $0xffff;
	v14 =	vadd.s32 s12, v8;
	v18 =	vadd.s32 v6, v13  }
0x5ed: {  	s1 =	simm.s32 $0xD;
	v13 =	vadd.s32 s31, v8;
	v15 =	vadd.s32 v6, v14;
	v10 =	vld.idx.msk [tilespmem:v10+s15+$0x0], $0xffff;
	[tilespmem:s28+$0x180] =	vst v16  }
0x5ee: {  	s31 =	simm.s32 $0xE;
	[tilespmem:s28+$0xFFFFFE80] =	vst v17;
	v16 =	vadd.s32 v6, v13;
	v13 =	vadd.s32 s1, v8;
	v14 =	vld.idx.msk [tilespmem:v19+s15+$0x0], $0xffff  }
0x5ef: {  	s12 =	simm.s32 $0x8;
	[tilespmem:s28+$0xFFFFFF00] =	vst v20;
	v19 =	vadd.s32 s31, v8;
	v11 =	vld.idx.msk [tilespmem:v11+s15+$0x0], $0xffff;
	v17 =	vadd.s32 v6, v13  }
0x5f0: {  	s30 =	simm.s32 $0x18;
	s29 =	simm.s32 $0x10;
	s1 =	simm.s32 $0x17;
	v20 =	vadd.s32 s12, v8;
	[tilespmem:s28+$0xFFFFFF80] =	vst v21;
	v13 =	vld.idx.msk [tilespmem:v22+s15+$0x0], $0xffff;
	v19 =	vadd.s32 v6, v19  }
.LBB2_65:
0x5f1: {  	p0 =	slt.u32 s30, $0x38;
	s0 =	sadd.s32 $0x1, s29;
	v21 =	vadd.s32 s1, v8;
	v20 =	vadd.s32 v6, v20;
	v22 =	vld.idx.msk [tilespmem:v18+s15+$0x0], $0xffff;
	[tilespmem:s28+$0x0] =	vst v12  }
0x5f2: {  	v12 =	vadd.s32 s0, v8;
	s0 =	sadd.s32 $0x2, s29;
	v21 =	vadd.s32 v6, v21;
	v23 =	vld.idx.msk [tilespmem:v15+s15+$0x0], $0xffff;
	[tilespmem:s28+$0x80] =	vst v9  }
0x5f3: {  	v24 =	vadd.s32 v6, v12;
	v9 =	vadd.s32 s0, v8;
	s0 =	sadd.s32 $0x3, s29;
	v12 =	vld.idx.msk [tilespmem:v16+s15+$0x0], $0xffff;
	[tilespmem:s28+$0x100] =	vst v10  }
.Ltmp33:
0x5f4: {  	v18 =	vadd.s32 v6, v9;
	v10 =	vadd.s32 s0, v8;
	s0 =	sadd.s32 $0x4, s29;
	v9 =	vld.idx.msk [tilespmem:v17+s15+$0x0], $0xffff;
	[tilespmem:s28+$0xFFFFFE00] =	vst v14;
	s28 =	sadd.s32 $0x400, s28;
	(pc) =	sbr.rel @p0 .LBB2_65-.Ltmp33, $4  }
0x5f5: {  	v15 =	vadd.s32 v6, v10;
	v14 =	vadd.s32 s0, v8;
	s0 =	sadd.s32 $0x5, s29;
	v10 =	vld.idx.msk [tilespmem:v19+s15+$0x0], $0xffff;
	[tilespmem:s28+$0x180] =	vst v11  }
0x5f6: {  	v16 =	vadd.s32 v6, v14;
	v11 =	vadd.s32 s0, v8;
	s0 =	sadd.s32 $0x6, s29;
	v14 =	vld.idx.msk [tilespmem:v20+s15+$0x0], $0xffff;
	[tilespmem:s28+$0xFFFFFE80] =	vst v13  }
0x5f7: {  	v17 =	vadd.s32 v6, v11;
	v19 =	vadd.s32 s0, v8;
	v11 =	vld.idx.msk [tilespmem:v21+s15+$0x0], $0xffff;
	[tilespmem:s28+$0xFFFFFF00] =	vst v22  }
0x5f8: {  	s1 =	sadd.s32 $0x7, s30;
	v20 =	vadd.s32 s29, v8;
	s29 =	smov.u32 s30;
	s30 =	sadd.s32 $0x8, s30;
	v13 =	vld.idx.msk [tilespmem:v24+s15+$0x0], $0xffff;
	v19 =	vadd.s32 v6, v19;
	[tilespmem:s28+$0xFFFFFF80] =	vst v23  }
0x5f9: {  	_ =	sdelay $0x2  }
0x5fa: {  	[tilespmem:s28+$0x0] =	vst v12  }
0x5fb: {  	s0 =	sadd.s32 $0x1, s29;
	v12 =	vadd.s32 s1, v8;
	v20 =	vadd.s32 v6, v20;
	v18 =	vld.idx.msk [tilespmem:v18+s15+$0x0], $0xffff;
	[tilespmem:s28+$0x80] =	vst v9  }
0x5fc: {  	s30 =	sadd.s32 $0x2, s29;
	v15 =	vld.idx.msk [tilespmem:v15+s15+$0x0], $0xffff;
	v9 =	vadd.s32 s0, v8;
	v12 =	vadd.s32 v6, v12;
	[tilespmem:s28+$0x100] =	vst v10  }
0x5fd: {  	s31 =	sadd.s32 $0x3, s29;
	v16 =	vld.idx.msk [tilespmem:v16+s15+$0x0], $0xffff;
	s1 =	sadd.s32 $0x400, s28;
	v10 =	vadd.s32 s30, v8;
	v9 =	vadd.s32 v6, v9;
	[tilespmem:s28+$0xFFFFFE00] =	vst v14  }
0x5fe: {  	s12 =	sadd.s32 $0x4, s29;
	v17 =	vld.idx.msk [tilespmem:v17+s15+$0x0], $0xffff;
	v10 =	vadd.s32 v6, v10;
	v14 =	vadd.s32 s31, v8;
	[tilespmem:s1+$0x180] =	vst v11  }
0x5ff: {  	v19 =	vld.idx.msk [tilespmem:v19+s15+$0x0], $0xffff;
	s30 =	sadd.s32 $0x5, s29;
	v11 =	vadd.s32 v6, v14;
	v14 =	vadd.s32 s12, v8;
	[tilespmem:s1+$0xFFFFFE80] =	vst v13  }
0x600: {  	s31 =	sadd.s32 $0x6, s29;
	v13 =	vadd.s32 v6, v14;
	v14 =	vadd.s32 s30, v8;
	v20 =	vld.idx.msk [tilespmem:v20+s15+$0x0], $0xffff;
	[tilespmem:s1+$0xFFFFFF00] =	vst v18  }
0x601: {  	v14 =	vadd.s32 v6, v14;
	v18 =	vadd.s32 s31, v8;
	[tilespmem:s1+$0xFFFFFF80] =	vst v15;
	v12 =	vld.idx.msk [tilespmem:v12+s15+$0x0], $0xffff  }
0x602: {  	v8 =	vadd.s32 s29, v8;
	[tilespmem:s1+$0x0] =	vst v16;
	v15 =	vadd.s32 v6, v18;
	v9 =	vld.idx.msk [tilespmem:v9+s15+$0x0], $0xffff  }
0x603: {  	[tilespmem:s1+$0x80] =	vst v17;
	v8 =	vadd.s32 v6, v8;
	v10 =	vld.idx.msk [tilespmem:v10+s15+$0x0], $0xffff  }
0x604: {  	[tilespmem:s1+$0x100] =	vst v19;
	v11 =	vld.idx.msk [tilespmem:v11+s15+$0x0], $0xffff  }
0x605: {  	s12 =	sadd.s32 $0x400, s1;
	v13 =	vld.idx.msk [tilespmem:v13+s15+$0x0], $0xffff;
	[tilespmem:s1+$0xFFFFFE00] =	vst v20  }
0x606: {  	v14 =	vld.idx.msk [tilespmem:v14+s15+$0x0], $0xffff;
	[tilespmem:s12+$0x180] =	vst v12  }
0x607: {  	v12 =	vld.idx.msk [tilespmem:v15+s15+$0x0], $0xffff;
	[tilespmem:s12+$0xFFFFFE80] =	vst v9  }
0x608: {  	v8 =	vld.idx.msk [tilespmem:v8+s15+$0x0], $0xffff;
	[tilespmem:s12+$0xFFFFFF00] =	vst v10  }
0x609: {  	[tilespmem:s12+$0xFFFFFF80] =	vst v11  }
0x60a: {  	[tilespmem:s12+$0x0] =	vst v13  }
0x60b: {  	[tilespmem:s12+$0x80] =	vst v14  }
0x60c: {  	[tilespmem:s12+$0x100] =	vst v12  }
0x60d: {  	[tilespmem:s12+$0xFFFFFE00] =	vst v8  }
0x60e: {  	v8 =	vld [tilespmem:s26+$0x6470];
	_ =	sdelay $0x3  }
0x60f: {  	s26 =	simm.s32 $0x7  }
0x610: {  	s30 =	simm.s32 $0x1;
	v9 =	vadd.s32 s26, v8  }
0x611: {  	s31 =	simm.s32 $0x2;
	v10 =	vadd.s32 s30, v8;
	v9 =	vadd.s32 v7, v9  }
0x612: {  	s1 =	simm.s32 $0x3;
	v11 =	vadd.s32 s31, v8;
	v10 =	vadd.s32 v7, v10  }
0x613: {  	s12 =	simm.s32 $0x4;
	v12 =	vadd.s32 s1, v8;
	v11 =	vadd.s32 v7, v11  }
0x614: {  	v13 =	vadd.s32 s12, v8;
	s26 =	simm.s32 $0x5;
	v12 =	vadd.s32 v7, v12  }
0x615: {  	s30 =	simm.s32 $0x6;
	v13 =	vadd.s32 v7, v13;
	v14 =	vadd.s32 s26, v8  }
0x616: {  	s31 =	simm.s32 $0x0;
	v15 =	vadd.s32 s30, v8;
	v14 =	vadd.s32 v7, v14;
	v16 =	vld.idx.msk [tilespmem:v9+s15+$0x0], $0xffff  }
0x617: {  	s12 =	simm.s32 $0xF;
	v9 =	vadd.s32 s31, v8;
	v17 =	vld.idx.msk [tilespmem:v10+s15+$0x0], $0xffff;
	v10 =	vadd.s32 v7, v15  }
0x618: {  	s26 =	simm.s32 $0x9;
	v15 =	vadd.s32 s12, v8;
	v20 =	vld.idx.msk [tilespmem:v11+s15+$0x0], $0xffff;
	v19 =	vadd.s32 v7, v9  }
0x619: {  	s30 =	simm.s32 $0xA;
	v21 =	vld.idx.msk [tilespmem:v12+s15+$0x0], $0xffff;
	v9 =	vadd.s32 s26, v8;
	v11 =	vadd.s32 v7, v15  }
0x61a: {  	v12 =	vld.idx.msk [tilespmem:v13+s15+$0x0], $0xffff;
	s31 =	simm.s32 $0xB;
	v13 =	vadd.s32 s30, v8;
	v22 =	vadd.s32 v7, v9  }
0x61b: {  	s12 =	simm.s32 $0xC;
	s26 =	simm.s32 $0x1CA70;
	v18 =	vadd.s32 v7, v13;
	v9 =	vld.idx.msk [tilespmem:v14+s15+$0x0], $0xffff;
	v14 =	vadd.s32 s31, v8  }
0x61c: {  	s30 =	simm.s32 $0xD;
	v13 =	vadd.s32 s12, v8;
	v15 =	vadd.s32 v7, v14;
	v10 =	vld.idx.msk [tilespmem:v10+s15+$0x0], $0xffff;
	[tilespmem:s26+$0x180] =	vst v16  }
0x61d: {  	s31 =	simm.s32 $0xE;
	[tilespmem:s26+$0xFFFFFE80] =	vst v17;
	v16 =	vadd.s32 v7, v13;
	v13 =	vadd.s32 s30, v8;
	v14 =	vld.idx.msk [tilespmem:v19+s15+$0x0], $0xffff  }
0x61e: {  	s12 =	simm.s32 $0x8;
	[tilespmem:s26+$0xFFFFFF00] =	vst v20;
	v19 =	vadd.s32 s31, v8;
	v11 =	vld.idx.msk [tilespmem:v11+s15+$0x0], $0xffff;
	v17 =	vadd.s32 v7, v13  }
0x61f: {  	s28 =	simm.s32 $0x10;
	s29 =	simm.s32 $0x18;
	s1 =	simm.s32 $0x17;
	v20 =	vadd.s32 s12, v8;
	[tilespmem:s26+$0xFFFFFF80] =	vst v21;
	v13 =	vld.idx.msk [tilespmem:v22+s15+$0x0], $0xffff;
	v19 =	vadd.s32 v7, v19  }
.LBB2_67:
0x620: {  	p0 =	slt.u32 s29, $0x38;
	s0 =	sadd.s32 $0x1, s28;
	v21 =	vadd.s32 s1, v8;
	v20 =	vadd.s32 v7, v20;
	v22 =	vld.idx.msk [tilespmem:v18+s15+$0x0], $0xffff;
	[tilespmem:s26+$0x0] =	vst v12  }
0x621: {  	v12 =	vadd.s32 s0, v8;
	s0 =	sadd.s32 $0x2, s28;
	v21 =	vadd.s32 v7, v21;
	v23 =	vld.idx.msk [tilespmem:v15+s15+$0x0], $0xffff;
	[tilespmem:s26+$0x80] =	vst v9  }
0x622: {  	v24 =	vadd.s32 v7, v12;
	v9 =	vadd.s32 s0, v8;
	s0 =	sadd.s32 $0x3, s28;
	v12 =	vld.idx.msk [tilespmem:v16+s15+$0x0], $0xffff;
	[tilespmem:s26+$0x100] =	vst v10  }
.Ltmp34:
0x623: {  	v18 =	vadd.s32 v7, v9;
	v10 =	vadd.s32 s0, v8;
	s0 =	sadd.s32 $0x4, s28;
	v9 =	vld.idx.msk [tilespmem:v17+s15+$0x0], $0xffff;
	[tilespmem:s26+$0xFFFFFE00] =	vst v14;
	s26 =	sadd.s32 $0x400, s26;
	(pc) =	sbr.rel @p0 .LBB2_67-.Ltmp34, $4  }
0x624: {  	v15 =	vadd.s32 v7, v10;
	v14 =	vadd.s32 s0, v8;
	s0 =	sadd.s32 $0x5, s28;
	v10 =	vld.idx.msk [tilespmem:v19+s15+$0x0], $0xffff;
	[tilespmem:s26+$0x180] =	vst v11  }
0x625: {  	v16 =	vadd.s32 v7, v14;
	v11 =	vadd.s32 s0, v8;
	s0 =	sadd.s32 $0x6, s28;
	v14 =	vld.idx.msk [tilespmem:v20+s15+$0x0], $0xffff;
	[tilespmem:s26+$0xFFFFFE80] =	vst v13  }
0x626: {  	v17 =	vadd.s32 v7, v11;
	v19 =	vadd.s32 s0, v8;
	v11 =	vld.idx.msk [tilespmem:v21+s15+$0x0], $0xffff;
	[tilespmem:s26+$0xFFFFFF00] =	vst v22  }
0x627: {  	s1 =	sadd.s32 $0x7, s29;
	v20 =	vadd.s32 s28, v8;
	s28 =	smov.u32 s29;
	s29 =	sadd.s32 $0x8, s29;
	v13 =	vld.idx.msk [tilespmem:v24+s15+$0x0], $0xffff;
	v19 =	vadd.s32 v7, v19;
	[tilespmem:s26+$0xFFFFFF80] =	vst v23  }
0x628: {  	_ =	sdelay $0x2  }
0x629: {  	[tilespmem:s26+$0x0] =	vst v12  }
0x62a: {  	s0 =	sadd.s32 $0x1, s28;
	v53 =	vadd.s32 s1, v8;
	v20 =	vadd.s32 v7, v20;
	v18 =	vld.idx.msk [tilespmem:v18+s15+$0x0], $0xffff;
	[tilespmem:s26+$0x80] =	vst v9  }
0x62b: {  	s29 =	sadd.s32 $0x2, s28;
	v15 =	vld.idx.msk [tilespmem:v15+s15+$0x0], $0xffff;
	v54 =	vadd.s32 s0, v8;
	v12 =	vadd.s32 v7, v53;
	[tilespmem:s26+$0x100] =	vst v10  }
0x62c: {  	s30 =	sadd.s32 $0x3, s28;
	v16 =	vld.idx.msk [tilespmem:v16+s15+$0x0], $0xffff;
	s31 =	sadd.s32 $0x400, s26;
	v55 =	vadd.s32 s29, v8;
	v9 =	vadd.s32 v7, v54;
	[tilespmem:s26+$0xFFFFFE00] =	vst v14  }
0x62d: {  	s12 =	sadd.s32 $0x4, s28;
	v17 =	vld.idx.msk [tilespmem:v17+s15+$0x0], $0xffff;
	v56 =	vadd.s32 s30, v8;
	v10 =	vadd.s32 v7, v55;
	[tilespmem:s31+$0x180] =	vst v11  }
0x62e: {  	v19 =	vld.idx.msk [tilespmem:v19+s15+$0x0], $0xffff;
	v58 =	vadd.s32 s12, v8;
	s29 =	sadd.s32 $0x6, s28;
	v57 =	vadd.s32 v7, v56;
	[tilespmem:s31+$0xFFFFFE80] =	vst v13  }
0x62f: {  	s26 =	sadd.s32 $0x5, s28;
	v59 =	vadd.s32 v7, v58;
	v61 =	vadd.s32 s29, v8;
	v20 =	vld.idx.msk [tilespmem:v20+s15+$0x0], $0xffff;
	[tilespmem:s31+$0xFFFFFF00] =	vst v18  }
0x630: {  	v60 =	vadd.s32 s26, v8;
	v62 =	vadd.s32 v7, v61;
	[tilespmem:s31+$0xFFFFFF80] =	vst v15;
	v12 =	vld.idx.msk [tilespmem:v12+s15+$0x0], $0xffff  }
0x631: {  	v8 =	vadd.s32 s28, v8;
	v14 =	vadd.s32 v7, v60;
	[tilespmem:s31+$0x0] =	vst v16;
	v9 =	vld.idx.msk [tilespmem:v9+s15+$0x0], $0xffff  }
0x632: {  	v8 =	vadd.s32 v7, v8;
	[tilespmem:s31+$0x80] =	vst v17;
	v10 =	vld.idx.msk [tilespmem:v10+s15+$0x0], $0xffff  }
0x633: {  	[tilespmem:s31+$0x100] =	vst v19;
	v11 =	vld.idx.msk [tilespmem:v57+s15+$0x0], $0xffff  }
0x634: {  	s30 =	sadd.s32 $0x400, s31;
	v13 =	vld.idx.msk [tilespmem:v59+s15+$0x0], $0xffff;
	[tilespmem:s31+$0xFFFFFE00] =	vst v20  }
0x635: {  	v63 =	vld.idx.msk [tilespmem:v62+s15+$0x0], $0xffff;
	[tilespmem:s30+$0x180] =	vst v12  }
0x636: {  	v14 =	vld.idx.msk [tilespmem:v14+s15+$0x0], $0xffff;
	[tilespmem:s30+$0xFFFFFE80] =	vst v9  }
0x637: {  	v8 =	vld.idx.msk [tilespmem:v8+s15+$0x0], $0xffff;
	[tilespmem:s30+$0xFFFFFF00] =	vst v10  }
0x638: {  	[tilespmem:s30+$0xFFFFFF80] =	vst v11  }
0x639: {  	[tilespmem:s30+$0x0] =	vst v13  }
0x63a: {  	[tilespmem:s30+$0x100] =	vst v63  }
0x63b: {  	p0 =	seq.s32 s23, $0x31;
	[tilespmem:s30+$0x80] =	vst v14  }
.Ltmp35:
0x63c: {  	s31 =	sshll.u32 s25, $0x12;
	[tilespmem:s30+$0xFFFFFE00] =	vst v8;
	(pc) =	sbr.rel @p0 .LBB2_70-.Ltmp35, $4  }
0x63d: {  	s0 =	sor.u32 s6, s31;
	_ =	swait.ge [sflag:s20], $0x2000  }
0x63e: {  	s0 =	sshrl.u32 s0, $0x3;
	[sflag:s20] =	ssyncset.done $0x0  }
0x63f: {  	s0 =	sadd.s32 s3, s0;
	[sflag:s20] =	ssyncadd.s32 $0xFFFFE000  }
0x640: {  	[hbm4b:s0+s17] =	stream.strided.scatter [tilespmem:s19], [sflag:$0x2], $0x2000, s18, s17, $0x38;
	[tilespmem:$0x1E800] =	vst v63  }
0x641: {  	s0 =	sadd.s32 $0x200, s24  }
0x642: {  	[tilespmem:s10], [sflag:$0x1] =	stream.indirect.gather [hbm4b:s2+s9], $0x80, s0, s9, $0xb8;
	[tilespmem:$0x1E800] =	vst v63  }
0x643: {  	s29 =	sadd.s32 $0x280, s24  }
0x644: {  	[tilespmem:s11], [sflag:$0x1] =	stream.indirect.gather [hbm4b:s2+s9], $0x80, s29, s9, $0xb8;
	[tilespmem:$0x1E800] =	vst v63  }
.Ltmp36:
0x645: {  	_ = 	snop;
	(pc) =	sbr.rel .LBB2_4-.Ltmp36, $4  }
0x646: {  	s30 =	sadd.s32 $0x300, s24  }
0x647: {  	[tilespmem:s13], [sflag:$0x1] =	stream.indirect.gather [hbm4b:s2+s9], $0x80, s30, s9, $0xb8;
	[tilespmem:$0x1E800] =	vst v63  }
0x648: {  	s31 =	sadd.s32 $0x380, s24;
	s23 =	sadd.s32 $0x1, s23  }
0x649: {  	[tilespmem:s15], [sflag:$0x1] =	stream.indirect.gather [hbm4b:s2+s9], $0x80, s31, s9, $0xb8;
	[tilespmem:$0x1E800] =	vst v63  }
.LBB2_71:
0x64a: {  	_ =	sfence.sel $0x180000  }
0x64b: {  	[bflag:$0x0] =	sbarrier.arrive $0xFFFF  }
0x64c: {  	_ =	strace $0x90000047  }
0x64d: {  	s0 =	stileid.u32;
	[bflag:$0x2] =	sbarrier.arrive $0xFFFF  }
0x64e: {  	p0 =	sne.s32 s0, $0x0;
	s0 =	rddreg [dreg:$0x3]  }
0x64f: {  	s0 =	sadd.s32 @!p0 $0x100000, s0  }
0x650: {  	[sflag:s0] =	ssyncadd.tile.s32 @!p0 $0x1;
	_ =	shalt  }
.Lfunc_end2:
_tile_overlayer_lowered:
.L_overlay_start_2:
0x651: {  	(tag) =	ssettag $0x2  }
0x652: {  	s0 =	rddreg [dreg:$0x0];
	s2 =	stileid.u32  }
0x653: {  	s1 =	rddreg [dreg:$0x1];
	p0 =	sne.s32 s2, $0x0  }
0x654: {  	s3 =	rddreg [dreg:$0x2];
	[bflag:$0x3] =	sbarrier.arrive $0xFFFF;
	s2 =	simm.s32 @!p0 $0x1C03  }
0x655: {  	[timem:s3], [sflag:s2] =	dma.local @!p0 [hbm:s0], s1  }
0x656: {  	s0 =	simm.s32 @!p0 $0x3  }
0x657: {  	_ =	swait.ge @!p0 [sflag:s0], s1  }
0x658: {  	s1 =	ssub.s32 @!p0 $0x0, s1;
	[sflag:s0] =	ssyncset.done @!p0 $0x0  }
0x659: {  	[sflag:s0] =	ssyncadd.s32 @!p0 s1  }
0x65a: {  	[bflag:$0x3] =	sbarrier.arrive $0xFFFF  }
0x65b: {  	_ =	shalt  }

</sc_bundles>
